<compile_context>
chip_gen: v7x
topology: tpu7x:2x2x1
jax: 0.10.2.dev20260603
libtpu: 0.0.44.dev20260713+nightly
codegen_flags: <defaults>
</compile_context>

<pallas_src>
import functools

import jax
import jax.numpy as jnp
from jax import lax
from jax.experimental import pallas as pl
from jax.experimental.pallas import tpu as pltpu
from jax.experimental.pallas import tpu_sc as plsc

N_ROAD = 10000
G = 2048
D = 128
NL = 3

_NTILE = 16
_NCORE = 2
_EDGE_K = 128


def _seg_sum_sc(table, src2d, dst_flat, zeros):
    n_ch = 80
    slab = 624
    tail = N_ROAD - slab * _NTILE
    tail_off = slab * _NTILE
    mesh = plsc.VectorSubcoreMesh(core_axis_name="c", subcore_axis_name="s")

    @functools.partial(
        pl.kernel,
        mesh=mesh,
        out_type=jax.ShapeDtypeStruct((_NCORE, N_ROAD, D), jnp.float32),
        scratch_types=[
            pltpu.VMEM((_EDGE_K,), jnp.int32),
            pltpu.VMEM((_EDGE_K,), jnp.int32),
            pltpu.VMEM((_EDGE_K,), jnp.int32),
            pltpu.VMEM((_EDGE_K,), jnp.int32),
            pltpu.VMEM((_EDGE_K, D), jnp.float32),
            pltpu.VMEM((_EDGE_K, D), jnp.float32),
            pltpu.VMEM_SHARED((N_ROAD + _EDGE_K, D), jnp.float32),
            pltpu.SemaphoreType.DMA,
            pltpu.SemaphoreType.DMA,
            pltpu.SemaphoreType.DMA,
            pltpu.SemaphoreType.DMA,
        ],
    )
    def k(table_hbm, src_hbm, dstf_hbm, z_hbm, out_hbm,
          src_a, src_b, dst_a, dst_b, rows_a, rows_b, acc_sh,
          gsem_a, gsem_b, isem_a, isem_b):
        cid = lax.axis_index("c")
        sid = lax.axis_index("s")
        wid = sid * _NCORE + cid
        tile_lo = sid * slab
        pltpu.sync_copy(z_hbm.at[pl.ds(tile_lo, slab)],
                        acc_sh.at[pl.ds(tile_lo, slab)])

        @pl.when(sid == 0)
        def _():
            pltpu.sync_copy(z_hbm.at[pl.ds(tail_off, tail)],
                            acc_sh.at[pl.ds(tail_off, tail)])

        plsc.subcore_barrier()
        row_lo = wid * n_ch

        def start_idx(i, src, dst, isem):
            off = (row_lo + i) * _EDGE_K
            pltpu.async_copy(src_hbm.at[pl.ds(off, _EDGE_K)], src, isem)
            pltpu.async_copy(dstf_hbm.at[pl.ds(off, _EDGE_K)], dst, isem)

        def wait_idx(i, src, dst, isem):
            off = (row_lo + i) * _EDGE_K
            pltpu.make_async_copy(src_hbm.at[pl.ds(off, _EDGE_K)], src, isem).wait()
            pltpu.make_async_copy(dstf_hbm.at[pl.ds(off, _EDGE_K)], dst, isem).wait()

        start_idx(0, src_a, dst_a, isem_a)
        start_idx(1, src_b, dst_b, isem_b)
        wait_idx(0, src_a, dst_a, isem_a)
        pltpu.async_copy(table_hbm.at[src_a], rows_a, gsem_a)
        wait_idx(1, src_b, dst_b, isem_b)
        pltpu.async_copy(table_hbm.at[src_b], rows_b, gsem_b)

        def body(kk, _):
            i0 = 2 * kk
            i1 = i0 + 1
            pltpu.make_async_copy(table_hbm.at[src_a], rows_a, gsem_a).wait()
            pltpu.sync_copy(rows_a, acc_sh.at[dst_a], add=True)

            @pl.when(kk < n_ch // 2 - 1)
            def _():
                start_idx(i0 + 2, src_a, dst_a, isem_a)
                wait_idx(i0 + 2, src_a, dst_a, isem_a)
                pltpu.async_copy(table_hbm.at[src_a], rows_a, gsem_a)

            pltpu.make_async_copy(table_hbm.at[src_b], rows_b, gsem_b).wait()
            pltpu.sync_copy(rows_b, acc_sh.at[dst_b], add=True)

            @pl.when(kk < n_ch // 2 - 1)
            def _():
                start_idx(i1 + 2, src_b, dst_b, isem_b)
                wait_idx(i1 + 2, src_b, dst_b, isem_b)
                pltpu.async_copy(table_hbm.at[src_b], rows_b, gsem_b)

            return 0

        lax.fori_loop(0, n_ch // 2, body, 0)
        plsc.subcore_barrier()
        pltpu.sync_copy(acc_sh.at[pl.ds(tile_lo, slab)],
                        out_hbm.at[cid, pl.ds(tile_lo, slab)])

        @pl.when(sid == 0)
        def _():
            pltpu.sync_copy(acc_sh.at[pl.ds(tail_off, tail)],
                            out_hbm.at[cid, pl.ds(tail_off, tail)])

    return k(table, src2d.reshape(-1), dst_flat, zeros)


def _wseg_sc(table, src, dst, w, zeros):
    E2 = src.shape[0]
    E = E2 // _NCORE
    per_t = E // _NTILE
    n_ch = per_t // _EDGE_K
    rows_per_tile = G // _NTILE
    mesh = plsc.VectorSubcoreMesh(core_axis_name="c", subcore_axis_name="s")

    @functools.partial(
        pl.kernel,
        mesh=mesh,
        out_type=jax.ShapeDtypeStruct((_NCORE, G, D), jnp.float32),
        scratch_types=[
            pltpu.VMEM((_EDGE_K,), jnp.int32),
            pltpu.VMEM((_EDGE_K,), jnp.int32),
            pltpu.VMEM((_EDGE_K,), jnp.float32),
            pltpu.VMEM((_EDGE_K, D), jnp.float32),
            pltpu.VMEM_SHARED((G, D), jnp.float32),
            pltpu.SemaphoreType.DMA,
        ],
    )
    def k(table_hbm, src_hbm, dst_hbm, w_hbm, z_hbm, out_hbm,
          src_v, dst_v, w_v, rows_v, acc_sh, sem):
        cid = lax.axis_index("c")
        sid = lax.axis_index("s")
        lo = sid * rows_per_tile
        pltpu.sync_copy(z_hbm.at[pl.ds(lo, rows_per_tile)],
                        acc_sh.at[pl.ds(lo, rows_per_tile)])
        plsc.subcore_barrier()
        base = cid * E + sid * per_t

        def chunk(i, _):
            off = base + i * _EDGE_K
            pltpu.sync_copy(src_hbm.at[pl.ds(off, _EDGE_K)], src_v)
            pltpu.sync_copy(dst_hbm.at[pl.ds(off, _EDGE_K)], dst_v)
            pltpu.sync_copy(w_hbm.at[pl.ds(off, _EDGE_K)], w_v)
            pltpu.async_copy(table_hbm.at[src_v], rows_v, sem).wait()

            def scale(g, _):
                wgrp = w_v[pl.ds(g * 16, 16)]
                for r2 in range(16):
                    r = g * 16 + r2
                    ws = wgrp[r2]
                    for j in range(D // 16):
                        rows_v[r, pl.ds(j * 16, 16)] = rows_v[r, pl.ds(j * 16, 16)] * ws
                return 0

            lax.fori_loop(0, _EDGE_K // 16, scale, 0)
            pltpu.sync_copy(rows_v, acc_sh.at[dst_v], add=True)
            return 0

        lax.fori_loop(0, n_ch, chunk, 0)
        plsc.subcore_barrier()
        pltpu.sync_copy(acc_sh.at[pl.ds(lo, rows_per_tile)],
                        out_hbm.at[cid, pl.ds(lo, rows_per_tile)])

    return k(table, src, dst, w, zeros)


def _gcn_fc_body(hin_ref, hout_ref, Win_ref, bin_ref, Wout_ref, bout_ref,
                 fcW_ref, fcb_ref, o_ref):
    th = jnp.tanh(hin_ref[...] @ Win_ref[...] + bin_ref[...])
    to = jnp.tanh(hout_ref[...] @ Wout_ref[...] + bout_ref[...])
    o_ref[...] = th @ fcW_ref[:D] + to @ fcW_ref[D:] + fcb_ref[...]


def _gcn_fc(hin, hout, Win, bin_, Wout, bout, fcW, fcb):
    blk = 256
    return pl.pallas_call(
        _gcn_fc_body,
        grid=(G // blk,),
        in_specs=[
            pl.BlockSpec((blk, D), lambda i: (i, 0)),
            pl.BlockSpec((blk, D), lambda i: (i, 0)),
            pl.BlockSpec((D, D), lambda i: (0, 0)),
            pl.BlockSpec((D,), lambda i: (0,)),
            pl.BlockSpec((D, D), lambda i: (0, 0)),
            pl.BlockSpec((D,), lambda i: (0,)),
            pl.BlockSpec((2 * D, D), lambda i: (0, 0)),
            pl.BlockSpec((D,), lambda i: (0,)),
        ],
        out_specs=pl.BlockSpec((blk, D), lambda i: (i, 0)),
        out_shape=jax.ShapeDtypeStruct((G, D), jnp.float32),
    )(hin, hout, Win, bin_, Wout, bout, fcW, fcb)


def _gin_body(e_ref, p0_ref, p1_ref, W1_ref, b1_ref, W2_ref, b2_ref, o_ref):
    h = e_ref[...] + p0_ref[...] + p1_ref[...]
    o_ref[...] = jnp.maximum(h @ W1_ref[...] + b1_ref[...], 0.0) @ W2_ref[...] + b2_ref[...]


def _gin(emb0, p0, p1, W1, b1, W2, b2):
    blk = 1000
    return pl.pallas_call(
        _gin_body,
        grid=(N_ROAD // blk,),
        in_specs=[
            pl.BlockSpec((blk, D), lambda i: (i, 0)),
            pl.BlockSpec((blk, D), lambda i: (i, 0)),
            pl.BlockSpec((blk, D), lambda i: (i, 0)),
            pl.BlockSpec((D, D), lambda i: (0, 0)),
            pl.BlockSpec((D,), lambda i: (0,)),
            pl.BlockSpec((D, D), lambda i: (0, 0)),
            pl.BlockSpec((D,), lambda i: (0,)),
        ],
        out_specs=pl.BlockSpec((blk, D), lambda i: (i, 0)),
        out_shape=jax.ShapeDtypeStruct((N_ROAD, D), jnp.float32),
    )(emb0, p0, p1, W1, b1, W2, b2)


def _lin_body(x_ref, w_ref, b_ref, o_ref):
    o_ref[...] = x_ref[...] @ w_ref[...] + b_ref[...]


def _road_linear(road_x, W, b):
    return pl.pallas_call(
        _lin_body,
        grid=(10,),
        in_specs=[
            pl.BlockSpec((1000, 28), lambda i: (i, 0)),
            pl.BlockSpec((28, D), lambda i: (0, 0)),
            pl.BlockSpec((D,), lambda i: (0,)),
        ],
        out_specs=pl.BlockSpec((1000, D), lambda i: (i, 0)),
        out_shape=jax.ShapeDtypeStruct((N_ROAD, D), jnp.float32),
    )(road_x, W, b)


def _rnn_pair_body(xt_ref, xs_ref, h0t_ref, h0s_ref,
                   Wih_t_ref, Whh_t_ref, bih_t_ref, bhh_t_ref,
                   Wih_s_ref, Whh_s_ref, bih_s_ref, bhh_s_ref,
                   Wpt_ref, Wps_ref, bp_ref,
                   th_ref, sh_ref, xp_ref, buf_t, buf_s):
    L = xt_ref.shape[0]
    B = xt_ref.shape[1]

    for l in range(NL):
        inp_t = (xt_ref[...] if l == 0 else buf_t[...]).reshape(L * B, D)
        inp_s = (xs_ref[...] if l == 0 else buf_s[...]).reshape(L * B, D)
        buf_t[...] = (inp_t @ Wih_t_ref[l] + bih_t_ref[l]).reshape(L, B, D)
        buf_s[...] = (inp_s @ Wih_s_ref[l] + bih_s_ref[l]).reshape(L, B, D)
        Wh_t = Whh_t_ref[l]
        Wh_s = Whh_s_ref[l]
        bh_t = bhh_t_ref[l]
        bh_s = bhh_s_ref[l]

        if l < NL - 1:
            def step(t, carry):
                h_t, h_s = carry
                h_t = jnp.tanh(buf_t[t] + h_t @ Wh_t + bh_t)
                h_s = jnp.tanh(buf_s[t] + h_s @ Wh_s + bh_s)
                buf_t[t] = h_t
                buf_s[t] = h_s
                return (h_t, h_s)
        else:
            Wpt = Wpt_ref[...]
            Wps = Wps_ref[...]
            bp = bp_ref[...]

            def step(t, carry):
                h_t, h_s = carry
                h_t = jnp.tanh(buf_t[t] + h_t @ Wh_t + bh_t)
                h_s = jnp.tanh(buf_s[t] + h_s @ Wh_s + bh_s)
                xp_ref[t] = jnp.tanh(h_t @ Wpt + h_s @ Wps + bp)
                return (h_t, h_s)

        h_t, h_s = lax.fori_loop(0, L, step, (h0t_ref[l], h0s_ref[l]))
        th_ref[l] = h_t
        sh_ref[l] = h_s


def _rnn_pair(xt, xs, h0t, h0s, pt, ps, Wpt, Wps, bp):
    L, B, _ = xt.shape
    out_type = [
        jax.ShapeDtypeStruct((NL, B, D), jnp.float32),
        jax.ShapeDtypeStruct((NL, B, D), jnp.float32),
        jax.ShapeDtypeStruct((L, B, D), jnp.float32),
    ]
    return pl.pallas_call(
        _rnn_pair_body,
        out_shape=out_type,
        scratch_shapes=[
            pltpu.VMEM((L, B, D), jnp.float32),
            pltpu.VMEM((L, B, D), jnp.float32),
        ],
    )(xt, xs, h0t, h0s,
      pt['rt_Wih'], pt['rt_Whh'], pt['rt_bih'], pt['rt_bhh'],
      ps['rs_Wih'], ps['rs_Whh'], ps['rs_bih'], ps['rs_bhh'],
      Wpt, Wps, bp)


def _scores_body(xp_ref, cand_ref, W_ref, b_ref, o_ref):
    LL = xp_ref.shape[0]
    NCD = cand_ref.shape[2]
    cp = jnp.tanh(
        (cand_ref[...].reshape(LL * NCD, D) @ W_ref[...] + b_ref[...])
    ).reshape(LL, NCD, D)
    b = pl.program_id(0)
    xp = xp_ref[:, pl.ds(b, 1), :].reshape(LL, 1, D)
    o_ref[...] = jnp.sum(cp * xp, axis=-1).reshape(1, LL, NCD)


def _scores(xp, cand_emb, W, b):
    B, L, NC, _ = cand_emb.shape
    return pl.pallas_call(
        _scores_body,
        grid=(B,),
        in_specs=[
            pl.BlockSpec((L, B, D), lambda i: (0, 0, 0)),
            pl.BlockSpec((1, L, NC, D), lambda i: (i, 0, 0, 0)),
            pl.BlockSpec((D, D), lambda i: (0, 0)),
            pl.BlockSpec((D,), lambda i: (0,)),
        ],
        out_specs=pl.BlockSpec((1, L, NC), lambda i: (i, 0, 0)),
        out_shape=jax.ShapeDtypeStruct((B, L, NC), jnp.float32),
    )(xp, cand_emb, W, b)


def kernel(params, road_x, road_adj, traces_encoding, matched_road_segments_encoding, traces, matched_road_segments_id, candidates, map_matrix, singleton_grid_mask, singleton_grid_location, trace_in_edge_index, trace_out_edge_index, trace_weight):
    p = params
    road_emb0 = _road_linear(road_x, p['rf_W'], p['rf_b'])
    zeros = jnp.zeros((N_ROAD, D), jnp.float32)
    E = road_adj.shape[1]
    n_pad = 32 * 80 * _EDGE_K - E
    src_p = jnp.concatenate(
        [road_adj[0], jnp.arange(n_pad, dtype=road_adj.dtype) % _EDGE_K])
    dst_p = jnp.concatenate(
        [road_adj[1],
         N_ROAD + (jnp.arange(n_pad, dtype=road_adj.dtype) % _EDGE_K)])
    parts = _seg_sum_sc(road_emb0, src_p.reshape(-1, _EDGE_K), dst_p, zeros)
    road_emb = _gin(road_emb0, parts[0], parts[1],
                    p['gin_W1'], p['gin_b1'], p['gin_W2'], p['gin_b2'])
    segments_emb = road_emb[matched_road_segments_id[..., 0]]
    candidates_emb = road_emb[candidates[..., 0]]
    pure = map_matrix @ road_emb[:-1, :]
    single = singleton_grid_location @ p['tf_W'] + p['tf_b']
    pure = jnp.where(singleton_grid_mask[:, None], single, pure)
    src_cat = jnp.concatenate([trace_in_edge_index[0], trace_out_edge_index[0]])
    dst_cat = jnp.concatenate([trace_in_edge_index[1], trace_out_edge_index[1]])
    w_cat = jnp.concatenate([trace_weight, trace_weight])
    wparts = _wseg_sc(pure, src_cat, dst_cat, w_cat, zeros[:G])
    full_body = _gcn_fc(wparts[0], wparts[1],
                        p['gcn_Win'], p['gcn_bin'], p['gcn_Wout'], p['gcn_bout'],
                        p['fc_W'], p['fc_b'])
    full = jnp.concatenate([p['fc_b'][None, :], full_body], axis=0)
    trace_id = traces[:, :, 0]
    traces_emb = full[trace_id]
    xt = traces_emb.transpose(1, 0, 2)
    xs = segments_emb.transpose(1, 0, 2)
    Wpt = p['tw_W'] @ p['ap_W'][:D // 2]
    Wps = p['sw_W'] @ p['ap_W'][D // 2:]
    bp = p['tw_b'] @ p['ap_W'][:D // 2] + p['sw_b'] @ p['ap_W'][D // 2:] + p['ap_b']
    traces_hidden, segments_hidden, xp = _rnn_pair(
        xt, xs, traces_encoding, matched_road_segments_encoding, p, p, Wpt, Wps, bp)
    scores = _scores(xp, candidates_emb, p['ac_W'], p['ac_b'])
    return traces_hidden, segments_hidden, scores, road_emb, full

# --- scband reference (transcript-rebuilt; emitter-appended) ---
"""Pipeline reference for scband-qnetwork-28845000360636 (READ-ONLY COPY).

The authoritative reference and input builder live on the scoring server;
editing this copy changes nothing except your own understanding.
"""

import jax, jax.numpy as jnp
import numpy as np

N_ROAD=10000; E_ROAD=320000; G=2048; E_T=32768; B=16; L=64; NC=10; D=128; NL=3

def _lin(k,i,o):
    k1,k2=jax.random.split(k); s=1.0/np.sqrt(i)
    return jax.random.uniform(k1,(i,o),jnp.float32,-s,s), jax.random.uniform(k2,(o,),jnp.float32,-s,s)

def _rnn_p(k):
    s=1.0/np.sqrt(D); k1,k2,k3,k4=jax.random.split(k,4)
    return (jax.random.uniform(k1,(NL,D,D),jnp.float32,-s,s),
            jax.random.uniform(k2,(NL,D,D),jnp.float32,-s,s),
            jax.random.uniform(k3,(NL,D),jnp.float32,-s,s),
            jax.random.uniform(k4,(NL,D),jnp.float32,-s,s))

def setup_inputs():
    key=jax.random.key(0); ks=jax.random.split(key,32)
    p={}
    p['rf_W'],p['rf_b']=_lin(ks[0],28,D)
    p['gin_W1'],p['gin_b1']=_lin(ks[1],D,D)
    p['gin_W2'],p['gin_b2']=_lin(ks[2],D,D)
    p['tf_W'],p['tf_b']=_lin(ks[3],4,D)
    p['gcn_Win'],p['gcn_bin']=_lin(ks[4],D,D)
    p['gcn_Wout'],p['gcn_bout']=_lin(ks[5],D,D)
    p['fc_W'],p['fc_b']=_lin(ks[6],2*D,D)
    p['rt_Wih'],p['rt_Whh'],p['rt_bih'],p['rt_bhh']=_rnn_p(ks[7])
    p['rs_Wih'],p['rs_Whh'],p['rs_bih'],p['rs_bhh']=_rnn_p(ks[8])
    p['tw_W'],p['tw_b']=_lin(ks[9],D,D//2)
    p['sw_W'],p['sw_b']=_lin(ks[10],D,D//2)
    p['ap_W'],p['ap_b']=_lin(ks[11],D,D)
    p['ac_W'],p['ac_b']=_lin(ks[12],D,D)
    inp={'params':p}
    inp['road_x']=jax.random.normal(ks[13],(N_ROAD,28),jnp.float32)
    inp['road_adj']=jax.random.randint(ks[14],(2,E_ROAD),0,N_ROAD)
    inp['traces_encoding']=jax.random.normal(ks[15],(NL,B,D),jnp.float32)
    inp['matched_road_segments_encoding']=jax.random.normal(ks[16],(NL,B,D),jnp.float32)
    inp['traces']=jax.random.randint(ks[17],(B,L,1),0,G+1)
    inp['matched_road_segments_id']=jax.random.randint(ks[18],(B,L,1),0,N_ROAD)
    inp['candidates']=jax.random.randint(ks[19],(B,L,NC,1),0,N_ROAD)
    inp['map_matrix']=jax.random.uniform(ks[20],(G,N_ROAD-1),jnp.float32)*0.01
    inp['singleton_grid_mask']=jax.random.randint(ks[21],(G,),0,2).astype(bool)
    inp['singleton_grid_location']=jax.random.normal(ks[22],(G,4),jnp.float32)
    inp['trace_in_edge_index']=jax.random.randint(ks[23],(2,E_T),0,G)
    inp['trace_out_edge_index']=jax.random.randint(ks[24],(2,E_T),0,G)
    inp['trace_weight']=jax.random.uniform(ks[25],(E_T,),jnp.float32)
    return inp

def _rnn(x,h0,Wih,Whh,bih,bhh):
    out=x; hs=[]
    for l in range(NL):
        Wi,Wh,bi,bh=Wih[l],Whh[l],bih[l],bhh[l]
        def step(h,xt):
            hn=jnp.tanh(xt@Wi+bi+h@Wh+bh)
            return hn,hn
        hF,ys=jax.lax.scan(step,h0[l],jnp.swapaxes(out,0,1))
        out=jnp.swapaxes(ys,0,1); hs.append(hF)
    return out,jnp.stack(hs)

def _forward(p,road_x,traces_encoding,matched_road_segments_encoding,map_matrix,singleton_grid_location,trace_weight,road_adj,traces,matched_road_segments_id,candidates,singleton_grid_mask,trace_in_edge_index,trace_out_edge_index):
    road_emb=road_x@p['rf_W']+p['rf_b']
    agg=jax.ops.segment_sum(road_emb[road_adj[0]],road_adj[1],num_segments=N_ROAD)
    h=road_emb+agg
    road_emb=jax.nn.relu(h@p['gin_W1']+p['gin_b1'])@p['gin_W2']+p['gin_b2']
    segments_emb=road_emb[matched_road_segments_id[...,0]]
    candidates_emb=road_emb[candidates[...,0]]
    pure=map_matrix@road_emb[:-1,:]
    single=singleton_grid_location@p['tf_W']+p['tf_b']
    pure=jnp.where(singleton_grid_mask[:,None],single,pure)
    hin=jax.ops.segment_sum(pure[trace_in_edge_index[0]]*trace_weight[:,None],trace_in_edge_index[1],num_segments=G)@p['gcn_Win']+p['gcn_bin']
    hout=jax.ops.segment_sum(pure[trace_out_edge_index[0]]*trace_weight[:,None],trace_out_edge_index[1],num_segments=G)@p['gcn_Wout']+p['gcn_bout']
    gcn_out=jnp.concatenate([jnp.tanh(hin),jnp.tanh(hout)],axis=1)
    full=jnp.zeros((G+1,2*D),jnp.float32).at[1:,:].set(gcn_out)
    full=full@p['fc_W']+p['fc_b']
    trace_id=traces[:,:,0]
    traces_emb=full[trace_id]
    traces_output,traces_hidden=_rnn(traces_emb,traces_encoding,p['rt_Wih'],p['rt_Whh'],p['rt_bih'],p['rt_bhh'])
    segments_output,segments_hidden=_rnn(segments_emb,matched_road_segments_encoding,p['rs_Wih'],p['rs_Whh'],p['rs_bih'],p['rs_bhh'])
    te=traces_output@p['tw_W']+p['tw_b']
    se=segments_output@p['sw_W']+p['sw_b']
    comb=jnp.concatenate([te,se],axis=2)
    x_proj=jnp.tanh(comb@p['ap_W']+p['ap_b'])
    cand_proj=jnp.tanh(candidates_emb@p['ac_W']+p['ac_b'])
    scores=jnp.einsum('bld,blnd->bln',x_proj,cand_proj)
    return traces_hidden,segments_hidden,scores,road_emb,full

def reference(params,road_x,road_adj,traces_encoding,matched_road_segments_encoding,traces,matched_road_segments_id,candidates,map_matrix,singleton_grid_mask,singleton_grid_location,trace_in_edge_index,trace_out_edge_index,trace_weight):
    return _forward(params,road_x,traces_encoding,matched_road_segments_encoding,map_matrix,singleton_grid_location,trace_weight,road_adj,traces,matched_road_segments_id,candidates,singleton_grid_mask,trace_in_edge_index,trace_out_edge_index)

if __name__ == "__main__":
    import jax
    _d = setup_inputs()
    print(jax.jit(kernel)(*tuple(_d.values())))

</pallas_src>

<mosaic_0001>
#map = affine_map<(d0, d1) -> (0, 0)>
#map1 = affine_map<(d0, d1) -> (0)>
#map2 = affine_map<(d0, d1) -> (0, 0, 0)>
module attributes {stable_mosaic.version = 14 : i64} {
  func.func @k(%arg0: i32, %arg1: i32, %arg2: memref<2048x128xf32, #tpu.memory_space<hbm>>, %arg3: memref<65536xi32, #tpu.memory_space<hbm>>, %arg4: memref<65536xi32, #tpu.memory_space<hbm>>, %arg5: memref<65536xf32, #tpu.memory_space<hbm>>, %arg6: memref<2048x128xf32, #tpu.memory_space<hbm>>, %arg7: memref<2x2048x128xf32, #tpu.memory_space<hbm>>, %arg8: memref<128xi32, #tpu.memory_space<vmem>>, %arg9: memref<128xi32, #tpu.memory_space<vmem>>, %arg10: memref<128xf32, #tpu.memory_space<vmem>>, %arg11: memref<128x128xf32, #tpu.memory_space<vmem>>, %arg12: memref<2048x128xf32, #tpu.memory_space<vmem_shared>>, %arg13: memref<!tpu.dma_semaphore, #tpu.memory_space<semaphore_mem>>) attributes {dimension_semantics = [#tpu.dimension_semantics<core_parallel>, #tpu.dimension_semantics<subcore_parallel>], iteration_bounds = array<i64: 2, 16>, scalar_prefetch = 0 : i64, scratch_operands = 6 : i64, tpu.core_type = #tpu.core_type<sc_vector_subcore>, window_params = [{transform_indices = #map}, {transform_indices = #map1}, {transform_indices = #map1}, {transform_indices = #map1}, {transform_indices = #map}, {transform_indices = #map2}]} {
    %mul3A = arith.constant 128 : i32
    %mul3A_0 = arith.muli %arg1, %mul3A : i32
    "tpu.region"() ({
      %run_scoped3A = tpu.sem_alloc : memref<!tpu.dma_semaphore, #tpu.memory_space<semaphore_mem>>
      %dma_start3A = arith.constant 0 : i32
      %dma_start3A_12 = tpu.memref_slice %arg12[%mul3A_0, %dma_start3A] : memref<2048x128xf32, #tpu.memory_space<vmem_shared>> -> memref<128x128xf32, #tpu.memory_space<vmem_shared>>
      %dma_start3A_13 = arith.constant 0 : i32
      %dma_start3A_14 = tpu.memref_slice %arg6[%mul3A_0, %dma_start3A_13] : memref<2048x128xf32, #tpu.memory_space<hbm>> -> memref<128x128xf32, #tpu.memory_space<hbm>>
      tpu.enqueue_dma source(%dma_start3A_14 : memref<128x128xf32, #tpu.memory_space<hbm>>) target(%dma_start3A_12 : memref<128x128xf32, #tpu.memory_space<vmem_shared>>) target_semaphore(%run_scoped3A : memref<!tpu.dma_semaphore, #tpu.memory_space<semaphore_mem>>)
      %dma_wait3A = arith.constant 0 : i32
      %dma_wait3A_15 = tpu.memref_slice %arg12[%mul3A_0, %dma_wait3A] : memref<2048x128xf32, #tpu.memory_space<vmem_shared>> -> memref<128x128xf32, #tpu.memory_space<vmem_shared>>
      %dma_wait3A_16 = arith.constant 0 : i32
      %dma_wait3A_17 = tpu.memref_slice %arg6[%mul3A_0, %dma_wait3A_16] : memref<2048x128xf32, #tpu.memory_space<hbm>> -> memref<128x128xf32, #tpu.memory_space<hbm>>
      tpu.wait_dma2 semaphore(%run_scoped3A : memref<!tpu.dma_semaphore, #tpu.memory_space<semaphore_mem>>) src(%dma_wait3A_17 : memref<128x128xf32, #tpu.memory_space<hbm>>) dst(%dma_wait3A_15 : memref<128x128xf32, #tpu.memory_space<vmem_shared>>)
      tpu.yield
    }) : () -> ()
    %barrier3A = arith.constant 0 : index
    tpu.barrier barrier_id(%barrier3A)
    %mul3A_1 = arith.constant 32768 : i32
    %mul3A_2 = arith.muli %arg0, %mul3A_1 : i32
    %mul3A_3 = arith.constant 2048 : i32
    %mul3A_4 = arith.muli %arg1, %mul3A_3 : i32
    %add3A = arith.addi %mul3A_2, %mul3A_4 : i32
    %scan3A = arith.constant 0 : i32
    %scan3A_5 = arith.constant 0 : i32
    %scan3A_6 = arith.constant 16 : i32
    %scan3A_7 = arith.addi %scan3A_5, %scan3A_6 : i32
    %scan3A_8 = arith.constant 1 : i32
    %scan3A_9 = scf.for %scan3A_12 = %scan3A_5 to %scan3A_7 step %scan3A_8 iter_args(%scan3A_13 = %scan3A) -> (i32)  : i32 {
      %mul3A_14 = arith.constant 128 : i32
      %mul3A_15 = arith.muli %scan3A_12, %mul3A_14 : i32
      %add3A_16 = arith.addi %add3A, %mul3A_15 : i32
      "tpu.region"() ({
        %run_scoped3A = tpu.sem_alloc : memref<!tpu.dma_semaphore, #tpu.memory_space<semaphore_mem>>
        %dma_start3A_29 = tpu.memref_slice %arg3[%add3A_16] : memref<65536xi32, #tpu.memory_space<hbm>> -> memref<128xi32, #tpu.memory_space<hbm>>
        %dma_start3A_30 = tpu.memref_slice %arg3[%add3A_16] : memref<65536xi32, #tpu.memory_space<hbm>> -> memref<128xi32, #tpu.memory_space<hbm>>
        tpu.enqueue_dma source(%dma_start3A_30 : memref<128xi32, #tpu.memory_space<hbm>>) target(%arg8 : memref<128xi32, #tpu.memory_space<vmem>>) target_semaphore(%run_scoped3A : memref<!tpu.dma_semaphore, #tpu.memory_space<semaphore_mem>>)
        %dma_wait3A_31 = tpu.memref_slice %arg3[%add3A_16] : memref<65536xi32, #tpu.memory_space<hbm>> -> memref<128xi32, #tpu.memory_space<hbm>>
        %dma_wait3A_32 = tpu.memref_slice %arg3[%add3A_16] : memref<65536xi32, #tpu.memory_space<hbm>> -> memref<128xi32, #tpu.memory_space<hbm>>
        tpu.wait_dma2 semaphore(%run_scoped3A : memref<!tpu.dma_semaphore, #tpu.memory_space<semaphore_mem>>) src(%dma_wait3A_32 : memref<128xi32, #tpu.memory_space<hbm>>) dst(%arg8 : memref<128xi32, #tpu.memory_space<vmem>>)
        tpu.yield
      }) : () -> ()
      "tpu.region"() ({
        %run_scoped3A = tpu.sem_alloc : memref<!tpu.dma_semaphore, #tpu.memory_space<semaphore_mem>>
        %dma_start3A_29 = tpu.memref_slice %arg4[%add3A_16] : memref<65536xi32, #tpu.memory_space<hbm>> -> memref<128xi32, #tpu.memory_space<hbm>>
        %dma_start3A_30 = tpu.memref_slice %arg4[%add3A_16] : memref<65536xi32, #tpu.memory_space<hbm>> -> memref<128xi32, #tpu.memory_space<hbm>>
        tpu.enqueue_dma source(%dma_start3A_30 : memref<128xi32, #tpu.memory_space<hbm>>) target(%arg9 : memref<128xi32, #tpu.memory_space<vmem>>) target_semaphore(%run_scoped3A : memref<!tpu.dma_semaphore, #tpu.memory_space<semaphore_mem>>)
        %dma_wait3A_31 = tpu.memref_slice %arg4[%add3A_16] : memref<65536xi32, #tpu.memory_space<hbm>> -> memref<128xi32, #tpu.memory_space<hbm>>
        %dma_wait3A_32 = tpu.memref_slice %arg4[%add3A_16] : memref<65536xi32, #tpu.memory_space<hbm>> -> memref<128xi32, #tpu.memory_space<hbm>>
        tpu.wait_dma2 semaphore(%run_scoped3A : memref<!tpu.dma_semaphore, #tpu.memory_space<semaphore_mem>>) src(%dma_wait3A_32 : memref<128xi32, #tpu.memory_space<hbm>>) dst(%arg9 : memref<128xi32, #tpu.memory_space<vmem>>)
        tpu.yield
      }) : () -> ()
      "tpu.region"() ({
        %run_scoped3A = tpu.sem_alloc : memref<!tpu.dma_semaphore, #tpu.memory_space<semaphore_mem>>
        %dma_start3A_29 = tpu.memref_slice %arg5[%add3A_16] : memref<65536xf32, #tpu.memory_space<hbm>> -> memref<128xf32, #tpu.memory_space<hbm>>
        %dma_start3A_30 = tpu.memref_slice %arg5[%add3A_16] : memref<65536xf32, #tpu.memory_space<hbm>> -> memref<128xf32, #tpu.memory_space<hbm>>
        tpu.enqueue_dma source(%dma_start3A_30 : memref<128xf32, #tpu.memory_space<hbm>>) target(%arg10 : memref<128xf32, #tpu.memory_space<vmem>>) target_semaphore(%run_scoped3A : memref<!tpu.dma_semaphore, #tpu.memory_space<semaphore_mem>>)
        %dma_wait3A_31 = tpu.memref_slice %arg5[%add3A_16] : memref<65536xf32, #tpu.memory_space<hbm>> -> memref<128xf32, #tpu.memory_space<hbm>>
        %dma_wait3A_32 = tpu.memref_slice %arg5[%add3A_16] : memref<65536xf32, #tpu.memory_space<hbm>> -> memref<128xf32, #tpu.memory_space<hbm>>
        tpu.wait_dma2 semaphore(%run_scoped3A : memref<!tpu.dma_semaphore, #tpu.memory_space<semaphore_mem>>) src(%dma_wait3A_32 : memref<128xf32, #tpu.memory_space<hbm>>) dst(%arg10 : memref<128xf32, #tpu.memory_space<vmem>>)
        tpu.yield
      }) : () -> ()
      %dma_start3A = arith.constant 0 : i32
      %dma_start3A_17 = arith.constant 0 : i32
      %dma_start3A_18 = tpu.memref_slice %arg2[%dma_start3A, %dma_start3A_17] : memref<2048x128xf32, #tpu.memory_space<hbm>> -> memref<2048x128xf32, #tpu.memory_space<hbm>>
      tpu.enqueue_indirect_dma source(%dma_start3A_18 : memref<2048x128xf32, #tpu.memory_space<hbm>>) target(%arg11 : memref<128x128xf32, #tpu.memory_space<vmem>>) offsets(%arg8 : memref<128xi32, #tpu.memory_space<vmem>>) semaphore(%arg13 : memref<!tpu.dma_semaphore, #tpu.memory_space<semaphore_mem>>)
      %dma_wait3A = arith.constant 0 : i32
      %dma_wait3A_19 = arith.constant 0 : i32
      %dma_wait3A_20 = tpu.memref_slice %arg2[%dma_wait3A, %dma_wait3A_19] : memref<2048x128xf32, #tpu.memory_space<hbm>> -> memref<2048x128xf32, #tpu.memory_space<hbm>>
      tpu.wait_indirect_dma semaphore(%arg13 : memref<!tpu.dma_semaphore, #tpu.memory_space<semaphore_mem>>) src(%dma_wait3A_20 : memref<2048x128xf32, #tpu.memory_space<hbm>>) dst(%arg11 : memref<128x128xf32, #tpu.memory_space<vmem>>)
      %scan3A_21 = arith.constant 0 : i32
      %scan3A_22 = arith.constant 0 : i32
      %scan3A_23 = arith.constant 8 : i32
      %scan3A_24 = arith.addi %scan3A_22, %scan3A_23 : i32
      %scan3A_25 = arith.constant 1 : i32
      %scan3A_26 = scf.for %scan3A_29 = %scan3A_22 to %scan3A_24 step %scan3A_25 iter_args(%scan3A_30 = %scan3A_21) -> (i32)  : i32 {
        %mul3A_31 = arith.constant 16 : i32
        %mul3A_32 = arith.muli %scan3A_29, %mul3A_31 : i32
        %get3A = arith.index_cast %mul3A_32 : i32 to index
        %get3A_33 = tpu.vector_load %arg10[%get3A] {strides = array<i32>} : memref<128xf32, #tpu.memory_space<vmem>>, vector<16xf32>,
        %get3A_34 = vector.shape_cast %get3A_33 : vector<16xf32> to vector<16xf32>
        %mul3A_35 = arith.constant 16 : i32
        %mul3A_36 = arith.muli %scan3A_29, %mul3A_35 : i32
        %add3A_37 = arith.constant 0 : i32
        %add3A_38 = arith.addi %mul3A_36, %add3A_37 : i32
        %slice3A = vector.extract_strided_slice %get3A_34 {offsets = [0], sizes = [1], strides = [1]} : vector<16xf32> to vector<1xf32>
        %squeeze3A = vector.extract %slice3A[0] : f32 from vector<1xf32>
        %get3A_39 = arith.index_cast %add3A_38 : i32 to index
        %get3A_40 = arith.constant 0 : index
        %get3A_41 = tpu.vector_load %arg11[%get3A_39, %get3A_40] {strides = array<i32>} : memref<128x128xf32, #tpu.memory_space<vmem>>, vector<1x16xf32>,
        %get3A_42 = vector.shape_cast %get3A_41 : vector<1x16xf32> to vector<16xf32>
        %mul3A_43 = vector.broadcast %squeeze3A : f32 to vector<16xf32>
        %mul3A_44 = arith.mulf %get3A_42, %mul3A_43 : vector<16xf32>
        %swap3A = arith.index_cast %add3A_38 : i32 to index
        %swap3A_45 = arith.constant 0 : index
        %swap3A_46 = tpu.vector_load %arg11[%swap3A, %swap3A_45] {strides = array<i32>} : memref<128x128xf32, #tpu.memory_space<vmem>>, vector<1x16xf32>,
        %swap3A_47 = vector.shape_cast %swap3A_46 : vector<1x16xf32> to vector<16xf32>
        %swap3A_48 = vector.shape_cast %mul3A_44 : vector<16xf32> to vector<1x16xf32>
        tpu.vector_store %arg11[%swap3A, %swap3A_45], %swap3A_48 {strides = array<i32>} : memref<128x128xf32, #tpu.memory_space<vmem>>, vector<1x16xf32>,
        %get3A_49 = arith.index_cast %add3A_38 : i32 to index
        %get3A_50 = arith.constant 16 : index
        %get3A_51 = tpu.vector_load %arg11[%get3A_49, %get3A_50] {strides = array<i32>} : memref<128x128xf32, #tpu.memory_space<vmem>>, vector<1x16xf32>,
        %get3A_52 = vector.shape_cast %get3A_51 : vector<1x16xf32> to vector<16xf32>
        %mul3A_53 = vector.broadcast %squeeze3A : f32 to vector<16xf32>
        %mul3A_54 = arith.mulf %get3A_52, %mul3A_53 : vector<16xf32>
        %swap3A_55 = arith.index_cast %add3A_38 : i32 to index
        %swap3A_56 = arith.constant 16 : index
        %swap3A_57 = tpu.vector_load %arg11[%swap3A_55, %swap3A_56] {strides = array<i32>} : memref<128x128xf32, #tpu.memory_space<vmem>>, vector<1x16xf32>,
        %swap3A_58 = vector.shape_cast %swap3A_57 : vector<1x16xf32> to vector<16xf32>
        %swap3A_59 = vector.shape_cast %mul3A_54 : vector<16xf32> to vector<1x16xf32>
        tpu.vector_store %arg11[%swap3A_55, %swap3A_56], %swap3A_59 {strides = array<i32>} : memref<128x128xf32, #tpu.memory_space<vmem>>, vector<1x16xf32>,
        %get3A_60 = arith.index_cast %add3A_38 : i32 to index
        %get3A_61 = arith.constant 32 : index
        %get3A_62 = tpu.vector_load %arg11[%get3A_60, %get3A_61] {strides = array<i32>} : memref<128x128xf32, #tpu.memory_space<vmem>>, vector<1x16xf32>,
        %get3A_63 = vector.shape_cast %get3A_62 : vector<1x16xf32> to vector<16xf32>
        %mul3A_64 = vector.broadcast %squeeze3A : f32 to vector<16xf32>
        %mul3A_65 = arith.mulf %get3A_63, %mul3A_64 : vector<16xf32>
        %swap3A_66 = arith.index_cast %add3A_38 : i32 to index
        %swap3A_67 = arith.constant 32 : index
        %swap3A_68 = tpu.vector_load %arg11[%swap3A_66, %swap3A_67] {strides = array<i32>} : memref<128x128xf32, #tpu.memory_space<vmem>>, vector<1x16xf32>,
        %swap3A_69 = vector.shape_cast %swap3A_68 : vector<1x16xf32> to vector<16xf32>
        %swap3A_70 = vector.shape_cast %mul3A_65 : vector<16xf32> to vector<1x16xf32>
        tpu.vector_store %arg11[%swap3A_66, %swap3A_67], %swap3A_70 {strides = array<i32>} : memref<128x128xf32, #tpu.memory_space<vmem>>, vector<1x16xf32>,
        %get3A_71 = arith.index_cast %add3A_38 : i32 to index
        %get3A_72 = arith.constant 48 : index
        %get3A_73 = tpu.vector_load %arg11[%get3A_71, %get3A_72] {strides = array<i32>} : memref<128x128xf32, #tpu.memory_space<vmem>>, vector<1x16xf32>,
        %get3A_74 = vector.shape_cast %get3A_73 : vector<1x16xf32> to vector<16xf32>
        %mul3A_75 = vector.broadcast %squeeze3A : f32 to vector<16xf32>
        %mul3A_76 = arith.mulf %get3A_74, %mul3A_75 : vector<16xf32>
        %swap3A_77 = arith.index_cast %add3A_38 : i32 to index
        %swap3A_78 = arith.constant 48 : index
        %swap3A_79 = tpu.vector_load %arg11[%swap3A_77, %swap3A_78] {strides = array<i32>} : memref<128x128xf32, #tpu.memory_space<vmem>>, vector<1x16xf32>,
        %swap3A_80 = vector.shape_cast %swap3A_79 : vector<1x16xf32> to vector<16xf32>
        %swap3A_81 = vector.shape_cast %mul3A_76 : vector<16xf32> to vector<1x16xf32>
        tpu.vector_store %arg11[%swap3A_77, %swap3A_78], %swap3A_81 {strides = array<i32>} : memref<128x128xf32, #tpu.memory_space<vmem>>, vector<1x16xf32>,
        %get3A_82 = arith.index_cast %add3A_38 : i32 to index
        %get3A_83 = arith.constant 64 : index
        %get3A_84 = tpu.vector_load %arg11[%get3A_82, %get3A_83] {strides = array<i32>} : memref<128x128xf32, #tpu.memory_space<vmem>>, vector<1x16xf32>,
        %get3A_85 = vector.shape_cast %get3A_84 : vector<1x16xf32> to vector<16xf32>
        %mul3A_86 = vector.broadcast %squeeze3A : f32 to vector<16xf32>
        %mul3A_87 = arith.mulf %get3A_85, %mul3A_86 : vector<16xf32>
        %swap3A_88 = arith.index_cast %add3A_38 : i32 to index
        %swap3A_89 = arith.constant 64 : index
        %swap3A_90 = tpu.vector_load %arg11[%swap3A_88, %swap3A_89] {strides = array<i32>} : memref<128x128xf32, #tpu.memory_space<vmem>>, vector<1x16xf32>,
        %swap3A_91 = vector.shape_cast %swap3A_90 : vector<1x16xf32> to vector<16xf32>
        %swap3A_92 = vector.shape_cast %mul3A_87 : vector<16xf32> to vector<1x16xf32>
        tpu.vector_store %arg11[%swap3A_88, %swap3A_89], %swap3A_92 {strides = array<i32>} : memref<128x128xf32, #tpu.memory_space<vmem>>, vector<1x16xf32>,
        %get3A_93 = arith.index_cast %add3A_38 : i32 to index
        %get3A_94 = arith.constant 80 : index
        %get3A_95 = tpu.vector_load %arg11[%get3A_93, %get3A_94] {strides = array<i32>} : memref<128x128xf32, #tpu.memory_space<vmem>>, vector<1x16xf32>,
        %get3A_96 = vector.shape_cast %get3A_95 : vector<1x16xf32> to vector<16xf32>
        %mul3A_97 = vector.broadcast %squeeze3A : f32 to vector<16xf32>
        %mul3A_98 = arith.mulf %get3A_96, %mul3A_97 : vector<16xf32>
        %swap3A_99 = arith.index_cast %add3A_38 : i32 to index
        %swap3A_100 = arith.constant 80 : index
        %swap3A_101 = tpu.vector_load %arg11[%swap3A_99, %swap3A_100] {strides = array<i32>} : memref<128x128xf32, #tpu.memory_space<vmem>>, vector<1x16xf32>,
        %swap3A_102 = vector.shape_cast %swap3A_101 : vector<1x16xf32> to vector<16xf32>
        %swap3A_103 = vector.shape_cast %mul3A_98 : vector<16xf32> to vector<1x16xf32>
        tpu.vector_store %arg11[%swap3A_99, %swap3A_100], %swap3A_103 {strides = array<i32>} : memref<128x128xf32, #tpu.memory_space<vmem>>, vector<1x16xf32>,
        %get3A_104 = arith.index_cast %add3A_38 : i32 to index
        %get3A_105 = arith.constant 96 : index
        %get3A_106 = tpu.vector_load %arg11[%get3A_104, %get3A_105] {strides = array<i32>} : memref<128x128xf32, #tpu.memory_space<vmem>>, vector<1x16xf32>,
        %get3A_107 = vector.shape_cast %get3A_106 : vector<1x16xf32> to vector<16xf32>
        %mul3A_108 = vector.broadcast %squeeze3A : f32 to vector<16xf32>
        %mul3A_109 = arith.mulf %get3A_107, %mul3A_108 : vector<16xf32>
        %swap3A_110 = arith.index_cast %add3A_38 : i32 to index
        %swap3A_111 = arith.constant 96 : index
        %swap3A_112 = tpu.vector_load %arg11[%swap3A_110, %swap3A_111] {strides = array<i32>} : memref<128x128xf32, #tpu.memory_space<vmem>>, vector<1x16xf32>,
        %swap3A_113 = vector.shape_cast %swap3A_112 : vector<1x16xf32> to vector<16xf32>
        %swap3A_114 = vector.shape_cast %mul3A_109 : vector<16xf32> to vector<1x16xf32>
        tpu.vector_store %arg11[%swap3A_110, %swap3A_111], %swap3A_114 {strides = array<i32>} : memref<128x128xf32, #tpu.memory_space<vmem>>, vector<1x16xf32>,
        %get3A_115 = arith.index_cast %add3A_38 : i32 to index
        %get3A_116 = arith.constant 112 : index
        %get3A_117 = tpu.vector_load %arg11[%get3A_115, %get3A_116] {strides = array<i32>} : memref<128x128xf32, #tpu.memory_space<vmem>>, vector<1x16xf32>,
        %get3A_118 = vector.shape_cast %get3A_117 : vector<1x16xf32> to vector<16xf32>
        %mul3A_119 = vector.broadcast %squeeze3A : f32 to vector<16xf32>
        %mul3A_120 = arith.mulf %get3A_118, %mul3A_119 : vector<16xf32>
        %swap3A_121 = arith.index_cast %add3A_38 : i32 to index
        %swap3A_122 = arith.constant 112 : index
        %swap3A_123 = tpu.vector_load %arg11[%swap3A_121, %swap3A_122] {strides = array<i32>} : memref<128x128xf32, #tpu.memory_space<vmem>>, vector<1x16xf32>,
        %swap3A_124 = vector.shape_cast %swap3A_123 : vector<1x16xf32> to vector<16xf32>
        %swap3A_125 = vector.shape_cast %mul3A_120 : vector<16xf32> to vector<1x16xf32>
        tpu.vector_store %arg11[%swap3A_121, %swap3A_122], %swap3A_125 {strides = array<i32>} : memref<128x128xf32, #tpu.memory_space<vmem>>, vector<1x16xf32>,
        %mul3A_126 = arith.constant 16 : i32
        %mul3A_127 = arith.muli %scan3A_29, %mul3A_126 : i32
        %add3A_128 = arith.constant 1 : i32
        %add3A_129 = arith.addi %mul3A_127, %add3A_128 : i32
        %slice3A_130 = vector.extract_strided_slice %get3A_34 {offsets = [1], sizes = [1], strides = [1]} : vector<16xf32> to vector<1xf32>
        %squeeze3A_131 = vector.extract %slice3A_130[0] : f32 from vector<1xf32>
        %get3A_132 = arith.index_cast %add3A_129 : i32 to index
        %get3A_133 = arith.constant 0 : index
        %get3A_134 = tpu.vector_load %arg11[%get3A_132, %get3A_133] {strides = array<i32>} : memref<128x128xf32, #tpu.memory_space<vmem>>, vector<1x16xf32>,
        %get3A_135 = vector.shape_cast %get3A_134 : vector<1x16xf32> to vector<16xf32>
        %mul3A_136 = vector.broadcast %squeeze3A_131 : f32 to vector<16xf32>
        %mul3A_137 = arith.mulf %get3A_135, %mul3A_136 : vector<16xf32>
        %swap3A_138 = arith.index_cast %add3A_129 : i32 to index
        %swap3A_139 = arith.constant 0 : index
        %swap3A_140 = tpu.vector_load %arg11[%swap3A_138, %swap3A_139] {strides = array<i32>} : memref<128x128xf32, #tpu.memory_space<vmem>>, vector<1x16xf32>,
        %swap3A_141 = vector.shape_cast %swap3A_140 : vector<1x16xf32> to vector<16xf32>
        %swap3A_142 = vector.shape_cast %mul3A_137 : vector<16xf32> to vector<1x16xf32>
        tpu.vector_store %arg11[%swap3A_138, %swap3A_139], %swap3A_142 {strides = array<i32>} : memref<128x128xf32, #tpu.memory_space<vmem>>, vector<1x16xf32>,
        %get3A_143 = arith.index_cast %add3A_129 : i32 to index
        %get3A_144 = arith.constant 16 : index
        %get3A_145 = tpu.vector_load %arg11[%get3A_143, %get3A_144] {strides = array<i32>} : memref<128x128xf32, #tpu.memory_space<vmem>>, vector<1x16xf32>,
        %get3A_146 = vector.shape_cast %get3A_145 : vector<1x16xf32> to vector<16xf32>
        %mul3A_147 = vector.broadcast %squeeze3A_131 : f32 to vector<16xf32>
        %mul3A_148 = arith.mulf %get3A_146, %mul3A_147 : vector<16xf32>
        %swap3A_149 = arith.index_cast %add3A_129 : i32 to index
        %swap3A_150 = arith.constant 16 : index
        %swap3A_151 = tpu.vector_load %arg11[%swap3A_149, %swap3A_150] {strides = array<i32>} : memref<128x128xf32, #tpu.memory_space<vmem>>, vector<1x16xf32>,
        %swap3A_152 = vector.shape_cast %swap3A_151 : vector<1x16xf32> to vector<16xf32>
        %swap3A_153 = vector.shape_cast %mul3A_148 : vector<16xf32> to vector<1x16xf32>
        tpu.vector_store %arg11[%swap3A_149, %swap3A_150], %swap3A_153 {strides = array<i32>} : memref<128x128xf32, #tpu.memory_space<vmem>>, vector<1x16xf32>,
        %get3A_154 = arith.index_cast %add3A_129 : i32 to index
        %get3A_155 = arith.constant 32 : index
        %get3A_156 = tpu.vector_load %arg11[%get3A_154, %get3A_155] {strides = array<i32>} : memref<128x128xf32, #tpu.memory_space<vmem>>, vector<1x16xf32>,
        %get3A_157 = vector.shape_cast %get3A_156 : vector<1x16xf32> to vector<16xf32>
        %mul3A_158 = vector.broadcast %squeeze3A_131 : f32 to vector<16xf32>
        %mul3A_159 = arith.mulf %get3A_157, %mul3A_158 : vector<16xf32>
        %swap3A_160 = arith.index_cast %add3A_129 : i32 to index
        %swap3A_161 = arith.constant 32 : index
        %swap3A_162 = tpu.vector_load %arg11[%swap3A_160, %swap3A_161] {strides = array<i32>} : memref<128x128xf32, #tpu.memory_space<vmem>>, vector<1x16xf32>,
        %swap3A_163 = vector.shape_cast %swap3A_162 : vector<1x16xf32> to vector<16xf32>
        %swap3A_164 = vector.shape_cast %mul3A_159 : vector<16xf32> to vector<1x16xf32>
        tpu.vector_store %arg11[%swap3A_160, %swap3A_161], %swap3A_164 {strides = array<i32>} : memref<128x128xf32, #tpu.memory_space<vmem>>, vector<1x16xf32>,
        %get3A_165 = arith.index_cast %add3A_129 : i32 to index
        %get3A_166 = arith.constant 48 : index
        %get3A_167 = tpu.vector_load %arg11[%get3A_165, %get3A_166] {strides = array<i32>} : memref<128x128xf32, #tpu.memory_space<vmem>>, vector<1x16xf32>,
        %get3A_168 = vector.shape_cast %get3A_167 : vector<1x16xf32> to vector<16xf32>
        %mul3A_169 = vector.broadcast %squeeze3A_131 : f32 to vector<16xf32>
        %mul3A_170 = arith.mulf %get3A_168, %mul3A_169 : vector<16xf32>
        %swap3A_171 = arith.index_cast %add3A_129 : i32 to index
        %swap3A_172 = arith.constant 48 : index
        %swap3A_173 = tpu.vector_load %arg11[%swap3A_171, %swap3A_172] {strides = array<i32>} : memref<128x128xf32, #tpu.memory_space<vmem>>, vector<1x16xf32>,
        %swap3A_174 = vector.shape_cast %swap3A_173 : vector<1x16xf32> to vector<16xf32>
        %swap3A_175 = vector.shape_cast %mul3A_170 : vector<16xf32> to vector<1x16xf32>
        tpu.vector_store %arg11[%swap3A_171, %swap3A_172], %swap3A_175 {strides = array<i32>} : memref<128x128xf32, #tpu.memory_space<vmem>>, vector<1x16xf32>,
        %get3A_176 = arith.index_cast %add3A_129 : i32 to index
        %get3A_177 = arith.constant 64 : index
        %get3A_178 = tpu.vector_load %arg11[%get3A_176, %get3A_177] {strides = array<i32>} : memref<128x128xf32, #tpu.memory_space<vmem>>, vector<1x16xf32>,
        %get3A_179 = vector.shape_cast %get3A_178 : vector<1x16xf32> to vector<16xf32>
        %mul3A_180 = vector.broadcast %squeeze3A_131 : f32 to vector<16xf32>
        %mul3A_181 = arith.mulf %get3A_179, %mul3A_180 : vector<16xf32>
        %swap3A_182 = arith.index_cast %add3A_129 : i32 to index
        %swap3A_183 = arith.constant 64 : index
        %swap3A_184 = tpu.vector_load %arg11[%swap3A_182, %swap3A_183] {strides = array<i32>} : memref<128x128xf32, #tpu.memory_space<vmem>>, vector<1x16xf32>,
        %swap3A_185 = vector.shape_cast %swap3A_184 : vector<1x16xf32> to vector<16xf32>
        %swap3A_186 = vector.shape_cast %mul3A_181 : vector<16xf32> to vector<1x16xf32>
        tpu.vector_store %arg11[%swap3A_182, %swap3A_183], %swap3A_186 {strides = array<i32>} : memref<128x128xf32, #tpu.memory_space<vmem>>, vector<1x16xf32>,
        %get3A_187 = arith.index_cast %add3A_129 : i32 to index
        %get3A_188 = arith.constant 80 : index
        %get3A_189 = tpu.vector_load %arg11[%get3A_187, %get3A_188] {strides = array<i32>} : memref<128x128xf32, #tpu.memory_space<vmem>>, vector<1x16xf32>,
        %get3A_190 = vector.shape_cast %get3A_189 : vector<1x16xf32> to vector<16xf32>
        %mul3A_191 = vector.broadcast %squeeze3A_131 : f32 to vector<16xf32>
        %mul3A_192 = arith.mulf %get3A_190, %mul3A_191 : vector<16xf32>
        %swap3A_193 = arith.index_cast %add3A_129 : i32 to index
        %swap3A_194 = arith.constant 80 : index
        %swap3A_195 = tpu.vector_load %arg11[%swap3A_193, %swap3A_194] {strides = array<i32>} : memref<128x128xf32, #tpu.memory_space<vmem>>, vector<1x16xf32>,
        %swap3A_196 = vector.shape_cast %swap3A_195 : vector<1x16xf32> to vector<16xf32>
        %swap3A_197 = vector.shape_cast %mul3A_192 : vector<16xf32> to vector<1x16xf32>
        tpu.vector_store %arg11[%swap3A_193, %swap3A_194], %swap3A_197 {strides = array<i32>} : memref<128x128xf32, #tpu.memory_space<vmem>>, vector<1x16xf32>,
        %get3A_198 = arith.index_cast %add3A_129 : i32 to index
        %get3A_199 = arith.constant 96 : index
        %get3A_200 = tpu.vector_load %arg11[%get3A_198, %get3A_199] {strides = array<i32>} : memref<128x128xf32, #tpu.memory_space<vmem>>, vector<1x16xf32>,
        %get3A_201 = vector.shape_cast %get3A_200 : vector<1x16xf32> to vector<16xf32>
        %mul3A_202 = vector.broadcast %squeeze3A_131 : f32 to vector<16xf32>
        %mul3A_203 = arith.mulf %get3A_201, %mul3A_202 : vector<16xf32>
        %swap3A_204 = arith.index_cast %add3A_129 : i32 to index
        %swap3A_205 = arith.constant 96 : index
        %swap3A_206 = tpu.vector_load %arg11[%swap3A_204, %swap3A_205] {strides = array<i32>} : memref<128x128xf32, #tpu.memory_space<vmem>>, vector<1x16xf32>,
        %swap3A_207 = vector.shape_cast %swap3A_206 : vector<1x16xf32> to vector<16xf32>
        %swap3A_208 = vector.shape_cast %mul3A_203 : vector<16xf32> to vector<1x16xf32>
        tpu.vector_store %arg11[%swap3A_204, %swap3A_205], %swap3A_208 {strides = array<i32>} : memref<128x128xf32, #tpu.memory_space<vmem>>, vector<1x16xf32>,
        %get3A_209 = arith.index_cast %add3A_129 : i32 to index
        %get3A_210 = arith.constant 112 : index
        %get3A_211 = tpu.vector_load %arg11[%get3A_209, %get3A_210] {strides = array<i32>} : memref<128x128xf32, #tpu.memory_space<vmem>>, vector<1x16xf32>,
        %get3A_212 = vector.shape_cast %get3A_211 : vector<1x16xf32> to vector<16xf32>
        %mul3A_213 = vector.broadcast %squeeze3A_131 : f32 to vector<16xf32>
        %mul3A_214 = arith.mulf %get3A_212, %mul3A_213 : vector<16xf32>
        %swap3A_215 = arith.index_cast %add3A_129 : i32 to index
        %swap3A_216 = arith.constant 112 : index
        %swap3A_217 = tpu.vector_load %arg11[%swap3A_215, %swap3A_216] {strides = array<i32>} : memref<128x128xf32, #tpu.memory_space<vmem>>, vector<1x16xf32>,
        %swap3A_218 = vector.shape_cast %swap3A_217 : vector<1x16xf32> to vector<16xf32>
        %swap3A_219 = vector.shape_cast %mul3A_214 : vector<16xf32> to vector<1x16xf32>
        tpu.vector_store %arg11[%swap3A_215, %swap3A_216], %swap3A_219 {strides = array<i32>} : memref<128x128xf32, #tpu.memory_space<vmem>>, vector<1x16xf32>,
        %mul3A_220 = arith.constant 16 : i32
        %mul3A_221 = arith.muli %scan3A_29, %mul3A_220 : i32
        %add3A_222 = arith.constant 2 : i32
        %add3A_223 = arith.addi %mul3A_221, %add3A_222 : i32
        %slice3A_224 = vector.extract_strided_slice %get3A_34 {offsets = [2], sizes = [1], strides = [1]} : vector<16xf32> to vector<1xf32>
        %squeeze3A_225 = vector.extract %slice3A_224[0] : f32 from vector<1xf32>
        %get3A_226 = arith.index_cast %add3A_223 : i32 to index
        %get3A_227 = arith.constant 0 : index
        %get3A_228 = tpu.vector_load %arg11[%get3A_226, %get3A_227] {strides = array<i32>} : memref<128x128xf32, #tpu.memory_space<vmem>>, vector<1x16xf32>,
        %get3A_229 = vector.shape_cast %get3A_228 : vector<1x16xf32> to vector<16xf32>
        %mul3A_230 = vector.broadcast %squeeze3A_225 : f32 to vector<16xf32>
        %mul3A_231 = arith.mulf %get3A_229, %mul3A_230 : vector<16xf32>
        %swap3A_232 = arith.index_cast %add3A_223 : i32 to index
        %swap3A_233 = arith.constant 0 : index
        %swap3A_234 = tpu.vector_load %arg11[%swap3A_232, %swap3A_233] {strides = array<i32>} : memref<128x128xf32, #tpu.memory_space<vmem>>, vector<1x16xf32>,
        %swap3A_235 = vector.shape_cast %swap3A_234 : vector<1x16xf32> to vector<16xf32>
        %swap3A_236 = vector.shape_cast %mul3A_231 : vector<16xf32> to vector<1x16xf32>
        tpu.vector_store %arg11[%swap3A_232, %swap3A_233], %swap3A_236 {strides = array<i32>} : memref<128x128xf32, #tpu.memory_space<vmem>>, vector<1x16xf32>,
        %get3A_237 = arith.index_cast %add3A_223 : i32 to index
        %get3A_238 = arith.constant 16 : index
        %get3A_239 = tpu.vector_load %arg11[%get3A_237, %get3A_238] {strides = array<i32>} : memref<128x128xf32, #tpu.memory_space<vmem>>, vector<1x16xf32>,
        %get3A_240 = vector.shape_cast %get3A_239 : vector<1x16xf32> to vector<16xf32>
        %mul3A_241 = vector.broadcast %squeeze3A_225 : f32 to vector<16xf32>
        %mul3A_242 = arith.mulf %get3A_240, %mul3A_241 : vector<16xf32>
        %swap3A_243 = arith.index_cast %add3A_223 : i32 to index
        %swap3A_244 = arith.constant 16 : index
        %swap3A_245 = tpu.vector_load %arg11[%swap3A_243, %swap3A_244] {strides = array<i32>} : memref<128x128xf32, #tpu.memory_space<vmem>>, vector<1x16xf32>,
        %swap3A_246 = vector.shape_cast %swap3A_245 : vector<1x16xf32> to vector<16xf32>
        %swap3A_247 = vector.shape_cast %mul3A_242 : vector<16xf32> to vector<1x16xf32>
        tpu.vector_store %arg11[%swap3A_243, %swap3A_244], %swap3A_247 {strides = array<i32>} : memref<128x128xf32, #tpu.memory_space<vmem>>, vector<1x16xf32>,
        %get3A_248 = arith.index_cast %add3A_223 : i32 to index
        %get3A_249 = arith.constant 32 : index
        %get3A_250 = tpu.vector_load %arg11[%get3A_248, %get3A_249] {strides = array<i32>} : memref<128x128xf32, #tpu.memory_space<vmem>>, vector<1x16xf32>,
        %get3A_251 = vector.shape_cast %get3A_250 : vector<1x16xf32> to vector<16xf32>
        %mul3A_252 = vector.broadcast %squeeze3A_225 : f32 to vector<16xf32>
        %mul3A_253 = arith.mulf %get3A_251, %mul3A_252 : vector<16xf32>
        %swap3A_254 = arith.index_cast %add3A_223 : i32 to index
        %swap3A_255 = arith.constant 32 : index
        %swap3A_256 = tpu.vector_load %arg11[%swap3A_254, %swap3A_255] {strides = array<i32>} : memref<128x128xf32, #tpu.memory_space<vmem>>, vector<1x16xf32>,
        %swap3A_257 = vector.shape_cast %swap3A_256 : vector<1x16xf32> to vector<16xf32>
        %swap3A_258 = vector.shape_cast %mul3A_253 : vector<16xf32> to vector<1x16xf32>
        tpu.vector_store %arg11[%swap3A_254, %swap3A_255], %swap3A_258 {strides = array<i32>} : memref<128x128xf32, #tpu.memory_space<vmem>>, vector<1x16xf32>,
        %get3A_259 = arith.index_cast %add3A_223 : i32 to index
        %get3A_260 = arith.constant 48 : index
        %get3A_261 = tpu.vector_load %arg11[%get3A_259, %get3A_260] {strides = array<i32>} : memref<128x128xf32, #tpu.memory_space<vmem>>, vector<1x16xf32>,
        %get3A_262 = vector.shape_cast %get3A_261 : vector<1x16xf32> to vector<16xf32>
        %mul3A_263 = vector.broadcast %squeeze3A_225 : f32 to vector<16xf32>
        %mul3A_264 = arith.mulf %get3A_262, %mul3A_263 : vector<16xf32>
        %swap3A_265 = arith.index_cast %add3A_223 : i32 to index
        %swap3A_266 = arith.constant 48 : index
        %swap3A_267 = tpu.vector_load %arg11[%swap3A_265, %swap3A_266] {strides = array<i32>} : memref<128x128xf32, #tpu.memory_space<vmem>>, vector<1x16xf32>,
        %swap3A_268 = vector.shape_cast %swap3A_267 : vector<1x16xf32> to vector<16xf32>
        %swap3A_269 = vector.shape_cast %mul3A_264 : vector<16xf32> to vector<1x16xf32>
        tpu.vector_store %arg11[%swap3A_265, %swap3A_266], %swap3A_269 {strides = array<i32>} : memref<128x128xf32, #tpu.memory_space<vmem>>, vector<1x16xf32>,
        %get3A_270 = arith.index_cast %add3A_223 : i32 to index
        %get3A_271 = arith.constant 64 : index
        %get3A_272 = tpu.vector_load %arg11[%get3A_270, %get3A_271] {strides = array<i32>} : memref<128x128xf32, #tpu.memory_space<vmem>>, vector<1x16xf32>,
        %get3A_273 = vector.shape_cast %get3A_272 : vector<1x16xf32> to vector<16xf32>
        %mul3A_274 = vector.broadcast %squeeze3A_225 : f32 to vector<16xf32>
        %mul3A_275 = arith.mulf %get3A_273, %mul3A_274 : vector<16xf32>
        %swap3A_276 = arith.index_cast %add3A_223 : i32 to index
        %swap3A_277 = arith.constant 64 : index
        %swap3A_278 = tpu.vector_load %arg11[%swap3A_276, %swap3A_277] {strides = array<i32>} : memref<128x128xf32, #tpu.memory_space<vmem>>, vector<1x16xf32>,
        %swap3A_279 = vector.shape_cast %swap3A_278 : vector<1x16xf32> to vector<16xf32>
        %swap3A_280 = vector.shape_cast %mul3A_275 : vector<16xf32> to vector<1x16xf32>
        tpu.vector_store %arg11[%swap3A_276, %swap3A_277], %swap3A_280 {strides = array<i32>} : memref<128x128xf32, #tpu.memory_space<vmem>>, vector<1x16xf32>,
        %get3A_281 = arith.index_cast %add3A_223 : i32 to index
        %get3A_282 = arith.constant 80 : index
        %get3A_283 = tpu.vector_load %arg11[%get3A_281, %get3A_282] {strides = array<i32>} : memref<128x128xf32, #tpu.memory_space<vmem>>, vector<1x16xf32>,
        %get3A_284 = vector.shape_cast %get3A_283 : vector<1x16xf32> to vector<16xf32>
        %mul3A_285 = vector.broadcast %squeeze3A_225 : f32 to vector<16xf32>
        %mul3A_286 = arith.mulf %get3A_284, %mul3A_285 : vector<16xf32>
        %swap3A_287 = arith.index_cast %add3A_223 : i32 to index
        %swap3A_288 = arith.constant 80 : index
        %swap3A_289 = tpu.vector_load %arg11[%swap3A_287, %swap3A_288] {strides = array<i32>} : memref<128x128xf32, #tpu.memory_space<vmem>>, vector<1x16xf32>,
        %swap3A_290 = vector.shape_cast %swap3A_289 : vector<1x16xf32> to vector<16xf32>
        %swap3A_291 = vector.shape_cast %mul3A_286 : vector<16xf32> to vector<1x16xf32>
        tpu.vector_store %arg11[%swap3A_287, %swap3A_288], %swap3A_291 {strides = array<i32>} : memref<128x128xf32, #tpu.memory_space<vmem>>, vector<1x16xf32>,
        %get3A_292 = arith.index_cast %add3A_223 : i32 to index
        %get3A_293 = arith.constant 96 : index
        %get3A_294 = tpu.vector_load %arg11[%get3A_292, %get3A_293] {strides = array<i32>} : memref<128x128xf32, #tpu.memory_space<vmem>>, vector<1x16xf32>,
        %get3A_295 = vector.shape_cast %get3A_294 : vector<1x16xf32> to vector<16xf32>
        %mul3A_296 = vector.broadcast %squeeze3A_225 : f32 to vector<16xf32>
        %mul3A_297 = arith.mulf %get3A_295, %mul3A_296 : vector<16xf32>
        %swap3A_298 = arith.index_cast %add3A_223 : i32 to index
        %swap3A_299 = arith.constant 96 : index
        %swap3A_300 = tpu.vector_load %arg11[%swap3A_298, %swap3A_299] {strides = array<i32>} : memref<128x128xf32, #tpu.memory_space<vmem>>, vector<1x16xf32>,
        %swap3A_301 = vector.shape_cast %swap3A_300 : vector<1x16xf32> to vector<16xf32>
        %swap3A_302 = vector.shape_cast %mul3A_297 : vector<16xf32> to vector<1x16xf32>
        tpu.vector_store %arg11[%swap3A_298, %swap3A_299], %swap3A_302 {strides = array<i32>} : memref<128x128xf32, #tpu.memory_space<vmem>>, vector<1x16xf32>,
        %get3A_303 = arith.index_cast %add3A_223 : i32 to index
        %get3A_304 = arith.constant 112 : index
        %get3A_305 = tpu.vector_load %arg11[%get3A_303, %get3A_304] {strides = array<i32>} : memref<128x128xf32, #tpu.memory_space<vmem>>, vector<1x16xf32>,
        %get3A_306 = vector.shape_cast %get3A_305 : vector<1x16xf32> to vector<16xf32>
        %mul3A_307 = vector.broadcast %squeeze3A_225 : f32 to vector<16xf32>
        %mul3A_308 = arith.mulf %get3A_306, %mul3A_307 : vector<16xf32>
        %swap3A_309 = arith.index_cast %add3A_223 : i32 to index
        %swap3A_310 = arith.constant 112 : index
        %swap3A_311 = tpu.vector_load %arg11[%swap3A_309, %swap3A_310] {strides = array<i32>} : memref<128x128xf32, #tpu.memory_space<vmem>>, vector<1x16xf32>,
        %swap3A_312 = vector.shape_cast %swap3A_311 : vector<1x16xf32> to vector<16xf32>
        %swap3A_313 = vector.shape_cast %mul3A_308 : vector<16xf32> to vector<1x16xf32>
        tpu.vector_store %arg11[%swap3A_309, %swap3A_310], %swap3A_313 {strides = array<i32>} : memref<128x128xf32, #tpu.memory_space<vmem>>, vector<1x16xf32>,
        %mul3A_314 = arith.constant 16 : i32
        %mul3A_315 = arith.muli %scan3A_29, %mul3A_314 : i32
        %add3A_316 = arith.constant 3 : i32
        %add3A_317 = arith.addi %mul3A_315, %add3A_316 : i32
        %slice3A_318 = vector.extract_strided_slice %get3A_34 {offsets = [3], sizes = [1], strides = [1]} : vector<16xf32> to vector<1xf32>
        %squeeze3A_319 = vector.extract %slice3A_318[0] : f32 from vector<1xf32>
        %get3A_320 = arith.index_cast %add3A_317 : i32 to index
        %get3A_321 = arith.constant 0 : index
        %get3A_322 = tpu.vector_load %arg11[%get3A_320, %get3A_321] {strides = array<i32>} : memref<128x128xf32, #tpu.memory_space<vmem>>, vector<1x16xf32>,
        %get3A_323 = vector.shape_cast %get3A_322 : vector<1x16xf32> to vector<16xf32>
        %mul3A_324 = vector.broadcast %squeeze3A_319 : f32 to vector<16xf32>
        %mul3A_325 = arith.mulf %get3A_323, %mul3A_324 : vector<16xf32>
        %swap3A_326 = arith.index_cast %add3A_317 : i32 to index
        %swap3A_327 = arith.constant 0 : index
        %swap3A_328 = tpu.vector_load %arg11[%swap3A_326, %swap3A_327] {strides = array<i32>} : memref<128x128xf32, #tpu.memory_space<vmem>>, vector<1x16xf32>,
        %swap3A_329 = vector.shape_cast %swap3A_328 : vector<1x16xf32> to vector<16xf32>
        %swap3A_330 = vector.shape_cast %mul3A_325 : vector<16xf32> to vector<1x16xf32>
        tpu.vector_store %arg11[%swap3A_326, %swap3A_327], %swap3A_330 {strides = array<i32>} : memref<128x128xf32, #tpu.memory_space<vmem>>, vector<1x16xf32>,
        %get3A_331 = arith.index_cast %add3A_317 : i32 to index
        %get3A_332 = arith.constant 16 : index
        %get3A_333 = tpu.vector_load %arg11[%get3A_331, %get3A_332] {strides = array<i32>} : memref<128x128xf32, #tpu.memory_space<vmem>>, vector<1x16xf32>,
        %get3A_334 = vector.shape_cast %get3A_333 : vector<1x16xf32> to vector<16xf32>
        %mul3A_335 = vector.broadcast %squeeze3A_319 : f32 to vector<16xf32>
        %mul3A_336 = arith.mulf %get3A_334, %mul3A_335 : vector<16xf32>
        %swap3A_337 = arith.index_cast %add3A_317 : i32 to index
        %swap3A_338 = arith.constant 16 : index
        %swap3A_339 = tpu.vector_load %arg11[%swap3A_337, %swap3A_338] {strides = array<i32>} : memref<128x128xf32, #tpu.memory_space<vmem>>, vector<1x16xf32>,
        %swap3A_340 = vector.shape_cast %swap3A_339 : vector<1x16xf32> to vector<16xf32>
        %swap3A_341 = vector.shape_cast %mul3A_336 : vector<16xf32> to vector<1x16xf32>
        tpu.vector_store %arg11[%swap3A_337, %swap3A_338], %swap3A_341 {strides = array<i32>} : memref<128x128xf32, #tpu.memory_space<vmem>>, vector<1x16xf32>,
        %get3A_342 = arith.index_cast %add3A_317 : i32 to index
        %get3A_343 = arith.constant 32 : index
        %get3A_344 = tpu.vector_load %arg11[%get3A_342, %get3A_343] {strides = array<i32>} : memref<128x128xf32, #tpu.memory_space<vmem>>, vector<1x16xf32>,
        %get3A_345 = vector.shape_cast %get3A_344 : vector<1x16xf32> to vector<16xf32>
        %mul3A_346 = vector.broadcast %squeeze3A_319 : f32 to vector<16xf32>
        %mul3A_347 = arith.mulf %get3A_345, %mul3A_346 : vector<16xf32>
        %swap3A_348 = arith.index_cast %add3A_317 : i32 to index
        %swap3A_349 = arith.constant 32 : index
        %swap3A_350 = tpu.vector_load %arg11[%swap3A_348, %swap3A_349] {strides = array<i32>} : memref<128x128xf32, #tpu.memory_space<vmem>>, vector<1x16xf32>,
        %swap3A_351 = vector.shape_cast %swap3A_350 : vector<1x16xf32> to vector<16xf32>
        %swap3A_352 = vector.shape_cast %mul3A_347 : vector<16xf32> to vector<1x16xf32>
        tpu.vector_store %arg11[%swap3A_348, %swap3A_349], %swap3A_352 {strides = array<i32>} : memref<128x128xf32, #tpu.memory_space<vmem>>, vector<1x16xf32>,
        %get3A_353 = arith.index_cast %add3A_317 : i32 to index
        %get3A_354 = arith.constant 48 : index
        %get3A_355 = tpu.vector_load %arg11[%get3A_353, %get3A_354] {strides = array<i32>} : memref<128x128xf32, #tpu.memory_space<vmem>>, vector<1x16xf32>,
        %get3A_356 = vector.shape_cast %get3A_355 : vector<1x16xf32> to vector<16xf32>
        %mul3A_357 = vector.broadcast %squeeze3A_319 : f32 to vector<16xf32>
        %mul3A_358 = arith.mulf %get3A_356, %mul3A_357 : vector<16xf32>
        %swap3A_359 = arith.index_cast %add3A_317 : i32 to index
        %swap3A_360 = arith.constant 48 : index
        %swap3A_361 = tpu.vector_load %arg11[%swap3A_359, %swap3A_360] {strides = array<i32>} : memref<128x128xf32, #tpu.memory_space<vmem>>, vector<1x16xf32>,
        %swap3A_362 = vector.shape_cast %swap3A_361 : vector<1x16xf32> to vector<16xf32>
        %swap3A_363 = vector.shape_cast %mul3A_358 : vector<16xf32> to vector<1x16xf32>
        tpu.vector_store %arg11[%swap3A_359, %swap3A_360], %swap3A_363 {strides = array<i32>} : memref<128x128xf32, #tpu.memory_space<vmem>>, vector<1x16xf32>,
        %get3A_364 = arith.index_cast %add3A_317 : i32 to index
        %get3A_365 = arith.constant 64 : index
        %get3A_366 = tpu.vector_load %arg11[%get3A_364, %get3A_365] {strides = array<i32>} : memref<128x128xf32, #tpu.memory_space<vmem>>, vector<1x16xf32>,
        %get3A_367 = vector.shape_cast %get3A_366 : vector<1x16xf32> to vector<16xf32>
        %mul3A_368 = vector.broadcast %squeeze3A_319 : f32 to vector<16xf32>
        %mul3A_369 = arith.mulf %get3A_367, %mul3A_368 : vector<16xf32>
        %swap3A_370 = arith.index_cast %add3A_317 : i32 to index
        %swap3A_371 = arith.constant 64 : index
        %swap3A_372 = tpu.vector_load %arg11[%swap3A_370, %swap3A_371] {strides = array<i32>} : memref<128x128xf32, #tpu.memory_space<vmem>>, vector<1x16xf32>,
        %swap3A_373 = vector.shape_cast %swap3A_372 : vector<1x16xf32> to vector<16xf32>
        %swap3A_374 = vector.shape_cast %mul3A_369 : vector<16xf32> to vector<1x16xf32>
        tpu.vector_store %arg11[%swap3A_370, %swap3A_371], %swap3A_374 {strides = array<i32>} : memref<128x128xf32, #tpu.memory_space<vmem>>, vector<1x16xf32>,
        %get3A_375 = arith.index_cast %add3A_317 : i32 to index
        %get3A_376 = arith.constant 80 : index
        %get3A_377 = tpu.vector_load %arg11[%get3A_375, %get3A_376] {strides = array<i32>} : memref<128x128xf32, #tpu.memory_space<vmem>>, vector<1x16xf32>,
        %get3A_378 = vector.shape_cast %get3A_377 : vector<1x16xf32> to vector<16xf32>
        %mul3A_379 = vector.broadcast %squeeze3A_319 : f32 to vector<16xf32>
        %mul3A_380 = arith.mulf %get3A_378, %mul3A_379 : vector<16xf32>
        %swap3A_381 = arith.index_cast %add3A_317 : i32 to index
        %swap3A_382 = arith.constant 80 : index
        %swap3A_383 = tpu.vector_load %arg11[%swap3A_381, %swap3A_382] {strides = array<i32>} : memref<128x128xf32, #tpu.memory_space<vmem>>, vector<1x16xf32>,
        %swap3A_384 = vector.shape_cast %swap3A_383 : vector<1x16xf32> to vector<16xf32>
        %swap3A_385 = vector.shape_cast %mul3A_380 : vector<16xf32> to vector<1x16xf32>
        tpu.vector_store %arg11[%swap3A_381, %swap3A_382], %swap3A_385 {strides = array<i32>} : memref<128x128xf32, #tpu.memory_space<vmem>>, vector<1x16xf32>,
        %get3A_386 = arith.index_cast %add3A_317 : i32 to index
        %get3A_387 = arith.constant 96 : index
        %get3A_388 = tpu.vector_load %arg11[%get3A_386, %get3A_387] {strides = array<i32>} : memref<128x128xf32, #tpu.memory_space<vmem>>, vector<1x16xf32>,
        %get3A_389 = vector.shape_cast %get3A_388 : vector<1x16xf32> to vector<16xf32>
        %mul3A_390 = vector.broadcast %squeeze3A_319 : f32 to vector<16xf32>
        %mul3A_391 = arith.mulf %get3A_389, %mul3A_390 : vector<16xf32>
        %swap3A_392 = arith.index_cast %add3A_317 : i32 to index
        %swap3A_393 = arith.constant 96 : index
        %swap3A_394 = tpu.vector_load %arg11[%swap3A_392, %swap3A_393] {strides = array<i32>} : memref<128x128xf32, #tpu.memory_space<vmem>>, vector<1x16xf32>,
        %swap3A_395 = vector.shape_cast %swap3A_394 : vector<1x16xf32> to vector<16xf32>
        %swap3A_396 = vector.shape_cast %mul3A_391 : vector<16xf32> to vector<1x16xf32>
        tpu.vector_store %arg11[%swap3A_392, %swap3A_393], %swap3A_396 {strides = array<i32>} : memref<128x128xf32, #tpu.memory_space<vmem>>, vector<1x16xf32>,
        %get3A_397 = arith.index_cast %add3A_317 : i32 to index
        %get3A_398 = arith.constant 112 : index
        %get3A_399 = tpu.vector_load %arg11[%get3A_397, %get3A_398] {strides = array<i32>} : memref<128x128xf32, #tpu.memory_space<vmem>>, vector<1x16xf32>,
        %get3A_400 = vector.shape_cast %get3A_399 : vector<1x16xf32> to vector<16xf32>
        %mul3A_401 = vector.broadcast %squeeze3A_319 : f32 to vector<16xf32>
        %mul3A_402 = arith.mulf %get3A_400, %mul3A_401 : vector<16xf32>
        %swap3A_403 = arith.index_cast %add3A_317 : i32 to index
        %swap3A_404 = arith.constant 112 : index
        %swap3A_405 = tpu.vector_load %arg11[%swap3A_403, %swap3A_404] {strides = array<i32>} : memref<128x128xf32, #tpu.memory_space<vmem>>, vector<1x16xf32>,
        %swap3A_406 = vector.shape_cast %swap3A_405 : vector<1x16xf32> to vector<16xf32>
        %swap3A_407 = vector.shape_cast %mul3A_402 : vector<16xf32> to vector<1x16xf32>
        tpu.vector_store %arg11[%swap3A_403, %swap3A_404], %swap3A_407 {strides = array<i32>} : memref<128x128xf32, #tpu.memory_space<vmem>>, vector<1x16xf32>,
        %mul3A_408 = arith.constant 16 : i32
        %mul3A_409 = arith.muli %scan3A_29, %mul3A_408 : i32
        %add3A_410 = arith.constant 4 : i32
        %add3A_411 = arith.addi %mul3A_409, %add3A_410 : i32
        %slice3A_412 = vector.extract_strided_slice %get3A_34 {offsets = [4], sizes = [1], strides = [1]} : vector<16xf32> to vector<1xf32>
        %squeeze3A_413 = vector.extract %slice3A_412[0] : f32 from vector<1xf32>
        %get3A_414 = arith.index_cast %add3A_411 : i32 to index
        %get3A_415 = arith.constant 0 : index
        %get3A_416 = tpu.vector_load %arg11[%get3A_414, %get3A_415] {strides = array<i32>} : memref<128x128xf32, #tpu.memory_space<vmem>>, vector<1x16xf32>,
        %get3A_417 = vector.shape_cast %get3A_416 : vector<1x16xf32> to vector<16xf32>
        %mul3A_418 = vector.broadcast %squeeze3A_413 : f32 to vector<16xf32>
        %mul3A_419 = arith.mulf %get3A_417, %mul3A_418 : vector<16xf32>
        %swap3A_420 = arith.index_cast %add3A_411 : i32 to index
        %swap3A_421 = arith.constant 0 : index
        %swap3A_422 = tpu.vector_load %arg11[%swap3A_420, %swap3A_421] {strides = array<i32>} : memref<128x128xf32, #tpu.memory_space<vmem>>, vector<1x16xf32>,
        %swap3A_423 = vector.shape_cast %swap3A_422 : vector<1x16xf32> to vector<16xf32>
        %swap3A_424 = vector.shape_cast %mul3A_419 : vector<16xf32> to vector<1x16xf32>
        tpu.vector_store %arg11[%swap3A_420, %swap3A_421], %swap3A_424 {strides = array<i32>} : memref<128x128xf32, #tpu.memory_space<vmem>>, vector<1x16xf32>,
        %get3A_425 = arith.index_cast %add3A_411 : i32 to index
        %get3A_426 = arith.constant 16 : index
        %get3A_427 = tpu.vector_load %arg11[%get3A_425, %get3A_426] {strides = array<i32>} : memref<128x128xf32, #tpu.memory_space<vmem>>, vector<1x16xf32>,
        %get3A_428 = vector.shape_cast %get3A_427 : vector<1x16xf32> to vector<16xf32>
        %mul3A_429 = vector.broadcast %squeeze3A_413 : f32 to vector<16xf32>
        %mul3A_430 = arith.mulf %get3A_428, %mul3A_429 : vector<16xf32>
        %swap3A_431 = arith.index_cast %add3A_411 : i32 to index
        %swap3A_432 = arith.constant 16 : index
        %swap3A_433 = tpu.vector_load %arg11[%swap3A_431, %swap3A_432] {strides = array<i32>} : memref<128x128xf32, #tpu.memory_space<vmem>>, vector<1x16xf32>,
        %swap3A_434 = vector.shape_cast %swap3A_433 : vector<1x16xf32> to vector<16xf32>
        %swap3A_435 = vector.shape_cast %mul3A_430 : vector<16xf32> to vector<1x16xf32>
        tpu.vector_store %arg11[%swap3A_431, %swap3A_432], %swap3A_435 {strides = array<i32>} : memref<128x128xf32, #tpu.memory_space<vmem>>, vector<1x16xf32>,
        %get3A_436 = arith.index_cast %add3A_411 : i32 to index
        %get3A_437 = arith.constant 32 : index
        %get3A_438 = tpu.vector_load %arg11[%get3A_436, %get3A_437] {strides = array<i32>} : memref<128x128xf32, #tpu.memory_space<vmem>>, vector<1x16xf32>,
        %get3A_439 = vector.shape_cast %get3A_438 : vector<1x16xf32> to vector<16xf32>
        %mul3A_440 = vector.broadcast %squeeze3A_413 : f32 to vector<16xf32>
        %mul3A_441 = arith.mulf %get3A_439, %mul3A_440 : vector<16xf32>
        %swap3A_442 = arith.index_cast %add3A_411 : i32 to index
        %swap3A_443 = arith.constant 32 : index
        %swap3A_444 = tpu.vector_load %arg11[%swap3A_442, %swap3A_443] {strides = array<i32>} : memref<128x128xf32, #tpu.memory_space<vmem>>, vector<1x16xf32>,
        %swap3A_445 = vector.shape_cast %swap3A_444 : vector<1x16xf32> to vector<16xf32>
        %swap3A_446 = vector.shape_cast %mul3A_441 : vector<16xf32> to vector<1x16xf32>
        tpu.vector_store %arg11[%swap3A_442, %swap3A_443], %swap3A_446 {strides = array<i32>} : memref<128x128xf32, #tpu.memory_space<vmem>>, vector<1x16xf32>,
        %get3A_447 = arith.index_cast %add3A_411 : i32 to index
        %get3A_448 = arith.constant 48 : index
        %get3A_449 = tpu.vector_load %arg11[%get3A_447, %get3A_448] {strides = array<i32>} : memref<128x128xf32, #tpu.memory_space<vmem>>, vector<1x16xf32>,
        %get3A_450 = vector.shape_cast %get3A_449 : vector<1x16xf32> to vector<16xf32>
        %mul3A_451 = vector.broadcast %squeeze3A_413 : f32 to vector<16xf32>
        %mul3A_452 = arith.mulf %get3A_450, %mul3A_451 : vector<16xf32>
        %swap3A_453 = arith.index_cast %add3A_411 : i32 to index
        %swap3A_454 = arith.constant 48 : index
        %swap3A_455 = tpu.vector_load %arg11[%swap3A_453, %swap3A_454] {strides = array<i32>} : memref<128x128xf32, #tpu.memory_space<vmem>>, vector<1x16xf32>,
        %swap3A_456 = vector.shape_cast %swap3A_455 : vector<1x16xf32> to vector<16xf32>
        %swap3A_457 = vector.shape_cast %mul3A_452 : vector<16xf32> to vector<1x16xf32>
        tpu.vector_store %arg11[%swap3A_453, %swap3A_454], %swap3A_457 {strides = array<i32>} : memref<128x128xf32, #tpu.memory_space<vmem>>, vector<1x16xf32>,
        %get3A_458 = arith.index_cast %add3A_411 : i32 to index
        %get3A_459 = arith.constant 64 : index
        %get3A_460 = tpu.vector_load %arg11[%get3A_458, %get3A_459] {strides = array<i32>} : memref<128x128xf32, #tpu.memory_space<vmem>>, vector<1x16xf32>,
        %get3A_461 = vector.shape_cast %get3A_460 : vector<1x16xf32> to vector<16xf32>
        %mul3A_462 = vector.broadcast %squeeze3A_413 : f32 to vector<16xf32>
        %mul3A_463 = arith.mulf %get3A_461, %mul3A_462 : vector<16xf32>
        %swap3A_464 = arith.index_cast %add3A_411 : i32 to index
        %swap3A_465 = arith.constant 64 : index
        %swap3A_466 = tpu.vector_load %arg11[%swap3A_464, %swap3A_465] {strides = array<i32>} : memref<128x128xf32, #tpu.memory_space<vmem>>, vector<1x16xf32>,
        %swap3A_467 = vector.shape_cast %swap3A_466 : vector<1x16xf32> to vector<16xf32>
        %swap3A_468 = vector.shape_cast %mul3A_463 : vector<16xf32> to vector<1x16xf32>
        tpu.vector_store %arg11[%swap3A_464, %swap3A_465], %swap3A_468 {strides = array<i32>} : memref<128x128xf32, #tpu.memory_space<vmem>>, vector<1x16xf32>,
        %get3A_469 = arith.index_cast %add3A_411 : i32 to index
        %get3A_470 = arith.constant 80 : index
        %get3A_471 = tpu.vector_load %arg11[%get3A_469, %get3A_470] {strides = array<i32>} : memref<128x128xf32, #tpu.memory_space<vmem>>, vector<1x16xf32>,
        %get3A_472 = vector.shape_cast %get3A_471 : vector<1x16xf32> to vector<16xf32>
        %mul3A_473 = vector.broadcast %squeeze3A_413 : f32 to vector<16xf32>
        %mul3A_474 = arith.mulf %get3A_472, %mul3A_473 : vector<16xf32>
        %swap3A_475 = arith.index_cast %add3A_411 : i32 to index
        %swap3A_476 = arith.constant 80 : index
        %swap3A_477 = tpu.vector_load %arg11[%swap3A_475, %swap3A_476] {strides = array<i32>} : memref<128x128xf32, #tpu.memory_space<vmem>>, vector<1x16xf32>,
        %swap3A_478 = vector.shape_cast %swap3A_477 : vector<1x16xf32> to vector<16xf32>
        %swap3A_479 = vector.shape_cast %mul3A_474 : vector<16xf32> to vector<1x16xf32>
        tpu.vector_store %arg11[%swap3A_475, %swap3A_476], %swap3A_479 {strides = array<i32>} : memref<128x128xf32, #tpu.memory_space<vmem>>, vector<1x16xf32>,
        %get3A_480 = arith.index_cast %add3A_411 : i32 to index
        %get3A_481 = arith.constant 96 : index
        %get3A_482 = tpu.vector_load %arg11[%get3A_480, %get3A_481] {strides = array<i32>} : memref<128x128xf32, #tpu.memory_space<vmem>>, vector<1x16xf32>,
        %get3A_483 = vector.shape_cast %get3A_482 : vector<1x16xf32> to vector<16xf32>
        %mul3A_484 = vector.broadcast %squeeze3A_413 : f32 to vector<16xf32>
        %mul3A_485 = arith.mulf %get3A_483, %mul3A_484 : vector<16xf32>
        %swap3A_486 = arith.index_cast %add3A_411 : i32 to index
        %swap3A_487 = arith.constant 96 : index
        %swap3A_488 = tpu.vector_load %arg11[%swap3A_486, %swap3A_487] {strides = array<i32>} : memref<128x128xf32, #tpu.memory_space<vmem>>, vector<1x16xf32>,
        %swap3A_489 = vector.shape_cast %swap3A_488 : vector<1x16xf32> to vector<16xf32>
        %swap3A_490 = vector.shape_cast %mul3A_485 : vector<16xf32> to vector<1x16xf32>
        tpu.vector_store %arg11[%swap3A_486, %swap3A_487], %swap3A_490 {strides = array<i32>} : memref<128x128xf32, #tpu.memory_space<vmem>>, vector<1x16xf32>,
        %get3A_491 = arith.index_cast %add3A_411 : i32 to index
        %get3A_492 = arith.constant 112 : index
        %get3A_493 = tpu.vector_load %arg11[%get3A_491, %get3A_492] {strides = array<i32>} : memref<128x128xf32, #tpu.memory_space<vmem>>, vector<1x16xf32>,
        %get3A_494 = vector.shape_cast %get3A_493 : vector<1x16xf32> to vector<16xf32>
        %mul3A_495 = vector.broadcast %squeeze3A_413 : f32 to vector<16xf32>
        %mul3A_496 = arith.mulf %get3A_494, %mul3A_495 : vector<16xf32>
        %swap3A_497 = arith.index_cast %add3A_411 : i32 to index
        %swap3A_498 = arith.constant 112 : index
        %swap3A_499 = tpu.vector_load %arg11[%swap3A_497, %swap3A_498] {strides = array<i32>} : memref<128x128xf32, #tpu.memory_space<vmem>>, vector<1x16xf32>,
        %swap3A_500 = vector.shape_cast %swap3A_499 : vector<1x16xf32> to vector<16xf32>
        %swap3A_501 = vector.shape_cast %mul3A_496 : vector<16xf32> to vector<1x16xf32>
        tpu.vector_store %arg11[%swap3A_497, %swap3A_498], %swap3A_501 {strides = array<i32>} : memref<128x128xf32, #tpu.memory_space<vmem>>, vector<1x16xf32>,
        %mul3A_502 = arith.constant 16 : i32
        %mul3A_503 = arith.muli %scan3A_29, %mul3A_502 : i32
        %add3A_504 = arith.constant 5 : i32
        %add3A_505 = arith.addi %mul3A_503, %add3A_504 : i32
        %slice3A_506 = vector.extract_strided_slice %get3A_34 {offsets = [5], sizes = [1], strides = [1]} : vector<16xf32> to vector<1xf32>
        %squeeze3A_507 = vector.extract %slice3A_506[0] : f32 from vector<1xf32>
        %get3A_508 = arith.index_cast %add3A_505 : i32 to index
        %get3A_509 = arith.constant 0 : index
        %get3A_510 = tpu.vector_load %arg11[%get3A_508, %get3A_509] {strides = array<i32>} : memref<128x128xf32, #tpu.memory_space<vmem>>, vector<1x16xf32>,
        %get3A_511 = vector.shape_cast %get3A_510 : vector<1x16xf32> to vector<16xf32>
        %mul3A_512 = vector.broadcast %squeeze3A_507 : f32 to vector<16xf32>
        %mul3A_513 = arith.mulf %get3A_511, %mul3A_512 : vector<16xf32>
        %swap3A_514 = arith.index_cast %add3A_505 : i32 to index
        %swap3A_515 = arith.constant 0 : index
        %swap3A_516 = tpu.vector_load %arg11[%swap3A_514, %swap3A_515] {strides = array<i32>} : memref<128x128xf32, #tpu.memory_space<vmem>>, vector<1x16xf32>,
        %swap3A_517 = vector.shape_cast %swap3A_516 : vector<1x16xf32> to vector<16xf32>
        %swap3A_518 = vector.shape_cast %mul3A_513 : vector<16xf32> to vector<1x16xf32>
        tpu.vector_store %arg11[%swap3A_514, %swap3A_515], %swap3A_518 {strides = array<i32>} : memref<128x128xf32, #tpu.memory_space<vmem>>, vector<1x16xf32>,
        %get3A_519 = arith.index_cast %add3A_505 : i32 to index
        %get3A_520 = arith.constant 16 : index
        %get3A_521 = tpu.vector_load %arg11[%get3A_519, %get3A_520] {strides = array<i32>} : memref<128x128xf32, #tpu.memory_space<vmem>>, vector<1x16xf32>,
        %get3A_522 = vector.shape_cast %get3A_521 : vector<1x16xf32> to vector<16xf32>
        %mul3A_523 = vector.broadcast %squeeze3A_507 : f32 to vector<16xf32>
        %mul3A_524 = arith.mulf %get3A_522, %mul3A_523 : vector<16xf32>
        %swap3A_525 = arith.index_cast %add3A_505 : i32 to index
        %swap3A_526 = arith.constant 16 : index
        %swap3A_527 = tpu.vector_load %arg11[%swap3A_525, %swap3A_526] {strides = array<i32>} : memref<128x128xf32, #tpu.memory_space<vmem>>, vector<1x16xf32>,
        %swap3A_528 = vector.shape_cast %swap3A_527 : vector<1x16xf32> to vector<16xf32>
        %swap3A_529 = vector.shape_cast %mul3A_524 : vector<16xf32> to vector<1x16xf32>
        tpu.vector_store %arg11[%swap3A_525, %swap3A_526], %swap3A_529 {strides = array<i32>} : memref<128x128xf32, #tpu.memory_space<vmem>>, vector<1x16xf32>,
        %get3A_530 = arith.index_cast %add3A_505 : i32 to index
        %get3A_531 = arith.constant 32 : index
        %get3A_532 = tpu.vector_load %arg11[%get3A_530, %get3A_531] {strides = array<i32>} : memref<128x128xf32, #tpu.memory_space<vmem>>, vector<1x16xf32>,
        %get3A_533 = vector.shape_cast %get3A_532 : vector<1x16xf32> to vector<16xf32>
        %mul3A_534 = vector.broadcast %squeeze3A_507 : f32 to vector<16xf32>
        %mul3A_535 = arith.mulf %get3A_533, %mul3A_534 : vector<16xf32>
        %swap3A_536 = arith.index_cast %add3A_505 : i32 to index
        %swap3A_537 = arith.constant 32 : index
        %swap3A_538 = tpu.vector_load %arg11[%swap3A_536, %swap3A_537] {strides = array<i32>} : memref<128x128xf32, #tpu.memory_space<vmem>>, vector<1x16xf32>,
        %swap3A_539 = vector.shape_cast %swap3A_538 : vector<1x16xf32> to vector<16xf32>
        %swap3A_540 = vector.shape_cast %mul3A_535 : vector<16xf32> to vector<1x16xf32>
        tpu.vector_store %arg11[%swap3A_536, %swap3A_537], %swap3A_540 {strides = array<i32>} : memref<128x128xf32, #tpu.memory_space<vmem>>, vector<1x16xf32>,
        %get3A_541 = arith.index_cast %add3A_505 : i32 to index
        %get3A_542 = arith.constant 48 : index
        %get3A_543 = tpu.vector_load %arg11[%get3A_541, %get3A_542] {strides = array<i32>} : memref<128x128xf32, #tpu.memory_space<vmem>>, vector<1x16xf32>,
        %get3A_544 = vector.shape_cast %get3A_543 : vector<1x16xf32> to vector<16xf32>
        %mul3A_545 = vector.broadcast %squeeze3A_507 : f32 to vector<16xf32>
        %mul3A_546 = arith.mulf %get3A_544, %mul3A_545 : vector<16xf32>
        %swap3A_547 = arith.index_cast %add3A_505 : i32 to index
        %swap3A_548 = arith.constant 48 : index
        %swap3A_549 = tpu.vector_load %arg11[%swap3A_547, %swap3A_548] {strides = array<i32>} : memref<128x128xf32, #tpu.memory_space<vmem>>, vector<1x16xf32>,
        %swap3A_550 = vector.shape_cast %swap3A_549 : vector<1x16xf32> to vector<16xf32>
        %swap3A_551 = vector.shape_cast %mul3A_546 : vector<16xf32> to vector<1x16xf32>
        tpu.vector_store %arg11[%swap3A_547, %swap3A_548], %swap3A_551 {strides = array<i32>} : memref<128x128xf32, #tpu.memory_space<vmem>>, vector<1x16xf32>,
        %get3A_552 = arith.index_cast %add3A_505 : i32 to index
        %get3A_553 = arith.constant 64 : index
        %get3A_554 = tpu.vector_load %arg11[%get3A_552, %get3A_553] {strides = array<i32>} : memref<128x128xf32, #tpu.memory_space<vmem>>, vector<1x16xf32>,
        %get3A_555 = vector.shape_cast %get3A_554 : vector<1x16xf32> to vector<16xf32>
        %mul3A_556 = vector.broadcast %squeeze3A_507 : f32 to vector<16xf32>
        %mul3A_557 = arith.mulf %get3A_555, %mul3A_556 : vector<16xf32>
        %swap3A_558 = arith.index_cast %add3A_505 : i32 to index
        %swap3A_559 = arith.constant 64 : index
        %swap3A_560 = tpu.vector_load %arg11[%swap3A_558, %swap3A_559] {strides = array<i32>} : memref<128x128xf32, #tpu.memory_space<vmem>>, vector<1x16xf32>,
        %swap3A_561 = vector.shape_cast %swap3A_560 : vector<1x16xf32> to vector<16xf32>
        %swap3A_562 = vector.shape_cast %mul3A_557 : vector<16xf32> to vector<1x16xf32>
        tpu.vector_store %arg11[%swap3A_558, %swap3A_559], %swap3A_562 {strides = array<i32>} : memref<128x128xf32, #tpu.memory_space<vmem>>, vector<1x16xf32>,
        %get3A_563 = arith.index_cast %add3A_505 : i32 to index
        %get3A_564 = arith.constant 80 : index
        %get3A_565 = tpu.vector_load %arg11[%get3A_563, %get3A_564] {strides = array<i32>} : memref<128x128xf32, #tpu.memory_space<vmem>>, vector<1x16xf32>,
        %get3A_566 = vector.shape_cast %get3A_565 : vector<1x16xf32> to vector<16xf32>
        %mul3A_567 = vector.broadcast %squeeze3A_507 : f32 to vector<16xf32>
        %mul3A_568 = arith.mulf %get3A_566, %mul3A_567 : vector<16xf32>
        %swap3A_569 = arith.index_cast %add3A_505 : i32 to index
        %swap3A_570 = arith.constant 80 : index
        %swap3A_571 = tpu.vector_load %arg11[%swap3A_569, %swap3A_570] {strides = array<i32>} : memref<128x128xf32, #tpu.memory_space<vmem>>, vector<1x16xf32>,
        %swap3A_572 = vector.shape_cast %swap3A_571 : vector<1x16xf32> to vector<16xf32>
        %swap3A_573 = vector.shape_cast %mul3A_568 : vector<16xf32> to vector<1x16xf32>
        tpu.vector_store %arg11[%swap3A_569, %swap3A_570], %swap3A_573 {strides = array<i32>} : memref<128x128xf32, #tpu.memory_space<vmem>>, vector<1x16xf32>,
        %get3A_574 = arith.index_cast %add3A_505 : i32 to index
        %get3A_575 = arith.constant 96 : index
        %get3A_576 = tpu.vector_load %arg11[%get3A_574, %get3A_575] {strides = array<i32>} : memref<128x128xf32, #tpu.memory_space<vmem>>, vector<1x16xf32>,
        %get3A_577 = vector.shape_cast %get3A_576 : vector<1x16xf32> to vector<16xf32>
        %mul3A_578 = vector.broadcast %squeeze3A_507 : f32 to vector<16xf32>
        %mul3A_579 = arith.mulf %get3A_577, %mul3A_578 : vector<16xf32>
        %swap3A_580 = arith.index_cast %add3A_505 : i32 to index
        %swap3A_581 = arith.constant 96 : index
        %swap3A_582 = tpu.vector_load %arg11[%swap3A_580, %swap3A_581] {strides = array<i32>} : memref<128x128xf32, #tpu.memory_space<vmem>>, vector<1x16xf32>,
        %swap3A_583 = vector.shape_cast %swap3A_582 : vector<1x16xf32> to vector<16xf32>
        %swap3A_584 = vector.shape_cast %mul3A_579 : vector<16xf32> to vector<1x16xf32>
        tpu.vector_store %arg11[%swap3A_580, %swap3A_581], %swap3A_584 {strides = array<i32>} : memref<128x128xf32, #tpu.memory_space<vmem>>, vector<1x16xf32>,
        %get3A_585 = arith.index_cast %add3A_505 : i32 to index
        %get3A_586 = arith.constant 112 : index
        %get3A_587 = tpu.vector_load %arg11[%get3A_585, %get3A_586] {strides = array<i32>} : memref<128x128xf32, #tpu.memory_space<vmem>>, vector<1x16xf32>,
        %get3A_588 = vector.shape_cast %get3A_587 : vector<1x16xf32> to vector<16xf32>
        %mul3A_589 = vector.broadcast %squeeze3A_507 : f32 to vector<16xf32>
        %mul3A_590 = arith.mulf %get3A_588, %mul3A_589 : vector<16xf32>
        %swap3A_591 = arith.index_cast %add3A_505 : i32 to index
        %swap3A_592 = arith.constant 112 : index
        %swap3A_593 = tpu.vector_load %arg11[%swap3A_591, %swap3A_592] {strides = array<i32>} : memref<128x128xf32, #tpu.memory_space<vmem>>, vector<1x16xf32>,
        %swap3A_594 = vector.shape_cast %swap3A_593 : vector<1x16xf32> to vector<16xf32>
        %swap3A_595 = vector.shape_cast %mul3A_590 : vector<16xf32> to vector<1x16xf32>
        tpu.vector_store %arg11[%swap3A_591, %swap3A_592], %swap3A_595 {strides = array<i32>} : memref<128x128xf32, #tpu.memory_space<vmem>>, vector<1x16xf32>,
        %mul3A_596 = arith.constant 16 : i32
        %mul3A_597 = arith.muli %scan3A_29, %mul3A_596 : i32
        %add3A_598 = arith.constant 6 : i32
        %add3A_599 = arith.addi %mul3A_597, %add3A_598 : i32
        %slice3A_600 = vector.extract_strided_slice %get3A_34 {offsets = [6], sizes = [1], strides = [1]} : vector<16xf32> to vector<1xf32>
        %squeeze3A_601 = vector.extract %slice3A_600[0] : f32 from vector<1xf32>
        %get3A_602 = arith.index_cast %add3A_599 : i32 to index
        %get3A_603 = arith.constant 0 : index
        %get3A_604 = tpu.vector_load %arg11[%get3A_602, %get3A_603] {strides = array<i32>} : memref<128x128xf32, #tpu.memory_space<vmem>>, vector<1x16xf32>,
        %get3A_605 = vector.shape_cast %get3A_604 : vector<1x16xf32> to vector<16xf32>
        %mul3A_606 = vector.broadcast %squeeze3A_601 : f32 to vector<16xf32>
        %mul3A_607 = arith.mulf %get3A_605, %mul3A_606 : vector<16xf32>
        %swap3A_608 = arith.index_cast %add3A_599 : i32 to index
        %swap3A_609 = arith.constant 0 : index
        %swap3A_610 = tpu.vector_load %arg11[%swap3A_608, %swap3A_609] {strides = array<i32>} : memref<128x128xf32, #tpu.memory_space<vmem>>, vector<1x16xf32>,
        %swap3A_611 = vector.shape_cast %swap3A_610 : vector<1x16xf32> to vector<16xf32>
        %swap3A_612 = vector.shape_cast %mul3A_607 : vector<16xf32> to vector<1x16xf32>
        tpu.vector_store %arg11[%swap3A_608, %swap3A_609], %swap3A_612 {strides = array<i32>} : memref<128x128xf32, #tpu.memory_space<vmem>>, vector<1x16xf32>,
        %get3A_613 = arith.index_cast %add3A_599 : i32 to index
        %get3A_614 = arith.constant 16 : index
        %get3A_615 = tpu.vector_load %arg11[%get3A_613, %get3A_614] {strides = array<i32>} : memref<128x128xf32, #tpu.memory_space<vmem>>, vector<1x16xf32>,
        %get3A_616 = vector.shape_cast %get3A_615 : vector<1x16xf32> to vector<16xf32>
        %mul3A_617 = vector.broadcast %squeeze3A_601 : f32 to vector<16xf32>
        %mul3A_618 = arith.mulf %get3A_616, %mul3A_617 : vector<16xf32>
        %swap3A_619 = arith.index_cast %add3A_599 : i32 to index
        %swap3A_620 = arith.constant 16 : index
        %swap3A_621 = tpu.vector_load %arg11[%swap3A_619, %swap3A_620] {strides = array<i32>} : memref<128x128xf32, #tpu.memory_space<vmem>>, vector<1x16xf32>,
        %swap3A_622 = vector.shape_cast %swap3A_621 : vector<1x16xf32> to vector<16xf32>
        %swap3A_623 = vector.shape_cast %mul3A_618 : vector<16xf32> to vector<1x16xf32>
        tpu.vector_store %arg11[%swap3A_619, %swap3A_620], %swap3A_623 {strides = array<i32>} : memref<128x128xf32, #tpu.memory_space<vmem>>, vector<1x16xf32>,
        %get3A_624 = arith.index_cast %add3A_599 : i32 to index
        %get3A_625 = arith.constant 32 : index
        %get3A_626 = tpu.vector_load %arg11[%get3A_624, %get3A_625] {strides = array<i32>} : memref<128x128xf32, #tpu.memory_space<vmem>>, vector<1x16xf32>,
        %get3A_627 = vector.shape_cast %get3A_626 : vector<1x16xf32> to vector<16xf32>
        %mul3A_628 = vector.broadcast %squeeze3A_601 : f32 to vector<16xf32>
        %mul3A_629 = arith.mulf %get3A_627, %mul3A_628 : vector<16xf32>
        %swap3A_630 = arith.index_cast %add3A_599 : i32 to index
        %swap3A_631 = arith.constant 32 : index
        %swap3A_632 = tpu.vector_load %arg11[%swap3A_630, %swap3A_631] {strides = array<i32>} : memref<128x128xf32, #tpu.memory_space<vmem>>, vector<1x16xf32>,
        %swap3A_633 = vector.shape_cast %swap3A_632 : vector<1x16xf32> to vector<16xf32>
        %swap3A_634 = vector.shape_cast %mul3A_629 : vector<16xf32> to vector<1x16xf32>
        tpu.vector_store %arg11[%swap3A_630, %swap3A_631], %swap3A_634 {strides = array<i32>} : memref<128x128xf32, #tpu.memory_space<vmem>>, vector<1x16xf32>,
        %get3A_635 = arith.index_cast %add3A_599 : i32 to index
        %get3A_636 = arith.constant 48 : index
        %get3A_637 = tpu.vector_load %arg11[%get3A_635, %get3A_636] {strides = array<i32>} : memref<128x128xf32, #tpu.memory_space<vmem>>, vector<1x16xf32>,
        %get3A_638 = vector.shape_cast %get3A_637 : vector<1x16xf32> to vector<16xf32>
        %mul3A_639 = vector.broadcast %squeeze3A_601 : f32 to vector<16xf32>
        %mul3A_640 = arith.mulf %get3A_638, %mul3A_639 : vector<16xf32>
        %swap3A_641 = arith.index_cast %add3A_599 : i32 to index
        %swap3A_642 = arith.constant 48 : index
        %swap3A_643 = tpu.vector_load %arg11[%swap3A_641, %swap3A_642] {strides = array<i32>} : memref<128x128xf32, #tpu.memory_space<vmem>>, vector<1x16xf32>,
        %swap3A_644 = vector.shape_cast %swap3A_643 : vector<1x16xf32> to vector<16xf32>
        %swap3A_645 = vector.shape_cast %mul3A_640 : vector<16xf32> to vector<1x16xf32>
        tpu.vector_store %arg11[%swap3A_641, %swap3A_642], %swap3A_645 {strides = array<i32>} : memref<128x128xf32, #tpu.memory_space<vmem>>, vector<1x16xf32>,
        %get3A_646 = arith.index_cast %add3A_599 : i32 to index
        %get3A_647 = arith.constant 64 : index
        %get3A_648 = tpu.vector_load %arg11[%get3A_646, %get3A_647] {strides = array<i32>} : memref<128x128xf32, #tpu.memory_space<vmem>>, vector<1x16xf32>,
        %get3A_649 = vector.shape_cast %get3A_648 : vector<1x16xf32> to vector<16xf32>
        %mul3A_650 = vector.broadcast %squeeze3A_601 : f32 to vector<16xf32>
        %mul3A_651 = arith.mulf %get3A_649, %mul3A_650 : vector<16xf32>
        %swap3A_652 = arith.index_cast %add3A_599 : i32 to index
        %swap3A_653 = arith.constant 64 : index
        %swap3A_654 = tpu.vector_load %arg11[%swap3A_652, %swap3A_653] {strides = array<i32>} : memref<128x128xf32, #tpu.memory_space<vmem>>, vector<1x16xf32>,
        %swap3A_655 = vector.shape_cast %swap3A_654 : vector<1x16xf32> to vector<16xf32>
        %swap3A_656 = vector.shape_cast %mul3A_651 : vector<16xf32> to vector<1x16xf32>
        tpu.vector_store %arg11[%swap3A_652, %swap3A_653], %swap3A_656 {strides = array<i32>} : memref<128x128xf32, #tpu.memory_space<vmem>>, vector<1x16xf32>,
        %get3A_657 = arith.index_cast %add3A_599 : i32 to index
        %get3A_658 = arith.constant 80 : index
        %get3A_659 = tpu.vector_load %arg11[%get3A_657, %get3A_658] {strides = array<i32>} : memref<128x128xf32, #tpu.memory_space<vmem>>, vector<1x16xf32>,
        %get3A_660 = vector.shape_cast %get3A_659 : vector<1x16xf32> to vector<16xf32>
        %mul3A_661 = vector.broadcast %squeeze3A_601 : f32 to vector<16xf32>
        %mul3A_662 = arith.mulf %get3A_660, %mul3A_661 : vector<16xf32>
        %swap3A_663 = arith.index_cast %add3A_599 : i32 to index
        %swap3A_664 = arith.constant 80 : index
        %swap3A_665 = tpu.vector_load %arg11[%swap3A_663, %swap3A_664] {strides = array<i32>} : memref<128x128xf32, #tpu.memory_space<vmem>>, vector<1x16xf32>,
        %swap3A_666 = vector.shape_cast %swap3A_665 : vector<1x16xf32> to vector<16xf32>
        %swap3A_667 = vector.shape_cast %mul3A_662 : vector<16xf32> to vector<1x16xf32>
        tpu.vector_store %arg11[%swap3A_663, %swap3A_664], %swap3A_667 {strides = array<i32>} : memref<128x128xf32, #tpu.memory_space<vmem>>, vector<1x16xf32>,
        %get3A_668 = arith.index_cast %add3A_599 : i32 to index
        %get3A_669 = arith.constant 96 : index
        %get3A_670 = tpu.vector_load %arg11[%get3A_668, %get3A_669] {strides = array<i32>} : memref<128x128xf32, #tpu.memory_space<vmem>>, vector<1x16xf32>,
        %get3A_671 = vector.shape_cast %get3A_670 : vector<1x16xf32> to vector<16xf32>
        %mul3A_672 = vector.broadcast %squeeze3A_601 : f32 to vector<16xf32>
        %mul3A_673 = arith.mulf %get3A_671, %mul3A_672 : vector<16xf32>
        %swap3A_674 = arith.index_cast %add3A_599 : i32 to index
        %swap3A_675 = arith.constant 96 : index
        %swap3A_676 = tpu.vector_load %arg11[%swap3A_674, %swap3A_675] {strides = array<i32>} : memref<128x128xf32, #tpu.memory_space<vmem>>, vector<1x16xf32>,
        %swap3A_677 = vector.shape_cast %swap3A_676 : vector<1x16xf32> to vector<16xf32>
        %swap3A_678 = vector.shape_cast %mul3A_673 : vector<16xf32> to vector<1x16xf32>
        tpu.vector_store %arg11[%swap3A_674, %swap3A_675], %swap3A_678 {strides = array<i32>} : memref<128x128xf32, #tpu.memory_space<vmem>>, vector<1x16xf32>,
        %get3A_679 = arith.index_cast %add3A_599 : i32 to index
        %get3A_680 = arith.constant 112 : index
        %get3A_681 = tpu.vector_load %arg11[%get3A_679, %get3A_680] {strides = array<i32>} : memref<128x128xf32, #tpu.memory_space<vmem>>, vector<1x16xf32>,
        %get3A_682 = vector.shape_cast %get3A_681 : vector<1x16xf32> to vector<16xf32>
        %mul3A_683 = vector.broadcast %squeeze3A_601 : f32 to vector<16xf32>
        %mul3A_684 = arith.mulf %get3A_682, %mul3A_683 : vector<16xf32>
        %swap3A_685 = arith.index_cast %add3A_599 : i32 to index
        %swap3A_686 = arith.constant 112 : index
        %swap3A_687 = tpu.vector_load %arg11[%swap3A_685, %swap3A_686] {strides = array<i32>} : memref<128x128xf32, #tpu.memory_space<vmem>>, vector<1x16xf32>,
        %swap3A_688 = vector.shape_cast %swap3A_687 : vector<1x16xf32> to vector<16xf32>
        %swap3A_689 = vector.shape_cast %mul3A_684 : vector<16xf32> to vector<1x16xf32>
        tpu.vector_store %arg11[%swap3A_685, %swap3A_686], %swap3A_689 {strides = array<i32>} : memref<128x128xf32, #tpu.memory_space<vmem>>, vector<1x16xf32>,
        %mul3A_690 = arith.constant 16 : i32
        %mul3A_691 = arith.muli %scan3A_29, %mul3A_690 : i32
        %add3A_692 = arith.constant 7 : i32
        %add3A_693 = arith.addi %mul3A_691, %add3A_692 : i32
        %slice3A_694 = vector.extract_strided_slice %get3A_34 {offsets = [7], sizes = [1], strides = [1]} : vector<16xf32> to vector<1xf32>
        %squeeze3A_695 = vector.extract %slice3A_694[0] : f32 from vector<1xf32>
        %get3A_696 = arith.index_cast %add3A_693 : i32 to index
        %get3A_697 = arith.constant 0 : index
        %get3A_698 = tpu.vector_load %arg11[%get3A_696, %get3A_697] {strides = array<i32>} : memref<128x128xf32, #tpu.memory_space<vmem>>, vector<1x16xf32>,
        %get3A_699 = vector.shape_cast %get3A_698 : vector<1x16xf32> to vector<16xf32>
        %mul3A_700 = vector.broadcast %squeeze3A_695 : f32 to vector<16xf32>
        %mul3A_701 = arith.mulf %get3A_699, %mul3A_700 : vector<16xf32>
        %swap3A_702 = arith.index_cast %add3A_693 : i32 to index
        %swap3A_703 = arith.constant 0 : index
        %swap3A_704 = tpu.vector_load %arg11[%swap3A_702, %swap3A_703] {strides = array<i32>} : memref<128x128xf32, #tpu.memory_space<vmem>>, vector<1x16xf32>,
        %swap3A_705 = vector.shape_cast %swap3A_704 : vector<1x16xf32> to vector<16xf32>
        %swap3A_706 = vector.shape_cast %mul3A_701 : vector<16xf32> to vector<1x16xf32>
        tpu.vector_store %arg11[%swap3A_702, %swap3A_703], %swap3A_706 {strides = array<i32>} : memref<128x128xf32, #tpu.memory_space<vmem>>, vector<1x16xf32>,
        %get3A_707 = arith.index_cast %add3A_693 : i32 to index
        %get3A_708 = arith.constant 16 : index
        %get3A_709 = tpu.vector_load %arg11[%get3A_707, %get3A_708] {strides = array<i32>} : memref<128x128xf32, #tpu.memory_space<vmem>>, vector<1x16xf32>,
        %get3A_710 = vector.shape_cast %get3A_709 : vector<1x16xf32> to vector<16xf32>
        %mul3A_711 = vector.broadcast %squeeze3A_695 : f32 to vector<16xf32>
        %mul3A_712 = arith.mulf %get3A_710, %mul3A_711 : vector<16xf32>
        %swap3A_713 = arith.index_cast %add3A_693 : i32 to index
        %swap3A_714 = arith.constant 16 : index
        %swap3A_715 = tpu.vector_load %arg11[%swap3A_713, %swap3A_714] {strides = array<i32>} : memref<128x128xf32, #tpu.memory_space<vmem>>, vector<1x16xf32>,
        %swap3A_716 = vector.shape_cast %swap3A_715 : vector<1x16xf32> to vector<16xf32>
        %swap3A_717 = vector.shape_cast %mul3A_712 : vector<16xf32> to vector<1x16xf32>
        tpu.vector_store %arg11[%swap3A_713, %swap3A_714], %swap3A_717 {strides = array<i32>} : memref<128x128xf32, #tpu.memory_space<vmem>>, vector<1x16xf32>,
        %get3A_718 = arith.index_cast %add3A_693 : i32 to index
        %get3A_719 = arith.constant 32 : index
        %get3A_720 = tpu.vector_load %arg11[%get3A_718, %get3A_719] {strides = array<i32>} : memref<128x128xf32, #tpu.memory_space<vmem>>, vector<1x16xf32>,
        %get3A_721 = vector.shape_cast %get3A_720 : vector<1x16xf32> to vector<16xf32>
        %mul3A_722 = vector.broadcast %squeeze3A_695 : f32 to vector<16xf32>
        %mul3A_723 = arith.mulf %get3A_721, %mul3A_722 : vector<16xf32>
        %swap3A_724 = arith.index_cast %add3A_693 : i32 to index
        %swap3A_725 = arith.constant 32 : index
        %swap3A_726 = tpu.vector_load %arg11[%swap3A_724, %swap3A_725] {strides = array<i32>} : memref<128x128xf32, #tpu.memory_space<vmem>>, vector<1x16xf32>,
        %swap3A_727 = vector.shape_cast %swap3A_726 : vector<1x16xf32> to vector<16xf32>
        %swap3A_728 = vector.shape_cast %mul3A_723 : vector<16xf32> to vector<1x16xf32>
        tpu.vector_store %arg11[%swap3A_724, %swap3A_725], %swap3A_728 {strides = array<i32>} : memref<128x128xf32, #tpu.memory_space<vmem>>, vector<1x16xf32>,
        %get3A_729 = arith.index_cast %add3A_693 : i32 to index
        %get3A_730 = arith.constant 48 : index
        %get3A_731 = tpu.vector_load %arg11[%get3A_729, %get3A_730] {strides = array<i32>} : memref<128x128xf32, #tpu.memory_space<vmem>>, vector<1x16xf32>,
        %get3A_732 = vector.shape_cast %get3A_731 : vector<1x16xf32> to vector<16xf32>
        %mul3A_733 = vector.broadcast %squeeze3A_695 : f32 to vector<16xf32>
        %mul3A_734 = arith.mulf %get3A_732, %mul3A_733 : vector<16xf32>
        %swap3A_735 = arith.index_cast %add3A_693 : i32 to index
        %swap3A_736 = arith.constant 48 : index
        %swap3A_737 = tpu.vector_load %arg11[%swap3A_735, %swap3A_736] {strides = array<i32>} : memref<128x128xf32, #tpu.memory_space<vmem>>, vector<1x16xf32>,
        %swap3A_738 = vector.shape_cast %swap3A_737 : vector<1x16xf32> to vector<16xf32>
        %swap3A_739 = vector.shape_cast %mul3A_734 : vector<16xf32> to vector<1x16xf32>
        tpu.vector_store %arg11[%swap3A_735, %swap3A_736], %swap3A_739 {strides = array<i32>} : memref<128x128xf32, #tpu.memory_space<vmem>>, vector<1x16xf32>,
        %get3A_740 = arith.index_cast %add3A_693 : i32 to index
        %get3A_741 = arith.constant 64 : index
        %get3A_742 = tpu.vector_load %arg11[%get3A_740, %get3A_741] {strides = array<i32>} : memref<128x128xf32, #tpu.memory_space<vmem>>, vector<1x16xf32>,
        %get3A_743 = vector.shape_cast %get3A_742 : vector<1x16xf32> to vector<16xf32>
        %mul3A_744 = vector.broadcast %squeeze3A_695 : f32 to vector<16xf32>
        %mul3A_745 = arith.mulf %get3A_743, %mul3A_744 : vector<16xf32>
        %swap3A_746 = arith.index_cast %add3A_693 : i32 to index
        %swap3A_747 = arith.constant 64 : index
        %swap3A_748 = tpu.vector_load %arg11[%swap3A_746, %swap3A_747] {strides = array<i32>} : memref<128x128xf32, #tpu.memory_space<vmem>>, vector<1x16xf32>,
        %swap3A_749 = vector.shape_cast %swap3A_748 : vector<1x16xf32> to vector<16xf32>
        %swap3A_750 = vector.shape_cast %mul3A_745 : vector<16xf32> to vector<1x16xf32>
        tpu.vector_store %arg11[%swap3A_746, %swap3A_747], %swap3A_750 {strides = array<i32>} : memref<128x128xf32, #tpu.memory_space<vmem>>, vector<1x16xf32>,
        %get3A_751 = arith.index_cast %add3A_693 : i32 to index
        %get3A_752 = arith.constant 80 : index
        %get3A_753 = tpu.vector_load %arg11[%get3A_751, %get3A_752] {strides = array<i32>} : memref<128x128xf32, #tpu.memory_space<vmem>>, vector<1x16xf32>,
        %get3A_754 = vector.shape_cast %get3A_753 : vector<1x16xf32> to vector<16xf32>
        %mul3A_755 = vector.broadcast %squeeze3A_695 : f32 to vector<16xf32>
        %mul3A_756 = arith.mulf %get3A_754, %mul3A_755 : vector<16xf32>
        %swap3A_757 = arith.index_cast %add3A_693 : i32 to index
        %swap3A_758 = arith.constant 80 : index
        %swap3A_759 = tpu.vector_load %arg11[%swap3A_757, %swap3A_758] {strides = array<i32>} : memref<128x128xf32, #tpu.memory_space<vmem>>, vector<1x16xf32>,
        %swap3A_760 = vector.shape_cast %swap3A_759 : vector<1x16xf32> to vector<16xf32>
        %swap3A_761 = vector.shape_cast %mul3A_756 : vector<16xf32> to vector<1x16xf32>
        tpu.vector_store %arg11[%swap3A_757, %swap3A_758], %swap3A_761 {strides = array<i32>} : memref<128x128xf32, #tpu.memory_space<vmem>>, vector<1x16xf32>,
        %get3A_762 = arith.index_cast %add3A_693 : i32 to index
        %get3A_763 = arith.constant 96 : index
        %get3A_764 = tpu.vector_load %arg11[%get3A_762, %get3A_763] {strides = array<i32>} : memref<128x128xf32, #tpu.memory_space<vmem>>, vector<1x16xf32>,
        %get3A_765 = vector.shape_cast %get3A_764 : vector<1x16xf32> to vector<16xf32>
        %mul3A_766 = vector.broadcast %squeeze3A_695 : f32 to vector<16xf32>
        %mul3A_767 = arith.mulf %get3A_765, %mul3A_766 : vector<16xf32>
        %swap3A_768 = arith.index_cast %add3A_693 : i32 to index
        %swap3A_769 = arith.constant 96 : index
        %swap3A_770 = tpu.vector_load %arg11[%swap3A_768, %swap3A_769] {strides = array<i32>} : memref<128x128xf32, #tpu.memory_space<vmem>>, vector<1x16xf32>,
        %swap3A_771 = vector.shape_cast %swap3A_770 : vector<1x16xf32> to vector<16xf32>
        %swap3A_772 = vector.shape_cast %mul3A_767 : vector<16xf32> to vector<1x16xf32>
        tpu.vector_store %arg11[%swap3A_768, %swap3A_769], %swap3A_772 {strides = array<i32>} : memref<128x128xf32, #tpu.memory_space<vmem>>, vector<1x16xf32>,
        %get3A_773 = arith.index_cast %add3A_693 : i32 to index
        %get3A_774 = arith.constant 112 : index
        %get3A_775 = tpu.vector_load %arg11[%get3A_773, %get3A_774] {strides = array<i32>} : memref<128x128xf32, #tpu.memory_space<vmem>>, vector<1x16xf32>,
        %get3A_776 = vector.shape_cast %get3A_775 : vector<1x16xf32> to vector<16xf32>
        %mul3A_777 = vector.broadcast %squeeze3A_695 : f32 to vector<16xf32>
        %mul3A_778 = arith.mulf %get3A_776, %mul3A_777 : vector<16xf32>
        %swap3A_779 = arith.index_cast %add3A_693 : i32 to index
        %swap3A_780 = arith.constant 112 : index
        %swap3A_781 = tpu.vector_load %arg11[%swap3A_779, %swap3A_780] {strides = array<i32>} : memref<128x128xf32, #tpu.memory_space<vmem>>, vector<1x16xf32>,
        %swap3A_782 = vector.shape_cast %swap3A_781 : vector<1x16xf32> to vector<16xf32>
        %swap3A_783 = vector.shape_cast %mul3A_778 : vector<16xf32> to vector<1x16xf32>
        tpu.vector_store %arg11[%swap3A_779, %swap3A_780], %swap3A_783 {strides = array<i32>} : memref<128x128xf32, #tpu.memory_space<vmem>>, vector<1x16xf32>,
        %mul3A_784 = arith.constant 16 : i32
        %mul3A_785 = arith.muli %scan3A_29, %mul3A_784 : i32
        %add3A_786 = arith.constant 8 : i32
        %add3A_787 = arith.addi %mul3A_785, %add3A_786 : i32
        %slice3A_788 = vector.extract_strided_slice %get3A_34 {offsets = [8], sizes = [1], strides = [1]} : vector<16xf32> to vector<1xf32>
        %squeeze3A_789 = vector.extract %slice3A_788[0] : f32 from vector<1xf32>
        %get3A_790 = arith.index_cast %add3A_787 : i32 to index
        %get3A_791 = arith.constant 0 : index
        %get3A_792 = tpu.vector_load %arg11[%get3A_790, %get3A_791] {strides = array<i32>} : memref<128x128xf32, #tpu.memory_space<vmem>>, vector<1x16xf32>,
        %get3A_793 = vector.shape_cast %get3A_792 : vector<1x16xf32> to vector<16xf32>
        %mul3A_794 = vector.broadcast %squeeze3A_789 : f32 to vector<16xf32>
        %mul3A_795 = arith.mulf %get3A_793, %mul3A_794 : vector<16xf32>
        %swap3A_796 = arith.index_cast %add3A_787 : i32 to index
        %swap3A_797 = arith.constant 0 : index
        %swap3A_798 = tpu.vector_load %arg11[%swap3A_796, %swap3A_797] {strides = array<i32>} : memref<128x128xf32, #tpu.memory_space<vmem>>, vector<1x16xf32>,
        %swap3A_799 = vector.shape_cast %swap3A_798 : vector<1x16xf32> to vector<16xf32>
        %swap3A_800 = vector.shape_cast %mul3A_795 : vector<16xf32> to vector<1x16xf32>
        tpu.vector_store %arg11[%swap3A_796, %swap3A_797], %swap3A_800 {strides = array<i32>} : memref<128x128xf32, #tpu.memory_space<vmem>>, vector<1x16xf32>,
        %get3A_801 = arith.index_cast %add3A_787 : i32 to index
        %get3A_802 = arith.constant 16 : index
        %get3A_803 = tpu.vector_load %arg11[%get3A_801, %get3A_802] {strides = array<i32>} : memref<128x128xf32, #tpu.memory_space<vmem>>, vector<1x16xf32>,
        %get3A_804 = vector.shape_cast %get3A_803 : vector<1x16xf32> to vector<16xf32>
        %mul3A_805 = vector.broadcast %squeeze3A_789 : f32 to vector<16xf32>
        %mul3A_806 = arith.mulf %get3A_804, %mul3A_805 : vector<16xf32>
        %swap3A_807 = arith.index_cast %add3A_787 : i32 to index
        %swap3A_808 = arith.constant 16 : index
        %swap3A_809 = tpu.vector_load %arg11[%swap3A_807, %swap3A_808] {strides = array<i32>} : memref<128x128xf32, #tpu.memory_space<vmem>>, vector<1x16xf32>,
        %swap3A_810 = vector.shape_cast %swap3A_809 : vector<1x16xf32> to vector<16xf32>
        %swap3A_811 = vector.shape_cast %mul3A_806 : vector<16xf32> to vector<1x16xf32>
        tpu.vector_store %arg11[%swap3A_807, %swap3A_808], %swap3A_811 {strides = array<i32>} : memref<128x128xf32, #tpu.memory_space<vmem>>, vector<1x16xf32>,
        %get3A_812 = arith.index_cast %add3A_787 : i32 to index
        %get3A_813 = arith.constant 32 : index
        %get3A_814 = tpu.vector_load %arg11[%get3A_812, %get3A_813] {strides = array<i32>} : memref<128x128xf32, #tpu.memory_space<vmem>>, vector<1x16xf32>,
        %get3A_815 = vector.shape_cast %get3A_814 : vector<1x16xf32> to vector<16xf32>
        %mul3A_816 = vector.broadcast %squeeze3A_789 : f32 to vector<16xf32>
        %mul3A_817 = arith.mulf %get3A_815, %mul3A_816 : vector<16xf32>
        %swap3A_818 = arith.index_cast %add3A_787 : i32 to index
        %swap3A_819 = arith.constant 32 : index
        %swap3A_820 = tpu.vector_load %arg11[%swap3A_818, %swap3A_819] {strides = array<i32>} : memref<128x128xf32, #tpu.memory_space<vmem>>, vector<1x16xf32>,
        %swap3A_821 = vector.shape_cast %swap3A_820 : vector<1x16xf32> to vector<16xf32>
        %swap3A_822 = vector.shape_cast %mul3A_817 : vector<16xf32> to vector<1x16xf32>
        tpu.vector_store %arg11[%swap3A_818, %swap3A_819], %swap3A_822 {strides = array<i32>} : memref<128x128xf32, #tpu.memory_space<vmem>>, vector<1x16xf32>,
        %get3A_823 = arith.index_cast %add3A_787 : i32 to index
        %get3A_824 = arith.constant 48 : index
        %get3A_825 = tpu.vector_load %arg11[%get3A_823, %get3A_824] {strides = array<i32>} : memref<128x128xf32, #tpu.memory_space<vmem>>, vector<1x16xf32>,
        %get3A_826 = vector.shape_cast %get3A_825 : vector<1x16xf32> to vector<16xf32>
        %mul3A_827 = vector.broadcast %squeeze3A_789 : f32 to vector<16xf32>
        %mul3A_828 = arith.mulf %get3A_826, %mul3A_827 : vector<16xf32>
        %swap3A_829 = arith.index_cast %add3A_787 : i32 to index
        %swap3A_830 = arith.constant 48 : index
        %swap3A_831 = tpu.vector_load %arg11[%swap3A_829, %swap3A_830] {strides = array<i32>} : memref<128x128xf32, #tpu.memory_space<vmem>>, vector<1x16xf32>,
        %swap3A_832 = vector.shape_cast %swap3A_831 : vector<1x16xf32> to vector<16xf32>
        %swap3A_833 = vector.shape_cast %mul3A_828 : vector<16xf32> to vector<1x16xf32>
        tpu.vector_store %arg11[%swap3A_829, %swap3A_830], %swap3A_833 {strides = array<i32>} : memref<128x128xf32, #tpu.memory_space<vmem>>, vector<1x16xf32>,
        %get3A_834 = arith.index_cast %add3A_787 : i32 to index
        %get3A_835 = arith.constant 64 : index
        %get3A_836 = tpu.vector_load %arg11[%get3A_834, %get3A_835] {strides = array<i32>} : memref<128x128xf32, #tpu.memory_space<vmem>>, vector<1x16xf32>,
        %get3A_837 = vector.shape_cast %get3A_836 : vector<1x16xf32> to vector<16xf32>
        %mul3A_838 = vector.broadcast %squeeze3A_789 : f32 to vector<16xf32>
        %mul3A_839 = arith.mulf %get3A_837, %mul3A_838 : vector<16xf32>
        %swap3A_840 = arith.index_cast %add3A_787 : i32 to index
        %swap3A_841 = arith.constant 64 : index
        %swap3A_842 = tpu.vector_load %arg11[%swap3A_840, %swap3A_841] {strides = array<i32>} : memref<128x128xf32, #tpu.memory_space<vmem>>, vector<1x16xf32>,
        %swap3A_843 = vector.shape_cast %swap3A_842 : vector<1x16xf32> to vector<16xf32>
        %swap3A_844 = vector.shape_cast %mul3A_839 : vector<16xf32> to vector<1x16xf32>
        tpu.vector_store %arg11[%swap3A_840, %swap3A_841], %swap3A_844 {strides = array<i32>} : memref<128x128xf32, #tpu.memory_space<vmem>>, vector<1x16xf32>,
        %get3A_845 = arith.index_cast %add3A_787 : i32 to index
        %get3A_846 = arith.constant 80 : index
        %get3A_847 = tpu.vector_load %arg11[%get3A_845, %get3A_846] {strides = array<i32>} : memref<128x128xf32, #tpu.memory_space<vmem>>, vector<1x16xf32>,
        %get3A_848 = vector.shape_cast %get3A_847 : vector<1x16xf32> to vector<16xf32>
        %mul3A_849 = vector.broadcast %squeeze3A_789 : f32 to vector<16xf32>
        %mul3A_850 = arith.mulf %get3A_848, %mul3A_849 : vector<16xf32>
        %swap3A_851 = arith.index_cast %add3A_787 : i32 to index
        %swap3A_852 = arith.constant 80 : index
        %swap3A_853 = tpu.vector_load %arg11[%swap3A_851, %swap3A_852] {strides = array<i32>} : memref<128x128xf32, #tpu.memory_space<vmem>>, vector<1x16xf32>,
        %swap3A_854 = vector.shape_cast %swap3A_853 : vector<1x16xf32> to vector<16xf32>
        %swap3A_855 = vector.shape_cast %mul3A_850 : vector<16xf32> to vector<1x16xf32>
        tpu.vector_store %arg11[%swap3A_851, %swap3A_852], %swap3A_855 {strides = array<i32>} : memref<128x128xf32, #tpu.memory_space<vmem>>, vector<1x16xf32>,
        %get3A_856 = arith.index_cast %add3A_787 : i32 to index
        %get3A_857 = arith.constant 96 : index
        %get3A_858 = tpu.vector_load %arg11[%get3A_856, %get3A_857] {strides = array<i32>} : memref<128x128xf32, #tpu.memory_space<vmem>>, vector<1x16xf32>,
        %get3A_859 = vector.shape_cast %get3A_858 : vector<1x16xf32> to vector<16xf32>
        %mul3A_860 = vector.broadcast %squeeze3A_789 : f32 to vector<16xf32>
        %mul3A_861 = arith.mulf %get3A_859, %mul3A_860 : vector<16xf32>
        %swap3A_862 = arith.index_cast %add3A_787 : i32 to index
        %swap3A_863 = arith.constant 96 : index
        %swap3A_864 = tpu.vector_load %arg11[%swap3A_862, %swap3A_863] {strides = array<i32>} : memref<128x128xf32, #tpu.memory_space<vmem>>, vector<1x16xf32>,
        %swap3A_865 = vector.shape_cast %swap3A_864 : vector<1x16xf32> to vector<16xf32>
        %swap3A_866 = vector.shape_cast %mul3A_861 : vector<16xf32> to vector<1x16xf32>
        tpu.vector_store %arg11[%swap3A_862, %swap3A_863], %swap3A_866 {strides = array<i32>} : memref<128x128xf32, #tpu.memory_space<vmem>>, vector<1x16xf32>,
        %get3A_867 = arith.index_cast %add3A_787 : i32 to index
        %get3A_868 = arith.constant 112 : index
        %get3A_869 = tpu.vector_load %arg11[%get3A_867, %get3A_868] {strides = array<i32>} : memref<128x128xf32, #tpu.memory_space<vmem>>, vector<1x16xf32>,
        %get3A_870 = vector.shape_cast %get3A_869 : vector<1x16xf32> to vector<16xf32>
        %mul3A_871 = vector.broadcast %squeeze3A_789 : f32 to vector<16xf32>
        %mul3A_872 = arith.mulf %get3A_870, %mul3A_871 : vector<16xf32>
        %swap3A_873 = arith.index_cast %add3A_787 : i32 to index
        %swap3A_874 = arith.constant 112 : index
        %swap3A_875 = tpu.vector_load %arg11[%swap3A_873, %swap3A_874] {strides = array<i32>} : memref<128x128xf32, #tpu.memory_space<vmem>>, vector<1x16xf32>,
        %swap3A_876 = vector.shape_cast %swap3A_875 : vector<1x16xf32> to vector<16xf32>
        %swap3A_877 = vector.shape_cast %mul3A_872 : vector<16xf32> to vector<1x16xf32>
        tpu.vector_store %arg11[%swap3A_873, %swap3A_874], %swap3A_877 {strides = array<i32>} : memref<128x128xf32, #tpu.memory_space<vmem>>, vector<1x16xf32>,
        %mul3A_878 = arith.constant 16 : i32
        %mul3A_879 = arith.muli %scan3A_29, %mul3A_878 : i32
        %add3A_880 = arith.constant 9 : i32
        %add3A_881 = arith.addi %mul3A_879, %add3A_880 : i32
        %slice3A_882 = vector.extract_strided_slice %get3A_34 {offsets = [9], sizes = [1], strides = [1]} : vector<16xf32> to vector<1xf32>
        %squeeze3A_883 = vector.extract %slice3A_882[0] : f32 from vector<1xf32>
        %get3A_884 = arith.index_cast %add3A_881 : i32 to index
        %get3A_885 = arith.constant 0 : index
        %get3A_886 = tpu.vector_load %arg11[%get3A_884, %get3A_885] {strides = array<i32>} : memref<128x128xf32, #tpu.memory_space<vmem>>, vector<1x16xf32>,
        %get3A_887 = vector.shape_cast %get3A_886 : vector<1x16xf32> to vector<16xf32>
        %mul3A_888 = vector.broadcast %squeeze3A_883 : f32 to vector<16xf32>
        %mul3A_889 = arith.mulf %get3A_887, %mul3A_888 : vector<16xf32>
        %swap3A_890 = arith.index_cast %add3A_881 : i32 to index
        %swap3A_891 = arith.constant 0 : index
        %swap3A_892 = tpu.vector_load %arg11[%swap3A_890, %swap3A_891] {strides = array<i32>} : memref<128x128xf32, #tpu.memory_space<vmem>>, vector<1x16xf32>,
        %swap3A_893 = vector.shape_cast %swap3A_892 : vector<1x16xf32> to vector<16xf32>
        %swap3A_894 = vector.shape_cast %mul3A_889 : vector<16xf32> to vector<1x16xf32>
        tpu.vector_store %arg11[%swap3A_890, %swap3A_891], %swap3A_894 {strides = array<i32>} : memref<128x128xf32, #tpu.memory_space<vmem>>, vector<1x16xf32>,
        %get3A_895 = arith.index_cast %add3A_881 : i32 to index
        %get3A_896 = arith.constant 16 : index
        %get3A_897 = tpu.vector_load %arg11[%get3A_895, %get3A_896] {strides = array<i32>} : memref<128x128xf32, #tpu.memory_space<vmem>>, vector<1x16xf32>,
        %get3A_898 = vector.shape_cast %get3A_897 : vector<1x16xf32> to vector<16xf32>
        %mul3A_899 = vector.broadcast %squeeze3A_883 : f32 to vector<16xf32>
        %mul3A_900 = arith.mulf %get3A_898, %mul3A_899 : vector<16xf32>
        %swap3A_901 = arith.index_cast %add3A_881 : i32 to index
        %swap3A_902 = arith.constant 16 : index
        %swap3A_903 = tpu.vector_load %arg11[%swap3A_901, %swap3A_902] {strides = array<i32>} : memref<128x128xf32, #tpu.memory_space<vmem>>, vector<1x16xf32>,
        %swap3A_904 = vector.shape_cast %swap3A_903 : vector<1x16xf32> to vector<16xf32>
        %swap3A_905 = vector.shape_cast %mul3A_900 : vector<16xf32> to vector<1x16xf32>
        tpu.vector_store %arg11[%swap3A_901, %swap3A_902], %swap3A_905 {strides = array<i32>} : memref<128x128xf32, #tpu.memory_space<vmem>>, vector<1x16xf32>,
        %get3A_906 = arith.index_cast %add3A_881 : i32 to index
        %get3A_907 = arith.constant 32 : index
        %get3A_908 = tpu.vector_load %arg11[%get3A_906, %get3A_907] {strides = array<i32>} : memref<128x128xf32, #tpu.memory_space<vmem>>, vector<1x16xf32>,
        %get3A_909 = vector.shape_cast %get3A_908 : vector<1x16xf32> to vector<16xf32>
        %mul3A_910 = vector.broadcast %squeeze3A_883 : f32 to vector<16xf32>
        %mul3A_911 = arith.mulf %get3A_909, %mul3A_910 : vector<16xf32>
        %swap3A_912 = arith.index_cast %add3A_881 : i32 to index
        %swap3A_913 = arith.constant 32 : index
        %swap3A_914 = tpu.vector_load %arg11[%swap3A_912, %swap3A_913] {strides = array<i32>} : memref<128x128xf32, #tpu.memory_space<vmem>>, vector<1x16xf32>,
        %swap3A_915 = vector.shape_cast %swap3A_914 : vector<1x16xf32> to vector<16xf32>
        %swap3A_916 = vector.shape_cast %mul3A_911 : vector<16xf32> to vector<1x16xf32>
        tpu.vector_store %arg11[%swap3A_912, %swap3A_913], %swap3A_916 {strides = array<i32>} : memref<128x128xf32, #tpu.memory_space<vmem>>, vector<1x16xf32>,
        %get3A_917 = arith.index_cast %add3A_881 : i32 to index
        %get3A_918 = arith.constant 48 : index
        %get3A_919 = tpu.vector_load %arg11[%get3A_917, %get3A_918] {strides = array<i32>} : memref<128x128xf32, #tpu.memory_space<vmem>>, vector<1x16xf32>,
        %get3A_920 = vector.shape_cast %get3A_919 : vector<1x16xf32> to vector<16xf32>
        %mul3A_921 = vector.broadcast %squeeze3A_883 : f32 to vector<16xf32>
        %mul3A_922 = arith.mulf %get3A_920, %mul3A_921 : vector<16xf32>
        %swap3A_923 = arith.index_cast %add3A_881 : i32 to index
        %swap3A_924 = arith.constant 48 : index
        %swap3A_925 = tpu.vector_load %arg11[%swap3A_923, %swap3A_924] {strides = array<i32>} : memref<128x128xf32, #tpu.memory_space<vmem>>, vector<1x16xf32>,
        %swap3A_926 = vector.shape_cast %swap3A_925 : vector<1x16xf32> to vector<16xf32>
        %swap3A_927 = vector.shape_cast %mul3A_922 : vector<16xf32> to vector<1x16xf32>
        tpu.vector_store %arg11[%swap3A_923, %swap3A_924], %swap3A_927 {strides = array<i32>} : memref<128x128xf32, #tpu.memory_space<vmem>>, vector<1x16xf32>,
        %get3A_928 = arith.index_cast %add3A_881 : i32 to index
        %get3A_929 = arith.constant 64 : index
        %get3A_930 = tpu.vector_load %arg11[%get3A_928, %get3A_929] {strides = array<i32>} : memref<128x128xf32, #tpu.memory_space<vmem>>, vector<1x16xf32>,
        %get3A_931 = vector.shape_cast %get3A_930 : vector<1x16xf32> to vector<16xf32>
        %mul3A_932 = vector.broadcast %squeeze3A_883 : f32 to vector<16xf32>
        %mul3A_933 = arith.mulf %get3A_931, %mul3A_932 : vector<16xf32>
        %swap3A_934 = arith.index_cast %add3A_881 : i32 to index
        %swap3A_935 = arith.constant 64 : index
        %swap3A_936 = tpu.vector_load %arg11[%swap3A_934, %swap3A_935] {strides = array<i32>} : memref<128x128xf32, #tpu.memory_space<vmem>>, vector<1x16xf32>,
        %swap3A_937 = vector.shape_cast %swap3A_936 : vector<1x16xf32> to vector<16xf32>
        %swap3A_938 = vector.shape_cast %mul3A_933 : vector<16xf32> to vector<1x16xf32>
        tpu.vector_store %arg11[%swap3A_934, %swap3A_935], %swap3A_938 {strides = array<i32>} : memref<128x128xf32, #tpu.memory_space<vmem>>, vector<1x16xf32>,
        %get3A_939 = arith.index_cast %add3A_881 : i32 to index
        %get3A_940 = arith.constant 80 : index
        %get3A_941 = tpu.vector_load %arg11[%get3A_939, %get3A_940] {strides = array<i32>} : memref<128x128xf32, #tpu.memory_space<vmem>>, vector<1x16xf32>,
        %get3A_942 = vector.shape_cast %get3A_941 : vector<1x16xf32> to vector<16xf32>
        %mul3A_943 = vector.broadcast %squeeze3A_883 : f32 to vector<16xf32>
        %mul3A_944 = arith.mulf %get3A_942, %mul3A_943 : vector<16xf32>
        %swap3A_945 = arith.index_cast %add3A_881 : i32 to index
        %swap3A_946 = arith.constant 80 : index
        %swap3A_947 = tpu.vector_load %arg11[%swap3A_945, %swap3A_946] {strides = array<i32>} : memref<128x128xf32, #tpu.memory_space<vmem>>, vector<1x16xf32>,
        %swap3A_948 = vector.shape_cast %swap3A_947 : vector<1x16xf32> to vector<16xf32>
        %swap3A_949 = vector.shape_cast %mul3A_944 : vector<16xf32> to vector<1x16xf32>
        tpu.vector_store %arg11[%swap3A_945, %swap3A_946], %swap3A_949 {strides = array<i32>} : memref<128x128xf32, #tpu.memory_space<vmem>>, vector<1x16xf32>,
        %get3A_950 = arith.index_cast %add3A_881 : i32 to index
        %get3A_951 = arith.constant 96 : index
        %get3A_952 = tpu.vector_load %arg11[%get3A_950, %get3A_951] {strides = array<i32>} : memref<128x128xf32, #tpu.memory_space<vmem>>, vector<1x16xf32>,
        %get3A_953 = vector.shape_cast %get3A_952 : vector<1x16xf32> to vector<16xf32>
        %mul3A_954 = vector.broadcast %squeeze3A_883 : f32 to vector<16xf32>
        %mul3A_955 = arith.mulf %get3A_953, %mul3A_954 : vector<16xf32>
        %swap3A_956 = arith.index_cast %add3A_881 : i32 to index
        %swap3A_957 = arith.constant 96 : index
        %swap3A_958 = tpu.vector_load %arg11[%swap3A_956, %swap3A_957] {strides = array<i32>} : memref<128x128xf32, #tpu.memory_space<vmem>>, vector<1x16xf32>,
        %swap3A_959 = vector.shape_cast %swap3A_958 : vector<1x16xf32> to vector<16xf32>
        %swap3A_960 = vector.shape_cast %mul3A_955 : vector<16xf32> to vector<1x16xf32>
        tpu.vector_store %arg11[%swap3A_956, %swap3A_957], %swap3A_960 {strides = array<i32>} : memref<128x128xf32, #tpu.memory_space<vmem>>, vector<1x16xf32>,
        %get3A_961 = arith.index_cast %add3A_881 : i32 to index
        %get3A_962 = arith.constant 112 : index
        %get3A_963 = tpu.vector_load %arg11[%get3A_961, %get3A_962] {strides = array<i32>} : memref<128x128xf32, #tpu.memory_space<vmem>>, vector<1x16xf32>,
        %get3A_964 = vector.shape_cast %get3A_963 : vector<1x16xf32> to vector<16xf32>
        %mul3A_965 = vector.broadcast %squeeze3A_883 : f32 to vector<16xf32>
        %mul3A_966 = arith.mulf %get3A_964, %mul3A_965 : vector<16xf32>
        %swap3A_967 = arith.index_cast %add3A_881 : i32 to index
        %swap3A_968 = arith.constant 112 : index
        %swap3A_969 = tpu.vector_load %arg11[%swap3A_967, %swap3A_968] {strides = array<i32>} : memref<128x128xf32, #tpu.memory_space<vmem>>, vector<1x16xf32>,
        %swap3A_970 = vector.shape_cast %swap3A_969 : vector<1x16xf32> to vector<16xf32>
        %swap3A_971 = vector.shape_cast %mul3A_966 : vector<16xf32> to vector<1x16xf32>
        tpu.vector_store %arg11[%swap3A_967, %swap3A_968], %swap3A_971 {strides = array<i32>} : memref<128x128xf32, #tpu.memory_space<vmem>>, vector<1x16xf32>,
        %mul3A_972 = arith.constant 16 : i32
        %mul3A_973 = arith.muli %scan3A_29, %mul3A_972 : i32
        %add3A_974 = arith.constant 10 : i32
        %add3A_975 = arith.addi %mul3A_973, %add3A_974 : i32
        %slice3A_976 = vector.extract_strided_slice %get3A_34 {offsets = [10], sizes = [1], strides = [1]} : vector<16xf32> to vector<1xf32>
        %squeeze3A_977 = vector.extract %slice3A_976[0] : f32 from vector<1xf32>
        %get3A_978 = arith.index_cast %add3A_975 : i32 to index
        %get3A_979 = arith.constant 0 : index
        %get3A_980 = tpu.vector_load %arg11[%get3A_978, %get3A_979] {strides = array<i32>} : memref<128x128xf32, #tpu.memory_space<vmem>>, vector<1x16xf32>,
        %get3A_981 = vector.shape_cast %get3A_980 : vector<1x16xf32> to vector<16xf32>
        %mul3A_982 = vector.broadcast %squeeze3A_977 : f32 to vector<16xf32>
        %mul3A_983 = arith.mulf %get3A_981, %mul3A_982 : vector<16xf32>
        %swap3A_984 = arith.index_cast %add3A_975 : i32 to index
        %swap3A_985 = arith.constant 0 : index
        %swap3A_986 = tpu.vector_load %arg11[%swap3A_984, %swap3A_985] {strides = array<i32>} : memref<128x128xf32, #tpu.memory_space<vmem>>, vector<1x16xf32>,
        %swap3A_987 = vector.shape_cast %swap3A_986 : vector<1x16xf32> to vector<16xf32>
        %swap3A_988 = vector.shape_cast %mul3A_983 : vector<16xf32> to vector<1x16xf32>
        tpu.vector_store %arg11[%swap3A_984, %swap3A_985], %swap3A_988 {strides = array<i32>} : memref<128x128xf32, #tpu.memory_space<vmem>>, vector<1x16xf32>,
        %get3A_989 = arith.index_cast %add3A_975 : i32 to index
        %get3A_990 = arith.constant 16 : index
        %get3A_991 = tpu.vector_load %arg11[%get3A_989, %get3A_990] {strides = array<i32>} : memref<128x128xf32, #tpu.memory_space<vmem>>, vector<1x16xf32>,
        %get3A_992 = vector.shape_cast %get3A_991 : vector<1x16xf32> to vector<16xf32>
        %mul3A_993 = vector.broadcast %squeeze3A_977 : f32 to vector<16xf32>
        %mul3A_994 = arith.mulf %get3A_992, %mul3A_993 : vector<16xf32>
        %swap3A_995 = arith.index_cast %add3A_975 : i32 to index
        %swap3A_996 = arith.constant 16 : index
        %swap3A_997 = tpu.vector_load %arg11[%swap3A_995, %swap3A_996] {strides = array<i32>} : memref<128x128xf32, #tpu.memory_space<vmem>>, vector<1x16xf32>,
        %swap3A_998 = vector.shape_cast %swap3A_997 : vector<1x16xf32> to vector<16xf32>
        %swap3A_999 = vector.shape_cast %mul3A_994 : vector<16xf32> to vector<1x16xf32>
        tpu.vector_store %arg11[%swap3A_995, %swap3A_996], %swap3A_999 {strides = array<i32>} : memref<128x128xf32, #tpu.memory_space<vmem>>, vector<1x16xf32>,
        %get3A_1000 = arith.index_cast %add3A_975 : i32 to index
        %get3A_1001 = arith.constant 32 : index
        %get3A_1002 = tpu.vector_load %arg11[%get3A_1000, %get3A_1001] {strides = array<i32>} : memref<128x128xf32, #tpu.memory_space<vmem>>, vector<1x16xf32>,
        %get3A_1003 = vector.shape_cast %get3A_1002 : vector<1x16xf32> to vector<16xf32>
        %mul3A_1004 = vector.broadcast %squeeze3A_977 : f32 to vector<16xf32>
        %mul3A_1005 = arith.mulf %get3A_1003, %mul3A_1004 : vector<16xf32>
        %swap3A_1006 = arith.index_cast %add3A_975 : i32 to index
        %swap3A_1007 = arith.constant 32 : index
        %swap3A_1008 = tpu.vector_load %arg11[%swap3A_1006, %swap3A_1007] {strides = array<i32>} : memref<128x128xf32, #tpu.memory_space<vmem>>, vector<1x16xf32>,
        %swap3A_1009 = vector.shape_cast %swap3A_1008 : vector<1x16xf32> to vector<16xf32>
        %swap3A_1010 = vector.shape_cast %mul3A_1005 : vector<16xf32> to vector<1x16xf32>
        tpu.vector_store %arg11[%swap3A_1006, %swap3A_1007], %swap3A_1010 {strides = array<i32>} : memref<128x128xf32, #tpu.memory_space<vmem>>, vector<1x16xf32>,
        %get3A_1011 = arith.index_cast %add3A_975 : i32 to index
        %get3A_1012 = arith.constant 48 : index
        %get3A_1013 = tpu.vector_load %arg11[%get3A_1011, %get3A_1012] {strides = array<i32>} : memref<128x128xf32, #tpu.memory_space<vmem>>, vector<1x16xf32>,
        %get3A_1014 = vector.shape_cast %get3A_1013 : vector<1x16xf32> to vector<16xf32>
        %mul3A_1015 = vector.broadcast %squeeze3A_977 : f32 to vector<16xf32>
        %mul3A_1016 = arith.mulf %get3A_1014, %mul3A_1015 : vector<16xf32>
        %swap3A_1017 = arith.index_cast %add3A_975 : i32 to index
        %swap3A_1018 = arith.constant 48 : index
        %swap3A_1019 = tpu.vector_load %arg11[%swap3A_1017, %swap3A_1018] {strides = array<i32>} : memref<128x128xf32, #tpu.memory_space<vmem>>, vector<1x16xf32>,
        %swap3A_1020 = vector.shape_cast %swap3A_1019 : vector<1x16xf32> to vector<16xf32>
        %swap3A_1021 = vector.shape_cast %mul3A_1016 : vector<16xf32> to vector<1x16xf32>
        tpu.vector_store %arg11[%swap3A_1017, %swap3A_1018], %swap3A_1021 {strides = array<i32>} : memref<128x128xf32, #tpu.memory_space<vmem>>, vector<1x16xf32>,
        %get3A_1022 = arith.index_cast %add3A_975 : i32 to index
        %get3A_1023 = arith.constant 64 : index
        %get3A_1024 = tpu.vector_load %arg11[%get3A_1022, %get3A_1023] {strides = array<i32>} : memref<128x128xf32, #tpu.memory_space<vmem>>, vector<1x16xf32>,
        %get3A_1025 = vector.shape_cast %get3A_1024 : vector<1x16xf32> to vector<16xf32>
        %mul3A_1026 = vector.broadcast %squeeze3A_977 : f32 to vector<16xf32>
        %mul3A_1027 = arith.mulf %get3A_1025, %mul3A_1026 : vector<16xf32>
        %swap3A_1028 = arith.index_cast %add3A_975 : i32 to index
        %swap3A_1029 = arith.constant 64 : index
        %swap3A_1030 = tpu.vector_load %arg11[%swap3A_1028, %swap3A_1029] {strides = array<i32>} : memref<128x128xf32, #tpu.memory_space<vmem>>, vector<1x16xf32>,
        %swap3A_1031 = vector.shape_cast %swap3A_1030 : vector<1x16xf32> to vector<16xf32>
        %swap3A_1032 = vector.shape_cast %mul3A_1027 : vector<16xf32> to vector<1x16xf32>
        tpu.vector_store %arg11[%swap3A_1028, %swap3A_1029], %swap3A_1032 {strides = array<i32>} : memref<128x128xf32, #tpu.memory_space<vmem>>, vector<1x16xf32>,
        %get3A_1033 = arith.index_cast %add3A_975 : i32 to index
        %get3A_1034 = arith.constant 80 : index
        %get3A_1035 = tpu.vector_load %arg11[%get3A_1033, %get3A_1034] {strides = array<i32>} : memref<128x128xf32, #tpu.memory_space<vmem>>, vector<1x16xf32>,
        %get3A_1036 = vector.shape_cast %get3A_1035 : vector<1x16xf32> to vector<16xf32>
        %mul3A_1037 = vector.broadcast %squeeze3A_977 : f32 to vector<16xf32>
        %mul3A_1038 = arith.mulf %get3A_1036, %mul3A_1037 : vector<16xf32>
        %swap3A_1039 = arith.index_cast %add3A_975 : i32 to index
        %swap3A_1040 = arith.constant 80 : index
        %swap3A_1041 = tpu.vector_load %arg11[%swap3A_1039, %swap3A_1040] {strides = array<i32>} : memref<128x128xf32, #tpu.memory_space<vmem>>, vector<1x16xf32>,
        %swap3A_1042 = vector.shape_cast %swap3A_1041 : vector<1x16xf32> to vector<16xf32>
        %swap3A_1043 = vector.shape_cast %mul3A_1038 : vector<16xf32> to vector<1x16xf32>
        tpu.vector_store %arg11[%swap3A_1039, %swap3A_1040], %swap3A_1043 {strides = array<i32>} : memref<128x128xf32, #tpu.memory_space<vmem>>, vector<1x16xf32>,
        %get3A_1044 = arith.index_cast %add3A_975 : i32 to index
        %get3A_1045 = arith.constant 96 : index
        %get3A_1046 = tpu.vector_load %arg11[%get3A_1044, %get3A_1045] {strides = array<i32>} : memref<128x128xf32, #tpu.memory_space<vmem>>, vector<1x16xf32>,
        %get3A_1047 = vector.shape_cast %get3A_1046 : vector<1x16xf32> to vector<16xf32>
        %mul3A_1048 = vector.broadcast %squeeze3A_977 : f32 to vector<16xf32>
        %mul3A_1049 = arith.mulf %get3A_1047, %mul3A_1048 : vector<16xf32>
        %swap3A_1050 = arith.index_cast %add3A_975 : i32 to index
        %swap3A_1051 = arith.constant 96 : index
        %swap3A_1052 = tpu.vector_load %arg11[%swap3A_1050, %swap3A_1051] {strides = array<i32>} : memref<128x128xf32, #tpu.memory_space<vmem>>, vector<1x16xf32>,
        %swap3A_1053 = vector.shape_cast %swap3A_1052 : vector<1x16xf32> to vector<16xf32>
        %swap3A_1054 = vector.shape_cast %mul3A_1049 : vector<16xf32> to vector<1x16xf32>
        tpu.vector_store %arg11[%swap3A_1050, %swap3A_1051], %swap3A_1054 {strides = array<i32>} : memref<128x128xf32, #tpu.memory_space<vmem>>, vector<1x16xf32>,
        %get3A_1055 = arith.index_cast %add3A_975 : i32 to index
        %get3A_1056 = arith.constant 112 : index
        %get3A_1057 = tpu.vector_load %arg11[%get3A_1055, %get3A_1056] {strides = array<i32>} : memref<128x128xf32, #tpu.memory_space<vmem>>, vector<1x16xf32>,
        %get3A_1058 = vector.shape_cast %get3A_1057 : vector<1x16xf32> to vector<16xf32>
        %mul3A_1059 = vector.broadcast %squeeze3A_977 : f32 to vector<16xf32>
        %mul3A_1060 = arith.mulf %get3A_1058, %mul3A_1059 : vector<16xf32>
        %swap3A_1061 = arith.index_cast %add3A_975 : i32 to index
        %swap3A_1062 = arith.constant 112 : index
        %swap3A_1063 = tpu.vector_load %arg11[%swap3A_1061, %swap3A_1062] {strides = array<i32>} : memref<128x128xf32, #tpu.memory_space<vmem>>, vector<1x16xf32>,
        %swap3A_1064 = vector.shape_cast %swap3A_1063 : vector<1x16xf32> to vector<16xf32>
        %swap3A_1065 = vector.shape_cast %mul3A_1060 : vector<16xf32> to vector<1x16xf32>
        tpu.vector_store %arg11[%swap3A_1061, %swap3A_1062], %swap3A_1065 {strides = array<i32>} : memref<128x128xf32, #tpu.memory_space<vmem>>, vector<1x16xf32>,
        %mul3A_1066 = arith.constant 16 : i32
        %mul3A_1067 = arith.muli %scan3A_29, %mul3A_1066 : i32
        %add3A_1068 = arith.constant 11 : i32
        %add3A_1069 = arith.addi %mul3A_1067, %add3A_1068 : i32
        %slice3A_1070 = vector.extract_strided_slice %get3A_34 {offsets = [11], sizes = [1], strides = [1]} : vector<16xf32> to vector<1xf32>
        %squeeze3A_1071 = vector.extract %slice3A_1070[0] : f32 from vector<1xf32>
        %get3A_1072 = arith.index_cast %add3A_1069 : i32 to index
        %get3A_1073 = arith.constant 0 : index
        %get3A_1074 = tpu.vector_load %arg11[%get3A_1072, %get3A_1073] {strides = array<i32>} : memref<128x128xf32, #tpu.memory_space<vmem>>, vector<1x16xf32>,
        %get3A_1075 = vector.shape_cast %get3A_1074 : vector<1x16xf32> to vector<16xf32>
        %mul3A_1076 = vector.broadcast %squeeze3A_1071 : f32 to vector<16xf32>
        %mul3A_1077 = arith.mulf %get3A_1075, %mul3A_1076 : vector<16xf32>
        %swap3A_1078 = arith.index_cast %add3A_1069 : i32 to index
        %swap3A_1079 = arith.constant 0 : index
        %swap3A_1080 = tpu.vector_load %arg11[%swap3A_1078, %swap3A_1079] {strides = array<i32>} : memref<128x128xf32, #tpu.memory_space<vmem>>, vector<1x16xf32>,
        %swap3A_1081 = vector.shape_cast %swap3A_1080 : vector<1x16xf32> to vector<16xf32>
        %swap3A_1082 = vector.shape_cast %mul3A_1077 : vector<16xf32> to vector<1x16xf32>
        tpu.vector_store %arg11[%swap3A_1078, %swap3A_1079], %swap3A_1082 {strides = array<i32>} : memref<128x128xf32, #tpu.memory_space<vmem>>, vector<1x16xf32>,
        %get3A_1083 = arith.index_cast %add3A_1069 : i32 to index
        %get3A_1084 = arith.constant 16 : index
        %get3A_1085 = tpu.vector_load %arg11[%get3A_1083, %get3A_1084] {strides = array<i32>} : memref<128x128xf32, #tpu.memory_space<vmem>>, vector<1x16xf32>,
        %get3A_1086 = vector.shape_cast %get3A_1085 : vector<1x16xf32> to vector<16xf32>
        %mul3A_1087 = vector.broadcast %squeeze3A_1071 : f32 to vector<16xf32>
        %mul3A_1088 = arith.mulf %get3A_1086, %mul3A_1087 : vector<16xf32>
        %swap3A_1089 = arith.index_cast %add3A_1069 : i32 to index
        %swap3A_1090 = arith.constant 16 : index
        %swap3A_1091 = tpu.vector_load %arg11[%swap3A_1089, %swap3A_1090] {strides = array<i32>} : memref<128x128xf32, #tpu.memory_space<vmem>>, vector<1x16xf32>,
        %swap3A_1092 = vector.shape_cast %swap3A_1091 : vector<1x16xf32> to vector<16xf32>
        %swap3A_1093 = vector.shape_cast %mul3A_1088 : vector<16xf32> to vector<1x16xf32>
        tpu.vector_store %arg11[%swap3A_1089, %swap3A_1090], %swap3A_1093 {strides = array<i32>} : memref<128x128xf32, #tpu.memory_space<vmem>>, vector<1x16xf32>,
        %get3A_1094 = arith.index_cast %add3A_1069 : i32 to index
        %get3A_1095 = arith.constant 32 : index
        %get3A_1096 = tpu.vector_load %arg11[%get3A_1094, %get3A_1095] {strides = array<i32>} : memref<128x128xf32, #tpu.memory_space<vmem>>, vector<1x16xf32>,
        %get3A_1097 = vector.shape_cast %get3A_1096 : vector<1x16xf32> to vector<16xf32>
        %mul3A_1098 = vector.broadcast %squeeze3A_1071 : f32 to vector<16xf32>
        %mul3A_1099 = arith.mulf %get3A_1097, %mul3A_1098 : vector<16xf32>
        %swap3A_1100 = arith.index_cast %add3A_1069 : i32 to index
        %swap3A_1101 = arith.constant 32 : index
        %swap3A_1102 = tpu.vector_load %arg11[%swap3A_1100, %swap3A_1101] {strides = array<i32>} : memref<128x128xf32, #tpu.memory_space<vmem>>, vector<1x16xf32>,
        %swap3A_1103 = vector.shape_cast %swap3A_1102 : vector<1x16xf32> to vector<16xf32>
        %swap3A_1104 = vector.shape_cast %mul3A_1099 : vector<16xf32> to vector<1x16xf32>
        tpu.vector_store %arg11[%swap3A_1100, %swap3A_1101], %swap3A_1104 {strides = array<i32>} : memref<128x128xf32, #tpu.memory_space<vmem>>, vector<1x16xf32>,
        %get3A_1105 = arith.index_cast %add3A_1069 : i32 to index
        %get3A_1106 = arith.constant 48 : index
        %get3A_1107 = tpu.vector_load %arg11[%get3A_1105, %get3A_1106] {strides = array<i32>} : memref<128x128xf32, #tpu.memory_space<vmem>>, vector<1x16xf32>,
        %get3A_1108 = vector.shape_cast %get3A_1107 : vector<1x16xf32> to vector<16xf32>
        %mul3A_1109 = vector.broadcast %squeeze3A_1071 : f32 to vector<16xf32>
        %mul3A_1110 = arith.mulf %get3A_1108, %mul3A_1109 : vector<16xf32>
        %swap3A_1111 = arith.index_cast %add3A_1069 : i32 to index
        %swap3A_1112 = arith.constant 48 : index
        %swap3A_1113 = tpu.vector_load %arg11[%swap3A_1111, %swap3A_1112] {strides = array<i32>} : memref<128x128xf32, #tpu.memory_space<vmem>>, vector<1x16xf32>,
        %swap3A_1114 = vector.shape_cast %swap3A_1113 : vector<1x16xf32> to vector<16xf32>
        %swap3A_1115 = vector.shape_cast %mul3A_1110 : vector<16xf32> to vector<1x16xf32>
        tpu.vector_store %arg11[%swap3A_1111, %swap3A_1112], %swap3A_1115 {strides = array<i32>} : memref<128x128xf32, #tpu.memory_space<vmem>>, vector<1x16xf32>,
        %get3A_1116 = arith.index_cast %add3A_1069 : i32 to index
        %get3A_1117 = arith.constant 64 : index
        %get3A_1118 = tpu.vector_load %arg11[%get3A_1116, %get3A_1117] {strides = array<i32>} : memref<128x128xf32, #tpu.memory_space<vmem>>, vector<1x16xf32>,
        %get3A_1119 = vector.shape_cast %get3A_1118 : vector<1x16xf32> to vector<16xf32>
        %mul3A_1120 = vector.broadcast %squeeze3A_1071 : f32 to vector<16xf32>
        %mul3A_1121 = arith.mulf %get3A_1119, %mul3A_1120 : vector<16xf32>
        %swap3A_1122 = arith.index_cast %add3A_1069 : i32 to index
        %swap3A_1123 = arith.constant 64 : index
        %swap3A_1124 = tpu.vector_load %arg11[%swap3A_1122, %swap3A_1123] {strides = array<i32>} : memref<128x128xf32, #tpu.memory_space<vmem>>, vector<1x16xf32>,
        %swap3A_1125 = vector.shape_cast %swap3A_1124 : vector<1x16xf32> to vector<16xf32>
        %swap3A_1126 = vector.shape_cast %mul3A_1121 : vector<16xf32> to vector<1x16xf32>
        tpu.vector_store %arg11[%swap3A_1122, %swap3A_1123], %swap3A_1126 {strides = array<i32>} : memref<128x128xf32, #tpu.memory_space<vmem>>, vector<1x16xf32>,
        %get3A_1127 = arith.index_cast %add3A_1069 : i32 to index
        %get3A_1128 = arith.constant 80 : index
        %get3A_1129 = tpu.vector_load %arg11[%get3A_1127, %get3A_1128] {strides = array<i32>} : memref<128x128xf32, #tpu.memory_space<vmem>>, vector<1x16xf32>,
        %get3A_1130 = vector.shape_cast %get3A_1129 : vector<1x16xf32> to vector<16xf32>
        %mul3A_1131 = vector.broadcast %squeeze3A_1071 : f32 to vector<16xf32>
        %mul3A_1132 = arith.mulf %get3A_1130, %mul3A_1131 : vector<16xf32>
        %swap3A_1133 = arith.index_cast %add3A_1069 : i32 to index
        %swap3A_1134 = arith.constant 80 : index
        %swap3A_1135 = tpu.vector_load %arg11[%swap3A_1133, %swap3A_1134] {strides = array<i32>} : memref<128x128xf32, #tpu.memory_space<vmem>>, vector<1x16xf32>,
        %swap3A_1136 = vector.shape_cast %swap3A_1135 : vector<1x16xf32> to vector<16xf32>
        %swap3A_1137 = vector.shape_cast %mul3A_1132 : vector<16xf32> to vector<1x16xf32>
        tpu.vector_store %arg11[%swap3A_1133, %swap3A_1134], %swap3A_1137 {strides = array<i32>} : memref<128x128xf32, #tpu.memory_space<vmem>>, vector<1x16xf32>,
        %get3A_1138 = arith.index_cast %add3A_1069 : i32 to index
        %get3A_1139 = arith.constant 96 : index
        %get3A_1140 = tpu.vector_load %arg11[%get3A_1138, %get3A_1139] {strides = array<i32>} : memref<128x128xf32, #tpu.memory_space<vmem>>, vector<1x16xf32>,
        %get3A_1141 = vector.shape_cast %get3A_1140 : vector<1x16xf32> to vector<16xf32>
        %mul3A_1142 = vector.broadcast %squeeze3A_1071 : f32 to vector<16xf32>
        %mul3A_1143 = arith.mulf %get3A_1141, %mul3A_1142 : vector<16xf32>
        %swap3A_1144 = arith.index_cast %add3A_1069 : i32 to index
        %swap3A_1145 = arith.constant 96 : index
        %swap3A_1146 = tpu.vector_load %arg11[%swap3A_1144, %swap3A_1145] {strides = array<i32>} : memref<128x128xf32, #tpu.memory_space<vmem>>, vector<1x16xf32>,
        %swap3A_1147 = vector.shape_cast %swap3A_1146 : vector<1x16xf32> to vector<16xf32>
        %swap3A_1148 = vector.shape_cast %mul3A_1143 : vector<16xf32> to vector<1x16xf32>
        tpu.vector_store %arg11[%swap3A_1144, %swap3A_1145], %swap3A_1148 {strides = array<i32>} : memref<128x128xf32, #tpu.memory_space<vmem>>, vector<1x16xf32>,
        %get3A_1149 = arith.index_cast %add3A_1069 : i32 to index
        %get3A_1150 = arith.constant 112 : index
        %get3A_1151 = tpu.vector_load %arg11[%get3A_1149, %get3A_1150] {strides = array<i32>} : memref<128x128xf32, #tpu.memory_space<vmem>>, vector<1x16xf32>,
        %get3A_1152 = vector.shape_cast %get3A_1151 : vector<1x16xf32> to vector<16xf32>
        %mul3A_1153 = vector.broadcast %squeeze3A_1071 : f32 to vector<16xf32>
        %mul3A_1154 = arith.mulf %get3A_1152, %mul3A_1153 : vector<16xf32>
        %swap3A_1155 = arith.index_cast %add3A_1069 : i32 to index
        %swap3A_1156 = arith.constant 112 : index
        %swap3A_1157 = tpu.vector_load %arg11[%swap3A_1155, %swap3A_1156] {strides = array<i32>} : memref<128x128xf32, #tpu.memory_space<vmem>>, vector<1x16xf32>,
        %swap3A_1158 = vector.shape_cast %swap3A_1157 : vector<1x16xf32> to vector<16xf32>
        %swap3A_1159 = vector.shape_cast %mul3A_1154 : vector<16xf32> to vector<1x16xf32>
        tpu.vector_store %arg11[%swap3A_1155, %swap3A_1156], %swap3A_1159 {strides = array<i32>} : memref<128x128xf32, #tpu.memory_space<vmem>>, vector<1x16xf32>,
        %mul3A_1160 = arith.constant 16 : i32
        %mul3A_1161 = arith.muli %scan3A_29, %mul3A_1160 : i32
        %add3A_1162 = arith.constant 12 : i32
        %add3A_1163 = arith.addi %mul3A_1161, %add3A_1162 : i32
        %slice3A_1164 = vector.extract_strided_slice %get3A_34 {offsets = [12], sizes = [1], strides = [1]} : vector<16xf32> to vector<1xf32>
        %squeeze3A_1165 = vector.extract %slice3A_1164[0] : f32 from vector<1xf32>
        %get3A_1166 = arith.index_cast %add3A_1163 : i32 to index
        %get3A_1167 = arith.constant 0 : index
        %get3A_1168 = tpu.vector_load %arg11[%get3A_1166, %get3A_1167] {strides = array<i32>} : memref<128x128xf32, #tpu.memory_space<vmem>>, vector<1x16xf32>,
        %get3A_1169 = vector.shape_cast %get3A_1168 : vector<1x16xf32> to vector<16xf32>
        %mul3A_1170 = vector.broadcast %squeeze3A_1165 : f32 to vector<16xf32>
        %mul3A_1171 = arith.mulf %get3A_1169, %mul3A_1170 : vector<16xf32>
        %swap3A_1172 = arith.index_cast %add3A_1163 : i32 to index
        %swap3A_1173 = arith.constant 0 : index
        %swap3A_1174 = tpu.vector_load %arg11[%swap3A_1172, %swap3A_1173] {strides = array<i32>} : memref<128x128xf32, #tpu.memory_space<vmem>>, vector<1x16xf32>,
        %swap3A_1175 = vector.shape_cast %swap3A_1174 : vector<1x16xf32> to vector<16xf32>
        %swap3A_1176 = vector.shape_cast %mul3A_1171 : vector<16xf32> to vector<1x16xf32>
        tpu.vector_store %arg11[%swap3A_1172, %swap3A_1173], %swap3A_1176 {strides = array<i32>} : memref<128x128xf32, #tpu.memory_space<vmem>>, vector<1x16xf32>,
        %get3A_1177 = arith.index_cast %add3A_1163 : i32 to index
        %get3A_1178 = arith.constant 16 : index
        %get3A_1179 = tpu.vector_load %arg11[%get3A_1177, %get3A_1178] {strides = array<i32>} : memref<128x128xf32, #tpu.memory_space<vmem>>, vector<1x16xf32>,
        %get3A_1180 = vector.shape_cast %get3A_1179 : vector<1x16xf32> to vector<16xf32>
        %mul3A_1181 = vector.broadcast %squeeze3A_1165 : f32 to vector<16xf32>
        %mul3A_1182 = arith.mulf %get3A_1180, %mul3A_1181 : vector<16xf32>
        %swap3A_1183 = arith.index_cast %add3A_1163 : i32 to index
        %swap3A_1184 = arith.constant 16 : index
        %swap3A_1185 = tpu.vector_load %arg11[%swap3A_1183, %swap3A_1184] {strides = array<i32>} : memref<128x128xf32, #tpu.memory_space<vmem>>, vector<1x16xf32>,
        %swap3A_1186 = vector.shape_cast %swap3A_1185 : vector<1x16xf32> to vector<16xf32>
        %swap3A_1187 = vector.shape_cast %mul3A_1182 : vector<16xf32> to vector<1x16xf32>
        tpu.vector_store %arg11[%swap3A_1183, %swap3A_1184], %swap3A_1187 {strides = array<i32>} : memref<128x128xf32, #tpu.memory_space<vmem>>, vector<1x16xf32>,
        %get3A_1188 = arith.index_cast %add3A_1163 : i32 to index
        %get3A_1189 = arith.constant 32 : index
        %get3A_1190 = tpu.vector_load %arg11[%get3A_1188, %get3A_1189] {strides = array<i32>} : memref<128x128xf32, #tpu.memory_space<vmem>>, vector<1x16xf32>,
        %get3A_1191 = vector.shape_cast %get3A_1190 : vector<1x16xf32> to vector<16xf32>
        %mul3A_1192 = vector.broadcast %squeeze3A_1165 : f32 to vector<16xf32>
        %mul3A_1193 = arith.mulf %get3A_1191, %mul3A_1192 : vector<16xf32>
        %swap3A_1194 = arith.index_cast %add3A_1163 : i32 to index
        %swap3A_1195 = arith.constant 32 : index
        %swap3A_1196 = tpu.vector_load %arg11[%swap3A_1194, %swap3A_1195] {strides = array<i32>} : memref<128x128xf32, #tpu.memory_space<vmem>>, vector<1x16xf32>,
        %swap3A_1197 = vector.shape_cast %swap3A_1196 : vector<1x16xf32> to vector<16xf32>
        %swap3A_1198 = vector.shape_cast %mul3A_1193 : vector<16xf32> to vector<1x16xf32>
        tpu.vector_store %arg11[%swap3A_1194, %swap3A_1195], %swap3A_1198 {strides = array<i32>} : memref<128x128xf32, #tpu.memory_space<vmem>>, vector<1x16xf32>,
        %get3A_1199 = arith.index_cast %add3A_1163 : i32 to index
        %get3A_1200 = arith.constant 48 : index
        %get3A_1201 = tpu.vector_load %arg11[%get3A_1199, %get3A_1200] {strides = array<i32>} : memref<128x128xf32, #tpu.memory_space<vmem>>, vector<1x16xf32>,
        %get3A_1202 = vector.shape_cast %get3A_1201 : vector<1x16xf32> to vector<16xf32>
        %mul3A_1203 = vector.broadcast %squeeze3A_1165 : f32 to vector<16xf32>
        %mul3A_1204 = arith.mulf %get3A_1202, %mul3A_1203 : vector<16xf32>
        %swap3A_1205 = arith.index_cast %add3A_1163 : i32 to index
        %swap3A_1206 = arith.constant 48 : index
        %swap3A_1207 = tpu.vector_load %arg11[%swap3A_1205, %swap3A_1206] {strides = array<i32>} : memref<128x128xf32, #tpu.memory_space<vmem>>, vector<1x16xf32>,
        %swap3A_1208 = vector.shape_cast %swap3A_1207 : vector<1x16xf32> to vector<16xf32>
        %swap3A_1209 = vector.shape_cast %mul3A_1204 : vector<16xf32> to vector<1x16xf32>
        tpu.vector_store %arg11[%swap3A_1205, %swap3A_1206], %swap3A_1209 {strides = array<i32>} : memref<128x128xf32, #tpu.memory_space<vmem>>, vector<1x16xf32>,
        %get3A_1210 = arith.index_cast %add3A_1163 : i32 to index
        %get3A_1211 = arith.constant 64 : index
        %get3A_1212 = tpu.vector_load %arg11[%get3A_1210, %get3A_1211] {strides = array<i32>} : memref<128x128xf32, #tpu.memory_space<vmem>>, vector<1x16xf32>,
        %get3A_1213 = vector.shape_cast %get3A_1212 : vector<1x16xf32> to vector<16xf32>
        %mul3A_1214 = vector.broadcast %squeeze3A_1165 : f32 to vector<16xf32>
        %mul3A_1215 = arith.mulf %get3A_1213, %mul3A_1214 : vector<16xf32>
        %swap3A_1216 = arith.index_cast %add3A_1163 : i32 to index
        %swap3A_1217 = arith.constant 64 : index
        %swap3A_1218 = tpu.vector_load %arg11[%swap3A_1216, %swap3A_1217] {strides = array<i32>} : memref<128x128xf32, #tpu.memory_space<vmem>>, vector<1x16xf32>,
        %swap3A_1219 = vector.shape_cast %swap3A_1218 : vector<1x16xf32> to vector<16xf32>
        %swap3A_1220 = vector.shape_cast %mul3A_1215 : vector<16xf32> to vector<1x16xf32>
        tpu.vector_store %arg11[%swap3A_1216, %swap3A_1217], %swap3A_1220 {strides = array<i32>} : memref<128x128xf32, #tpu.memory_space<vmem>>, vector<1x16xf32>,
        %get3A_1221 = arith.index_cast %add3A_1163 : i32 to index
        %get3A_1222 = arith.constant 80 : index
        %get3A_1223 = tpu.vector_load %arg11[%get3A_1221, %get3A_1222] {strides = array<i32>} : memref<128x128xf32, #tpu.memory_space<vmem>>, vector<1x16xf32>,
        %get3A_1224 = vector.shape_cast %get3A_1223 : vector<1x16xf32> to vector<16xf32>
        %mul3A_1225 = vector.broadcast %squeeze3A_1165 : f32 to vector<16xf32>
        %mul3A_1226 = arith.mulf %get3A_1224, %mul3A_1225 : vector<16xf32>
        %swap3A_1227 = arith.index_cast %add3A_1163 : i32 to index
        %swap3A_1228 = arith.constant 80 : index
        %swap3A_1229 = tpu.vector_load %arg11[%swap3A_1227, %swap3A_1228] {strides = array<i32>} : memref<128x128xf32, #tpu.memory_space<vmem>>, vector<1x16xf32>,
        %swap3A_1230 = vector.shape_cast %swap3A_1229 : vector<1x16xf32> to vector<16xf32>
        %swap3A_1231 = vector.shape_cast %mul3A_1226 : vector<16xf32> to vector<1x16xf32>
        tpu.vector_store %arg11[%swap3A_1227, %swap3A_1228], %swap3A_1231 {strides = array<i32>} : memref<128x128xf32, #tpu.memory_space<vmem>>, vector<1x16xf32>,
        %get3A_1232 = arith.index_cast %add3A_1163 : i32 to index
        %get3A_1233 = arith.constant 96 : index
        %get3A_1234 = tpu.vector_load %arg11[%get3A_1232, %get3A_1233] {strides = array<i32>} : memref<128x128xf32, #tpu.memory_space<vmem>>, vector<1x16xf32>,
        %get3A_1235 = vector.shape_cast %get3A_1234 : vector<1x16xf32> to vector<16xf32>
        %mul3A_1236 = vector.broadcast %squeeze3A_1165 : f32 to vector<16xf32>
        %mul3A_1237 = arith.mulf %get3A_1235, %mul3A_1236 : vector<16xf32>
        %swap3A_1238 = arith.index_cast %add3A_1163 : i32 to index
        %swap3A_1239 = arith.constant 96 : index
        %swap3A_1240 = tpu.vector_load %arg11[%swap3A_1238, %swap3A_1239] {strides = array<i32>} : memref<128x128xf32, #tpu.memory_space<vmem>>, vector<1x16xf32>,
        %swap3A_1241 = vector.shape_cast %swap3A_1240 : vector<1x16xf32> to vector<16xf32>
        %swap3A_1242 = vector.shape_cast %mul3A_1237 : vector<16xf32> to vector<1x16xf32>
        tpu.vector_store %arg11[%swap3A_1238, %swap3A_1239], %swap3A_1242 {strides = array<i32>} : memref<128x128xf32, #tpu.memory_space<vmem>>, vector<1x16xf32>,
        %get3A_1243 = arith.index_cast %add3A_1163 : i32 to index
        %get3A_1244 = arith.constant 112 : index
        %get3A_1245 = tpu.vector_load %arg11[%get3A_1243, %get3A_1244] {strides = array<i32>} : memref<128x128xf32, #tpu.memory_space<vmem>>, vector<1x16xf32>,
        %get3A_1246 = vector.shape_cast %get3A_1245 : vector<1x16xf32> to vector<16xf32>
        %mul3A_1247 = vector.broadcast %squeeze3A_1165 : f32 to vector<16xf32>
        %mul3A_1248 = arith.mulf %get3A_1246, %mul3A_1247 : vector<16xf32>
        %swap3A_1249 = arith.index_cast %add3A_1163 : i32 to index
        %swap3A_1250 = arith.constant 112 : index
        %swap3A_1251 = tpu.vector_load %arg11[%swap3A_1249, %swap3A_1250] {strides = array<i32>} : memref<128x128xf32, #tpu.memory_space<vmem>>, vector<1x16xf32>,
        %swap3A_1252 = vector.shape_cast %swap3A_1251 : vector<1x16xf32> to vector<16xf32>
        %swap3A_1253 = vector.shape_cast %mul3A_1248 : vector<16xf32> to vector<1x16xf32>
        tpu.vector_store %arg11[%swap3A_1249, %swap3A_1250], %swap3A_1253 {strides = array<i32>} : memref<128x128xf32, #tpu.memory_space<vmem>>, vector<1x16xf32>,
        %mul3A_1254 = arith.constant 16 : i32
        %mul3A_1255 = arith.muli %scan3A_29, %mul3A_1254 : i32
        %add3A_1256 = arith.constant 13 : i32
        %add3A_1257 = arith.addi %mul3A_1255, %add3A_1256 : i32
        %slice3A_1258 = vector.extract_strided_slice %get3A_34 {offsets = [13], sizes = [1], strides = [1]} : vector<16xf32> to vector<1xf32>
        %squeeze3A_1259 = vector.extract %slice3A_1258[0] : f32 from vector<1xf32>
        %get3A_1260 = arith.index_cast %add3A_1257 : i32 to index
        %get3A_1261 = arith.constant 0 : index
        %get3A_1262 = tpu.vector_load %arg11[%get3A_1260, %get3A_1261] {strides = array<i32>} : memref<128x128xf32, #tpu.memory_space<vmem>>, vector<1x16xf32>,
        %get3A_1263 = vector.shape_cast %get3A_1262 : vector<1x16xf32> to vector<16xf32>
        %mul3A_1264 = vector.broadcast %squeeze3A_1259 : f32 to vector<16xf32>
        %mul3A_1265 = arith.mulf %get3A_1263, %mul3A_1264 : vector<16xf32>
        %swap3A_1266 = arith.index_cast %add3A_1257 : i32 to index
        %swap3A_1267 = arith.constant 0 : index
        %swap3A_1268 = tpu.vector_load %arg11[%swap3A_1266, %swap3A_1267] {strides = array<i32>} : memref<128x128xf32, #tpu.memory_space<vmem>>, vector<1x16xf32>,
        %swap3A_1269 = vector.shape_cast %swap3A_1268 : vector<1x16xf32> to vector<16xf32>
        %swap3A_1270 = vector.shape_cast %mul3A_1265 : vector<16xf32> to vector<1x16xf32>
        tpu.vector_store %arg11[%swap3A_1266, %swap3A_1267], %swap3A_1270 {strides = array<i32>} : memref<128x128xf32, #tpu.memory_space<vmem>>, vector<1x16xf32>,
        %get3A_1271 = arith.index_cast %add3A_1257 : i32 to index
        %get3A_1272 = arith.constant 16 : index
        %get3A_1273 = tpu.vector_load %arg11[%get3A_1271, %get3A_1272] {strides = array<i32>} : memref<128x128xf32, #tpu.memory_space<vmem>>, vector<1x16xf32>,
        %get3A_1274 = vector.shape_cast %get3A_1273 : vector<1x16xf32> to vector<16xf32>
        %mul3A_1275 = vector.broadcast %squeeze3A_1259 : f32 to vector<16xf32>
        %mul3A_1276 = arith.mulf %get3A_1274, %mul3A_1275 : vector<16xf32>
        %swap3A_1277 = arith.index_cast %add3A_1257 : i32 to index
        %swap3A_1278 = arith.constant 16 : index
        %swap3A_1279 = tpu.vector_load %arg11[%swap3A_1277, %swap3A_1278] {strides = array<i32>} : memref<128x128xf32, #tpu.memory_space<vmem>>, vector<1x16xf32>,
        %swap3A_1280 = vector.shape_cast %swap3A_1279 : vector<1x16xf32> to vector<16xf32>
        %swap3A_1281 = vector.shape_cast %mul3A_1276 : vector<16xf32> to vector<1x16xf32>
        tpu.vector_store %arg11[%swap3A_1277, %swap3A_1278], %swap3A_1281 {strides = array<i32>} : memref<128x128xf32, #tpu.memory_space<vmem>>, vector<1x16xf32>,
        %get3A_1282 = arith.index_cast %add3A_1257 : i32 to index
        %get3A_1283 = arith.constant 32 : index
        %get3A_1284 = tpu.vector_load %arg11[%get3A_1282, %get3A_1283] {strides = array<i32>} : memref<128x128xf32, #tpu.memory_space<vmem>>, vector<1x16xf32>,
        %get3A_1285 = vector.shape_cast %get3A_1284 : vector<1x16xf32> to vector<16xf32>
        %mul3A_1286 = vector.broadcast %squeeze3A_1259 : f32 to vector<16xf32>
        %mul3A_1287 = arith.mulf %get3A_1285, %mul3A_1286 : vector<16xf32>
        %swap3A_1288 = arith.index_cast %add3A_1257 : i32 to index
        %swap3A_1289 = arith.constant 32 : index
        %swap3A_1290 = tpu.vector_load %arg11[%swap3A_1288, %swap3A_1289] {strides = array<i32>} : memref<128x128xf32, #tpu.memory_space<vmem>>, vector<1x16xf32>,
        %swap3A_1291 = vector.shape_cast %swap3A_1290 : vector<1x16xf32> to vector<16xf32>
        %swap3A_1292 = vector.shape_cast %mul3A_1287 : vector<16xf32> to vector<1x16xf32>
        tpu.vector_store %arg11[%swap3A_1288, %swap3A_1289], %swap3A_1292 {strides = array<i32>} : memref<128x128xf32, #tpu.memory_space<vmem>>, vector<1x16xf32>,
        %get3A_1293 = arith.index_cast %add3A_1257 : i32 to index
        %get3A_1294 = arith.constant 48 : index
        %get3A_1295 = tpu.vector_load %arg11[%get3A_1293, %get3A_1294] {strides = array<i32>} : memref<128x128xf32, #tpu.memory_space<vmem>>, vector<1x16xf32>,
        %get3A_1296 = vector.shape_cast %get3A_1295 : vector<1x16xf32> to vector<16xf32>
        %mul3A_1297 = vector.broadcast %squeeze3A_1259 : f32 to vector<16xf32>
        %mul3A_1298 = arith.mulf %get3A_1296, %mul3A_1297 : vector<16xf32>
        %swap3A_1299 = arith.index_cast %add3A_1257 : i32 to index
        %swap3A_1300 = arith.constant 48 : index
        %swap3A_1301 = tpu.vector_load %arg11[%swap3A_1299, %swap3A_1300] {strides = array<i32>} : memref<128x128xf32, #tpu.memory_space<vmem>>, vector<1x16xf32>,
        %swap3A_1302 = vector.shape_cast %swap3A_1301 : vector<1x16xf32> to vector<16xf32>
        %swap3A_1303 = vector.shape_cast %mul3A_1298 : vector<16xf32> to vector<1x16xf32>
        tpu.vector_store %arg11[%swap3A_1299, %swap3A_1300], %swap3A_1303 {strides = array<i32>} : memref<128x128xf32, #tpu.memory_space<vmem>>, vector<1x16xf32>,
        %get3A_1304 = arith.index_cast %add3A_1257 : i32 to index
        %get3A_1305 = arith.constant 64 : index
        %get3A_1306 = tpu.vector_load %arg11[%get3A_1304, %get3A_1305] {strides = array<i32>} : memref<128x128xf32, #tpu.memory_space<vmem>>, vector<1x16xf32>,
        %get3A_1307 = vector.shape_cast %get3A_1306 : vector<1x16xf32> to vector<16xf32>
        %mul3A_1308 = vector.broadcast %squeeze3A_1259 : f32 to vector<16xf32>
        %mul3A_1309 = arith.mulf %get3A_1307, %mul3A_1308 : vector<16xf32>
        %swap3A_1310 = arith.index_cast %add3A_1257 : i32 to index
        %swap3A_1311 = arith.constant 64 : index
        %swap3A_1312 = tpu.vector_load %arg11[%swap3A_1310, %swap3A_1311] {strides = array<i32>} : memref<128x128xf32, #tpu.memory_space<vmem>>, vector<1x16xf32>,
        %swap3A_1313 = vector.shape_cast %swap3A_1312 : vector<1x16xf32> to vector<16xf32>
        %swap3A_1314 = vector.shape_cast %mul3A_1309 : vector<16xf32> to vector<1x16xf32>
        tpu.vector_store %arg11[%swap3A_1310, %swap3A_1311], %swap3A_1314 {strides = array<i32>} : memref<128x128xf32, #tpu.memory_space<vmem>>, vector<1x16xf32>,
        %get3A_1315 = arith.index_cast %add3A_1257 : i32 to index
        %get3A_1316 = arith.constant 80 : index
        %get3A_1317 = tpu.vector_load %arg11[%get3A_1315, %get3A_1316] {strides = array<i32>} : memref<128x128xf32, #tpu.memory_space<vmem>>, vector<1x16xf32>,
        %get3A_1318 = vector.shape_cast %get3A_1317 : vector<1x16xf32> to vector<16xf32>
        %mul3A_1319 = vector.broadcast %squeeze3A_1259 : f32 to vector<16xf32>
        %mul3A_1320 = arith.mulf %get3A_1318, %mul3A_1319 : vector<16xf32>
        %swap3A_1321 = arith.index_cast %add3A_1257 : i32 to index
        %swap3A_1322 = arith.constant 80 : index
        %swap3A_1323 = tpu.vector_load %arg11[%swap3A_1321, %swap3A_1322] {strides = array<i32>} : memref<128x128xf32, #tpu.memory_space<vmem>>, vector<1x16xf32>,
        %swap3A_1324 = vector.shape_cast %swap3A_1323 : vector<1x16xf32> to vector<16xf32>
        %swap3A_1325 = vector.shape_cast %mul3A_1320 : vector<16xf32> to vector<1x16xf32>
        tpu.vector_store %arg11[%swap3A_1321, %swap3A_1322], %swap3A_1325 {strides = array<i32>} : memref<128x128xf32, #tpu.memory_space<vmem>>, vector<1x16xf32>,
        %get3A_1326 = arith.index_cast %add3A_1257 : i32 to index
        %get3A_1327 = arith.constant 96 : index
        %get3A_1328 = tpu.vector_load %arg11[%get3A_1326, %get3A_1327] {strides = array<i32>} : memref<128x128xf32, #tpu.memory_space<vmem>>, vector<1x16xf32>,
        %get3A_1329 = vector.shape_cast %get3A_1328 : vector<1x16xf32> to vector<16xf32>
        %mul3A_1330 = vector.broadcast %squeeze3A_1259 : f32 to vector<16xf32>
        %mul3A_1331 = arith.mulf %get3A_1329, %mul3A_1330 : vector<16xf32>
        %swap3A_1332 = arith.index_cast %add3A_1257 : i32 to index
        %swap3A_1333 = arith.constant 96 : index
        %swap3A_1334 = tpu.vector_load %arg11[%swap3A_1332, %swap3A_1333] {strides = array<i32>} : memref<128x128xf32, #tpu.memory_space<vmem>>, vector<1x16xf32>,
        %swap3A_1335 = vector.shape_cast %swap3A_1334 : vector<1x16xf32> to vector<16xf32>
        %swap3A_1336 = vector.shape_cast %mul3A_1331 : vector<16xf32> to vector<1x16xf32>
        tpu.vector_store %arg11[%swap3A_1332, %swap3A_1333], %swap3A_1336 {strides = array<i32>} : memref<128x128xf32, #tpu.memory_space<vmem>>, vector<1x16xf32>,
        %get3A_1337 = arith.index_cast %add3A_1257 : i32 to index
        %get3A_1338 = arith.constant 112 : index
        %get3A_1339 = tpu.vector_load %arg11[%get3A_1337, %get3A_1338] {strides = array<i32>} : memref<128x128xf32, #tpu.memory_space<vmem>>, vector<1x16xf32>,
        %get3A_1340 = vector.shape_cast %get3A_1339 : vector<1x16xf32> to vector<16xf32>
        %mul3A_1341 = vector.broadcast %squeeze3A_1259 : f32 to vector<16xf32>
        %mul3A_1342 = arith.mulf %get3A_1340, %mul3A_1341 : vector<16xf32>
        %swap3A_1343 = arith.index_cast %add3A_1257 : i32 to index
        %swap3A_1344 = arith.constant 112 : index
        %swap3A_1345 = tpu.vector_load %arg11[%swap3A_1343, %swap3A_1344] {strides = array<i32>} : memref<128x128xf32, #tpu.memory_space<vmem>>, vector<1x16xf32>,
        %swap3A_1346 = vector.shape_cast %swap3A_1345 : vector<1x16xf32> to vector<16xf32>
        %swap3A_1347 = vector.shape_cast %mul3A_1342 : vector<16xf32> to vector<1x16xf32>
        tpu.vector_store %arg11[%swap3A_1343, %swap3A_1344], %swap3A_1347 {strides = array<i32>} : memref<128x128xf32, #tpu.memory_space<vmem>>, vector<1x16xf32>,
        %mul3A_1348 = arith.constant 16 : i32
        %mul3A_1349 = arith.muli %scan3A_29, %mul3A_1348 : i32
        %add3A_1350 = arith.constant 14 : i32
        %add3A_1351 = arith.addi %mul3A_1349, %add3A_1350 : i32
        %slice3A_1352 = vector.extract_strided_slice %get3A_34 {offsets = [14], sizes = [1], strides = [1]} : vector<16xf32> to vector<1xf32>
        %squeeze3A_1353 = vector.extract %slice3A_1352[0] : f32 from vector<1xf32>
        %get3A_1354 = arith.index_cast %add3A_1351 : i32 to index
        %get3A_1355 = arith.constant 0 : index
        %get3A_1356 = tpu.vector_load %arg11[%get3A_1354, %get3A_1355] {strides = array<i32>} : memref<128x128xf32, #tpu.memory_space<vmem>>, vector<1x16xf32>,
        %get3A_1357 = vector.shape_cast %get3A_1356 : vector<1x16xf32> to vector<16xf32>
        %mul3A_1358 = vector.broadcast %squeeze3A_1353 : f32 to vector<16xf32>
        %mul3A_1359 = arith.mulf %get3A_1357, %mul3A_1358 : vector<16xf32>
        %swap3A_1360 = arith.index_cast %add3A_1351 : i32 to index
        %swap3A_1361 = arith.constant 0 : index
        %swap3A_1362 = tpu.vector_load %arg11[%swap3A_1360, %swap3A_1361] {strides = array<i32>} : memref<128x128xf32, #tpu.memory_space<vmem>>, vector<1x16xf32>,
        %swap3A_1363 = vector.shape_cast %swap3A_1362 : vector<1x16xf32> to vector<16xf32>
        %swap3A_1364 = vector.shape_cast %mul3A_1359 : vector<16xf32> to vector<1x16xf32>
        tpu.vector_store %arg11[%swap3A_1360, %swap3A_1361], %swap3A_1364 {strides = array<i32>} : memref<128x128xf32, #tpu.memory_space<vmem>>, vector<1x16xf32>,
        %get3A_1365 = arith.index_cast %add3A_1351 : i32 to index
        %get3A_1366 = arith.constant 16 : index
        %get3A_1367 = tpu.vector_load %arg11[%get3A_1365, %get3A_1366] {strides = array<i32>} : memref<128x128xf32, #tpu.memory_space<vmem>>, vector<1x16xf32>,
        %get3A_1368 = vector.shape_cast %get3A_1367 : vector<1x16xf32> to vector<16xf32>
        %mul3A_1369 = vector.broadcast %squeeze3A_1353 : f32 to vector<16xf32>
        %mul3A_1370 = arith.mulf %get3A_1368, %mul3A_1369 : vector<16xf32>
        %swap3A_1371 = arith.index_cast %add3A_1351 : i32 to index
        %swap3A_1372 = arith.constant 16 : index
        %swap3A_1373 = tpu.vector_load %arg11[%swap3A_1371, %swap3A_1372] {strides = array<i32>} : memref<128x128xf32, #tpu.memory_space<vmem>>, vector<1x16xf32>,
        %swap3A_1374 = vector.shape_cast %swap3A_1373 : vector<1x16xf32> to vector<16xf32>
        %swap3A_1375 = vector.shape_cast %mul3A_1370 : vector<16xf32> to vector<1x16xf32>
        tpu.vector_store %arg11[%swap3A_1371, %swap3A_1372], %swap3A_1375 {strides = array<i32>} : memref<128x128xf32, #tpu.memory_space<vmem>>, vector<1x16xf32>,
        %get3A_1376 = arith.index_cast %add3A_1351 : i32 to index
        %get3A_1377 = arith.constant 32 : index
        %get3A_1378 = tpu.vector_load %arg11[%get3A_1376, %get3A_1377] {strides = array<i32>} : memref<128x128xf32, #tpu.memory_space<vmem>>, vector<1x16xf32>,
        %get3A_1379 = vector.shape_cast %get3A_1378 : vector<1x16xf32> to vector<16xf32>
        %mul3A_1380 = vector.broadcast %squeeze3A_1353 : f32 to vector<16xf32>
        %mul3A_1381 = arith.mulf %get3A_1379, %mul3A_1380 : vector<16xf32>
        %swap3A_1382 = arith.index_cast %add3A_1351 : i32 to index
        %swap3A_1383 = arith.constant 32 : index
        %swap3A_1384 = tpu.vector_load %arg11[%swap3A_1382, %swap3A_1383] {strides = array<i32>} : memref<128x128xf32, #tpu.memory_space<vmem>>, vector<1x16xf32>,
        %swap3A_1385 = vector.shape_cast %swap3A_1384 : vector<1x16xf32> to vector<16xf32>
        %swap3A_1386 = vector.shape_cast %mul3A_1381 : vector<16xf32> to vector<1x16xf32>
        tpu.vector_store %arg11[%swap3A_1382, %swap3A_1383], %swap3A_1386 {strides = array<i32>} : memref<128x128xf32, #tpu.memory_space<vmem>>, vector<1x16xf32>,
        %get3A_1387 = arith.index_cast %add3A_1351 : i32 to index
        %get3A_1388 = arith.constant 48 : index
        %get3A_1389 = tpu.vector_load %arg11[%get3A_1387, %get3A_1388] {strides = array<i32>} : memref<128x128xf32, #tpu.memory_space<vmem>>, vector<1x16xf32>,
        %get3A_1390 = vector.shape_cast %get3A_1389 : vector<1x16xf32> to vector<16xf32>
        %mul3A_1391 = vector.broadcast %squeeze3A_1353 : f32 to vector<16xf32>
        %mul3A_1392 = arith.mulf %get3A_1390, %mul3A_1391 : vector<16xf32>
        %swap3A_1393 = arith.index_cast %add3A_1351 : i32 to index
        %swap3A_1394 = arith.constant 48 : index
        %swap3A_1395 = tpu.vector_load %arg11[%swap3A_1393, %swap3A_1394] {strides = array<i32>} : memref<128x128xf32, #tpu.memory_space<vmem>>, vector<1x16xf32>,
        %swap3A_1396 = vector.shape_cast %swap3A_1395 : vector<1x16xf32> to vector<16xf32>
        %swap3A_1397 = vector.shape_cast %mul3A_1392 : vector<16xf32> to vector<1x16xf32>
        tpu.vector_store %arg11[%swap3A_1393, %swap3A_1394], %swap3A_1397 {strides = array<i32>} : memref<128x128xf32, #tpu.memory_space<vmem>>, vector<1x16xf32>,
        %get3A_1398 = arith.index_cast %add3A_1351 : i32 to index
        %get3A_1399 = arith.constant 64 : index
        %get3A_1400 = tpu.vector_load %arg11[%get3A_1398, %get3A_1399] {strides = array<i32>} : memref<128x128xf32, #tpu.memory_space<vmem>>, vector<1x16xf32>,
        %get3A_1401 = vector.shape_cast %get3A_1400 : vector<1x16xf32> to vector<16xf32>
        %mul3A_1402 = vector.broadcast %squeeze3A_1353 : f32 to vector<16xf32>
        %mul3A_1403 = arith.mulf %get3A_1401, %mul3A_1402 : vector<16xf32>
        %swap3A_1404 = arith.index_cast %add3A_1351 : i32 to index
        %swap3A_1405 = arith.constant 64 : index
        %swap3A_1406 = tpu.vector_load %arg11[%swap3A_1404, %swap3A_1405] {strides = array<i32>} : memref<128x128xf32, #tpu.memory_space<vmem>>, vector<1x16xf32>,
        %swap3A_1407 = vector.shape_cast %swap3A_1406 : vector<1x16xf32> to vector<16xf32>
        %swap3A_1408 = vector.shape_cast %mul3A_1403 : vector<16xf32> to vector<1x16xf32>
        tpu.vector_store %arg11[%swap3A_1404, %swap3A_1405], %swap3A_1408 {strides = array<i32>} : memref<128x128xf32, #tpu.memory_space<vmem>>, vector<1x16xf32>,
        %get3A_1409 = arith.index_cast %add3A_1351 : i32 to index
        %get3A_1410 = arith.constant 80 : index
        %get3A_1411 = tpu.vector_load %arg11[%get3A_1409, %get3A_1410] {strides = array<i32>} : memref<128x128xf32, #tpu.memory_space<vmem>>, vector<1x16xf32>,
        %get3A_1412 = vector.shape_cast %get3A_1411 : vector<1x16xf32> to vector<16xf32>
        %mul3A_1413 = vector.broadcast %squeeze3A_1353 : f32 to vector<16xf32>
        %mul3A_1414 = arith.mulf %get3A_1412, %mul3A_1413 : vector<16xf32>
        %swap3A_1415 = arith.index_cast %add3A_1351 : i32 to index
        %swap3A_1416 = arith.constant 80 : index
        %swap3A_1417 = tpu.vector_load %arg11[%swap3A_1415, %swap3A_1416] {strides = array<i32>} : memref<128x128xf32, #tpu.memory_space<vmem>>, vector<1x16xf32>,
        %swap3A_1418 = vector.shape_cast %swap3A_1417 : vector<1x16xf32> to vector<16xf32>
        %swap3A_1419 = vector.shape_cast %mul3A_1414 : vector<16xf32> to vector<1x16xf32>
        tpu.vector_store %arg11[%swap3A_1415, %swap3A_1416], %swap3A_1419 {strides = array<i32>} : memref<128x128xf32, #tpu.memory_space<vmem>>, vector<1x16xf32>,
        %get3A_1420 = arith.index_cast %add3A_1351 : i32 to index
        %get3A_1421 = arith.constant 96 : index
        %get3A_1422 = tpu.vector_load %arg11[%get3A_1420, %get3A_1421] {strides = array<i32>} : memref<128x128xf32, #tpu.memory_space<vmem>>, vector<1x16xf32>,
        %get3A_1423 = vector.shape_cast %get3A_1422 : vector<1x16xf32> to vector<16xf32>
        %mul3A_1424 = vector.broadcast %squeeze3A_1353 : f32 to vector<16xf32>
        %mul3A_1425 = arith.mulf %get3A_1423, %mul3A_1424 : vector<16xf32>
        %swap3A_1426 = arith.index_cast %add3A_1351 : i32 to index
        %swap3A_1427 = arith.constant 96 : index
        %swap3A_1428 = tpu.vector_load %arg11[%swap3A_1426, %swap3A_1427] {strides = array<i32>} : memref<128x128xf32, #tpu.memory_space<vmem>>, vector<1x16xf32>,
        %swap3A_1429 = vector.shape_cast %swap3A_1428 : vector<1x16xf32> to vector<16xf32>
        %swap3A_1430 = vector.shape_cast %mul3A_1425 : vector<16xf32> to vector<1x16xf32>
        tpu.vector_store %arg11[%swap3A_1426, %swap3A_1427], %swap3A_1430 {strides = array<i32>} : memref<128x128xf32, #tpu.memory_space<vmem>>, vector<1x16xf32>,
        %get3A_1431 = arith.index_cast %add3A_1351 : i32 to index
        %get3A_1432 = arith.constant 112 : index
        %get3A_1433 = tpu.vector_load %arg11[%get3A_1431, %get3A_1432] {strides = array<i32>} : memref<128x128xf32, #tpu.memory_space<vmem>>, vector<1x16xf32>,
        %get3A_1434 = vector.shape_cast %get3A_1433 : vector<1x16xf32> to vector<16xf32>
        %mul3A_1435 = vector.broadcast %squeeze3A_1353 : f32 to vector<16xf32>
        %mul3A_1436 = arith.mulf %get3A_1434, %mul3A_1435 : vector<16xf32>
        %swap3A_1437 = arith.index_cast %add3A_1351 : i32 to index
        %swap3A_1438 = arith.constant 112 : index
        %swap3A_1439 = tpu.vector_load %arg11[%swap3A_1437, %swap3A_1438] {strides = array<i32>} : memref<128x128xf32, #tpu.memory_space<vmem>>, vector<1x16xf32>,
        %swap3A_1440 = vector.shape_cast %swap3A_1439 : vector<1x16xf32> to vector<16xf32>
        %swap3A_1441 = vector.shape_cast %mul3A_1436 : vector<16xf32> to vector<1x16xf32>
        tpu.vector_store %arg11[%swap3A_1437, %swap3A_1438], %swap3A_1441 {strides = array<i32>} : memref<128x128xf32, #tpu.memory_space<vmem>>, vector<1x16xf32>,
        %mul3A_1442 = arith.constant 16 : i32
        %mul3A_1443 = arith.muli %scan3A_29, %mul3A_1442 : i32
        %add3A_1444 = arith.constant 15 : i32
        %add3A_1445 = arith.addi %mul3A_1443, %add3A_1444 : i32
        %slice3A_1446 = vector.extract_strided_slice %get3A_34 {offsets = [15], sizes = [1], strides = [1]} : vector<16xf32> to vector<1xf32>
        %squeeze3A_1447 = vector.extract %slice3A_1446[0] : f32 from vector<1xf32>
        %get3A_1448 = arith.index_cast %add3A_1445 : i32 to index
        %get3A_1449 = arith.constant 0 : index
        %get3A_1450 = tpu.vector_load %arg11[%get3A_1448, %get3A_1449] {strides = array<i32>} : memref<128x128xf32, #tpu.memory_space<vmem>>, vector<1x16xf32>,
        %get3A_1451 = vector.shape_cast %get3A_1450 : vector<1x16xf32> to vector<16xf32>
        %mul3A_1452 = vector.broadcast %squeeze3A_1447 : f32 to vector<16xf32>
        %mul3A_1453 = arith.mulf %get3A_1451, %mul3A_1452 : vector<16xf32>
        %swap3A_1454 = arith.index_cast %add3A_1445 : i32 to index
        %swap3A_1455 = arith.constant 0 : index
        %swap3A_1456 = tpu.vector_load %arg11[%swap3A_1454, %swap3A_1455] {strides = array<i32>} : memref<128x128xf32, #tpu.memory_space<vmem>>, vector<1x16xf32>,
        %swap3A_1457 = vector.shape_cast %swap3A_1456 : vector<1x16xf32> to vector<16xf32>
        %swap3A_1458 = vector.shape_cast %mul3A_1453 : vector<16xf32> to vector<1x16xf32>
        tpu.vector_store %arg11[%swap3A_1454, %swap3A_1455], %swap3A_1458 {strides = array<i32>} : memref<128x128xf32, #tpu.memory_space<vmem>>, vector<1x16xf32>,
        %get3A_1459 = arith.index_cast %add3A_1445 : i32 to index
        %get3A_1460 = arith.constant 16 : index
        %get3A_1461 = tpu.vector_load %arg11[%get3A_1459, %get3A_1460] {strides = array<i32>} : memref<128x128xf32, #tpu.memory_space<vmem>>, vector<1x16xf32>,
        %get3A_1462 = vector.shape_cast %get3A_1461 : vector<1x16xf32> to vector<16xf32>
        %mul3A_1463 = vector.broadcast %squeeze3A_1447 : f32 to vector<16xf32>
        %mul3A_1464 = arith.mulf %get3A_1462, %mul3A_1463 : vector<16xf32>
        %swap3A_1465 = arith.index_cast %add3A_1445 : i32 to index
        %swap3A_1466 = arith.constant 16 : index
        %swap3A_1467 = tpu.vector_load %arg11[%swap3A_1465, %swap3A_1466] {strides = array<i32>} : memref<128x128xf32, #tpu.memory_space<vmem>>, vector<1x16xf32>,
        %swap3A_1468 = vector.shape_cast %swap3A_1467 : vector<1x16xf32> to vector<16xf32>
        %swap3A_1469 = vector.shape_cast %mul3A_1464 : vector<16xf32> to vector<1x16xf32>
        tpu.vector_store %arg11[%swap3A_1465, %swap3A_1466], %swap3A_1469 {strides = array<i32>} : memref<128x128xf32, #tpu.memory_space<vmem>>, vector<1x16xf32>,
        %get3A_1470 = arith.index_cast %add3A_1445 : i32 to index
        %get3A_1471 = arith.constant 32 : index
        %get3A_1472 = tpu.vector_load %arg11[%get3A_1470, %get3A_1471] {strides = array<i32>} : memref<128x128xf32, #tpu.memory_space<vmem>>, vector<1x16xf32>,
        %get3A_1473 = vector.shape_cast %get3A_1472 : vector<1x16xf32> to vector<16xf32>
        %mul3A_1474 = vector.broadcast %squeeze3A_1447 : f32 to vector<16xf32>
        %mul3A_1475 = arith.mulf %get3A_1473, %mul3A_1474 : vector<16xf32>
        %swap3A_1476 = arith.index_cast %add3A_1445 : i32 to index
        %swap3A_1477 = arith.constant 32 : index
        %swap3A_1478 = tpu.vector_load %arg11[%swap3A_1476, %swap3A_1477] {strides = array<i32>} : memref<128x128xf32, #tpu.memory_space<vmem>>, vector<1x16xf32>,
        %swap3A_1479 = vector.shape_cast %swap3A_1478 : vector<1x16xf32> to vector<16xf32>
        %swap3A_1480 = vector.shape_cast %mul3A_1475 : vector<16xf32> to vector<1x16xf32>
        tpu.vector_store %arg11[%swap3A_1476, %swap3A_1477], %swap3A_1480 {strides = array<i32>} : memref<128x128xf32, #tpu.memory_space<vmem>>, vector<1x16xf32>,
        %get3A_1481 = arith.index_cast %add3A_1445 : i32 to index
        %get3A_1482 = arith.constant 48 : index
        %get3A_1483 = tpu.vector_load %arg11[%get3A_1481, %get3A_1482] {strides = array<i32>} : memref<128x128xf32, #tpu.memory_space<vmem>>, vector<1x16xf32>,
        %get3A_1484 = vector.shape_cast %get3A_1483 : vector<1x16xf32> to vector<16xf32>
        %mul3A_1485 = vector.broadcast %squeeze3A_1447 : f32 to vector<16xf32>
        %mul3A_1486 = arith.mulf %get3A_1484, %mul3A_1485 : vector<16xf32>
        %swap3A_1487 = arith.index_cast %add3A_1445 : i32 to index
        %swap3A_1488 = arith.constant 48 : index
        %swap3A_1489 = tpu.vector_load %arg11[%swap3A_1487, %swap3A_1488] {strides = array<i32>} : memref<128x128xf32, #tpu.memory_space<vmem>>, vector<1x16xf32>,
        %swap3A_1490 = vector.shape_cast %swap3A_1489 : vector<1x16xf32> to vector<16xf32>
        %swap3A_1491 = vector.shape_cast %mul3A_1486 : vector<16xf32> to vector<1x16xf32>
        tpu.vector_store %arg11[%swap3A_1487, %swap3A_1488], %swap3A_1491 {strides = array<i32>} : memref<128x128xf32, #tpu.memory_space<vmem>>, vector<1x16xf32>,
        %get3A_1492 = arith.index_cast %add3A_1445 : i32 to index
        %get3A_1493 = arith.constant 64 : index
        %get3A_1494 = tpu.vector_load %arg11[%get3A_1492, %get3A_1493] {strides = array<i32>} : memref<128x128xf32, #tpu.memory_space<vmem>>, vector<1x16xf32>,
        %get3A_1495 = vector.shape_cast %get3A_1494 : vector<1x16xf32> to vector<16xf32>
        %mul3A_1496 = vector.broadcast %squeeze3A_1447 : f32 to vector<16xf32>
        %mul3A_1497 = arith.mulf %get3A_1495, %mul3A_1496 : vector<16xf32>
        %swap3A_1498 = arith.index_cast %add3A_1445 : i32 to index
        %swap3A_1499 = arith.constant 64 : index
        %swap3A_1500 = tpu.vector_load %arg11[%swap3A_1498, %swap3A_1499] {strides = array<i32>} : memref<128x128xf32, #tpu.memory_space<vmem>>, vector<1x16xf32>,
        %swap3A_1501 = vector.shape_cast %swap3A_1500 : vector<1x16xf32> to vector<16xf32>
        %swap3A_1502 = vector.shape_cast %mul3A_1497 : vector<16xf32> to vector<1x16xf32>
        tpu.vector_store %arg11[%swap3A_1498, %swap3A_1499], %swap3A_1502 {strides = array<i32>} : memref<128x128xf32, #tpu.memory_space<vmem>>, vector<1x16xf32>,
        %get3A_1503 = arith.index_cast %add3A_1445 : i32 to index
        %get3A_1504 = arith.constant 80 : index
        %get3A_1505 = tpu.vector_load %arg11[%get3A_1503, %get3A_1504] {strides = array<i32>} : memref<128x128xf32, #tpu.memory_space<vmem>>, vector<1x16xf32>,
        %get3A_1506 = vector.shape_cast %get3A_1505 : vector<1x16xf32> to vector<16xf32>
        %mul3A_1507 = vector.broadcast %squeeze3A_1447 : f32 to vector<16xf32>
        %mul3A_1508 = arith.mulf %get3A_1506, %mul3A_1507 : vector<16xf32>
        %swap3A_1509 = arith.index_cast %add3A_1445 : i32 to index
        %swap3A_1510 = arith.constant 80 : index
        %swap3A_1511 = tpu.vector_load %arg11[%swap3A_1509, %swap3A_1510] {strides = array<i32>} : memref<128x128xf32, #tpu.memory_space<vmem>>, vector<1x16xf32>,
        %swap3A_1512 = vector.shape_cast %swap3A_1511 : vector<1x16xf32> to vector<16xf32>
        %swap3A_1513 = vector.shape_cast %mul3A_1508 : vector<16xf32> to vector<1x16xf32>
        tpu.vector_store %arg11[%swap3A_1509, %swap3A_1510], %swap3A_1513 {strides = array<i32>} : memref<128x128xf32, #tpu.memory_space<vmem>>, vector<1x16xf32>,
        %get3A_1514 = arith.index_cast %add3A_1445 : i32 to index
        %get3A_1515 = arith.constant 96 : index
        %get3A_1516 = tpu.vector_load %arg11[%get3A_1514, %get3A_1515] {strides = array<i32>} : memref<128x128xf32, #tpu.memory_space<vmem>>, vector<1x16xf32>,
        %get3A_1517 = vector.shape_cast %get3A_1516 : vector<1x16xf32> to vector<16xf32>
        %mul3A_1518 = vector.broadcast %squeeze3A_1447 : f32 to vector<16xf32>
        %mul3A_1519 = arith.mulf %get3A_1517, %mul3A_1518 : vector<16xf32>
        %swap3A_1520 = arith.index_cast %add3A_1445 : i32 to index
        %swap3A_1521 = arith.constant 96 : index
        %swap3A_1522 = tpu.vector_load %arg11[%swap3A_1520, %swap3A_1521] {strides = array<i32>} : memref<128x128xf32, #tpu.memory_space<vmem>>, vector<1x16xf32>,
        %swap3A_1523 = vector.shape_cast %swap3A_1522 : vector<1x16xf32> to vector<16xf32>
        %swap3A_1524 = vector.shape_cast %mul3A_1519 : vector<16xf32> to vector<1x16xf32>
        tpu.vector_store %arg11[%swap3A_1520, %swap3A_1521], %swap3A_1524 {strides = array<i32>} : memref<128x128xf32, #tpu.memory_space<vmem>>, vector<1x16xf32>,
        %get3A_1525 = arith.index_cast %add3A_1445 : i32 to index
        %get3A_1526 = arith.constant 112 : index
        %get3A_1527 = tpu.vector_load %arg11[%get3A_1525, %get3A_1526] {strides = array<i32>} : memref<128x128xf32, #tpu.memory_space<vmem>>, vector<1x16xf32>,
        %get3A_1528 = vector.shape_cast %get3A_1527 : vector<1x16xf32> to vector<16xf32>
        %mul3A_1529 = vector.broadcast %squeeze3A_1447 : f32 to vector<16xf32>
        %mul3A_1530 = arith.mulf %get3A_1528, %mul3A_1529 : vector<16xf32>
        %swap3A_1531 = arith.index_cast %add3A_1445 : i32 to index
        %swap3A_1532 = arith.constant 112 : index
        %swap3A_1533 = tpu.vector_load %arg11[%swap3A_1531, %swap3A_1532] {strides = array<i32>} : memref<128x128xf32, #tpu.memory_space<vmem>>, vector<1x16xf32>,
        %swap3A_1534 = vector.shape_cast %swap3A_1533 : vector<1x16xf32> to vector<16xf32>
        %swap3A_1535 = vector.shape_cast %mul3A_1530 : vector<16xf32> to vector<1x16xf32>
        tpu.vector_store %arg11[%swap3A_1531, %swap3A_1532], %swap3A_1535 {strides = array<i32>} : memref<128x128xf32, #tpu.memory_space<vmem>>, vector<1x16xf32>,
        %scan3A_1536 = arith.constant 0 : i32
        scf.yield %scan3A_1536 : i32
      }
      %scan3A_27 = arith.constant 8 : i32
      "tpu.region"() ({
        %run_scoped3A = tpu.sem_alloc : memref<!tpu.dma_semaphore, #tpu.memory_space<semaphore_mem>>
        %dma_start3A_29 = arith.constant 0 : i32
        %dma_start3A_30 = arith.constant 0 : i32
        %dma_start3A_31 = tpu.memref_slice %arg12[%dma_start3A_29, %dma_start3A_30] : memref<2048x128xf32, #tpu.memory_space<vmem_shared>> -> memref<2048x128xf32, #tpu.memory_space<vmem_shared>>
        tpu.enqueue_indirect_dma source(%arg11 : memref<128x128xf32, #tpu.memory_space<vmem>>) target(%dma_start3A_31 : memref<2048x128xf32, #tpu.memory_space<vmem_shared>>) offsets(%arg9 : memref<128xi32, #tpu.memory_space<vmem>>) semaphore(%run_scoped3A : memref<!tpu.dma_semaphore, #tpu.memory_space<semaphore_mem>>) {add = true}
        %dma_wait3A_32 = arith.constant 0 : i32
        %dma_wait3A_33 = arith.constant 0 : i32
        %dma_wait3A_34 = tpu.memref_slice %arg12[%dma_wait3A_32, %dma_wait3A_33] : memref<2048x128xf32, #tpu.memory_space<vmem_shared>> -> memref<2048x128xf32, #tpu.memory_space<vmem_shared>>
        tpu.wait_indirect_dma semaphore(%run_scoped3A : memref<!tpu.dma_semaphore, #tpu.memory_space<semaphore_mem>>) src(%arg11 : memref<128x128xf32, #tpu.memory_space<vmem>>) dst(%dma_wait3A_34 : memref<2048x128xf32, #tpu.memory_space<vmem_shared>>)
        tpu.yield
      }) : () -> ()
      %scan3A_28 = arith.constant 0 : i32
      scf.yield %scan3A_28 : i32
    }
    %scan3A_10 = arith.constant 16 : i32
    %barrier3A_11 = arith.constant 0 : index
    tpu.barrier barrier_id(%barrier3A_11)
    "tpu.region"() ({
      %run_scoped3A = tpu.sem_alloc : memref<!tpu.dma_semaphore, #tpu.memory_space<semaphore_mem>>
      %dma_start3A = arith.constant 0 : i32
      %dma_start3A_12 = tpu.memref_slice %arg7[%arg0, %mul3A_0, %dma_start3A] : memref<2x2048x128xf32, #tpu.memory_space<hbm>> -> memref<1x128x128xf32, #tpu.memory_space<hbm>>
      %dma_start3A_13 = tpu.memref_squeeze %dma_start3A_12 : memref<1x128x128xf32, #tpu.memory_space<hbm>> -> memref<128x128xf32, #tpu.memory_space<hbm>>
      %dma_start3A_14 = arith.constant 0 : i32
      %dma_start3A_15 = tpu.memref_slice %arg12[%mul3A_0, %dma_start3A_14] : memref<2048x128xf32, #tpu.memory_space<vmem_shared>> -> memref<128x128xf32, #tpu.memory_space<vmem_shared>>
      tpu.enqueue_dma source(%dma_start3A_15 : memref<128x128xf32, #tpu.memory_space<vmem_shared>>) target(%dma_start3A_13 : memref<128x128xf32, #tpu.memory_space<hbm>>) target_semaphore(%run_scoped3A : memref<!tpu.dma_semaphore, #tpu.memory_space<semaphore_mem>>)
      %dma_wait3A = arith.constant 0 : i32
      %dma_wait3A_16 = tpu.memref_slice %arg7[%arg0, %mul3A_0, %dma_wait3A] : memref<2x2048x128xf32, #tpu.memory_space<hbm>> -> memref<1x128x128xf32, #tpu.memory_space<hbm>>
      %dma_wait3A_17 = tpu.memref_squeeze %dma_wait3A_16 : memref<1x128x128xf32, #tpu.memory_space<hbm>> -> memref<128x128xf32, #tpu.memory_space<hbm>>
      %dma_wait3A_18 = arith.constant 0 : i32
      %dma_wait3A_19 = tpu.memref_slice %arg12[%mul3A_0, %dma_wait3A_18] : memref<2048x128xf32, #tpu.memory_space<vmem_shared>> -> memref<128x128xf32, #tpu.memory_space<vmem_shared>>
      tpu.wait_dma2 semaphore(%run_scoped3A : memref<!tpu.dma_semaphore, #tpu.memory_space<semaphore_mem>>) src(%dma_wait3A_19 : memref<128x128xf32, #tpu.memory_space<vmem_shared>>) dst(%dma_wait3A_17 : memref<128x128xf32, #tpu.memory_space<hbm>>)
      tpu.yield
    }) : () -> ()
    return
  }
}

#map = affine_map<(d0, d1) -> (0, 0)>
#map1 = affine_map<(d0, d1) -> (0)>
#map2 = affine_map<(d0, d1) -> (0, 0, 0)>
module attributes {stable_mosaic.version = 14 : i64} {
  func.func @k(%arg0: i32, %arg1: i32, %arg2: memref<10000x128xf32, #tpu.memory_space<hbm>>, %arg3: memref<327680xi32, #tpu.memory_space<hbm>>, %arg4: memref<327680xi32, #tpu.memory_space<hbm>>, %arg5: memref<10000x128xf32, #tpu.memory_space<hbm>>, %arg6: memref<2x10000x128xf32, #tpu.memory_space<hbm>>, %arg7: memref<128xi32, #tpu.memory_space<vmem>>, %arg8: memref<128xi32, #tpu.memory_space<vmem>>, %arg9: memref<128xi32, #tpu.memory_space<vmem>>, %arg10: memref<128xi32, #tpu.memory_space<vmem>>, %arg11: memref<128x128xf32, #tpu.memory_space<vmem>>, %arg12: memref<128x128xf32, #tpu.memory_space<vmem>>, %arg13: memref<10128x128xf32, #tpu.memory_space<vmem_shared>>, %arg14: memref<!tpu.dma_semaphore, #tpu.memory_space<semaphore_mem>>, %arg15: memref<!tpu.dma_semaphore, #tpu.memory_space<semaphore_mem>>, %arg16: memref<!tpu.dma_semaphore, #tpu.memory_space<semaphore_mem>>, %arg17: memref<!tpu.dma_semaphore, #tpu.memory_space<semaphore_mem>>) attributes {dimension_semantics = [#tpu.dimension_semantics<core_parallel>, #tpu.dimension_semantics<subcore_parallel>], iteration_bounds = array<i64: 2, 16>, scalar_prefetch = 0 : i64, scratch_operands = 11 : i64, tpu.core_type = #tpu.core_type<sc_vector_subcore>, window_params = [{transform_indices = #map}, {transform_indices = #map1}, {transform_indices = #map1}, {transform_indices = #map}, {transform_indices = #map2}]} {
    %mul3A = arith.constant 2 : i32
    %mul3A_0 = arith.muli %arg1, %mul3A : i32
    %add3A = arith.addi %mul3A_0, %arg0 : i32
    %mul3A_1 = arith.constant 624 : i32
    %mul3A_2 = arith.muli %arg1, %mul3A_1 : i32
    "tpu.region"() ({
      %run_scoped3A = tpu.sem_alloc : memref<!tpu.dma_semaphore, #tpu.memory_space<semaphore_mem>>
      %dma_start3A_55 = arith.constant 0 : i32
      %dma_start3A_56 = tpu.memref_slice %arg13[%mul3A_2, %dma_start3A_55] : memref<10128x128xf32, #tpu.memory_space<vmem_shared>> -> memref<624x128xf32, #tpu.memory_space<vmem_shared>>
      %dma_start3A_57 = arith.constant 0 : i32
      %dma_start3A_58 = tpu.memref_slice %arg5[%mul3A_2, %dma_start3A_57] : memref<10000x128xf32, #tpu.memory_space<hbm>> -> memref<624x128xf32, #tpu.memory_space<hbm>>
      tpu.enqueue_dma source(%dma_start3A_58 : memref<624x128xf32, #tpu.memory_space<hbm>>) target(%dma_start3A_56 : memref<624x128xf32, #tpu.memory_space<vmem_shared>>) target_semaphore(%run_scoped3A : memref<!tpu.dma_semaphore, #tpu.memory_space<semaphore_mem>>)
      %dma_wait3A_59 = arith.constant 0 : i32
      %dma_wait3A_60 = tpu.memref_slice %arg13[%mul3A_2, %dma_wait3A_59] : memref<10128x128xf32, #tpu.memory_space<vmem_shared>> -> memref<624x128xf32, #tpu.memory_space<vmem_shared>>
      %dma_wait3A_61 = arith.constant 0 : i32
      %dma_wait3A_62 = tpu.memref_slice %arg5[%mul3A_2, %dma_wait3A_61] : memref<10000x128xf32, #tpu.memory_space<hbm>> -> memref<624x128xf32, #tpu.memory_space<hbm>>
      tpu.wait_dma2 semaphore(%run_scoped3A : memref<!tpu.dma_semaphore, #tpu.memory_space<semaphore_mem>>) src(%dma_wait3A_62 : memref<624x128xf32, #tpu.memory_space<hbm>>) dst(%dma_wait3A_60 : memref<624x128xf32, #tpu.memory_space<vmem_shared>>)
      tpu.yield
    }) : () -> ()
    %eq3A = arith.constant 0 : i32
    %eq3A_3 = arith.cmpi eq, %arg1, %eq3A : i32
    %convert_element_type3A = arith.extui %eq3A_3 : i1 to i32
    %cond3A = arith.constant 0 : i32
    %cond3A_4 = arith.cmpi ne, %convert_element_type3A, %cond3A : i32
    scf.if %cond3A_4 {
      "tpu.region"() ({
        %run_scoped3A = tpu.sem_alloc : memref<!tpu.dma_semaphore, #tpu.memory_space<semaphore_mem>>
        %dma_start3A_55 = arith.constant 9984 : i32
        %dma_start3A_56 = arith.constant 0 : i32
        %dma_start3A_57 = tpu.memref_slice %arg13[%dma_start3A_55, %dma_start3A_56] : memref<10128x128xf32, #tpu.memory_space<vmem_shared>> -> memref<16x128xf32, #tpu.memory_space<vmem_shared>>
        %dma_start3A_58 = arith.constant 9984 : i32
        %dma_start3A_59 = arith.constant 0 : i32
        %dma_start3A_60 = tpu.memref_slice %arg5[%dma_start3A_58, %dma_start3A_59] : memref<10000x128xf32, #tpu.memory_space<hbm>> -> memref<16x128xf32, #tpu.memory_space<hbm>>
        tpu.enqueue_dma source(%dma_start3A_60 : memref<16x128xf32, #tpu.memory_space<hbm>>) target(%dma_start3A_57 : memref<16x128xf32, #tpu.memory_space<vmem_shared>>) target_semaphore(%run_scoped3A : memref<!tpu.dma_semaphore, #tpu.memory_space<semaphore_mem>>)
        %dma_wait3A_61 = arith.constant 9984 : i32
        %dma_wait3A_62 = arith.constant 0 : i32
        %dma_wait3A_63 = tpu.memref_slice %arg13[%dma_wait3A_61, %dma_wait3A_62] : memref<10128x128xf32, #tpu.memory_space<vmem_shared>> -> memref<16x128xf32, #tpu.memory_space<vmem_shared>>
        %dma_wait3A_64 = arith.constant 9984 : i32
        %dma_wait3A_65 = arith.constant 0 : i32
        %dma_wait3A_66 = tpu.memref_slice %arg5[%dma_wait3A_64, %dma_wait3A_65] : memref<10000x128xf32, #tpu.memory_space<hbm>> -> memref<16x128xf32, #tpu.memory_space<hbm>>
        tpu.wait_dma2 semaphore(%run_scoped3A : memref<!tpu.dma_semaphore, #tpu.memory_space<semaphore_mem>>) src(%dma_wait3A_66 : memref<16x128xf32, #tpu.memory_space<hbm>>) dst(%dma_wait3A_63 : memref<16x128xf32, #tpu.memory_space<vmem_shared>>)
        tpu.yield
      }) : () -> ()
    } else {
    }
    %barrier3A = arith.constant 0 : index
    tpu.barrier barrier_id(%barrier3A)
    %mul3A_5 = arith.constant 80 : i32
    %mul3A_6 = arith.muli %add3A, %mul3A_5 : i32
    %add3A_7 = arith.constant 0 : i32
    %add3A_8 = arith.addi %mul3A_6, %add3A_7 : i32
    %mul3A_9 = arith.constant 128 : i32
    %mul3A_10 = arith.muli %add3A_8, %mul3A_9 : i32
    %dma_start3A = tpu.memref_slice %arg3[%mul3A_10] : memref<327680xi32, #tpu.memory_space<hbm>> -> memref<128xi32, #tpu.memory_space<hbm>>
    %dma_start3A_11 = tpu.memref_slice %arg3[%mul3A_10] : memref<327680xi32, #tpu.memory_space<hbm>> -> memref<128xi32, #tpu.memory_space<hbm>>
    tpu.enqueue_dma source(%dma_start3A_11 : memref<128xi32, #tpu.memory_space<hbm>>) target(%arg7 : memref<128xi32, #tpu.memory_space<vmem>>) target_semaphore(%arg16 : memref<!tpu.dma_semaphore, #tpu.memory_space<semaphore_mem>>)
    %dma_start3A_12 = tpu.memref_slice %arg4[%mul3A_10] : memref<327680xi32, #tpu.memory_space<hbm>> -> memref<128xi32, #tpu.memory_space<hbm>>
    %dma_start3A_13 = tpu.memref_slice %arg4[%mul3A_10] : memref<327680xi32, #tpu.memory_space<hbm>> -> memref<128xi32, #tpu.memory_space<hbm>>
    tpu.enqueue_dma source(%dma_start3A_13 : memref<128xi32, #tpu.memory_space<hbm>>) target(%arg9 : memref<128xi32, #tpu.memory_space<vmem>>) target_semaphore(%arg16 : memref<!tpu.dma_semaphore, #tpu.memory_space<semaphore_mem>>)
    %add3A_14 = arith.constant 1 : i32
    %add3A_15 = arith.addi %mul3A_6, %add3A_14 : i32
    %mul3A_16 = arith.constant 128 : i32
    %mul3A_17 = arith.muli %add3A_15, %mul3A_16 : i32
    %dma_start3A_18 = tpu.memref_slice %arg3[%mul3A_17] : memref<327680xi32, #tpu.memory_space<hbm>> -> memref<128xi32, #tpu.memory_space<hbm>>
    %dma_start3A_19 = tpu.memref_slice %arg3[%mul3A_17] : memref<327680xi32, #tpu.memory_space<hbm>> -> memref<128xi32, #tpu.memory_space<hbm>>
    tpu.enqueue_dma source(%dma_start3A_19 : memref<128xi32, #tpu.memory_space<hbm>>) target(%arg8 : memref<128xi32, #tpu.memory_space<vmem>>) target_semaphore(%arg17 : memref<!tpu.dma_semaphore, #tpu.memory_space<semaphore_mem>>)
    %dma_start3A_20 = tpu.memref_slice %arg4[%mul3A_17] : memref<327680xi32, #tpu.memory_space<hbm>> -> memref<128xi32, #tpu.memory_space<hbm>>
    %dma_start3A_21 = tpu.memref_slice %arg4[%mul3A_17] : memref<327680xi32, #tpu.memory_space<hbm>> -> memref<128xi32, #tpu.memory_space<hbm>>
    tpu.enqueue_dma source(%dma_start3A_21 : memref<128xi32, #tpu.memory_space<hbm>>) target(%arg10 : memref<128xi32, #tpu.memory_space<vmem>>) target_semaphore(%arg17 : memref<!tpu.dma_semaphore, #tpu.memory_space<semaphore_mem>>)
    %add3A_22 = arith.constant 0 : i32
    %add3A_23 = arith.addi %mul3A_6, %add3A_22 : i32
    %mul3A_24 = arith.constant 128 : i32
    %mul3A_25 = arith.muli %add3A_23, %mul3A_24 : i32
    %dma_wait3A = tpu.memref_slice %arg3[%mul3A_25] : memref<327680xi32, #tpu.memory_space<hbm>> -> memref<128xi32, #tpu.memory_space<hbm>>
    %dma_wait3A_26 = tpu.memref_slice %arg3[%mul3A_25] : memref<327680xi32, #tpu.memory_space<hbm>> -> memref<128xi32, #tpu.memory_space<hbm>>
    tpu.wait_dma2 semaphore(%arg16 : memref<!tpu.dma_semaphore, #tpu.memory_space<semaphore_mem>>) src(%dma_wait3A_26 : memref<128xi32, #tpu.memory_space<hbm>>) dst(%arg7 : memref<128xi32, #tpu.memory_space<vmem>>)
    %dma_wait3A_27 = tpu.memref_slice %arg4[%mul3A_25] : memref<327680xi32, #tpu.memory_space<hbm>> -> memref<128xi32, #tpu.memory_space<hbm>>
    %dma_wait3A_28 = tpu.memref_slice %arg4[%mul3A_25] : memref<327680xi32, #tpu.memory_space<hbm>> -> memref<128xi32, #tpu.memory_space<hbm>>
    tpu.wait_dma2 semaphore(%arg16 : memref<!tpu.dma_semaphore, #tpu.memory_space<semaphore_mem>>) src(%dma_wait3A_28 : memref<128xi32, #tpu.memory_space<hbm>>) dst(%arg9 : memref<128xi32, #tpu.memory_space<vmem>>)
    %dma_start3A_29 = arith.constant 0 : i32
    %dma_start3A_30 = arith.constant 0 : i32
    %dma_start3A_31 = tpu.memref_slice %arg2[%dma_start3A_29, %dma_start3A_30] : memref<10000x128xf32, #tpu.memory_space<hbm>> -> memref<10000x128xf32, #tpu.memory_space<hbm>>
    tpu.enqueue_indirect_dma source(%dma_start3A_31 : memref<10000x128xf32, #tpu.memory_space<hbm>>) target(%arg11 : memref<128x128xf32, #tpu.memory_space<vmem>>) offsets(%arg7 : memref<128xi32, #tpu.memory_space<vmem>>) semaphore(%arg14 : memref<!tpu.dma_semaphore, #tpu.memory_space<semaphore_mem>>)
    %add3A_32 = arith.constant 1 : i32
    %add3A_33 = arith.addi %mul3A_6, %add3A_32 : i32
    %mul3A_34 = arith.constant 128 : i32
    %mul3A_35 = arith.muli %add3A_33, %mul3A_34 : i32
    %dma_wait3A_36 = tpu.memref_slice %arg3[%mul3A_35] : memref<327680xi32, #tpu.memory_space<hbm>> -> memref<128xi32, #tpu.memory_space<hbm>>
    %dma_wait3A_37 = tpu.memref_slice %arg3[%mul3A_35] : memref<327680xi32, #tpu.memory_space<hbm>> -> memref<128xi32, #tpu.memory_space<hbm>>
    tpu.wait_dma2 semaphore(%arg17 : memref<!tpu.dma_semaphore, #tpu.memory_space<semaphore_mem>>) src(%dma_wait3A_37 : memref<128xi32, #tpu.memory_space<hbm>>) dst(%arg8 : memref<128xi32, #tpu.memory_space<vmem>>)
    %dma_wait3A_38 = tpu.memref_slice %arg4[%mul3A_35] : memref<327680xi32, #tpu.memory_space<hbm>> -> memref<128xi32, #tpu.memory_space<hbm>>
    %dma_wait3A_39 = tpu.memref_slice %arg4[%mul3A_35] : memref<327680xi32, #tpu.memory_space<hbm>> -> memref<128xi32, #tpu.memory_space<hbm>>
    tpu.wait_dma2 semaphore(%arg17 : memref<!tpu.dma_semaphore, #tpu.memory_space<semaphore_mem>>) src(%dma_wait3A_39 : memref<128xi32, #tpu.memory_space<hbm>>) dst(%arg10 : memref<128xi32, #tpu.memory_space<vmem>>)
    %dma_start3A_40 = arith.constant 0 : i32
    %dma_start3A_41 = arith.constant 0 : i32
    %dma_start3A_42 = tpu.memref_slice %arg2[%dma_start3A_40, %dma_start3A_41] : memref<10000x128xf32, #tpu.memory_space<hbm>> -> memref<10000x128xf32, #tpu.memory_space<hbm>>
    tpu.enqueue_indirect_dma source(%dma_start3A_42 : memref<10000x128xf32, #tpu.memory_space<hbm>>) target(%arg12 : memref<128x128xf32, #tpu.memory_space<vmem>>) offsets(%arg8 : memref<128xi32, #tpu.memory_space<vmem>>) semaphore(%arg15 : memref<!tpu.dma_semaphore, #tpu.memory_space<semaphore_mem>>)
    %scan3A = arith.constant 0 : i32
    %scan3A_43 = arith.constant 0 : i32
    %scan3A_44 = arith.constant 40 : i32
    %scan3A_45 = arith.addi %scan3A_43, %scan3A_44 : i32
    %scan3A_46 = arith.constant 1 : i32
    %scan3A_47 = scf.for %scan3A_55 = %scan3A_43 to %scan3A_45 step %scan3A_46 iter_args(%scan3A_56 = %scan3A) -> (i32)  : i32 {
      %mul3A_57 = arith.constant 2 : i32
      %mul3A_58 = arith.muli %mul3A_57, %scan3A_55 : i32
      %add3A_59 = arith.constant 1 : i32
      %add3A_60 = arith.addi %mul3A_58, %add3A_59 : i32
      %dma_wait3A_61 = arith.constant 0 : i32
      %dma_wait3A_62 = arith.constant 0 : i32
      %dma_wait3A_63 = tpu.memref_slice %arg2[%dma_wait3A_61, %dma_wait3A_62] : memref<10000x128xf32, #tpu.memory_space<hbm>> -> memref<10000x128xf32, #tpu.memory_space<hbm>>
      tpu.wait_indirect_dma semaphore(%arg14 : memref<!tpu.dma_semaphore, #tpu.memory_space<semaphore_mem>>) src(%dma_wait3A_63 : memref<10000x128xf32, #tpu.memory_space<hbm>>) dst(%arg11 : memref<128x128xf32, #tpu.memory_space<vmem>>)
      "tpu.region"() ({
        %run_scoped3A = tpu.sem_alloc : memref<!tpu.dma_semaphore, #tpu.memory_space<semaphore_mem>>
        %dma_start3A_77 = arith.constant 0 : i32
        %dma_start3A_78 = arith.constant 0 : i32
        %dma_start3A_79 = tpu.memref_slice %arg13[%dma_start3A_77, %dma_start3A_78] : memref<10128x128xf32, #tpu.memory_space<vmem_shared>> -> memref<10128x128xf32, #tpu.memory_space<vmem_shared>>
        tpu.enqueue_indirect_dma source(%arg11 : memref<128x128xf32, #tpu.memory_space<vmem>>) target(%dma_start3A_79 : memref<10128x128xf32, #tpu.memory_space<vmem_shared>>) offsets(%arg9 : memref<128xi32, #tpu.memory_space<vmem>>) semaphore(%run_scoped3A : memref<!tpu.dma_semaphore, #tpu.memory_space<semaphore_mem>>) {add = true}
        %dma_wait3A_80 = arith.constant 0 : i32
        %dma_wait3A_81 = arith.constant 0 : i32
        %dma_wait3A_82 = tpu.memref_slice %arg13[%dma_wait3A_80, %dma_wait3A_81] : memref<10128x128xf32, #tpu.memory_space<vmem_shared>> -> memref<10128x128xf32, #tpu.memory_space<vmem_shared>>
        tpu.wait_indirect_dma semaphore(%run_scoped3A : memref<!tpu.dma_semaphore, #tpu.memory_space<semaphore_mem>>) src(%arg11 : memref<128x128xf32, #tpu.memory_space<vmem>>) dst(%dma_wait3A_82 : memref<10128x128xf32, #tpu.memory_space<vmem_shared>>)
        tpu.yield
      }) : () -> ()
      %lt3A = arith.constant 39 : i32
      %lt3A_64 = arith.cmpi slt, %scan3A_55, %lt3A : i32
      %convert_element_type3A_65 = arith.extui %lt3A_64 : i1 to i32
      %cond3A_66 = arith.constant 0 : i32
      %cond3A_67 = arith.cmpi ne, %convert_element_type3A_65, %cond3A_66 : i32
      scf.if %cond3A_67 {
        %add3A_77 = arith.constant 2 : i32
        %add3A_78 = arith.addi %mul3A_58, %add3A_77 : i32
        %add3A_79 = arith.addi %mul3A_6, %add3A_78 : i32
        %mul3A_80 = arith.constant 128 : i32
        %mul3A_81 = arith.muli %add3A_79, %mul3A_80 : i32
        %dma_start3A_82 = tpu.memref_slice %arg3[%mul3A_81] : memref<327680xi32, #tpu.memory_space<hbm>> -> memref<128xi32, #tpu.memory_space<hbm>>
        %dma_start3A_83 = tpu.memref_slice %arg3[%mul3A_81] : memref<327680xi32, #tpu.memory_space<hbm>> -> memref<128xi32, #tpu.memory_space<hbm>>
        tpu.enqueue_dma source(%dma_start3A_83 : memref<128xi32, #tpu.memory_space<hbm>>) target(%arg7 : memref<128xi32, #tpu.memory_space<vmem>>) target_semaphore(%arg16 : memref<!tpu.dma_semaphore, #tpu.memory_space<semaphore_mem>>)
        %dma_start3A_84 = tpu.memref_slice %arg4[%mul3A_81] : memref<327680xi32, #tpu.memory_space<hbm>> -> memref<128xi32, #tpu.memory_space<hbm>>
        %dma_start3A_85 = tpu.memref_slice %arg4[%mul3A_81] : memref<327680xi32, #tpu.memory_space<hbm>> -> memref<128xi32, #tpu.memory_space<hbm>>
        tpu.enqueue_dma source(%dma_start3A_85 : memref<128xi32, #tpu.memory_space<hbm>>) target(%arg9 : memref<128xi32, #tpu.memory_space<vmem>>) target_semaphore(%arg16 : memref<!tpu.dma_semaphore, #tpu.memory_space<semaphore_mem>>)
        %add3A_86 = arith.constant 2 : i32
        %add3A_87 = arith.addi %mul3A_58, %add3A_86 : i32
        %add3A_88 = arith.addi %mul3A_6, %add3A_87 : i32
        %mul3A_89 = arith.constant 128 : i32
        %mul3A_90 = arith.muli %add3A_88, %mul3A_89 : i32
        %dma_wait3A_91 = tpu.memref_slice %arg3[%mul3A_90] : memref<327680xi32, #tpu.memory_space<hbm>> -> memref<128xi32, #tpu.memory_space<hbm>>
        %dma_wait3A_92 = tpu.memref_slice %arg3[%mul3A_90] : memref<327680xi32, #tpu.memory_space<hbm>> -> memref<128xi32, #tpu.memory_space<hbm>>
        tpu.wait_dma2 semaphore(%arg16 : memref<!tpu.dma_semaphore, #tpu.memory_space<semaphore_mem>>) src(%dma_wait3A_92 : memref<128xi32, #tpu.memory_space<hbm>>) dst(%arg7 : memref<128xi32, #tpu.memory_space<vmem>>)
        %dma_wait3A_93 = tpu.memref_slice %arg4[%mul3A_90] : memref<327680xi32, #tpu.memory_space<hbm>> -> memref<128xi32, #tpu.memory_space<hbm>>
        %dma_wait3A_94 = tpu.memref_slice %arg4[%mul3A_90] : memref<327680xi32, #tpu.memory_space<hbm>> -> memref<128xi32, #tpu.memory_space<hbm>>
        tpu.wait_dma2 semaphore(%arg16 : memref<!tpu.dma_semaphore, #tpu.memory_space<semaphore_mem>>) src(%dma_wait3A_94 : memref<128xi32, #tpu.memory_space<hbm>>) dst(%arg9 : memref<128xi32, #tpu.memory_space<vmem>>)
        %dma_start3A_95 = arith.constant 0 : i32
        %dma_start3A_96 = arith.constant 0 : i32
        %dma_start3A_97 = tpu.memref_slice %arg2[%dma_start3A_95, %dma_start3A_96] : memref<10000x128xf32, #tpu.memory_space<hbm>> -> memref<10000x128xf32, #tpu.memory_space<hbm>>
        tpu.enqueue_indirect_dma source(%dma_start3A_97 : memref<10000x128xf32, #tpu.memory_space<hbm>>) target(%arg11 : memref<128x128xf32, #tpu.memory_space<vmem>>) offsets(%arg7 : memref<128xi32, #tpu.memory_space<vmem>>) semaphore(%arg14 : memref<!tpu.dma_semaphore, #tpu.memory_space<semaphore_mem>>)
      } else {
      }
      %dma_wait3A_68 = arith.constant 0 : i32
      %dma_wait3A_69 = arith.constant 0 : i32
      %dma_wait3A_70 = tpu.memref_slice %arg2[%dma_wait3A_68, %dma_wait3A_69] : memref<10000x128xf32, #tpu.memory_space<hbm>> -> memref<10000x128xf32, #tpu.memory_space<hbm>>
      tpu.wait_indirect_dma semaphore(%arg15 : memref<!tpu.dma_semaphore, #tpu.memory_space<semaphore_mem>>) src(%dma_wait3A_70 : memref<10000x128xf32, #tpu.memory_space<hbm>>) dst(%arg12 : memref<128x128xf32, #tpu.memory_space<vmem>>)
      "tpu.region"() ({
        %run_scoped3A = tpu.sem_alloc : memref<!tpu.dma_semaphore, #tpu.memory_space<semaphore_mem>>
        %dma_start3A_77 = arith.constant 0 : i32
        %dma_start3A_78 = arith.constant 0 : i32
        %dma_start3A_79 = tpu.memref_slice %arg13[%dma_start3A_77, %dma_start3A_78] : memref<10128x128xf32, #tpu.memory_space<vmem_shared>> -> memref<10128x128xf32, #tpu.memory_space<vmem_shared>>
        tpu.enqueue_indirect_dma source(%arg12 : memref<128x128xf32, #tpu.memory_space<vmem>>) target(%dma_start3A_79 : memref<10128x128xf32, #tpu.memory_space<vmem_shared>>) offsets(%arg10 : memref<128xi32, #tpu.memory_space<vmem>>) semaphore(%run_scoped3A : memref<!tpu.dma_semaphore, #tpu.memory_space<semaphore_mem>>) {add = true}
        %dma_wait3A_80 = arith.constant 0 : i32
        %dma_wait3A_81 = arith.constant 0 : i32
        %dma_wait3A_82 = tpu.memref_slice %arg13[%dma_wait3A_80, %dma_wait3A_81] : memref<10128x128xf32, #tpu.memory_space<vmem_shared>> -> memref<10128x128xf32, #tpu.memory_space<vmem_shared>>
        tpu.wait_indirect_dma semaphore(%run_scoped3A : memref<!tpu.dma_semaphore, #tpu.memory_space<semaphore_mem>>) src(%arg12 : memref<128x128xf32, #tpu.memory_space<vmem>>) dst(%dma_wait3A_82 : memref<10128x128xf32, #tpu.memory_space<vmem_shared>>)
        tpu.yield
      }) : () -> ()
      %lt3A_71 = arith.constant 39 : i32
      %lt3A_72 = arith.cmpi slt, %scan3A_55, %lt3A_71 : i32
      %convert_element_type3A_73 = arith.extui %lt3A_72 : i1 to i32
      %cond3A_74 = arith.constant 0 : i32
      %cond3A_75 = arith.cmpi ne, %convert_element_type3A_73, %cond3A_74 : i32
      scf.if %cond3A_75 {
        %add3A_77 = arith.constant 2 : i32
        %add3A_78 = arith.addi %add3A_60, %add3A_77 : i32
        %add3A_79 = arith.addi %mul3A_6, %add3A_78 : i32
        %mul3A_80 = arith.constant 128 : i32
        %mul3A_81 = arith.muli %add3A_79, %mul3A_80 : i32
        %dma_start3A_82 = tpu.memref_slice %arg3[%mul3A_81] : memref<327680xi32, #tpu.memory_space<hbm>> -> memref<128xi32, #tpu.memory_space<hbm>>
        %dma_start3A_83 = tpu.memref_slice %arg3[%mul3A_81] : memref<327680xi32, #tpu.memory_space<hbm>> -> memref<128xi32, #tpu.memory_space<hbm>>
        tpu.enqueue_dma source(%dma_start3A_83 : memref<128xi32, #tpu.memory_space<hbm>>) target(%arg8 : memref<128xi32, #tpu.memory_space<vmem>>) target_semaphore(%arg17 : memref<!tpu.dma_semaphore, #tpu.memory_space<semaphore_mem>>)
        %dma_start3A_84 = tpu.memref_slice %arg4[%mul3A_81] : memref<327680xi32, #tpu.memory_space<hbm>> -> memref<128xi32, #tpu.memory_space<hbm>>
        %dma_start3A_85 = tpu.memref_slice %arg4[%mul3A_81] : memref<327680xi32, #tpu.memory_space<hbm>> -> memref<128xi32, #tpu.memory_space<hbm>>
        tpu.enqueue_dma source(%dma_start3A_85 : memref<128xi32, #tpu.memory_space<hbm>>) target(%arg10 : memref<128xi32, #tpu.memory_space<vmem>>) target_semaphore(%arg17 : memref<!tpu.dma_semaphore, #tpu.memory_space<semaphore_mem>>)
        %add3A_86 = arith.constant 2 : i32
        %add3A_87 = arith.addi %add3A_60, %add3A_86 : i32
        %add3A_88 = arith.addi %mul3A_6, %add3A_87 : i32
        %mul3A_89 = arith.constant 128 : i32
        %mul3A_90 = arith.muli %add3A_88, %mul3A_89 : i32
        %dma_wait3A_91 = tpu.memref_slice %arg3[%mul3A_90] : memref<327680xi32, #tpu.memory_space<hbm>> -> memref<128xi32, #tpu.memory_space<hbm>>
        %dma_wait3A_92 = tpu.memref_slice %arg3[%mul3A_90] : memref<327680xi32, #tpu.memory_space<hbm>> -> memref<128xi32, #tpu.memory_space<hbm>>
        tpu.wait_dma2 semaphore(%arg17 : memref<!tpu.dma_semaphore, #tpu.memory_space<semaphore_mem>>) src(%dma_wait3A_92 : memref<128xi32, #tpu.memory_space<hbm>>) dst(%arg8 : memref<128xi32, #tpu.memory_space<vmem>>)
        %dma_wait3A_93 = tpu.memref_slice %arg4[%mul3A_90] : memref<327680xi32, #tpu.memory_space<hbm>> -> memref<128xi32, #tpu.memory_space<hbm>>
        %dma_wait3A_94 = tpu.memref_slice %arg4[%mul3A_90] : memref<327680xi32, #tpu.memory_space<hbm>> -> memref<128xi32, #tpu.memory_space<hbm>>
        tpu.wait_dma2 semaphore(%arg17 : memref<!tpu.dma_semaphore, #tpu.memory_space<semaphore_mem>>) src(%dma_wait3A_94 : memref<128xi32, #tpu.memory_space<hbm>>) dst(%arg10 : memref<128xi32, #tpu.memory_space<vmem>>)
        %dma_start3A_95 = arith.constant 0 : i32
        %dma_start3A_96 = arith.constant 0 : i32
        %dma_start3A_97 = tpu.memref_slice %arg2[%dma_start3A_95, %dma_start3A_96] : memref<10000x128xf32, #tpu.memory_space<hbm>> -> memref<10000x128xf32, #tpu.memory_space<hbm>>
        tpu.enqueue_indirect_dma source(%dma_start3A_97 : memref<10000x128xf32, #tpu.memory_space<hbm>>) target(%arg12 : memref<128x128xf32, #tpu.memory_space<vmem>>) offsets(%arg8 : memref<128xi32, #tpu.memory_space<vmem>>) semaphore(%arg15 : memref<!tpu.dma_semaphore, #tpu.memory_space<semaphore_mem>>)
      } else {
      }
      %scan3A_76 = arith.constant 0 : i32
      scf.yield %scan3A_76 : i32
    }
    %scan3A_48 = arith.constant 40 : i32
    %barrier3A_49 = arith.constant 0 : index
    tpu.barrier barrier_id(%barrier3A_49)
    "tpu.region"() ({
      %run_scoped3A = tpu.sem_alloc : memref<!tpu.dma_semaphore, #tpu.memory_space<semaphore_mem>>
      %dma_start3A_55 = arith.constant 0 : i32
      %dma_start3A_56 = tpu.memref_slice %arg6[%arg0, %mul3A_2, %dma_start3A_55] : memref<2x10000x128xf32, #tpu.memory_space<hbm>> -> memref<1x624x128xf32, #tpu.memory_space<hbm>>
      %dma_start3A_57 = tpu.memref_squeeze %dma_start3A_56 : memref<1x624x128xf32, #tpu.memory_space<hbm>> -> memref<624x128xf32, #tpu.memory_space<hbm>>
      %dma_start3A_58 = arith.constant 0 : i32
      %dma_start3A_59 = tpu.memref_slice %arg13[%mul3A_2, %dma_start3A_58] : memref<10128x128xf32, #tpu.memory_space<vmem_shared>> -> memref<624x128xf32, #tpu.memory_space<vmem_shared>>
      tpu.enqueue_dma source(%dma_start3A_59 : memref<624x128xf32, #tpu.memory_space<vmem_shared>>) target(%dma_start3A_57 : memref<624x128xf32, #tpu.memory_space<hbm>>) target_semaphore(%run_scoped3A : memref<!tpu.dma_semaphore, #tpu.memory_space<semaphore_mem>>)
      %dma_wait3A_60 = arith.constant 0 : i32
      %dma_wait3A_61 = tpu.memref_slice %arg6[%arg0, %mul3A_2, %dma_wait3A_60] : memref<2x10000x128xf32, #tpu.memory_space<hbm>> -> memref<1x624x128xf32, #tpu.memory_space<hbm>>
      %dma_wait3A_62 = tpu.memref_squeeze %dma_wait3A_61 : memref<1x624x128xf32, #tpu.memory_space<hbm>> -> memref<624x128xf32, #tpu.memory_space<hbm>>
      %dma_wait3A_63 = arith.constant 0 : i32
      %dma_wait3A_64 = tpu.memref_slice %arg13[%mul3A_2, %dma_wait3A_63] : memref<10128x128xf32, #tpu.memory_space<vmem_shared>> -> memref<624x128xf32, #tpu.memory_space<vmem_shared>>
      tpu.wait_dma2 semaphore(%run_scoped3A : memref<!tpu.dma_semaphore, #tpu.memory_space<semaphore_mem>>) src(%dma_wait3A_64 : memref<624x128xf32, #tpu.memory_space<vmem_shared>>) dst(%dma_wait3A_62 : memref<624x128xf32, #tpu.memory_space<hbm>>)
      tpu.yield
    }) : () -> ()
    %eq3A_50 = arith.constant 0 : i32
    %eq3A_51 = arith.cmpi eq, %arg1, %eq3A_50 : i32
    %convert_element_type3A_52 = arith.extui %eq3A_51 : i1 to i32
    %cond3A_53 = arith.constant 0 : i32
    %cond3A_54 = arith.cmpi ne, %convert_element_type3A_52, %cond3A_53 : i32
    scf.if %cond3A_54 {
      "tpu.region"() ({
        %run_scoped3A = tpu.sem_alloc : memref<!tpu.dma_semaphore, #tpu.memory_space<semaphore_mem>>
        %dma_start3A_55 = arith.constant 9984 : i32
        %dma_start3A_56 = arith.constant 0 : i32
        %dma_start3A_57 = tpu.memref_slice %arg6[%arg0, %dma_start3A_55, %dma_start3A_56] : memref<2x10000x128xf32, #tpu.memory_space<hbm>> -> memref<1x16x128xf32, #tpu.memory_space<hbm>>
        %dma_start3A_58 = tpu.memref_squeeze %dma_start3A_57 : memref<1x16x128xf32, #tpu.memory_space<hbm>> -> memref<16x128xf32, #tpu.memory_space<hbm>>
        %dma_start3A_59 = arith.constant 9984 : i32
        %dma_start3A_60 = arith.constant 0 : i32
        %dma_start3A_61 = tpu.memref_slice %arg13[%dma_start3A_59, %dma_start3A_60] : memref<10128x128xf32, #tpu.memory_space<vmem_shared>> -> memref<16x128xf32, #tpu.memory_space<vmem_shared>>
        tpu.enqueue_dma source(%dma_start3A_61 : memref<16x128xf32, #tpu.memory_space<vmem_shared>>) target(%dma_start3A_58 : memref<16x128xf32, #tpu.memory_space<hbm>>) target_semaphore(%run_scoped3A : memref<!tpu.dma_semaphore, #tpu.memory_space<semaphore_mem>>)
        %dma_wait3A_62 = arith.constant 9984 : i32
        %dma_wait3A_63 = arith.constant 0 : i32
        %dma_wait3A_64 = tpu.memref_slice %arg6[%arg0, %dma_wait3A_62, %dma_wait3A_63] : memref<2x10000x128xf32, #tpu.memory_space<hbm>> -> memref<1x16x128xf32, #tpu.memory_space<hbm>>
        %dma_wait3A_65 = tpu.memref_squeeze %dma_wait3A_64 : memref<1x16x128xf32, #tpu.memory_space<hbm>> -> memref<16x128xf32, #tpu.memory_space<hbm>>
        %dma_wait3A_66 = arith.constant 9984 : i32
        %dma_wait3A_67 = arith.constant 0 : i32
        %dma_wait3A_68 = tpu.memref_slice %arg13[%dma_wait3A_66, %dma_wait3A_67] : memref<10128x128xf32, #tpu.memory_space<vmem_shared>> -> memref<16x128xf32, #tpu.memory_space<vmem_shared>>
        tpu.wait_dma2 semaphore(%run_scoped3A : memref<!tpu.dma_semaphore, #tpu.memory_space<semaphore_mem>>) src(%dma_wait3A_68 : memref<16x128xf32, #tpu.memory_space<vmem_shared>>) dst(%dma_wait3A_65 : memref<16x128xf32, #tpu.memory_space<hbm>>)
        tpu.yield
      }) : () -> ()
    } else {
    }
    return
  }
}

module attributes {stable_mosaic.version = 14 : i64} {
  func.func @_lin_body(%arg0: i32, %arg1: memref<1000x28xf32, #tpu.memory_space<vmem>>, %arg2: memref<28x128xf32, #tpu.memory_space<vmem>>, %arg3: memref<128xf32, #tpu.memory_space<vmem>>, %arg4: memref<1000x128xf32, #tpu.memory_space<vmem>>) attributes {dimension_semantics = [#tpu.dimension_semantics<arbitrary>], iteration_bounds = array<i64: 10>, scalar_prefetch = 0 : i64, scratch_operands = 0 : i64, tpu.core_type = #tpu.core_type<tc>, window_params = [{transform_indices = @transform_0, window_bounds = array<i64: 1000, 28>}, {pipeline_mode = #tpu.pipeline_mode<synchronous>, transform_indices = @transform_1, window_bounds = array<i64: 28, 128>}, {pipeline_mode = #tpu.pipeline_mode<synchronous>, transform_indices = @transform_2, window_bounds = array<i64: 128>}, {transform_indices = @transform_3, window_bounds = array<i64: 1000, 128>}]} {
    %get3A = arith.constant 0 : index
    %get3A_0 = arith.constant 0 : index
    %get3A_1 = vector.load %arg1[%get3A, %get3A_0] : memref<1000x28xf32, #tpu.memory_space<vmem>>, vector<1000x28xf32>
    %get3A_2 = arith.constant 0 : index
    %get3A_3 = arith.constant 0 : index
    %get3A_4 = vector.load %arg2[%get3A_2, %get3A_3] : memref<28x128xf32, #tpu.memory_space<vmem>>, vector<28x128xf32>
    %dot_general3A = arith.constant dense<0.000000e+00> : vector<1000x128xf32>
    %dot_general3A_5 = tpu.matmul %get3A_1, %get3A_4, %dot_general3A {dimension_numbers = #tpu.dot_dimension_numbers<[1], [0], [0], [1], [0, 0, 1, 1], [], []>, transpose_lhs_hint = false} : vector<1000x28xf32>, vector<28x128xf32>, vector<1000x128xf32> -> vector<1000x128xf32>
    %get3A_6 = arith.constant 0 : index
    %get3A_7 = vector.load %arg3[%get3A_6] : memref<128xf32, #tpu.memory_space<vmem>>, vector<128xf32>
    %broadcast_in_dim3A = vector.shape_cast %get3A_7 : vector<128xf32> to vector<1x128xf32>
    %add3A = vector.broadcast %broadcast_in_dim3A : vector<1x128xf32> to vector<1000x128xf32>
    %add3A_8 = arith.addf %dot_general3A_5, %add3A : vector<1000x128xf32>
    %swap3A = arith.constant 0 : index
    %swap3A_9 = arith.constant 0 : index
    %swap3A_10 = vector.load %arg4[%swap3A, %swap3A_9] : memref<1000x128xf32, #tpu.memory_space<vmem>>, vector<1000x128xf32>
    tpu.vector_store %arg4[%swap3A, %swap3A_9], %add3A_8 {strides = array<i32>} : memref<1000x128xf32, #tpu.memory_space<vmem>>, vector<1000x128xf32>,
    return
  }
  func.func @transform_0(%arg0: i32) -> (i32, i32) {
    %c0_i32 = arith.constant 0 : i32
    %c0_i32_0 = arith.constant 0 : i32
    return %arg0, %c0_i32 : i32, i32
  }
  func.func @transform_1(%arg0: i32) -> (i32, i32) {
    %c0_i32 = arith.constant 0 : i32
    %c0_i32_0 = arith.constant 0 : i32
    %c0_i32_1 = arith.constant 0 : i32
    return %c0_i32, %c0_i32_0 : i32, i32
  }
  func.func @transform_2(%arg0: i32) -> i32 {
    %c0_i32 = arith.constant 0 : i32
    %c0_i32_0 = arith.constant 0 : i32
    return %c0_i32 : i32
  }
  func.func @transform_3(%arg0: i32) -> (i32, i32) {
    %c0_i32 = arith.constant 0 : i32
    %c0_i32_0 = arith.constant 0 : i32
    return %arg0, %c0_i32 : i32, i32
  }
}

module attributes {stable_mosaic.version = 14 : i64} {
  func.func @_gin_body(%arg0: i32, %arg1: memref<1000x128xf32, #tpu.memory_space<vmem>>, %arg2: memref<1000x128xf32, #tpu.memory_space<vmem>>, %arg3: memref<1000x128xf32, #tpu.memory_space<vmem>>, %arg4: memref<128x128xf32, #tpu.memory_space<vmem>>, %arg5: memref<128xf32, #tpu.memory_space<vmem>>, %arg6: memref<128x128xf32, #tpu.memory_space<vmem>>, %arg7: memref<128xf32, #tpu.memory_space<vmem>>, %arg8: memref<1000x128xf32, #tpu.memory_space<vmem>>) attributes {dimension_semantics = [#tpu.dimension_semantics<arbitrary>], iteration_bounds = array<i64: 10>, scalar_prefetch = 0 : i64, scratch_operands = 0 : i64, tpu.core_type = #tpu.core_type<tc>, window_params = [{transform_indices = @transform_0, window_bounds = array<i64: 1000, 128>}, {transform_indices = @transform_1, window_bounds = array<i64: 1000, 128>}, {transform_indices = @transform_2, window_bounds = array<i64: 1000, 128>}, {pipeline_mode = #tpu.pipeline_mode<synchronous>, transform_indices = @transform_3, window_bounds = array<i64: 128, 128>}, {pipeline_mode = #tpu.pipeline_mode<synchronous>, transform_indices = @transform_4, window_bounds = array<i64: 128>}, {pipeline_mode = #tpu.pipeline_mode<synchronous>, transform_indices = @transform_5, window_bounds = array<i64: 128, 128>}, {pipeline_mode = #tpu.pipeline_mode<synchronous>, transform_indices = @transform_6, window_bounds = array<i64: 128>}, {transform_indices = @transform_7, window_bounds = array<i64: 1000, 128>}]} {
    %get3A = arith.constant 0 : index
    %get3A_0 = arith.constant 0 : index
    %get3A_1 = vector.load %arg1[%get3A, %get3A_0] : memref<1000x128xf32, #tpu.memory_space<vmem>>, vector<1000x128xf32>
    %get3A_2 = arith.constant 0 : index
    %get3A_3 = arith.constant 0 : index
    %get3A_4 = vector.load %arg2[%get3A_2, %get3A_3] : memref<1000x128xf32, #tpu.memory_space<vmem>>, vector<1000x128xf32>
    %add3A = arith.addf %get3A_1, %get3A_4 : vector<1000x128xf32>
    %get3A_5 = arith.constant 0 : index
    %get3A_6 = arith.constant 0 : index
    %get3A_7 = vector.load %arg3[%get3A_5, %get3A_6] : memref<1000x128xf32, #tpu.memory_space<vmem>>, vector<1000x128xf32>
    %add3A_8 = arith.addf %add3A, %get3A_7 : vector<1000x128xf32>
    %get3A_9 = arith.constant 0 : index
    %get3A_10 = arith.constant 0 : index
    %get3A_11 = vector.load %arg4[%get3A_9, %get3A_10] : memref<128x128xf32, #tpu.memory_space<vmem>>, vector<128x128xf32>
    %dot_general3A = arith.constant dense<0.000000e+00> : vector<1000x128xf32>
    %dot_general3A_12 = tpu.matmul %add3A_8, %get3A_11, %dot_general3A {dimension_numbers = #tpu.dot_dimension_numbers<[1], [0], [0], [1], [0, 0, 1, 1], [], []>, transpose_lhs_hint = false} : vector<1000x128xf32>, vector<128x128xf32>, vector<1000x128xf32> -> vector<1000x128xf32>
    %get3A_13 = arith.constant 0 : index
    %get3A_14 = vector.load %arg5[%get3A_13] : memref<128xf32, #tpu.memory_space<vmem>>, vector<128xf32>
    %broadcast_in_dim3A = vector.shape_cast %get3A_14 : vector<128xf32> to vector<1x128xf32>
    %add3A_15 = vector.broadcast %broadcast_in_dim3A : vector<1x128xf32> to vector<1000x128xf32>
    %add3A_16 = arith.addf %dot_general3A_12, %add3A_15 : vector<1000x128xf32>
    %max3A = arith.constant 0.000000e+00 : f32
    %max3A_17 = vector.broadcast %max3A : f32 to vector<1000x128xf32>
    %max3A_18 = arith.maximumf %add3A_16, %max3A_17 : vector<1000x128xf32>
    %get3A_19 = arith.constant 0 : index
    %get3A_20 = arith.constant 0 : index
    %get3A_21 = vector.load %arg6[%get3A_19, %get3A_20] : memref<128x128xf32, #tpu.memory_space<vmem>>, vector<128x128xf32>
    %dot_general3A_22 = arith.constant dense<0.000000e+00> : vector<1000x128xf32>
    %dot_general3A_23 = tpu.matmul %max3A_18, %get3A_21, %dot_general3A_22 {dimension_numbers = #tpu.dot_dimension_numbers<[1], [0], [0], [1], [0, 0, 1, 1], [], []>, transpose_lhs_hint = false} : vector<1000x128xf32>, vector<128x128xf32>, vector<1000x128xf32> -> vector<1000x128xf32>
    %get3A_24 = arith.constant 0 : index
    %get3A_25 = vector.load %arg7[%get3A_24] : memref<128xf32, #tpu.memory_space<vmem>>, vector<128xf32>
    %broadcast_in_dim3A_26 = vector.shape_cast %get3A_25 : vector<128xf32> to vector<1x128xf32>
    %add3A_27 = vector.broadcast %broadcast_in_dim3A_26 : vector<1x128xf32> to vector<1000x128xf32>
    %add3A_28 = arith.addf %dot_general3A_23, %add3A_27 : vector<1000x128xf32>
    %swap3A = arith.constant 0 : index
    %swap3A_29 = arith.constant 0 : index
    %swap3A_30 = vector.load %arg8[%swap3A, %swap3A_29] : memref<1000x128xf32, #tpu.memory_space<vmem>>, vector<1000x128xf32>
    tpu.vector_store %arg8[%swap3A, %swap3A_29], %add3A_28 {strides = array<i32>} : memref<1000x128xf32, #tpu.memory_space<vmem>>, vector<1000x128xf32>,
    return
  }
  func.func @transform_0(%arg0: i32) -> (i32, i32) {
    %c0_i32 = arith.constant 0 : i32
    %c0_i32_0 = arith.constant 0 : i32
    return %arg0, %c0_i32 : i32, i32
  }
  func.func @transform_1(%arg0: i32) -> (i32, i32) {
    %c0_i32 = arith.constant 0 : i32
    %c0_i32_0 = arith.constant 0 : i32
    return %arg0, %c0_i32 : i32, i32
  }
  func.func @transform_2(%arg0: i32) -> (i32, i32) {
    %c0_i32 = arith.constant 0 : i32
    %c0_i32_0 = arith.constant 0 : i32
    return %arg0, %c0_i32 : i32, i32
  }
  func.func @transform_3(%arg0: i32) -> (i32, i32) {
    %c0_i32 = arith.constant 0 : i32
    %c0_i32_0 = arith.constant 0 : i32
    %c0_i32_1 = arith.constant 0 : i32
    return %c0_i32, %c0_i32_0 : i32, i32
  }
  func.func @transform_4(%arg0: i32) -> i32 {
    %c0_i32 = arith.constant 0 : i32
    %c0_i32_0 = arith.constant 0 : i32
    return %c0_i32 : i32
  }
  func.func @transform_5(%arg0: i32) -> (i32, i32) {
    %c0_i32 = arith.constant 0 : i32
    %c0_i32_0 = arith.constant 0 : i32
    %c0_i32_1 = arith.constant 0 : i32
    return %c0_i32, %c0_i32_0 : i32, i32
  }
  func.func @transform_6(%arg0: i32) -> i32 {
    %c0_i32 = arith.constant 0 : i32
    %c0_i32_0 = arith.constant 0 : i32
    return %c0_i32 : i32
  }
  func.func @transform_7(%arg0: i32) -> (i32, i32) {
    %c0_i32 = arith.constant 0 : i32
    %c0_i32_0 = arith.constant 0 : i32
    return %arg0, %c0_i32 : i32, i32
  }
}

module attributes {stable_mosaic.version = 14 : i64} {
  func.func @_gcn_fc_body(%arg0: i32, %arg1: memref<256x128xf32, #tpu.memory_space<vmem>>, %arg2: memref<256x128xf32, #tpu.memory_space<vmem>>, %arg3: memref<128x128xf32, #tpu.memory_space<vmem>>, %arg4: memref<128xf32, #tpu.memory_space<vmem>>, %arg5: memref<128x128xf32, #tpu.memory_space<vmem>>, %arg6: memref<128xf32, #tpu.memory_space<vmem>>, %arg7: memref<256x128xf32, #tpu.memory_space<vmem>>, %arg8: memref<128xf32, #tpu.memory_space<vmem>>, %arg9: memref<256x128xf32, #tpu.memory_space<vmem>>) attributes {dimension_semantics = [#tpu.dimension_semantics<arbitrary>], iteration_bounds = array<i64: 8>, scalar_prefetch = 0 : i64, scratch_operands = 0 : i64, tpu.core_type = #tpu.core_type<tc>, window_params = [{transform_indices = @transform_0, window_bounds = array<i64: 256, 128>}, {transform_indices = @transform_1, window_bounds = array<i64: 256, 128>}, {pipeline_mode = #tpu.pipeline_mode<synchronous>, transform_indices = @transform_2, window_bounds = array<i64: 128, 128>}, {pipeline_mode = #tpu.pipeline_mode<synchronous>, transform_indices = @transform_3, window_bounds = array<i64: 128>}, {pipeline_mode = #tpu.pipeline_mode<synchronous>, transform_indices = @transform_4, window_bounds = array<i64: 128, 128>}, {pipeline_mode = #tpu.pipeline_mode<synchronous>, transform_indices = @transform_5, window_bounds = array<i64: 128>}, {pipeline_mode = #tpu.pipeline_mode<synchronous>, transform_indices = @transform_6, window_bounds = array<i64: 256, 128>}, {pipeline_mode = #tpu.pipeline_mode<synchronous>, transform_indices = @transform_7, window_bounds = array<i64: 128>}, {transform_indices = @transform_8, window_bounds = array<i64: 256, 128>}]} {
    %get3A = arith.constant 0 : index
    %get3A_0 = arith.constant 0 : index
    %get3A_1 = vector.load %arg1[%get3A, %get3A_0] : memref<256x128xf32, #tpu.memory_space<vmem>>, vector<256x128xf32>
    %get3A_2 = arith.constant 0 : index
    %get3A_3 = arith.constant 0 : index
    %get3A_4 = vector.load %arg3[%get3A_2, %get3A_3] : memref<128x128xf32, #tpu.memory_space<vmem>>, vector<128x128xf32>
    %dot_general3A = arith.constant dense<0.000000e+00> : vector<256x128xf32>
    %dot_general3A_5 = tpu.matmul %get3A_1, %get3A_4, %dot_general3A {dimension_numbers = #tpu.dot_dimension_numbers<[1], [0], [0], [1], [0, 0, 1, 1], [], []>, transpose_lhs_hint = false} : vector<256x128xf32>, vector<128x128xf32>, vector<256x128xf32> -> vector<256x128xf32>
    %get3A_6 = arith.constant 0 : index
    %get3A_7 = vector.load %arg4[%get3A_6] : memref<128xf32, #tpu.memory_space<vmem>>, vector<128xf32>
    %broadcast_in_dim3A = vector.shape_cast %get3A_7 : vector<128xf32> to vector<1x128xf32>
    %add3A = vector.broadcast %broadcast_in_dim3A : vector<1x128xf32> to vector<256x128xf32>
    %add3A_8 = arith.addf %dot_general3A_5, %add3A : vector<256x128xf32>
    %tanh3A = math.tanh %add3A_8 : vector<256x128xf32>
    %get3A_9 = arith.constant 0 : index
    %get3A_10 = arith.constant 0 : index
    %get3A_11 = vector.load %arg2[%get3A_9, %get3A_10] : memref<256x128xf32, #tpu.memory_space<vmem>>, vector<256x128xf32>
    %get3A_12 = arith.constant 0 : index
    %get3A_13 = arith.constant 0 : index
    %get3A_14 = vector.load %arg5[%get3A_12, %get3A_13] : memref<128x128xf32, #tpu.memory_space<vmem>>, vector<128x128xf32>
    %dot_general3A_15 = arith.constant dense<0.000000e+00> : vector<256x128xf32>
    %dot_general3A_16 = tpu.matmul %get3A_11, %get3A_14, %dot_general3A_15 {dimension_numbers = #tpu.dot_dimension_numbers<[1], [0], [0], [1], [0, 0, 1, 1], [], []>, transpose_lhs_hint = false} : vector<256x128xf32>, vector<128x128xf32>, vector<256x128xf32> -> vector<256x128xf32>
    %get3A_17 = arith.constant 0 : index
    %get3A_18 = vector.load %arg6[%get3A_17] : memref<128xf32, #tpu.memory_space<vmem>>, vector<128xf32>
    %broadcast_in_dim3A_19 = vector.shape_cast %get3A_18 : vector<128xf32> to vector<1x128xf32>
    %add3A_20 = vector.broadcast %broadcast_in_dim3A_19 : vector<1x128xf32> to vector<256x128xf32>
    %add3A_21 = arith.addf %dot_general3A_16, %add3A_20 : vector<256x128xf32>
    %tanh3A_22 = math.tanh %add3A_21 : vector<256x128xf32>
    %get3A_23 = arith.constant 0 : index
    %get3A_24 = arith.constant 0 : index
    %get3A_25 = vector.load %arg7[%get3A_23, %get3A_24] : memref<256x128xf32, #tpu.memory_space<vmem>>, vector<128x128xf32>
    %dot_general3A_26 = arith.constant dense<0.000000e+00> : vector<256x128xf32>
    %dot_general3A_27 = tpu.matmul %tanh3A, %get3A_25, %dot_general3A_26 {dimension_numbers = #tpu.dot_dimension_numbers<[1], [0], [0], [1], [0, 0, 1, 1], [], []>, transpose_lhs_hint = false} : vector<256x128xf32>, vector<128x128xf32>, vector<256x128xf32> -> vector<256x128xf32>
    %get3A_28 = arith.constant 128 : index
    %get3A_29 = arith.constant 0 : index
    %get3A_30 = vector.load %arg7[%get3A_28, %get3A_29] : memref<256x128xf32, #tpu.memory_space<vmem>>, vector<128x128xf32>
    %dot_general3A_31 = arith.constant dense<0.000000e+00> : vector<256x128xf32>
    %dot_general3A_32 = tpu.matmul %tanh3A_22, %get3A_30, %dot_general3A_31 {dimension_numbers = #tpu.dot_dimension_numbers<[1], [0], [0], [1], [0, 0, 1, 1], [], []>, transpose_lhs_hint = false} : vector<256x128xf32>, vector<128x128xf32>, vector<256x128xf32> -> vector<256x128xf32>
    %add3A_33 = arith.addf %dot_general3A_27, %dot_general3A_32 : vector<256x128xf32>
    %get3A_34 = arith.constant 0 : index
    %get3A_35 = vector.load %arg8[%get3A_34] : memref<128xf32, #tpu.memory_space<vmem>>, vector<128xf32>
    %broadcast_in_dim3A_36 = vector.shape_cast %get3A_35 : vector<128xf32> to vector<1x128xf32>
    %add3A_37 = vector.broadcast %broadcast_in_dim3A_36 : vector<1x128xf32> to vector<256x128xf32>
    %add3A_38 = arith.addf %add3A_33, %add3A_37 : vector<256x128xf32>
    %swap3A = arith.constant 0 : index
    %swap3A_39 = arith.constant 0 : index
    %swap3A_40 = vector.load %arg9[%swap3A, %swap3A_39] : memref<256x128xf32, #tpu.memory_space<vmem>>, vector<256x128xf32>
    tpu.vector_store %arg9[%swap3A, %swap3A_39], %add3A_38 {strides = array<i32>} : memref<256x128xf32, #tpu.memory_space<vmem>>, vector<256x128xf32>,
    return
  }
  func.func @transform_0(%arg0: i32) -> (i32, i32) {
    %c0_i32 = arith.constant 0 : i32
    %c0_i32_0 = arith.constant 0 : i32
    return %arg0, %c0_i32 : i32, i32
  }
  func.func @transform_1(%arg0: i32) -> (i32, i32) {
    %c0_i32 = arith.constant 0 : i32
    %c0_i32_0 = arith.constant 0 : i32
    return %arg0, %c0_i32 : i32, i32
  }
  func.func @transform_2(%arg0: i32) -> (i32, i32) {
    %c0_i32 = arith.constant 0 : i32
    %c0_i32_0 = arith.constant 0 : i32
    %c0_i32_1 = arith.constant 0 : i32
    return %c0_i32, %c0_i32_0 : i32, i32
  }
  func.func @transform_3(%arg0: i32) -> i32 {
    %c0_i32 = arith.constant 0 : i32
    %c0_i32_0 = arith.constant 0 : i32
    return %c0_i32 : i32
  }
  func.func @transform_4(%arg0: i32) -> (i32, i32) {
    %c0_i32 = arith.constant 0 : i32
    %c0_i32_0 = arith.constant 0 : i32
    %c0_i32_1 = arith.constant 0 : i32
    return %c0_i32, %c0_i32_0 : i32, i32
  }
  func.func @transform_5(%arg0: i32) -> i32 {
    %c0_i32 = arith.constant 0 : i32
    %c0_i32_0 = arith.constant 0 : i32
    return %c0_i32 : i32
  }
  func.func @transform_6(%arg0: i32) -> (i32, i32) {
    %c0_i32 = arith.constant 0 : i32
    %c0_i32_0 = arith.constant 0 : i32
    %c0_i32_1 = arith.constant 0 : i32
    return %c0_i32, %c0_i32_0 : i32, i32
  }
  func.func @transform_7(%arg0: i32) -> i32 {
    %c0_i32 = arith.constant 0 : i32
    %c0_i32_0 = arith.constant 0 : i32
    return %c0_i32 : i32
  }
  func.func @transform_8(%arg0: i32) -> (i32, i32) {
    %c0_i32 = arith.constant 0 : i32
    %c0_i32_0 = arith.constant 0 : i32
    return %arg0, %c0_i32 : i32, i32
  }
}

module attributes {stable_mosaic.version = 14 : i64} {
  func.func @_scores_body(%arg0: i32, %arg1: memref<64x16x128xf32, #tpu.memory_space<vmem>>, %arg2: memref<1x64x10x128xf32, #tpu.memory_space<vmem>>, %arg3: memref<128x128xf32, #tpu.memory_space<vmem>>, %arg4: memref<128xf32, #tpu.memory_space<vmem>>, %arg5: memref<1x64x10xf32, #tpu.memory_space<vmem>>) attributes {dimension_semantics = [#tpu.dimension_semantics<arbitrary>], iteration_bounds = array<i64: 16>, scalar_prefetch = 0 : i64, scratch_operands = 0 : i64, tpu.core_type = #tpu.core_type<tc>, window_params = [{pipeline_mode = #tpu.pipeline_mode<synchronous>, transform_indices = @transform_0, window_bounds = array<i64: 64, 16, 128>}, {transform_indices = @transform_1, window_bounds = array<i64: 1, 64, 10, 128>}, {pipeline_mode = #tpu.pipeline_mode<synchronous>, transform_indices = @transform_2, window_bounds = array<i64: 128, 128>}, {pipeline_mode = #tpu.pipeline_mode<synchronous>, transform_indices = @transform_3, window_bounds = array<i64: 128>}, {transform_indices = @transform_4, window_bounds = array<i64: 1, 64, 10>}]} {
    %get3A = arith.constant 0 : index
    %get3A_0 = arith.constant 0 : index
    %get3A_1 = arith.constant 0 : index
    %get3A_2 = arith.constant 0 : index
    %get3A_3 = vector.load %arg2[%get3A, %get3A_0, %get3A_1, %get3A_2] : memref<1x64x10x128xf32, #tpu.memory_space<vmem>>, vector<1x64x10x128xf32>
    %reshape3A = vector.shape_cast %get3A_3 : vector<1x64x10x128xf32> to vector<640x128xf32>
    %get3A_4 = arith.constant 0 : index
    %get3A_5 = arith.constant 0 : index
    %get3A_6 = vector.load %arg3[%get3A_4, %get3A_5] : memref<128x128xf32, #tpu.memory_space<vmem>>, vector<128x128xf32>
    %dot_general3A = arith.constant dense<0.000000e+00> : vector<640x128xf32>
    %dot_general3A_7 = tpu.matmul %reshape3A, %get3A_6, %dot_general3A {dimension_numbers = #tpu.dot_dimension_numbers<[1], [0], [0], [1], [0, 0, 1, 1], [], []>, transpose_lhs_hint = false} : vector<640x128xf32>, vector<128x128xf32>, vector<640x128xf32> -> vector<640x128xf32>
    %get3A_8 = arith.constant 0 : index
    %get3A_9 = vector.load %arg4[%get3A_8] : memref<128xf32, #tpu.memory_space<vmem>>, vector<128xf32>
    %broadcast_in_dim3A = vector.shape_cast %get3A_9 : vector<128xf32> to vector<1x128xf32>
    %add3A = vector.broadcast %broadcast_in_dim3A : vector<1x128xf32> to vector<640x128xf32>
    %add3A_10 = arith.addf %dot_general3A_7, %add3A : vector<640x128xf32>
    %tanh3A = math.tanh %add3A_10 : vector<640x128xf32>
    %reshape3A_11 = vector.shape_cast %tanh3A : vector<640x128xf32> to vector<64x10x128xf32>
    %get3A_12 = arith.constant 0 : index
    %get3A_13 = arith.index_cast %arg0 : i32 to index
    %get3A_14 = arith.constant 0 : index
    %get3A_15 = vector.load %arg1[%get3A_12, %get3A_13, %get3A_14] : memref<64x16x128xf32, #tpu.memory_space<vmem>>, vector<64x1x128xf32>
    %mul3A = vector.broadcast %get3A_15 : vector<64x1x128xf32> to vector<64x10x128xf32>
    %mul3A_16 = arith.mulf %reshape3A_11, %mul3A : vector<64x10x128xf32>
    %reduce_sum3A = arith.constant dense<0.000000e+00> : vector<64x10xf32>
    %reduce_sum3A_17 = vector.multi_reduction <add>, %mul3A_16, %reduce_sum3A [2] : vector<64x10x128xf32> to vector<64x10xf32>
    %reshape3A_18 = vector.shape_cast %reduce_sum3A_17 : vector<64x10xf32> to vector<1x64x10xf32>
    %swap3A = arith.constant 0 : index
    %swap3A_19 = arith.constant 0 : index
    %swap3A_20 = arith.constant 0 : index
    %swap3A_21 = vector.load %arg5[%swap3A, %swap3A_19, %swap3A_20] : memref<1x64x10xf32, #tpu.memory_space<vmem>>, vector<1x64x10xf32>
    tpu.vector_store %arg5[%swap3A, %swap3A_19, %swap3A_20], %reshape3A_18 {strides = array<i32>} : memref<1x64x10xf32, #tpu.memory_space<vmem>>, vector<1x64x10xf32>,
    return
  }
  func.func @transform_0(%arg0: i32) -> (i32, i32, i32) {
    %c0_i32 = arith.constant 0 : i32
    %c0_i32_0 = arith.constant 0 : i32
    %c0_i32_1 = arith.constant 0 : i32
    %c0_i32_2 = arith.constant 0 : i32
    return %c0_i32, %c0_i32_0, %c0_i32_1 : i32, i32, i32
  }
  func.func @transform_1(%arg0: i32) -> (i32, i32, i32, i32) {
    %c0_i32 = arith.constant 0 : i32
    %c0_i32_0 = arith.constant 0 : i32
    %c0_i32_1 = arith.constant 0 : i32
    %c0_i32_2 = arith.constant 0 : i32
    return %arg0, %c0_i32, %c0_i32_0, %c0_i32_1 : i32, i32, i32, i32
  }
  func.func @transform_2(%arg0: i32) -> (i32, i32) {
    %c0_i32 = arith.constant 0 : i32
    %c0_i32_0 = arith.constant 0 : i32
    %c0_i32_1 = arith.constant 0 : i32
    return %c0_i32, %c0_i32_0 : i32, i32
  }
  func.func @transform_3(%arg0: i32) -> i32 {
    %c0_i32 = arith.constant 0 : i32
    %c0_i32_0 = arith.constant 0 : i32
    return %c0_i32 : i32
  }
  func.func @transform_4(%arg0: i32) -> (i32, i32, i32) {
    %c0_i32 = arith.constant 0 : i32
    %c0_i32_0 = arith.constant 0 : i32
    %c0_i32_1 = arith.constant 0 : i32
    return %arg0, %c0_i32, %c0_i32_0 : i32, i32, i32
  }
}

module attributes {stable_mosaic.version = 14 : i64} {
  func.func @_rnn_pair_body(%arg0: memref<64x16x128xf32, #tpu.memory_space<vmem>>, %arg1: memref<64x16x128xf32, #tpu.memory_space<vmem>>, %arg2: memref<3x16x128xf32, #tpu.memory_space<vmem>>, %arg3: memref<3x16x128xf32, #tpu.memory_space<vmem>>, %arg4: memref<3x128x128xf32, #tpu.memory_space<vmem>>, %arg5: memref<3x128x128xf32, #tpu.memory_space<vmem>>, %arg6: memref<3x128xf32, #tpu.memory_space<vmem>>, %arg7: memref<3x128xf32, #tpu.memory_space<vmem>>, %arg8: memref<3x128x128xf32, #tpu.memory_space<vmem>>, %arg9: memref<3x128x128xf32, #tpu.memory_space<vmem>>, %arg10: memref<3x128xf32, #tpu.memory_space<vmem>>, %arg11: memref<3x128xf32, #tpu.memory_space<vmem>>, %arg12: memref<128x128xf32, #tpu.memory_space<vmem>>, %arg13: memref<128x128xf32, #tpu.memory_space<vmem>>, %arg14: memref<128xf32, #tpu.memory_space<vmem>>, %arg15: memref<3x16x128xf32, #tpu.memory_space<vmem>>, %arg16: memref<3x16x128xf32, #tpu.memory_space<vmem>>, %arg17: memref<64x16x128xf32, #tpu.memory_space<vmem>>, %arg18: memref<64x16x128xf32, #tpu.memory_space<vmem>>, %arg19: memref<64x16x128xf32, #tpu.memory_space<vmem>>) attributes {dimension_semantics = [], scalar_prefetch = 0 : i64, scratch_operands = 2 : i64, tpu.core_type = #tpu.core_type<tc>} {
    %get3A = arith.constant 0 : index
    %get3A_0 = arith.constant 0 : index
    %get3A_1 = arith.constant 0 : index
    %get3A_2 = vector.load %arg0[%get3A, %get3A_0, %get3A_1] : memref<64x16x128xf32, #tpu.memory_space<vmem>>, vector<64x16x128xf32>
    %reshape3A = vector.shape_cast %get3A_2 : vector<64x16x128xf32> to vector<1024x128xf32>
    %get3A_3 = arith.constant 0 : index
    %get3A_4 = arith.constant 0 : index
    %get3A_5 = arith.constant 0 : index
    %get3A_6 = vector.load %arg1[%get3A_3, %get3A_4, %get3A_5] : memref<64x16x128xf32, #tpu.memory_space<vmem>>, vector<64x16x128xf32>
    %reshape3A_7 = vector.shape_cast %get3A_6 : vector<64x16x128xf32> to vector<1024x128xf32>
    %get3A_8 = arith.constant 0 : index
    %get3A_9 = arith.constant 0 : index
    %get3A_10 = arith.constant 0 : index
    %get3A_11 = vector.load %arg4[%get3A_8, %get3A_9, %get3A_10] : memref<3x128x128xf32, #tpu.memory_space<vmem>>, vector<1x128x128xf32>
    %get3A_12 = vector.shape_cast %get3A_11 : vector<1x128x128xf32> to vector<128x128xf32>
    %dot_general3A = arith.constant dense<0.000000e+00> : vector<1024x128xf32>
    %dot_general3A_13 = tpu.matmul %reshape3A, %get3A_12, %dot_general3A {dimension_numbers = #tpu.dot_dimension_numbers<[1], [0], [0], [1], [0, 0, 1, 1], [], []>, transpose_lhs_hint = false} : vector<1024x128xf32>, vector<128x128xf32>, vector<1024x128xf32> -> vector<1024x128xf32>
    %get3A_14 = arith.constant 0 : index
    %get3A_15 = arith.constant 0 : index
    %get3A_16 = vector.load %arg6[%get3A_14, %get3A_15] : memref<3x128xf32, #tpu.memory_space<vmem>>, vector<1x128xf32>
    %get3A_17 = vector.shape_cast %get3A_16 : vector<1x128xf32> to vector<128xf32>
    %broadcast_in_dim3A = vector.shape_cast %get3A_17 : vector<128xf32> to vector<1x128xf32>
    %add3A = vector.broadcast %broadcast_in_dim3A : vector<1x128xf32> to vector<1024x128xf32>
    %add3A_18 = arith.addf %dot_general3A_13, %add3A : vector<1024x128xf32>
    %reshape3A_19 = vector.shape_cast %add3A_18 : vector<1024x128xf32> to vector<64x16x128xf32>
    %swap3A = arith.constant 0 : index
    %swap3A_20 = arith.constant 0 : index
    %swap3A_21 = arith.constant 0 : index
    %swap3A_22 = vector.load %arg18[%swap3A, %swap3A_20, %swap3A_21] : memref<64x16x128xf32, #tpu.memory_space<vmem>>, vector<64x16x128xf32>
    tpu.vector_store %arg18[%swap3A, %swap3A_20, %swap3A_21], %reshape3A_19 {strides = array<i32>} : memref<64x16x128xf32, #tpu.memory_space<vmem>>, vector<64x16x128xf32>,
    %get3A_23 = arith.constant 0 : index
    %get3A_24 = arith.constant 0 : index
    %get3A_25 = arith.constant 0 : index
    %get3A_26 = vector.load %arg8[%get3A_23, %get3A_24, %get3A_25] : memref<3x128x128xf32, #tpu.memory_space<vmem>>, vector<1x128x128xf32>
    %get3A_27 = vector.shape_cast %get3A_26 : vector<1x128x128xf32> to vector<128x128xf32>
    %dot_general3A_28 = arith.constant dense<0.000000e+00> : vector<1024x128xf32>
    %dot_general3A_29 = tpu.matmul %reshape3A_7, %get3A_27, %dot_general3A_28 {dimension_numbers = #tpu.dot_dimension_numbers<[1], [0], [0], [1], [0, 0, 1, 1], [], []>, transpose_lhs_hint = false} : vector<1024x128xf32>, vector<128x128xf32>, vector<1024x128xf32> -> vector<1024x128xf32>
    %get3A_30 = arith.constant 0 : index
    %get3A_31 = arith.constant 0 : index
    %get3A_32 = vector.load %arg10[%get3A_30, %get3A_31] : memref<3x128xf32, #tpu.memory_space<vmem>>, vector<1x128xf32>
    %get3A_33 = vector.shape_cast %get3A_32 : vector<1x128xf32> to vector<128xf32>
    %broadcast_in_dim3A_34 = vector.shape_cast %get3A_33 : vector<128xf32> to vector<1x128xf32>
    %add3A_35 = vector.broadcast %broadcast_in_dim3A_34 : vector<1x128xf32> to vector<1024x128xf32>
    %add3A_36 = arith.addf %dot_general3A_29, %add3A_35 : vector<1024x128xf32>
    %reshape3A_37 = vector.shape_cast %add3A_36 : vector<1024x128xf32> to vector<64x16x128xf32>
    %swap3A_38 = arith.constant 0 : index
    %swap3A_39 = arith.constant 0 : index
    %swap3A_40 = arith.constant 0 : index
    %swap3A_41 = vector.load %arg19[%swap3A_38, %swap3A_39, %swap3A_40] : memref<64x16x128xf32, #tpu.memory_space<vmem>>, vector<64x16x128xf32>
    tpu.vector_store %arg19[%swap3A_38, %swap3A_39, %swap3A_40], %reshape3A_37 {strides = array<i32>} : memref<64x16x128xf32, #tpu.memory_space<vmem>>, vector<64x16x128xf32>,
    %get3A_42 = arith.constant 0 : index
    %get3A_43 = arith.constant 0 : index
    %get3A_44 = arith.constant 0 : index
    %get3A_45 = vector.load %arg5[%get3A_42, %get3A_43, %get3A_44] : memref<3x128x128xf32, #tpu.memory_space<vmem>>, vector<1x128x128xf32>
    %get3A_46 = vector.shape_cast %get3A_45 : vector<1x128x128xf32> to vector<128x128xf32>
    %get3A_47 = arith.constant 0 : index
    %get3A_48 = arith.constant 0 : index
    %get3A_49 = arith.constant 0 : index
    %get3A_50 = vector.load %arg9[%get3A_47, %get3A_48, %get3A_49] : memref<3x128x128xf32, #tpu.memory_space<vmem>>, vector<1x128x128xf32>
    %get3A_51 = vector.shape_cast %get3A_50 : vector<1x128x128xf32> to vector<128x128xf32>
    %get3A_52 = arith.constant 0 : index
    %get3A_53 = arith.constant 0 : index
    %get3A_54 = vector.load %arg7[%get3A_52, %get3A_53] : memref<3x128xf32, #tpu.memory_space<vmem>>, vector<1x128xf32>
    %get3A_55 = vector.shape_cast %get3A_54 : vector<1x128xf32> to vector<128xf32>
    %get3A_56 = arith.constant 0 : index
    %get3A_57 = arith.constant 0 : index
    %get3A_58 = vector.load %arg11[%get3A_56, %get3A_57] : memref<3x128xf32, #tpu.memory_space<vmem>>, vector<1x128xf32>
    %get3A_59 = vector.shape_cast %get3A_58 : vector<1x128xf32> to vector<128xf32>
    %get3A_60 = arith.constant 0 : index
    %get3A_61 = arith.constant 0 : index
    %get3A_62 = arith.constant 0 : index
    %get3A_63 = vector.load %arg2[%get3A_60, %get3A_61, %get3A_62] : memref<3x16x128xf32, #tpu.memory_space<vmem>>, vector<1x16x128xf32>
    %get3A_64 = vector.shape_cast %get3A_63 : vector<1x16x128xf32> to vector<16x128xf32>
    %get3A_65 = arith.constant 0 : index
    %get3A_66 = arith.constant 0 : index
    %get3A_67 = arith.constant 0 : index
    %get3A_68 = vector.load %arg3[%get3A_65, %get3A_66, %get3A_67] : memref<3x16x128xf32, #tpu.memory_space<vmem>>, vector<1x16x128xf32>
    %get3A_69 = vector.shape_cast %get3A_68 : vector<1x16x128xf32> to vector<16x128xf32>
    %scan3A = arith.constant 0 : i32
    %scan3A_70 = arith.constant 64 : i32
    %scan3A_71 = arith.addi %scan3A, %scan3A_70 : i32
    %scan3A_72 = arith.constant 1 : i32
    %scan3A_73:2 = scf.for %scan3A_283 = %scan3A to %scan3A_71 step %scan3A_72 iter_args(%scan3A_284 = %get3A_64, %scan3A_285 = %get3A_69) -> (vector<16x128xf32>, vector<16x128xf32>)  : i32 {
      %get3A_286 = arith.index_cast %scan3A_283 : i32 to index
      %get3A_287 = arith.constant 0 : index
      %get3A_288 = arith.constant 0 : index
      %get3A_289 = vector.load %arg18[%get3A_286, %get3A_287, %get3A_288] : memref<64x16x128xf32, #tpu.memory_space<vmem>>, vector<1x16x128xf32>
      %get3A_290 = vector.shape_cast %get3A_289 : vector<1x16x128xf32> to vector<16x128xf32>
      %dot_general3A_291 = arith.constant dense<0.000000e+00> : vector<16x128xf32>
      %dot_general3A_292 = tpu.matmul %scan3A_284, %get3A_46, %dot_general3A_291 {dimension_numbers = #tpu.dot_dimension_numbers<[1], [0], [0], [1], [0, 0, 1, 1], [], []>, transpose_lhs_hint = false} : vector<16x128xf32>, vector<128x128xf32>, vector<16x128xf32> -> vector<16x128xf32>
      %add3A_293 = arith.addf %get3A_290, %dot_general3A_292 : vector<16x128xf32>
      %broadcast_in_dim3A_294 = vector.shape_cast %get3A_55 : vector<128xf32> to vector<1x128xf32>
      %add3A_295 = vector.broadcast %broadcast_in_dim3A_294 : vector<1x128xf32> to vector<16x128xf32>
      %add3A_296 = arith.addf %add3A_293, %add3A_295 : vector<16x128xf32>
      %tanh3A = math.tanh %add3A_296 : vector<16x128xf32>
      %get3A_297 = arith.index_cast %scan3A_283 : i32 to index
      %get3A_298 = arith.constant 0 : index
      %get3A_299 = arith.constant 0 : index
      %get3A_300 = vector.load %arg19[%get3A_297, %get3A_298, %get3A_299] : memref<64x16x128xf32, #tpu.memory_space<vmem>>, vector<1x16x128xf32>
      %get3A_301 = vector.shape_cast %get3A_300 : vector<1x16x128xf32> to vector<16x128xf32>
      %dot_general3A_302 = arith.constant dense<0.000000e+00> : vector<16x128xf32>
      %dot_general3A_303 = tpu.matmul %scan3A_285, %get3A_51, %dot_general3A_302 {dimension_numbers = #tpu.dot_dimension_numbers<[1], [0], [0], [1], [0, 0, 1, 1], [], []>, transpose_lhs_hint = false} : vector<16x128xf32>, vector<128x128xf32>, vector<16x128xf32> -> vector<16x128xf32>
      %add3A_304 = arith.addf %get3A_301, %dot_general3A_303 : vector<16x128xf32>
      %broadcast_in_dim3A_305 = vector.shape_cast %get3A_59 : vector<128xf32> to vector<1x128xf32>
      %add3A_306 = vector.broadcast %broadcast_in_dim3A_305 : vector<1x128xf32> to vector<16x128xf32>
      %add3A_307 = arith.addf %add3A_304, %add3A_306 : vector<16x128xf32>
      %tanh3A_308 = math.tanh %add3A_307 : vector<16x128xf32>
      %swap3A_309 = arith.index_cast %scan3A_283 : i32 to index
      %swap3A_310 = arith.constant 0 : index
      %swap3A_311 = arith.constant 0 : index
      %swap3A_312 = vector.load %arg18[%swap3A_309, %swap3A_310, %swap3A_311] : memref<64x16x128xf32, #tpu.memory_space<vmem>>, vector<1x16x128xf32>
      %swap3A_313 = vector.shape_cast %swap3A_312 : vector<1x16x128xf32> to vector<16x128xf32>
      %swap3A_314 = vector.shape_cast %tanh3A : vector<16x128xf32> to vector<1x16x128xf32>
      tpu.vector_store %arg18[%swap3A_309, %swap3A_310, %swap3A_311], %swap3A_314 {strides = array<i32>} : memref<64x16x128xf32, #tpu.memory_space<vmem>>, vector<1x16x128xf32>,
      %swap3A_315 = arith.index_cast %scan3A_283 : i32 to index
      %swap3A_316 = arith.constant 0 : index
      %swap3A_317 = arith.constant 0 : index
      %swap3A_318 = vector.load %arg19[%swap3A_315, %swap3A_316, %swap3A_317] : memref<64x16x128xf32, #tpu.memory_space<vmem>>, vector<1x16x128xf32>
      %swap3A_319 = vector.shape_cast %swap3A_318 : vector<1x16x128xf32> to vector<16x128xf32>
      %swap3A_320 = vector.shape_cast %tanh3A_308 : vector<16x128xf32> to vector<1x16x128xf32>
      tpu.vector_store %arg19[%swap3A_315, %swap3A_316, %swap3A_317], %swap3A_320 {strides = array<i32>} : memref<64x16x128xf32, #tpu.memory_space<vmem>>, vector<1x16x128xf32>,
      scf.yield %tanh3A, %tanh3A_308 : vector<16x128xf32>, vector<16x128xf32>
    }
    %scan3A_74 = arith.constant 64 : i32
    %swap3A_75 = arith.constant 0 : index
    %swap3A_76 = arith.constant 0 : index
    %swap3A_77 = arith.constant 0 : index
    %swap3A_78 = vector.load %arg15[%swap3A_75, %swap3A_76, %swap3A_77] : memref<3x16x128xf32, #tpu.memory_space<vmem>>, vector<1x16x128xf32>
    %swap3A_79 = vector.shape_cast %swap3A_78 : vector<1x16x128xf32> to vector<16x128xf32>
    %swap3A_80 = vector.shape_cast %scan3A_73#0 : vector<16x128xf32> to vector<1x16x128xf32>
    tpu.vector_store %arg15[%swap3A_75, %swap3A_76, %swap3A_77], %swap3A_80 {strides = array<i32>} : memref<3x16x128xf32, #tpu.memory_space<vmem>>, vector<1x16x128xf32>,
    %swap3A_81 = arith.constant 0 : index
    %swap3A_82 = arith.constant 0 : index
    %swap3A_83 = arith.constant 0 : index
    %swap3A_84 = vector.load %arg16[%swap3A_81, %swap3A_82, %swap3A_83] : memref<3x16x128xf32, #tpu.memory_space<vmem>>, vector<1x16x128xf32>
    %swap3A_85 = vector.shape_cast %swap3A_84 : vector<1x16x128xf32> to vector<16x128xf32>
    %swap3A_86 = vector.shape_cast %scan3A_73#1 : vector<16x128xf32> to vector<1x16x128xf32>
    tpu.vector_store %arg16[%swap3A_81, %swap3A_82, %swap3A_83], %swap3A_86 {strides = array<i32>} : memref<3x16x128xf32, #tpu.memory_space<vmem>>, vector<1x16x128xf32>,
    %get3A_87 = arith.constant 0 : index
    %get3A_88 = arith.constant 0 : index
    %get3A_89 = arith.constant 0 : index
    %get3A_90 = vector.load %arg18[%get3A_87, %get3A_88, %get3A_89] : memref<64x16x128xf32, #tpu.memory_space<vmem>>, vector<64x16x128xf32>
    %reshape3A_91 = vector.shape_cast %get3A_90 : vector<64x16x128xf32> to vector<1024x128xf32>
    %get3A_92 = arith.constant 0 : index
    %get3A_93 = arith.constant 0 : index
    %get3A_94 = arith.constant 0 : index
    %get3A_95 = vector.load %arg19[%get3A_92, %get3A_93, %get3A_94] : memref<64x16x128xf32, #tpu.memory_space<vmem>>, vector<64x16x128xf32>
    %reshape3A_96 = vector.shape_cast %get3A_95 : vector<64x16x128xf32> to vector<1024x128xf32>
    %get3A_97 = arith.constant 1 : index
    %get3A_98 = arith.constant 0 : index
    %get3A_99 = arith.constant 0 : index
    %get3A_100 = vector.load %arg4[%get3A_97, %get3A_98, %get3A_99] : memref<3x128x128xf32, #tpu.memory_space<vmem>>, vector<1x128x128xf32>
    %get3A_101 = vector.shape_cast %get3A_100 : vector<1x128x128xf32> to vector<128x128xf32>
    %dot_general3A_102 = arith.constant dense<0.000000e+00> : vector<1024x128xf32>
    %dot_general3A_103 = tpu.matmul %reshape3A_91, %get3A_101, %dot_general3A_102 {dimension_numbers = #tpu.dot_dimension_numbers<[1], [0], [0], [1], [0, 0, 1, 1], [], []>, transpose_lhs_hint = false} : vector<1024x128xf32>, vector<128x128xf32>, vector<1024x128xf32> -> vector<1024x128xf32>
    %get3A_104 = arith.constant 1 : index
    %get3A_105 = arith.constant 0 : index
    %get3A_106 = vector.load %arg6[%get3A_104, %get3A_105] : memref<3x128xf32, #tpu.memory_space<vmem>>, vector<1x128xf32>
    %get3A_107 = vector.shape_cast %get3A_106 : vector<1x128xf32> to vector<128xf32>
    %broadcast_in_dim3A_108 = vector.shape_cast %get3A_107 : vector<128xf32> to vector<1x128xf32>
    %add3A_109 = vector.broadcast %broadcast_in_dim3A_108 : vector<1x128xf32> to vector<1024x128xf32>
    %add3A_110 = arith.addf %dot_general3A_103, %add3A_109 : vector<1024x128xf32>
    %reshape3A_111 = vector.shape_cast %add3A_110 : vector<1024x128xf32> to vector<64x16x128xf32>
    %swap3A_112 = arith.constant 0 : index
    %swap3A_113 = arith.constant 0 : index
    %swap3A_114 = arith.constant 0 : index
    %swap3A_115 = vector.load %arg18[%swap3A_112, %swap3A_113, %swap3A_114] : memref<64x16x128xf32, #tpu.memory_space<vmem>>, vector<64x16x128xf32>
    tpu.vector_store %arg18[%swap3A_112, %swap3A_113, %swap3A_114], %reshape3A_111 {strides = array<i32>} : memref<64x16x128xf32, #tpu.memory_space<vmem>>, vector<64x16x128xf32>,
    %get3A_116 = arith.constant 1 : index
    %get3A_117 = arith.constant 0 : index
    %get3A_118 = arith.constant 0 : index
    %get3A_119 = vector.load %arg8[%get3A_116, %get3A_117, %get3A_118] : memref<3x128x128xf32, #tpu.memory_space<vmem>>, vector<1x128x128xf32>
    %get3A_120 = vector.shape_cast %get3A_119 : vector<1x128x128xf32> to vector<128x128xf32>
    %dot_general3A_121 = arith.constant dense<0.000000e+00> : vector<1024x128xf32>
    %dot_general3A_122 = tpu.matmul %reshape3A_96, %get3A_120, %dot_general3A_121 {dimension_numbers = #tpu.dot_dimension_numbers<[1], [0], [0], [1], [0, 0, 1, 1], [], []>, transpose_lhs_hint = false} : vector<1024x128xf32>, vector<128x128xf32>, vector<1024x128xf32> -> vector<1024x128xf32>
    %get3A_123 = arith.constant 1 : index
    %get3A_124 = arith.constant 0 : index
    %get3A_125 = vector.load %arg10[%get3A_123, %get3A_124] : memref<3x128xf32, #tpu.memory_space<vmem>>, vector<1x128xf32>
    %get3A_126 = vector.shape_cast %get3A_125 : vector<1x128xf32> to vector<128xf32>
    %broadcast_in_dim3A_127 = vector.shape_cast %get3A_126 : vector<128xf32> to vector<1x128xf32>
    %add3A_128 = vector.broadcast %broadcast_in_dim3A_127 : vector<1x128xf32> to vector<1024x128xf32>
    %add3A_129 = arith.addf %dot_general3A_122, %add3A_128 : vector<1024x128xf32>
    %reshape3A_130 = vector.shape_cast %add3A_129 : vector<1024x128xf32> to vector<64x16x128xf32>
    %swap3A_131 = arith.constant 0 : index
    %swap3A_132 = arith.constant 0 : index
    %swap3A_133 = arith.constant 0 : index
    %swap3A_134 = vector.load %arg19[%swap3A_131, %swap3A_132, %swap3A_133] : memref<64x16x128xf32, #tpu.memory_space<vmem>>, vector<64x16x128xf32>
    tpu.vector_store %arg19[%swap3A_131, %swap3A_132, %swap3A_133], %reshape3A_130 {strides = array<i32>} : memref<64x16x128xf32, #tpu.memory_space<vmem>>, vector<64x16x128xf32>,
    %get3A_135 = arith.constant 1 : index
    %get3A_136 = arith.constant 0 : index
    %get3A_137 = arith.constant 0 : index
    %get3A_138 = vector.load %arg5[%get3A_135, %get3A_136, %get3A_137] : memref<3x128x128xf32, #tpu.memory_space<vmem>>, vector<1x128x128xf32>
    %get3A_139 = vector.shape_cast %get3A_138 : vector<1x128x128xf32> to vector<128x128xf32>
    %get3A_140 = arith.constant 1 : index
    %get3A_141 = arith.constant 0 : index
    %get3A_142 = arith.constant 0 : index
    %get3A_143 = vector.load %arg9[%get3A_140, %get3A_141, %get3A_142] : memref<3x128x128xf32, #tpu.memory_space<vmem>>, vector<1x128x128xf32>
    %get3A_144 = vector.shape_cast %get3A_143 : vector<1x128x128xf32> to vector<128x128xf32>
    %get3A_145 = arith.constant 1 : index
    %get3A_146 = arith.constant 0 : index
    %get3A_147 = vector.load %arg7[%get3A_145, %get3A_146] : memref<3x128xf32, #tpu.memory_space<vmem>>, vector<1x128xf32>
    %get3A_148 = vector.shape_cast %get3A_147 : vector<1x128xf32> to vector<128xf32>
    %get3A_149 = arith.constant 1 : index
    %get3A_150 = arith.constant 0 : index
    %get3A_151 = vector.load %arg11[%get3A_149, %get3A_150] : memref<3x128xf32, #tpu.memory_space<vmem>>, vector<1x128xf32>
    %get3A_152 = vector.shape_cast %get3A_151 : vector<1x128xf32> to vector<128xf32>
    %get3A_153 = arith.constant 1 : index
    %get3A_154 = arith.constant 0 : index
    %get3A_155 = arith.constant 0 : index
    %get3A_156 = vector.load %arg2[%get3A_153, %get3A_154, %get3A_155] : memref<3x16x128xf32, #tpu.memory_space<vmem>>, vector<1x16x128xf32>
    %get3A_157 = vector.shape_cast %get3A_156 : vector<1x16x128xf32> to vector<16x128xf32>
    %get3A_158 = arith.constant 1 : index
    %get3A_159 = arith.constant 0 : index
    %get3A_160 = arith.constant 0 : index
    %get3A_161 = vector.load %arg3[%get3A_158, %get3A_159, %get3A_160] : memref<3x16x128xf32, #tpu.memory_space<vmem>>, vector<1x16x128xf32>
    %get3A_162 = vector.shape_cast %get3A_161 : vector<1x16x128xf32> to vector<16x128xf32>
    %scan3A_163 = arith.constant 0 : i32
    %scan3A_164 = arith.constant 64 : i32
    %scan3A_165 = arith.addi %scan3A_163, %scan3A_164 : i32
    %scan3A_166 = arith.constant 1 : i32
    %scan3A_167:2 = scf.for %scan3A_283 = %scan3A_163 to %scan3A_165 step %scan3A_166 iter_args(%scan3A_284 = %get3A_157, %scan3A_285 = %get3A_162) -> (vector<16x128xf32>, vector<16x128xf32>)  : i32 {
      %get3A_286 = arith.index_cast %scan3A_283 : i32 to index
      %get3A_287 = arith.constant 0 : index
      %get3A_288 = arith.constant 0 : index
      %get3A_289 = vector.load %arg18[%get3A_286, %get3A_287, %get3A_288] : memref<64x16x128xf32, #tpu.memory_space<vmem>>, vector<1x16x128xf32>
      %get3A_290 = vector.shape_cast %get3A_289 : vector<1x16x128xf32> to vector<16x128xf32>
      %dot_general3A_291 = arith.constant dense<0.000000e+00> : vector<16x128xf32>
      %dot_general3A_292 = tpu.matmul %scan3A_284, %get3A_139, %dot_general3A_291 {dimension_numbers = #tpu.dot_dimension_numbers<[1], [0], [0], [1], [0, 0, 1, 1], [], []>, transpose_lhs_hint = false} : vector<16x128xf32>, vector<128x128xf32>, vector<16x128xf32> -> vector<16x128xf32>
      %add3A_293 = arith.addf %get3A_290, %dot_general3A_292 : vector<16x128xf32>
      %broadcast_in_dim3A_294 = vector.shape_cast %get3A_148 : vector<128xf32> to vector<1x128xf32>
      %add3A_295 = vector.broadcast %broadcast_in_dim3A_294 : vector<1x128xf32> to vector<16x128xf32>
      %add3A_296 = arith.addf %add3A_293, %add3A_295 : vector<16x128xf32>
      %tanh3A = math.tanh %add3A_296 : vector<16x128xf32>
      %get3A_297 = arith.index_cast %scan3A_283 : i32 to index
      %get3A_298 = arith.constant 0 : index
      %get3A_299 = arith.constant 0 : index
      %get3A_300 = vector.load %arg19[%get3A_297, %get3A_298, %get3A_299] : memref<64x16x128xf32, #tpu.memory_space<vmem>>, vector<1x16x128xf32>
      %get3A_301 = vector.shape_cast %get3A_300 : vector<1x16x128xf32> to vector<16x128xf32>
      %dot_general3A_302 = arith.constant dense<0.000000e+00> : vector<16x128xf32>
      %dot_general3A_303 = tpu.matmul %scan3A_285, %get3A_144, %dot_general3A_302 {dimension_numbers = #tpu.dot_dimension_numbers<[1], [0], [0], [1], [0, 0, 1, 1], [], []>, transpose_lhs_hint = false} : vector<16x128xf32>, vector<128x128xf32>, vector<16x128xf32> -> vector<16x128xf32>
      %add3A_304 = arith.addf %get3A_301, %dot_general3A_303 : vector<16x128xf32>
      %broadcast_in_dim3A_305 = vector.shape_cast %get3A_152 : vector<128xf32> to vector<1x128xf32>
      %add3A_306 = vector.broadcast %broadcast_in_dim3A_305 : vector<1x128xf32> to vector<16x128xf32>
      %add3A_307 = arith.addf %add3A_304, %add3A_306 : vector<16x128xf32>
      %tanh3A_308 = math.tanh %add3A_307 : vector<16x128xf32>
      %swap3A_309 = arith.index_cast %scan3A_283 : i32 to index
      %swap3A_310 = arith.constant 0 : index
      %swap3A_311 = arith.constant 0 : index
      %swap3A_312 = vector.load %arg18[%swap3A_309, %swap3A_310, %swap3A_311] : memref<64x16x128xf32, #tpu.memory_space<vmem>>, vector<1x16x128xf32>
      %swap3A_313 = vector.shape_cast %swap3A_312 : vector<1x16x128xf32> to vector<16x128xf32>
      %swap3A_314 = vector.shape_cast %tanh3A : vector<16x128xf32> to vector<1x16x128xf32>
      tpu.vector_store %arg18[%swap3A_309, %swap3A_310, %swap3A_311], %swap3A_314 {strides = array<i32>} : memref<64x16x128xf32, #tpu.memory_space<vmem>>, vector<1x16x128xf32>,
      %swap3A_315 = arith.index_cast %scan3A_283 : i32 to index
      %swap3A_316 = arith.constant 0 : index
      %swap3A_317 = arith.constant 0 : index
      %swap3A_318 = vector.load %arg19[%swap3A_315, %swap3A_316, %swap3A_317] : memref<64x16x128xf32, #tpu.memory_space<vmem>>, vector<1x16x128xf32>
      %swap3A_319 = vector.shape_cast %swap3A_318 : vector<1x16x128xf32> to vector<16x128xf32>
      %swap3A_320 = vector.shape_cast %tanh3A_308 : vector<16x128xf32> to vector<1x16x128xf32>
      tpu.vector_store %arg19[%swap3A_315, %swap3A_316, %swap3A_317], %swap3A_320 {strides = array<i32>} : memref<64x16x128xf32, #tpu.memory_space<vmem>>, vector<1x16x128xf32>,
      scf.yield %tanh3A, %tanh3A_308 : vector<16x128xf32>, vector<16x128xf32>
    }
    %scan3A_168 = arith.constant 64 : i32
    %swap3A_169 = arith.constant 1 : index
    %swap3A_170 = arith.constant 0 : index
    %swap3A_171 = arith.constant 0 : index
    %swap3A_172 = vector.load %arg15[%swap3A_169, %swap3A_170, %swap3A_171] : memref<3x16x128xf32, #tpu.memory_space<vmem>>, vector<1x16x128xf32>
    %swap3A_173 = vector.shape_cast %swap3A_172 : vector<1x16x128xf32> to vector<16x128xf32>
    %swap3A_174 = vector.shape_cast %scan3A_167#0 : vector<16x128xf32> to vector<1x16x128xf32>
    tpu.vector_store %arg15[%swap3A_169, %swap3A_170, %swap3A_171], %swap3A_174 {strides = array<i32>} : memref<3x16x128xf32, #tpu.memory_space<vmem>>, vector<1x16x128xf32>,
    %swap3A_175 = arith.constant 1 : index
    %swap3A_176 = arith.constant 0 : index
    %swap3A_177 = arith.constant 0 : index
    %swap3A_178 = vector.load %arg16[%swap3A_175, %swap3A_176, %swap3A_177] : memref<3x16x128xf32, #tpu.memory_space<vmem>>, vector<1x16x128xf32>
    %swap3A_179 = vector.shape_cast %swap3A_178 : vector<1x16x128xf32> to vector<16x128xf32>
    %swap3A_180 = vector.shape_cast %scan3A_167#1 : vector<16x128xf32> to vector<1x16x128xf32>
    tpu.vector_store %arg16[%swap3A_175, %swap3A_176, %swap3A_177], %swap3A_180 {strides = array<i32>} : memref<3x16x128xf32, #tpu.memory_space<vmem>>, vector<1x16x128xf32>,
    %get3A_181 = arith.constant 0 : index
    %get3A_182 = arith.constant 0 : index
    %get3A_183 = arith.constant 0 : index
    %get3A_184 = vector.load %arg18[%get3A_181, %get3A_182, %get3A_183] : memref<64x16x128xf32, #tpu.memory_space<vmem>>, vector<64x16x128xf32>
    %reshape3A_185 = vector.shape_cast %get3A_184 : vector<64x16x128xf32> to vector<1024x128xf32>
    %get3A_186 = arith.constant 0 : index
    %get3A_187 = arith.constant 0 : index
    %get3A_188 = arith.constant 0 : index
    %get3A_189 = vector.load %arg19[%get3A_186, %get3A_187, %get3A_188] : memref<64x16x128xf32, #tpu.memory_space<vmem>>, vector<64x16x128xf32>
    %reshape3A_190 = vector.shape_cast %get3A_189 : vector<64x16x128xf32> to vector<1024x128xf32>
    %get3A_191 = arith.constant 2 : index
    %get3A_192 = arith.constant 0 : index
    %get3A_193 = arith.constant 0 : index
    %get3A_194 = vector.load %arg4[%get3A_191, %get3A_192, %get3A_193] : memref<3x128x128xf32, #tpu.memory_space<vmem>>, vector<1x128x128xf32>
    %get3A_195 = vector.shape_cast %get3A_194 : vector<1x128x128xf32> to vector<128x128xf32>
    %dot_general3A_196 = arith.constant dense<0.000000e+00> : vector<1024x128xf32>
    %dot_general3A_197 = tpu.matmul %reshape3A_185, %get3A_195, %dot_general3A_196 {dimension_numbers = #tpu.dot_dimension_numbers<[1], [0], [0], [1], [0, 0, 1, 1], [], []>, transpose_lhs_hint = false} : vector<1024x128xf32>, vector<128x128xf32>, vector<1024x128xf32> -> vector<1024x128xf32>
    %get3A_198 = arith.constant 2 : index
    %get3A_199 = arith.constant 0 : index
    %get3A_200 = vector.load %arg6[%get3A_198, %get3A_199] : memref<3x128xf32, #tpu.memory_space<vmem>>, vector<1x128xf32>
    %get3A_201 = vector.shape_cast %get3A_200 : vector<1x128xf32> to vector<128xf32>
    %broadcast_in_dim3A_202 = vector.shape_cast %get3A_201 : vector<128xf32> to vector<1x128xf32>
    %add3A_203 = vector.broadcast %broadcast_in_dim3A_202 : vector<1x128xf32> to vector<1024x128xf32>
    %add3A_204 = arith.addf %dot_general3A_197, %add3A_203 : vector<1024x128xf32>
    %reshape3A_205 = vector.shape_cast %add3A_204 : vector<1024x128xf32> to vector<64x16x128xf32>
    %swap3A_206 = arith.constant 0 : index
    %swap3A_207 = arith.constant 0 : index
    %swap3A_208 = arith.constant 0 : index
    %swap3A_209 = vector.load %arg18[%swap3A_206, %swap3A_207, %swap3A_208] : memref<64x16x128xf32, #tpu.memory_space<vmem>>, vector<64x16x128xf32>
    tpu.vector_store %arg18[%swap3A_206, %swap3A_207, %swap3A_208], %reshape3A_205 {strides = array<i32>} : memref<64x16x128xf32, #tpu.memory_space<vmem>>, vector<64x16x128xf32>,
    %get3A_210 = arith.constant 2 : index
    %get3A_211 = arith.constant 0 : index
    %get3A_212 = arith.constant 0 : index
    %get3A_213 = vector.load %arg8[%get3A_210, %get3A_211, %get3A_212] : memref<3x128x128xf32, #tpu.memory_space<vmem>>, vector<1x128x128xf32>
    %get3A_214 = vector.shape_cast %get3A_213 : vector<1x128x128xf32> to vector<128x128xf32>
    %dot_general3A_215 = arith.constant dense<0.000000e+00> : vector<1024x128xf32>
    %dot_general3A_216 = tpu.matmul %reshape3A_190, %get3A_214, %dot_general3A_215 {dimension_numbers = #tpu.dot_dimension_numbers<[1], [0], [0], [1], [0, 0, 1, 1], [], []>, transpose_lhs_hint = false} : vector<1024x128xf32>, vector<128x128xf32>, vector<1024x128xf32> -> vector<1024x128xf32>
    %get3A_217 = arith.constant 2 : index
    %get3A_218 = arith.constant 0 : index
    %get3A_219 = vector.load %arg10[%get3A_217, %get3A_218] : memref<3x128xf32, #tpu.memory_space<vmem>>, vector<1x128xf32>
    %get3A_220 = vector.shape_cast %get3A_219 : vector<1x128xf32> to vector<128xf32>
    %broadcast_in_dim3A_221 = vector.shape_cast %get3A_220 : vector<128xf32> to vector<1x128xf32>
    %add3A_222 = vector.broadcast %broadcast_in_dim3A_221 : vector<1x128xf32> to vector<1024x128xf32>
    %add3A_223 = arith.addf %dot_general3A_216, %add3A_222 : vector<1024x128xf32>
    %reshape3A_224 = vector.shape_cast %add3A_223 : vector<1024x128xf32> to vector<64x16x128xf32>
    %swap3A_225 = arith.constant 0 : index
    %swap3A_226 = arith.constant 0 : index
    %swap3A_227 = arith.constant 0 : index
    %swap3A_228 = vector.load %arg19[%swap3A_225, %swap3A_226, %swap3A_227] : memref<64x16x128xf32, #tpu.memory_space<vmem>>, vector<64x16x128xf32>
    tpu.vector_store %arg19[%swap3A_225, %swap3A_226, %swap3A_227], %reshape3A_224 {strides = array<i32>} : memref<64x16x128xf32, #tpu.memory_space<vmem>>, vector<64x16x128xf32>,
    %get3A_229 = arith.constant 2 : index
    %get3A_230 = arith.constant 0 : index
    %get3A_231 = arith.constant 0 : index
    %get3A_232 = vector.load %arg5[%get3A_229, %get3A_230, %get3A_231] : memref<3x128x128xf32, #tpu.memory_space<vmem>>, vector<1x128x128xf32>
    %get3A_233 = vector.shape_cast %get3A_232 : vector<1x128x128xf32> to vector<128x128xf32>
    %get3A_234 = arith.constant 2 : index
    %get3A_235 = arith.constant 0 : index
    %get3A_236 = arith.constant 0 : index
    %get3A_237 = vector.load %arg9[%get3A_234, %get3A_235, %get3A_236] : memref<3x128x128xf32, #tpu.memory_space<vmem>>, vector<1x128x128xf32>
    %get3A_238 = vector.shape_cast %get3A_237 : vector<1x128x128xf32> to vector<128x128xf32>
    %get3A_239 = arith.constant 2 : index
    %get3A_240 = arith.constant 0 : index
    %get3A_241 = vector.load %arg7[%get3A_239, %get3A_240] : memref<3x128xf32, #tpu.memory_space<vmem>>, vector<1x128xf32>
    %get3A_242 = vector.shape_cast %get3A_241 : vector<1x128xf32> to vector<128xf32>
    %get3A_243 = arith.constant 2 : index
    %get3A_244 = arith.constant 0 : index
    %get3A_245 = vector.load %arg11[%get3A_243, %get3A_244] : memref<3x128xf32, #tpu.memory_space<vmem>>, vector<1x128xf32>
    %get3A_246 = vector.shape_cast %get3A_245 : vector<1x128xf32> to vector<128xf32>
    %get3A_247 = arith.constant 0 : index
    %get3A_248 = arith.constant 0 : index
    %get3A_249 = vector.load %arg12[%get3A_247, %get3A_248] : memref<128x128xf32, #tpu.memory_space<vmem>>, vector<128x128xf32>
    %get3A_250 = arith.constant 0 : index
    %get3A_251 = arith.constant 0 : index
    %get3A_252 = vector.load %arg13[%get3A_250, %get3A_251] : memref<128x128xf32, #tpu.memory_space<vmem>>, vector<128x128xf32>
    %get3A_253 = arith.constant 0 : index
    %get3A_254 = vector.load %arg14[%get3A_253] : memref<128xf32, #tpu.memory_space<vmem>>, vector<128xf32>
    %get3A_255 = arith.constant 2 : index
    %get3A_256 = arith.constant 0 : index
    %get3A_257 = arith.constant 0 : index
    %get3A_258 = vector.load %arg2[%get3A_255, %get3A_256, %get3A_257] : memref<3x16x128xf32, #tpu.memory_space<vmem>>, vector<1x16x128xf32>
    %get3A_259 = vector.shape_cast %get3A_258 : vector<1x16x128xf32> to vector<16x128xf32>
    %get3A_260 = arith.constant 2 : index
    %get3A_261 = arith.constant 0 : index
    %get3A_262 = arith.constant 0 : index
    %get3A_263 = vector.load %arg3[%get3A_260, %get3A_261, %get3A_262] : memref<3x16x128xf32, #tpu.memory_space<vmem>>, vector<1x16x128xf32>
    %get3A_264 = vector.shape_cast %get3A_263 : vector<1x16x128xf32> to vector<16x128xf32>
    %scan3A_265 = arith.constant 0 : i32
    %scan3A_266 = arith.constant 64 : i32
    %scan3A_267 = arith.addi %scan3A_265, %scan3A_266 : i32
    %scan3A_268 = arith.constant 1 : i32
    %scan3A_269:2 = scf.for %scan3A_283 = %scan3A_265 to %scan3A_267 step %scan3A_268 iter_args(%scan3A_284 = %get3A_259, %scan3A_285 = %get3A_264) -> (vector<16x128xf32>, vector<16x128xf32>)  : i32 {
      %get3A_286 = arith.index_cast %scan3A_283 : i32 to index
      %get3A_287 = arith.constant 0 : index
      %get3A_288 = arith.constant 0 : index
      %get3A_289 = vector.load %arg18[%get3A_286, %get3A_287, %get3A_288] : memref<64x16x128xf32, #tpu.memory_space<vmem>>, vector<1x16x128xf32>
      %get3A_290 = vector.shape_cast %get3A_289 : vector<1x16x128xf32> to vector<16x128xf32>
      %dot_general3A_291 = arith.constant dense<0.000000e+00> : vector<16x128xf32>
      %dot_general3A_292 = tpu.matmul %scan3A_284, %get3A_233, %dot_general3A_291 {dimension_numbers = #tpu.dot_dimension_numbers<[1], [0], [0], [1], [0, 0, 1, 1], [], []>, transpose_lhs_hint = false} : vector<16x128xf32>, vector<128x128xf32>, vector<16x128xf32> -> vector<16x128xf32>
      %add3A_293 = arith.addf %get3A_290, %dot_general3A_292 : vector<16x128xf32>
      %broadcast_in_dim3A_294 = vector.shape_cast %get3A_242 : vector<128xf32> to vector<1x128xf32>
      %add3A_295 = vector.broadcast %broadcast_in_dim3A_294 : vector<1x128xf32> to vector<16x128xf32>
      %add3A_296 = arith.addf %add3A_293, %add3A_295 : vector<16x128xf32>
      %tanh3A = math.tanh %add3A_296 : vector<16x128xf32>
      %get3A_297 = arith.index_cast %scan3A_283 : i32 to index
      %get3A_298 = arith.constant 0 : index
      %get3A_299 = arith.constant 0 : index
      %get3A_300 = vector.load %arg19[%get3A_297, %get3A_298, %get3A_299] : memref<64x16x128xf32, #tpu.memory_space<vmem>>, vector<1x16x128xf32>
      %get3A_301 = vector.shape_cast %get3A_300 : vector<1x16x128xf32> to vector<16x128xf32>
      %dot_general3A_302 = arith.constant dense<0.000000e+00> : vector<16x128xf32>
      %dot_general3A_303 = tpu.matmul %scan3A_285, %get3A_238, %dot_general3A_302 {dimension_numbers = #tpu.dot_dimension_numbers<[1], [0], [0], [1], [0, 0, 1, 1], [], []>, transpose_lhs_hint = false} : vector<16x128xf32>, vector<128x128xf32>, vector<16x128xf32> -> vector<16x128xf32>
      %add3A_304 = arith.addf %get3A_301, %dot_general3A_303 : vector<16x128xf32>
      %broadcast_in_dim3A_305 = vector.shape_cast %get3A_246 : vector<128xf32> to vector<1x128xf32>
      %add3A_306 = vector.broadcast %broadcast_in_dim3A_305 : vector<1x128xf32> to vector<16x128xf32>
      %add3A_307 = arith.addf %add3A_304, %add3A_306 : vector<16x128xf32>
      %tanh3A_308 = math.tanh %add3A_307 : vector<16x128xf32>
      %dot_general3A_309 = arith.constant dense<0.000000e+00> : vector<16x128xf32>
      %dot_general3A_310 = tpu.matmul %tanh3A, %get3A_249, %dot_general3A_309 {dimension_numbers = #tpu.dot_dimension_numbers<[1], [0], [0], [1], [0, 0, 1, 1], [], []>, transpose_lhs_hint = false} : vector<16x128xf32>, vector<128x128xf32>, vector<16x128xf32> -> vector<16x128xf32>
      %dot_general3A_311 = arith.constant dense<0.000000e+00> : vector<16x128xf32>
      %dot_general3A_312 = tpu.matmul %tanh3A_308, %get3A_252, %dot_general3A_311 {dimension_numbers = #tpu.dot_dimension_numbers<[1], [0], [0], [1], [0, 0, 1, 1], [], []>, transpose_lhs_hint = false} : vector<16x128xf32>, vector<128x128xf32>, vector<16x128xf32> -> vector<16x128xf32>
      %add3A_313 = arith.addf %dot_general3A_310, %dot_general3A_312 : vector<16x128xf32>
      %broadcast_in_dim3A_314 = vector.shape_cast %get3A_254 : vector<128xf32> to vector<1x128xf32>
      %add3A_315 = vector.broadcast %broadcast_in_dim3A_314 : vector<1x128xf32> to vector<16x128xf32>
      %add3A_316 = arith.addf %add3A_313, %add3A_315 : vector<16x128xf32>
      %tanh3A_317 = math.tanh %add3A_316 : vector<16x128xf32>
      %swap3A_318 = arith.index_cast %scan3A_283 : i32 to index
      %swap3A_319 = arith.constant 0 : index
      %swap3A_320 = arith.constant 0 : index
      %swap3A_321 = vector.load %arg17[%swap3A_318, %swap3A_319, %swap3A_320] : memref<64x16x128xf32, #tpu.memory_space<vmem>>, vector<1x16x128xf32>
      %swap3A_322 = vector.shape_cast %swap3A_321 : vector<1x16x128xf32> to vector<16x128xf32>
      %swap3A_323 = vector.shape_cast %tanh3A_317 : vector<16x128xf32> to vector<1x16x128xf32>
      tpu.vector_store %arg17[%swap3A_318, %swap3A_319, %swap3A_320], %swap3A_323 {strides = array<i32>} : memref<64x16x128xf32, #tpu.memory_space<vmem>>, vector<1x16x128xf32>,
      scf.yield %tanh3A, %tanh3A_308 : vector<16x128xf32>, vector<16x128xf32>
    }
    %scan3A_270 = arith.constant 64 : i32
    %swap3A_271 = arith.constant 2 : index
    %swap3A_272 = arith.constant 0 : index
    %swap3A_273 = arith.constant 0 : index
    %swap3A_274 = vector.load %arg15[%swap3A_271, %swap3A_272, %swap3A_273] : memref<3x16x128xf32, #tpu.memory_space<vmem>>, vector<1x16x128xf32>
    %swap3A_275 = vector.shape_cast %swap3A_274 : vector<1x16x128xf32> to vector<16x128xf32>
    %swap3A_276 = vector.shape_cast %scan3A_269#0 : vector<16x128xf32> to vector<1x16x128xf32>
    tpu.vector_store %arg15[%swap3A_271, %swap3A_272, %swap3A_273], %swap3A_276 {strides = array<i32>} : memref<3x16x128xf32, #tpu.memory_space<vmem>>, vector<1x16x128xf32>,
    %swap3A_277 = arith.constant 2 : index
    %swap3A_278 = arith.constant 0 : index
    %swap3A_279 = arith.constant 0 : index
    %swap3A_280 = vector.load %arg16[%swap3A_277, %swap3A_278, %swap3A_279] : memref<3x16x128xf32, #tpu.memory_space<vmem>>, vector<1x16x128xf32>
    %swap3A_281 = vector.shape_cast %swap3A_280 : vector<1x16x128xf32> to vector<16x128xf32>
    %swap3A_282 = vector.shape_cast %scan3A_269#1 : vector<16x128xf32> to vector<1x16x128xf32>
    tpu.vector_store %arg16[%swap3A_277, %swap3A_278, %swap3A_279], %swap3A_282 {strides = array<i32>} : memref<3x16x128xf32, #tpu.memory_space<vmem>>, vector<1x16x128xf32>,
    return
  }
}

</mosaic_0001>

<sc_bundles>
// kernel: gather_offload_async_start
scs
__scs_entry_jumppad:
0x0: {  	(pc) =	sbr.rel $0x88, $3  }
0x1: {  	(tag) =	ssettag $0x0;
	lr =	simm.s32 $0x1  }
0x2: {  	[smem:$0x3F76] =	sst lr;
	_ =	strace $0xD0000000  }
0x3: {  	_ = 	snop  }
0x4: {  	_ = 	snop  }
0x5: {  	_ = 	snop  }
0x6: {  	_ = 	snop  }
0x7: {  	_ = 	snop  }
__scs_overlays_trampoline_lowered:
0x8: {  	[smem:$0x3F85] =	sst s0  }
0x9: {  	[smem:$0x3F86] =	sst s1  }
0xa: {  	[smem:$0x3F87] =	sst s2  }
0xb: {  	[smem:$0x3F88] =	sst s3  }
0xc: {  	[smem:$0x3F89] =	sst s4  }
0xd: {  	[smem:$0x3F8A] =	sst s5  }
0xe: {  	[smem:$0x3F8B] =	sst s6  }
0xf: {  	[smem:$0x3F8C] =	sst s7  }
0x10: {  	[smem:$0x3F8D] =	sst s8  }
0x11: {  	[smem:$0x3F8E] =	sst s9;
	s0 =	simm.s32 @!p0 $0x0  }
0x12: {  	s1 =	sld [smem:$0x3F74];
	s0 =	simm.s32 @p0 $0x1  }
0x13: {  	[smem:$0x3F8F] =	sst s0;
	s0 =	simm.s32 @!p1 $0x0  }
0x14: {  	s2 =	sld [smem:$0x3F73];
	s0 =	simm.s32 @p1 $0x1  }
0x15: {  	[smem:$0x3F90] =	sst s0;
	s0 =	simm.s32 @!p2 $0x0  }
0x16: {  	s3 =	sld [smem:$0x3FDB];
	s0 =	simm.s32 @p2 $0x1  }
0x17: {  	s4 =	simm.s32 $0x1BF5;
	[smem:$0x3F92] =	sst s0  }
0x18: {  	s0 =	sld [smem:$0x3F75];
	_ =	swait.ge [sflag:s4], $0x0  }
0x19: {  	s7 =	sld [smem:$0x3F76]  }
0x1a: {  	s8 =	sadd.s32 $0xFFFFE003, lr  }
0x1b: {  	s9 =	sadd.s32 $0xFFFFFEF7, lr;
	s5 =	simm.s32 $0xFFFFFFFF;
	p2 =	slt.u32 s8, $0xFFFFF086  }
0x1c: {  	p1 =	slt.u32 s9, $0xF7A;
	s5 =	simm.s32 @!p2 $0x0  }
0x1d: {  	s5 =	simm.s32 @p1 $0x1;
	p0 =	seq.s32 s7, s2  }
0x1e: {  	s7 =	smul.u32 @!p0 $0xF7A, s2;
	p2 =	seq.s32 @!p0 s5, $0x0  }
0x1f: {  	s9 =	smul.u32 $0xF7A, s1;
	s8 =	simm.s32 @!p0 $0x1BF5;
	p2 =	por !p2, p0  }
0x20: {  	[sflag:s8] =	ssyncset.s32 @!p0 $0xFFFFF086;
	s6 =	sadd.s32 @!p0 s3, s7;
	s7 =	simm.s32 @!p0 $0x108  }
0x21: {  	s3 =	sadd.s32 s3, s9;
	s6 =	sadd.s32 @!p0 $0x88, s6;
	s7 =	simm.s32 @p2 $0x1082  }
0x22: {  	[simem:s7], [sflag:s8] =	dma.local @!p0 [hbm:s6], $0xF7A  }
0x23: {  	s9 =	sor.u32 $0xD0000000, s2;
	s6 =	simm.s32 $0x108;
	_ =	swait.ge @!p0 [sflag:s8], $0x0  }
0x24: {  	s3 =	sadd.s32 $0x88, s3;
	s6 =	simm.s32 @!p1 $0x1082;
	[sflag:s4] =	ssyncset.s32 $0xFFFFF086  }
0x25: {  	[simem:s6], [sflag:s4] =	dma.local [hbm:s3], $0xF7A  }
0x26: {  	[smem:$0x3F76] =	sst s1;
	(tag) =	ssettag s2;
	_ =	strace s9  }
0x27: {  	s1 =	sld [smem:$0x3F86]  }
0x28: {  	s2 =	sld [smem:$0x3F87]  }
0x29: {  	s4 =	sld [smem:$0x3F89]  }
0x2a: {  	p0 =	seq.s32 s5, $0x0;
	s5 =	sld [smem:$0x3F8A]  }
0x2b: {  	s6 =	sld [smem:$0x3F8B]  }
0x2c: {  	s7 =	sld [smem:$0x3F8C]  }
0x2d: {  	s3 =	simm.s32 $0x108;
	s8 =	sld [smem:$0x3F8D]  }
0x2e: {  	s3 =	simm.s32 @!p0 $0x1082;
	s9 =	sld [smem:$0x3F8E]  }
0x2f: {  	lr =	sadd.s32 s0, s3;
	s0 =	sld [smem:$0x3F85]  }
0x30: {  	s3 =	sld [smem:$0x3F88]  }
0x31: {  	[smem:$0x3F91] =	sst s10  }
0x32: {  	s10 =	sld [smem:$0x3F8F];
	_ =	sdelay $0x3  }
0x33: {  	p0 =	seq.s32 s10, $0x1;
	s10 =	sld [smem:$0x3F91];
	_ =	sdelay $0x3  }
0x34: {  	[smem:$0x3F91] =	sst s10  }
0x35: {  	s10 =	sld [smem:$0x3F90];
	_ =	sdelay $0x3  }
0x36: {  	p1 =	seq.s32 s10, $0x1;
	s10 =	sld [smem:$0x3F91];
	_ =	sdelay $0x3  }
0x37: {  	[smem:$0x3F91] =	sst s10  }
0x38: {  	s10 =	sld [smem:$0x3F92]  }
0x39: {  	_ = 	snop;
	(pc) =	sbr.ind lr, $3  }
0x3a: {  	_ = 	snop  }
0x3b: {  	_ = 	snop  }
0x3c: {  	p2 =	seq.s32 s10, $0x1;
	s10 =	sld [smem:$0x3F91]  }
0x3d: {  	_ =	shalt  }
0x3e: {  	_ =	shalt  }
0x3f: {  	_ =	shalt  }
0x40: {  	_ =	shalt  }
0x41: {  	_ =	shalt  }
0x42: {  	_ =	shalt  }
0x43: {  	_ =	shalt  }
0x44: {  	_ =	shalt  }
0x45: {  	_ =	shalt  }
0x46: {  	_ =	shalt  }
0x47: {  	_ =	shalt  }
0x48: {  	_ =	shalt  }
0x49: {  	_ =	shalt  }
0x4a: {  	_ =	shalt  }
0x4b: {  	_ =	shalt  }
0x4c: {  	_ =	shalt  }
0x4d: {  	_ =	shalt  }
0x4e: {  	_ =	shalt  }
0x4f: {  	_ =	shalt  }
0x50: {  	_ =	shalt  }
0x51: {  	_ =	shalt  }
0x52: {  	_ =	shalt  }
0x53: {  	_ =	shalt  }
0x54: {  	_ =	shalt  }
0x55: {  	_ =	shalt  }
0x56: {  	_ =	shalt  }
0x57: {  	_ =	shalt  }
0x58: {  	_ =	shalt  }
0x59: {  	_ =	shalt  }
0x5a: {  	_ =	shalt  }
0x5b: {  	_ =	shalt  }
0x5c: {  	_ =	shalt  }
0x5d: {  	_ =	shalt  }
0x5e: {  	_ =	shalt  }
0x5f: {  	_ =	shalt  }
0x60: {  	_ =	shalt  }
0x61: {  	_ =	shalt  }
0x62: {  	_ =	shalt  }
0x63: {  	_ =	shalt  }
0x64: {  	_ =	shalt  }
0x65: {  	_ =	shalt  }
0x66: {  	_ =	shalt  }
0x67: {  	_ =	shalt  }
0x68: {  	_ =	shalt  }
0x69: {  	_ =	shalt  }
0x6a: {  	_ =	shalt  }
0x6b: {  	_ =	shalt  }
0x6c: {  	_ =	shalt  }
0x6d: {  	_ =	shalt  }
0x6e: {  	_ =	shalt  }
0x6f: {  	_ =	shalt  }
0x70: {  	_ =	shalt  }
0x71: {  	_ =	shalt  }
0x72: {  	_ =	shalt  }
0x73: {  	_ =	shalt  }
0x74: {  	_ =	shalt  }
0x75: {  	_ =	shalt  }
0x76: {  	_ =	shalt  }
0x77: {  	_ =	shalt  }
0x78: {  	_ =	shalt  }
0x79: {  	_ =	shalt  }
0x7a: {  	_ =	shalt  }
0x7b: {  	_ =	shalt  }
0x7c: {  	_ =	shalt  }
0x7d: {  	_ =	shalt  }
0x7e: {  	_ =	shalt  }
0x7f: {  	_ =	shalt  }
0x80: {  	_ =	shalt  }
0x81: {  	_ =	shalt  }
0x82: {  	_ =	shalt  }
0x83: {  	_ =	shalt  }
0x84: {  	_ =	shalt  }
0x85: {  	_ =	shalt  }
0x86: {  	_ =	shalt  }
0x87: {  	_ =	shalt  }
.Lfunc_end0:
.L_simem_size_0:
called_computation_lowered:
.L_overlay_start_0:
0x88: {  	s2 =	sld [smem:$0x3FD9]  }
0x89: {  	s3 =	sld [smem:$0x3FFE];
	_ =	sdelay $0x1  }
0x8a: {  	s1 =	srdreg.scid  }
0x8b: {  	s0 =	sand.u32 $0x1, s1  }
0x8c: {  	s14 =	sshll.u32 s0, $0xA;
	s2 =	sadd.s32 s3, s2  }
0x8d: {  	s2 =	sadd.s32 s2, s14  }
0x8e: {  	[smem:$0x3F9D] =	sst s2  }
0x8f: {  	_ = 	snop  }
0x90: {  	s2 =	sld [smem:$0x3FD0];
	_ =	sdelay $0x2  }
0x91: {  	s15 =	simm.s32 $0xB;
	s4 =	simm.s32 $0x10  }
0x92: {  	[smem:s4], [sflag:s15] =	dma.local [hbm:s2], $0x1  }
0x93: {  	_ =	swait.eq [sflag:s15], $0x1  }
0x94: {  	[sflag:s15] =	ssyncset.done $0x0  }
0x95: {  	s16 =	sld [smem:$0x12];
	[sflag:s15] =	ssyncadd.s32 $0xFFFFFFFF  }
0x96: {  	s17 =	sld [smem:$0x13];
	(tm) =	ssettm $0x1  }
0x97: {  	s18 =	sld [smem:$0x3FFB];
	_ =	sdelay $0x3  }
0x98: {  	_ =	strace s18  }
0x99: {  	s4 =	sld [smem:$0x3FFC];
	_ =	sdelay $0x3  }
0x9a: {  	_ =	strace s4  }
0x9b: {  	s4 =	sld [smem:$0x3FFD];
	_ =	sdelay $0x3  }
0x9c: {  	_ =	strace s4  }
0x9d: {  	_ =	strace $0x8FFFFFFF  }
0x9e: {  	s19 =	sld [smem:$0x3FDB];
	_ =	sdelay $0x1  }
0x9f: {  	s5 =	simm.s32 $_scs_section_size  }
0xa0: {  	s6 =	simm.s32 $_size__tile_overlayer_lowered;
	s7 =	simm.s32 $_tile_overlayer_lowered  }
0xa1: {  	s22 =	simm.s32 $0x1BFF;
	s21 =	sshll.u32 s7, $0x1;
	s4 =	sadd.s32 s5, s19  }
0xa2: {  	s8 =	simm.s32 $0x0;
	s20 =	sshll.u32 s6, $0x1;
	s6 =	sadd.s32 s21, s4  }
0xa3: {  	[timem:s8], [sflag:s22] =	dma.local [hbm:s6], s20  }
0xa4: {  	_ =	swait.ge [sflag:s22], s20  }
0xa5: {  	s5 =	ssub.s32 $0x0, s20;
	[sflag:s22] =	ssyncset.done $0x0  }
0xa6: {  	[sflag:s22] =	ssyncadd.s32 s5;
	_ =	sdelay $0x1  }
0xa7: {  	s23 =	simm.s32 $0x1B8B  }
0xa8: {  	_ =	swait.ge [sflag:s23], $0x1  }
0xa9: {  	[sflag:s23] =	ssyncset.done $0x0  }
0xaa: {  	s25 =	simm.s32 $0x1B8E;
	s24 =	sld [smem:$0x3FFE];
	[sflag:s23] =	ssyncadd.s32 $0xFFFFFFFF  }
0xab: {  	s26 =	simm.s32 $execute0_lowered;
	[smem:$0x3FD2] =	sst s25  }
0xac: {  	s6 =	sshll.u32 s26, $0x1;
	_ =	strace $0x80000049;
	[dreg:$0x1] =	wrdreg $0xFFFFFFFF  }
0xad: {  	s28 =	simm.s32 $_size_execute0_lowered;
	s4 =	sadd.s32 s4, s6;
	[dreg:$0x0] =	wrdreg $0x0  }
0xae: {  	s6 =	sshll.u32 s28, $0x1;
	[dreg:$0x2] =	wrdreg s4  }
0xaf: {  	[dreg:$0x3] =	wrdreg s6  }
0xb0: {  	[dreg:$0x4] =	wrdreg $0xC0  }
0xb1: {  	_ =	task [dreg:s8], $0x5FFFF  }
0xb2: {  	[dreg:$0x1] =	wrdreg $0xFFFFFFFF  }
0xb3: {  	[dreg:$0x0] =	wrdreg $0x60  }
0xb4: {  	[dreg:$0x2] =	wrdreg s17  }
0xb5: {  	[dreg:$0x3] =	wrdreg s16  }
0xb6: {  	[dreg:$0x4] =	wrdreg s24  }
0xb7: {  	[dreg:$0x5] =	wrdreg $0x9  }
0xb8: {  	_ =	task.clear_ibuf [dreg:s8], $0x6FFFF;
	_ =	strace $0x90000049  }
0xb9: {  	s29 =	simm.s32 $0x9;
	_ =	strace $0x8000004B  }
0xba: {  	_ =	swait.ge [sflag:s29], $0x1  }
0xbb: {  	[sflag:s29] =	ssyncadd.s32 $0xFFFFFFFF  }
0xbc: {  	_ =	strace $0x9000004B  }
0xbd: {  	_ =	sfence  }
0xbe: {  	s30 =	sld [smem:$0x0];
	_ =	sdelay $0x2  }
0xbf: {  	s31 =	sshll.u32 s1, $0xD;
	s1 =	sshrl.u32 s1, $0x2  }
0xc0: {  	s3 =	sand.u32 $0x4000, s31;
	s1 =	sadd.s32 s1, s30  }
0xc1: {  	s0 =	sor.u32 s3, s0;
	s1 =	sshll.u32 s1, $0x11  }
0xc2: {  	s0 =	sor.u32 s1, s0  }
0xc3: {  	s0 =	sadd.s32 $0x8F2B, s0  }
0xc4: {  	[sflag:s0] =	ssyncadd.remote.s32 $0x1  }
0xc5: {  	_ =	sfence.sel $0xFFFF  }
0xc6: {  	[dreg:$0x0] =	wrdreg $0xFFFFFFFF;
	(pc) =	sbr.abs _section_cstart, $3  }
0xc7: {  	[dreg:$0x1] =	wrdreg $0xFFFFFFFF  }
0xc8: {  	_ =	task.clear_ibuf [dreg:s8], $0x2FFFF;
	_ =	strace $0x9FFFFFFF  }
0xc9: {  	(tm) =	ssettm $0x7FFFFFFF  }
tec
execute0_lowered:
.L_overlay_start_1:
0x0: {  	(tag) =	ssettag $0x1  }
0x1: {  	s0 =	srdreg.scid  }
0x2: {  	s1 =	sshll.u32 s0, $0x4  }
0x3: {  	s0 =	stileid.u32;
	s1 =	sand.u32 $0x10, s1  }
0x4: {  	s4 =	rddreg [dreg:$0x1];
	s1 =	sor.u32 s0, s1  }
0x5: {  	s9 =	rddreg [dreg:$0x2];
	s2 =	smin.u32 s1, $0x8  }
0x6: {  	p0 =	slt.u32 s1, $0x8;
	s3 =	sadd.s32 s1, s2;
	s1 =	simm.s32 $0x200  }
0x7: {  	s6 =	simm.s32 $0x1;
	s3 =	sshll.u32 s3, $0x8;
	s1 =	simm.s32 @!p0 $0x100  }
0x8: {  	s7 =	simm.s32 $0x2;
	s10 =	simm.s32 $0x3;
	s1 =	sadd.s32 s1, s3  }
0x9: {  	s13 =	simm.s32 $0x0;
	s12 =	simm.s32 $0x0;
	s5 =	smin.u32 s1, $0x2800  }
.Ltmp0:
0xa: {  	s2 =	rddreg [dreg:$0x0];
	s8 =	ssub.s32 s5, s3;
	(pc) =	sbr.rel .LBB2_1-.Ltmp0, $4  }
0xb: {  	s1 =	rddreg [dreg:$0x3];
	_ =	strace $0x8000004A;
	p0 =	sgt.s32 s8, $0x0  }
0xc: {  	s9 =	sadd.s32 $0x6800, s9;
	[sflag:s6] =	ssyncpa.u1 $0x0;
	s8 =	simm.s32 @!p0 $0x0  }
0xd: {  	s11 =	smov.u32 s3;
	[sflag:s7] =	ssyncpa.u1 $0x0;
	s8 =	sshrl.u32 s8, $0x8  }
0xe: {  	vm0 =	vmmov $0xff;
	vm1 =	vcmask $0x3F20;
	[sflag:s10] =	ssyncpa.u1 $0x0;
	p0 =	por $0x0, $0x0;
	s10 =	sadd.s32 $0x1, s8  }
.LBB2_6:
0xf: {  	[hbm:s17] =	stream.linear.scatter [tilespmem:s14], [sflag:$0x3], $0x400, $0x38;
	[tilespmem:$0x10200] =	vst v63  }
.LBB2_7:
0x10: {  	s13 =	sadd.s32 $0x100, s11  }
0x11: {  	s15 =	smov.u32 s3;
	p2 =	slt.s32 s13, s5  }
0x12: {  	s15 =	smov.u32 @p2 s13;
	p2 =	sne.s32 s12, s10  }
.Ltmp1:
0x13: {  	p1 =	slt.u32 s12, $0x2;
	(pc) =	sbr.rel @!p2 .LBB2_8-.Ltmp1, $4  }
0x14: {  	s14 =	simm.s32 @!p1 $0x3  }
0x15: {  	s16 =	sadd.s32 $0x1, s12;
	_ =	swait.ge @!p1 [sflag:s14], $0x8000  }
0x16: {  	p0 =	por !p0, !p0;
	s13 =	smov.u32 s11;
	[sflag:s14] =	ssyncset.done @!p1 $0x0  }
0x17: {  	s12 =	smov.u32 s16;
	s11 =	smov.u32 s15;
	[sflag:s14] =	ssyncadd.s32 @!p1 $0xFFFF8000  }
.LBB2_1:
0x18: {  	p1 =	sge.u32 s12, s8  }
0x19: {  	s14 =	sxor.u32 @!p1 $0xFFFFFFFF, s12  }
0x1a: {  	s31 =	sadd.s32 $0xFFFFFFFF, s12;
	s15 =	sshrl.u32 @!p1 s11, $0x3;
	s14 =	sshll.u32 @!p1 s14, $0x8  }
0x1b: {  	s16 =	sand.u32 @!p1 $0x7, s11;
	s15 =	sadd.s32 @!p1 s4, s15;
	s14 =	sand.u32 @!p1 $0x100, s14  }
0x1c: {  	[tilespmem:s14], [sflag:$0x2] =	stream.linear.gather @!p1 [hbm4b:s15+s16], $0x100, $0x38;
	[tilespmem:$0x10200] =	vst v63  }
0x1d: {  	p1 =	sge.u32 s31, s8  }
.Ltmp2:
0x1e: {  	_ = 	snop;
	(pc) =	sbr.rel @p1 .LBB2_7-.Ltmp2, $1  }
0x1f: {  	_ =	sdelay $0x3  }
0x20: {  	s14 =	simm.s32 $0x1  }
0x21: {  	_ =	swait.ge [sflag:s7], $0x100;
	s14 =	simm.s32 @!p0 $0x0  }
0x22: {  	[sflag:s7] =	ssyncset.done $0x0;
	s16 =	sshll.u32 s14, $0x8  }
0x23: {  	[sflag:s7] =	ssyncadd.s32 $0xFFFFFF00;
	s15 =	sadd.s32 $0x0, s16  }
0x24: {  	v0 =	vld.msk [tilespmem:s15+$0x0 ss:$0x1], $0xffff;
	_ =	sdelay $0x4  }
0x25: {  	vm2 =	vgt.s32 v0, $0x0  }
0x26: {  	v0 =	vnsel vm2, $0x0, v0  }
0x27: {  	v0 =	vmin.u32 v0, $0x270F  }
0x28: {  	v0 =	vshll.u32 v0, $0x4;
	_ =	sdelay $0x2  }
0x29: {  	s14 =	sshll.u32 s14, $0xF  }
0x2a: {  	s14 =	sor.u32 $0x200, s14  }
0x2b: {  	[tilespmem:s14], [sflag:$0x1] =	stream.indirect_vreg.gather [hbm:s2], $0x80, v0, vm0, $0x38;
	[tilespmem:$0x10200] =	vst v63  }
0x2c: {  	s17 =	sadd.s32 $0x10, s16;
	s15 =	sadd.s32 $0x400, s14  }
0x2d: {  	[tilespmem:s15], [sflag:$0x1] =	stream.indirect_vreg.gather [hbm:s2], $0x80, v0, vm1, $0x38;
	[tilespmem:$0x10200] =	vst v63  }
0x2e: {  	s18 =	simm.s32 $0x80;
	v0 =	vld.msk [tilespmem:s17+$0x0 ss:$0x1], $0xffff;
	s17 =	smov.u32 s14  }
.LBB2_3:
0x2f: {  	p1 =	sne.s32 s18, $0x3C0;
	_ =	sdelay $0x4  }
0x30: {  	vm2 =	vgt.s32 v0, $0x0  }
0x31: {  	v0 =	vnsel vm2, $0x0, v0  }
0x32: {  	v0 =	vmin.u32 v0, $0x270F  }
0x33: {  	v0 =	vshll.u32 v0, $0x4;
	_ =	sdelay $0x3  }
.Ltmp3:
0x34: {  	s19 =	sshra.s32 s18, $0x2;
	s17 =	sadd.s32 $0x800, s17;
	(pc) =	sbr.rel @p1 .LBB2_3-.Ltmp3, $4  }
0x35: {  	[tilespmem:s17], [sflag:$0x1] =	stream.indirect_vreg.gather [hbm:s2], $0x80, v0, vm0, $0x38;
	[tilespmem:$0x10200] =	vst v63  }
0x36: {  	s19 =	sadd.s32 s19, s16;
	s20 =	sadd.s32 $0x400, s17  }
0x37: {  	[tilespmem:s20], [sflag:$0x1] =	stream.indirect_vreg.gather [hbm:s2], $0x80, v0, vm1, $0x38;
	[tilespmem:$0x10200] =	vst v63  }
0x38: {  	s18 =	sadd.s32 $0x40, s18;
	v0 =	vld.msk [tilespmem:s19+$0x0 ss:$0x1], $0xffff  }
0x39: {  	_ =	sdelay $0x3  }
0x3a: {  	vm2 =	vgt.s32 v0, $0x0  }
0x3b: {  	v0 =	vnsel vm2, $0x0, v0  }
0x3c: {  	v0 =	vmin.u32 v0, $0x270F  }
0x3d: {  	v0 =	vshll.u32 v0, $0x4;
	_ =	sdelay $0x3  }
0x3e: {  	s16 =	sadd.s32 $0x800, s17  }
0x3f: {  	[tilespmem:s16], [sflag:$0x1] =	stream.indirect_vreg.gather [hbm:s2], $0x80, v0, vm0, $0x38;
	[tilespmem:$0x10200] =	vst v63  }
0x40: {  	s16 =	sadd.s32 $0x400, s16  }
0x41: {  	[tilespmem:s16], [sflag:$0x1] =	stream.indirect_vreg.gather [hbm:s2], $0x80, v0, vm1, $0x38;
	[tilespmem:$0x10200] =	vst v63  }
0x42: {  	s13 =	sshll.u32 s13, $0x4;
	_ =	swait.ge [sflag:s6], $0x8000  }
0x43: {  	s13 =	sadd.s32 s13, s9;
	[sflag:s6] =	ssyncset.done $0x0  }
0x44: {  	s17 =	sadd.s32 $0x0, s13;
	s16 =	simm.s32 $0x80;
	[sflag:s6] =	ssyncadd.s32 $0xFFFF8000  }
.LBB2_5:
0x45: {  	[hbm:s17] =	stream.linear.scatter [tilespmem:s14], [sflag:$0x3], $0x400, $0x38;
	[tilespmem:$0x10200] =	vst v63  }
0x46: {  	s17 =	smov.u32 s16;
	s14 =	smov.u32 s15;
	p1 =	sne.s32 s16, $0xF80  }
.Ltmp4:
0x47: {  	s16 =	sadd.s32 $0x80, s16;
	(pc) =	sbr.rel @p1 .LBB2_5-.Ltmp4, $2  }
0x48: {  	_ =	sdelay $0x2  }
0x49: {  	s15 =	sadd.s32 $0x400, s15;
	s17 =	sadd.s32 s17, s13  }
.Ltmp5:
0x4a: {  	_ = 	snop;
	(pc) =	sbr.rel .LBB2_6-.Ltmp5, $1  }
0x4b: {  	_ =	sdelay $0x3  }
.LBB2_8:
0x4c: {  	_ =	sfence.sel $0x180000  }
0x4d: {  	s2 =	simm.s32 $0x2;
	[bflag:$0x0] =	sbarrier.arrive $0xFFFF  }
0x4e: {  	s30 =	simm.s32 $0x3;
	[sflag:s2] =	ssyncpa.u1 $0x1  }
0x4f: {  	s31 =	simm.s32 $0x1;
	[sflag:s30] =	ssyncpa.u1 $0x1  }
0x50: {  	[sflag:s31] =	ssyncpa.u1 $0x1  }
0x51: {  	p0 =	sne.s32 s0, $0x0;
	_ =	strace $0x9000004A  }
0x52: {  	s0 =	sadd.s32 @!p0 $0x100000, s1;
	[bflag:$0x2] =	sbarrier.arrive $0xFFFF  }
0x53: {  	[sflag:s0] =	ssyncadd.tile.s32 @!p0 $0x1;
	_ =	shalt  }
.Lfunc_end2:
_tile_overlayer_lowered:
.L_overlay_start_2:
0x54: {  	(tag) =	ssettag $0x2  }
0x55: {  	s0 =	rddreg [dreg:$0x0];
	s2 =	stileid.u32  }
0x56: {  	s1 =	rddreg [dreg:$0x1];
	p0 =	sne.s32 s2, $0x0  }
0x57: {  	s3 =	rddreg [dreg:$0x2];
	[bflag:$0x3] =	sbarrier.arrive $0xFFFF;
	s2 =	simm.s32 @!p0 $0x1C01  }
0x58: {  	[timem:s3], [sflag:s2] =	dma.local @!p0 [hbm:s0], s1  }
0x59: {  	s0 =	simm.s32 @!p0 $0x1  }
0x5a: {  	_ =	swait.ge @!p0 [sflag:s0], s1  }
0x5b: {  	s1 =	ssub.s32 @!p0 $0x0, s1;
	[sflag:s0] =	ssyncset.done @!p0 $0x0  }
0x5c: {  	[sflag:s0] =	ssyncadd.s32 @!p0 s1  }
0x5d: {  	[bflag:$0x3] =	sbarrier.arrive $0xFFFF  }
0x5e: {  	_ =	shalt  }

// kernel: kernel.12.cloned.1.call-start
scs
__scs_entry_jumppad:
0x0: {  	(pc) =	sbr.rel $0x88, $3  }
0x1: {  	(tag) =	ssettag $0x0;
	lr =	simm.s32 $0x1  }
0x2: {  	[smem:$0x3F76] =	sst lr;
	_ =	strace $0xD0000000  }
0x3: {  	_ = 	snop  }
0x4: {  	_ = 	snop  }
0x5: {  	_ = 	snop  }
0x6: {  	_ = 	snop  }
0x7: {  	_ = 	snop  }
__scs_overlays_trampoline_lowered:
0x8: {  	[smem:$0x3F85] =	sst s0  }
0x9: {  	[smem:$0x3F86] =	sst s1  }
0xa: {  	[smem:$0x3F87] =	sst s2  }
0xb: {  	[smem:$0x3F88] =	sst s3  }
0xc: {  	[smem:$0x3F89] =	sst s4  }
0xd: {  	[smem:$0x3F8A] =	sst s5  }
0xe: {  	[smem:$0x3F8B] =	sst s6  }
0xf: {  	[smem:$0x3F8C] =	sst s7  }
0x10: {  	[smem:$0x3F8D] =	sst s8  }
0x11: {  	[smem:$0x3F8E] =	sst s9;
	s0 =	simm.s32 @!p0 $0x0  }
0x12: {  	s1 =	sld [smem:$0x3F74];
	s0 =	simm.s32 @p0 $0x1  }
0x13: {  	[smem:$0x3F8F] =	sst s0;
	s0 =	simm.s32 @!p1 $0x0  }
0x14: {  	s2 =	sld [smem:$0x3F73];
	s0 =	simm.s32 @p1 $0x1  }
0x15: {  	[smem:$0x3F90] =	sst s0;
	s0 =	simm.s32 @!p2 $0x0  }
0x16: {  	s3 =	sld [smem:$0x3FDB];
	s0 =	simm.s32 @p2 $0x1  }
0x17: {  	s4 =	simm.s32 $0x1BF5;
	[smem:$0x3F92] =	sst s0  }
0x18: {  	s0 =	sld [smem:$0x3F75];
	_ =	swait.ge [sflag:s4], $0x0  }
0x19: {  	s7 =	sld [smem:$0x3F76]  }
0x1a: {  	s8 =	sadd.s32 $0xFFFFE003, lr  }
0x1b: {  	s9 =	sadd.s32 $0xFFFFFEF7, lr;
	s5 =	simm.s32 $0xFFFFFFFF;
	p2 =	slt.u32 s8, $0xFFFFF086  }
0x1c: {  	p1 =	slt.u32 s9, $0xF7A;
	s5 =	simm.s32 @!p2 $0x0  }
0x1d: {  	s5 =	simm.s32 @p1 $0x1;
	p0 =	seq.s32 s7, s2  }
0x1e: {  	s7 =	smul.u32 @!p0 $0xF7A, s2;
	p2 =	seq.s32 @!p0 s5, $0x0  }
0x1f: {  	s9 =	smul.u32 $0xF7A, s1;
	s8 =	simm.s32 @!p0 $0x1BF5;
	p2 =	por !p2, p0  }
0x20: {  	[sflag:s8] =	ssyncset.s32 @!p0 $0xFFFFF086;
	s6 =	sadd.s32 @!p0 s3, s7;
	s7 =	simm.s32 @!p0 $0x108  }
0x21: {  	s3 =	sadd.s32 s3, s9;
	s6 =	sadd.s32 @!p0 $0x88, s6;
	s7 =	simm.s32 @p2 $0x1082  }
0x22: {  	[simem:s7], [sflag:s8] =	dma.local @!p0 [hbm:s6], $0xF7A  }
0x23: {  	s9 =	sor.u32 $0xD0000000, s2;
	s6 =	simm.s32 $0x108;
	_ =	swait.ge @!p0 [sflag:s8], $0x0  }
0x24: {  	s3 =	sadd.s32 $0x88, s3;
	s6 =	simm.s32 @!p1 $0x1082;
	[sflag:s4] =	ssyncset.s32 $0xFFFFF086  }
0x25: {  	[simem:s6], [sflag:s4] =	dma.local [hbm:s3], $0xF7A  }
0x26: {  	[smem:$0x3F76] =	sst s1;
	(tag) =	ssettag s2;
	_ =	strace s9  }
0x27: {  	s1 =	sld [smem:$0x3F86]  }
0x28: {  	s2 =	sld [smem:$0x3F87]  }
0x29: {  	s4 =	sld [smem:$0x3F89]  }
0x2a: {  	p0 =	seq.s32 s5, $0x0;
	s5 =	sld [smem:$0x3F8A]  }
0x2b: {  	s6 =	sld [smem:$0x3F8B]  }
0x2c: {  	s7 =	sld [smem:$0x3F8C]  }
0x2d: {  	s3 =	simm.s32 $0x108;
	s8 =	sld [smem:$0x3F8D]  }
0x2e: {  	s3 =	simm.s32 @!p0 $0x1082;
	s9 =	sld [smem:$0x3F8E]  }
0x2f: {  	lr =	sadd.s32 s0, s3;
	s0 =	sld [smem:$0x3F85]  }
0x30: {  	s3 =	sld [smem:$0x3F88]  }
0x31: {  	[smem:$0x3F91] =	sst s10  }
0x32: {  	s10 =	sld [smem:$0x3F8F];
	_ =	sdelay $0x3  }
0x33: {  	p0 =	seq.s32 s10, $0x1;
	s10 =	sld [smem:$0x3F91];
	_ =	sdelay $0x3  }
0x34: {  	[smem:$0x3F91] =	sst s10  }
0x35: {  	s10 =	sld [smem:$0x3F90];
	_ =	sdelay $0x3  }
0x36: {  	p1 =	seq.s32 s10, $0x1;
	s10 =	sld [smem:$0x3F91];
	_ =	sdelay $0x3  }
0x37: {  	[smem:$0x3F91] =	sst s10  }
0x38: {  	s10 =	sld [smem:$0x3F92]  }
0x39: {  	_ = 	snop;
	(pc) =	sbr.ind lr, $3  }
0x3a: {  	_ = 	snop  }
0x3b: {  	_ = 	snop  }
0x3c: {  	p2 =	seq.s32 s10, $0x1;
	s10 =	sld [smem:$0x3F91]  }
0x3d: {  	_ =	shalt  }
0x3e: {  	_ =	shalt  }
0x3f: {  	_ =	shalt  }
0x40: {  	_ =	shalt  }
0x41: {  	_ =	shalt  }
0x42: {  	_ =	shalt  }
0x43: {  	_ =	shalt  }
0x44: {  	_ =	shalt  }
0x45: {  	_ =	shalt  }
0x46: {  	_ =	shalt  }
0x47: {  	_ =	shalt  }
0x48: {  	_ =	shalt  }
0x49: {  	_ =	shalt  }
0x4a: {  	_ =	shalt  }
0x4b: {  	_ =	shalt  }
0x4c: {  	_ =	shalt  }
0x4d: {  	_ =	shalt  }
0x4e: {  	_ =	shalt  }
0x4f: {  	_ =	shalt  }
0x50: {  	_ =	shalt  }
0x51: {  	_ =	shalt  }
0x52: {  	_ =	shalt  }
0x53: {  	_ =	shalt  }
0x54: {  	_ =	shalt  }
0x55: {  	_ =	shalt  }
0x56: {  	_ =	shalt  }
0x57: {  	_ =	shalt  }
0x58: {  	_ =	shalt  }
0x59: {  	_ =	shalt  }
0x5a: {  	_ =	shalt  }
0x5b: {  	_ =	shalt  }
0x5c: {  	_ =	shalt  }
0x5d: {  	_ =	shalt  }
0x5e: {  	_ =	shalt  }
0x5f: {  	_ =	shalt  }
0x60: {  	_ =	shalt  }
0x61: {  	_ =	shalt  }
0x62: {  	_ =	shalt  }
0x63: {  	_ =	shalt  }
0x64: {  	_ =	shalt  }
0x65: {  	_ =	shalt  }
0x66: {  	_ =	shalt  }
0x67: {  	_ =	shalt  }
0x68: {  	_ =	shalt  }
0x69: {  	_ =	shalt  }
0x6a: {  	_ =	shalt  }
0x6b: {  	_ =	shalt  }
0x6c: {  	_ =	shalt  }
0x6d: {  	_ =	shalt  }
0x6e: {  	_ =	shalt  }
0x6f: {  	_ =	shalt  }
0x70: {  	_ =	shalt  }
0x71: {  	_ =	shalt  }
0x72: {  	_ =	shalt  }
0x73: {  	_ =	shalt  }
0x74: {  	_ =	shalt  }
0x75: {  	_ =	shalt  }
0x76: {  	_ =	shalt  }
0x77: {  	_ =	shalt  }
0x78: {  	_ =	shalt  }
0x79: {  	_ =	shalt  }
0x7a: {  	_ =	shalt  }
0x7b: {  	_ =	shalt  }
0x7c: {  	_ =	shalt  }
0x7d: {  	_ =	shalt  }
0x7e: {  	_ =	shalt  }
0x7f: {  	_ =	shalt  }
0x80: {  	_ =	shalt  }
0x81: {  	_ =	shalt  }
0x82: {  	_ =	shalt  }
0x83: {  	_ =	shalt  }
0x84: {  	_ =	shalt  }
0x85: {  	_ =	shalt  }
0x86: {  	_ =	shalt  }
0x87: {  	_ =	shalt  }
.Lfunc_end0:
.L_simem_size_0:
called_computation.2_lowered:
.L_overlay_start_0:
0x88: {  	s2 =	sld [smem:$0x3FD9]  }
0x89: {  	s3 =	sld [smem:$0x3FFE];
	_ =	sdelay $0x1  }
0x8a: {  	s1 =	srdreg.scid  }
0x8b: {  	s0 =	sand.u32 $0x1, s1  }
0x8c: {  	s15 =	sshll.u32 s0, $0xA;
	s2 =	sadd.s32 s3, s2  }
0x8d: {  	s2 =	sadd.s32 s2, s15  }
0x8e: {  	[smem:$0x3F9D] =	sst s2  }
0x8f: {  	_ = 	snop  }
0x90: {  	s2 =	sld [smem:$0x3FD0];
	_ =	sdelay $0x2  }
0x91: {  	s16 =	simm.s32 $0xB;
	s4 =	simm.s32 $0x10  }
0x92: {  	[smem:s4], [sflag:s16] =	dma.local [hbm:s2], $0x1  }
0x93: {  	_ =	swait.eq [sflag:s16], $0x1  }
0x94: {  	[sflag:s16] =	ssyncset.done $0x0  }
0x95: {  	[sflag:s16] =	ssyncadd.s32 $0xFFFFFFFF  }
0x96: {  	s17 =	sld [smem:$0x14];
	(tm) =	ssettm $0x1  }
0x97: {  	s18 =	sld [smem:$0x3FFB];
	_ =	sdelay $0x3  }
0x98: {  	_ =	strace s18  }
0x99: {  	s2 =	sld [smem:$0x3FFC];
	_ =	sdelay $0x3  }
0x9a: {  	_ =	strace s2  }
0x9b: {  	s2 =	sld [smem:$0x3FFD];
	_ =	sdelay $0x3  }
0x9c: {  	_ =	strace s2  }
0x9d: {  	_ =	strace $0x8FFFFFFF  }
0x9e: {  	s19 =	sld [smem:$0x3FDB];
	_ =	sdelay $0x1  }
0x9f: {  	s20 =	simm.s32 $_scs_section_size  }
0xa0: {  	s5 =	simm.s32 $_size__tile_overlayer_lowered;
	s6 =	simm.s32 $_tile_overlayer_lowered  }
0xa1: {  	s7 =	simm.s32 $0x1BFF;
	s21 =	sshll.u32 s6, $0x1;
	s4 =	sadd.s32 s20, s19  }
0xa2: {  	s22 =	simm.s32 $0x0;
	s5 =	sshll.u32 s5, $0x1;
	s6 =	sadd.s32 s21, s4  }
0xa3: {  	[timem:s22], [sflag:s7] =	dma.local [hbm:s6], s5  }
0xa4: {  	_ =	swait.ge [sflag:s7], s5  }
0xa5: {  	s5 =	ssub.s32 $0x0, s5;
	[sflag:s7] =	ssyncset.done $0x0  }
0xa6: {  	[sflag:s7] =	ssyncadd.s32 s5;
	_ =	sdelay $0x1  }
0xa7: {  	s23 =	simm.s32 $0x1B8B  }
0xa8: {  	_ =	swait.ge [sflag:s23], $0x1  }
0xa9: {  	[sflag:s23] =	ssyncset.done $0x0  }
0xaa: {  	[sflag:s23] =	ssyncadd.s32 $0xFFFFFFFF  }
0xab: {  	s5 =	sld [smem:$0x0]  }
0xac: {  	s6 =	sand.u32 $0xFFFFFFFE, s1  }
0xad: {  	p0 =	sne.s32 s1, s6  }
0xae: {  	s6 =	sshll.u32 @p0 s6, $0xE  }
0xaf: {  	s6 =	sadd.s32 @p0 $0x11B8D, s6;
	s7 =	sshll.u32 @p0 s5, $0x11  }
0xb0: {  	s6 =	sor.u32 @p0 s7, s6  }
0xb1: {  	[sflag:s6] =	ssyncadd.remote.s32 @p0 $0x1;
	_ =	sdelay $0x1  }
0xb2: {  	s6 =	simm.s32 @p0 $0x1B8D  }
0xb3: {  	_ =	swait.eq @p0 [sflag:s6], $0x1  }
0xb4: {  	[sflag:s6] =	ssyncadd.s32 @p0 $0xFFFFFFFF  }
0xb5: {  	s7 =	sshll.u32 @!p0 s1, $0xE  }
0xb6: {  	s7 =	sor.u32 @!p0 $0x4000, s7;
	s6 =	simm.s32 @!p0 $0x1B8D  }
0xb7: {  	s5 =	sshll.u32 @!p0 s5, $0x11;
	s7 =	sadd.s32 @!p0 $0x11B8D, s7;
	_ =	swait.eq @!p0 [sflag:s6], $0x1  }
0xb8: {  	s5 =	sor.u32 @!p0 s5, s7;
	[sflag:s6] =	ssyncadd.s32 @!p0 $0xFFFFFFFF  }
0xb9: {  	s25 =	simm.s32 $0x1B8E;
	s24 =	sld [smem:$0x3FFE];
	[sflag:s5] =	ssyncadd.remote.s32 @!p0 $0x1  }
0xba: {  	s26 =	simm.s32 $execute0_lowered;
	[smem:$0x3FD2] =	sst s25  }
0xbb: {  	s6 =	sshll.u32 s26, $0x1;
	_ =	strace $0x8000004C;
	[dreg:$0x1] =	wrdreg $0xFFFFFFFF  }
0xbc: {  	s28 =	simm.s32 $_size_execute0_lowered;
	s4 =	sadd.s32 s4, s6;
	[dreg:$0x0] =	wrdreg $0x0  }
0xbd: {  	s6 =	sshll.u32 s28, $0x1;
	[dreg:$0x2] =	wrdreg s4  }
0xbe: {  	[dreg:$0x3] =	wrdreg s6  }
0xbf: {  	[dreg:$0x4] =	wrdreg $0xC0  }
0xc0: {  	_ =	task [dreg:s22], $0x5FFFF  }
0xc1: {  	[dreg:$0x1] =	wrdreg $0xFFFFFFFF  }
0xc2: {  	[dreg:$0x0] =	wrdreg $0x60  }
0xc3: {  	[dreg:$0x2] =	wrdreg s17  }
0xc4: {  	[dreg:$0x3] =	wrdreg s24  }
0xc5: {  	[dreg:$0x4] =	wrdreg $0x41800  }
0xc6: {  	[dreg:$0x5] =	wrdreg $0xA  }
0xc7: {  	_ =	task.clear_ibuf [dreg:s22], $0x6FFFF;
	_ =	strace $0x9000004C  }
0xc8: {  	s29 =	simm.s32 $0xA;
	_ =	strace $0x8000004E  }
0xc9: {  	_ =	swait.ge [sflag:s29], $0x1  }
0xca: {  	[sflag:s29] =	ssyncadd.s32 $0xFFFFFFFF  }
0xcb: {  	_ =	strace $0x9000004E  }
0xcc: {  	_ =	sfence  }
0xcd: {  	s30 =	sld [smem:$0x0];
	_ =	sdelay $0x2  }
0xce: {  	s31 =	sshll.u32 s1, $0xD;
	s1 =	sshrl.u32 s1, $0x2  }
0xcf: {  	s4 =	sand.u32 $0x4000, s31;
	s1 =	sadd.s32 s1, s30  }
0xd0: {  	s0 =	sor.u32 s4, s0;
	s1 =	sshll.u32 s1, $0x11  }
0xd1: {  	s0 =	sor.u32 s1, s0  }
0xd2: {  	s0 =	sadd.s32 $0x8F2B, s0  }
0xd3: {  	[sflag:s0] =	ssyncadd.remote.s32 $0x1  }
0xd4: {  	_ =	sfence.sel $0xFFFF  }
0xd5: {  	[dreg:$0x0] =	wrdreg $0xFFFFFFFF;
	(pc) =	sbr.abs _section_cstart, $3  }
0xd6: {  	[dreg:$0x1] =	wrdreg $0xFFFFFFFF  }
0xd7: {  	_ =	task.clear_ibuf [dreg:s22], $0x2FFFF;
	_ =	strace $0x9FFFFFFF  }
0xd8: {  	(tm) =	ssettm $0x7FFFFFFF  }
0xd9: {  	_ =	shalt  }
tec
execute0_lowered:
.L_overlay_start_1:
0x0: {  	(tag) =	ssettag $0x1  }
0x1: {  	s1 =	rddreg [dreg:$0x0]  }
0x2: {  	s8 =	rddreg [dreg:$0x1]  }
0x3: {  	s2 =	rddreg [dreg:$0x2]  }
0x4: {  	s0 =	rddreg [dreg:$0x3];
	s3 =	simm.s32 $0x0;
	s7 =	srdreg.scid  }
0x5: {  	s4 =	stileid.u32;
	s16 =	simm.s32 $0x100;
	s17 =	simm.s32 $0x180  }
0x6: {  	s18 =	simm.s32 $0x1;
	[smem:$0x7FF] =	sst s3;
	s5 =	sadd.s32 $0x91C00, s8  }
0x7: {  	s6 =	sadd.s32 $0x93C00, s8;
	s10 =	sand.u32 $0x1, s7;
	s7 =	sadd.s32 $0x8FC00, s8  }
0x8: {  	s9 =	sshll.u32 s4, $0xB;
	s29 =	sshll.u32 s4, $0xE;
	s30 =	sshll.u32 s4, $0x6  }
0x9: {  	s15 =	sshll.u32 s4, $0x8;
	_ =	strace $0x8000004D;
	s11 =	ssub.s32 $0x2, s10  }
0xa: {  	s12 =	sadd.s32 s9, s8;
	s14 =	sadd.s32 s29, s2;
	s9 =	sor.u32 $0x1C02, s30  }
0xb: {  	s31 =	sshll.u32 s10, $0xF;
	s10 =	sshll.u32 s10, $0xC;
	s28 =	sshrl.u32 s11, $0x1  }
0xc: {  	s8 =	sadd.s32 $0x2E800, s12;
	s13 =	ssub.s32 s11, s28;
	s11 =	sadd.s32 s31, s12  }
0xd: {  	s10 =	sor.u32 s15, s10;
	s15 =	simm.s32 $0x80;
	s11 =	sadd.s32 $0x36800, s11  }
0xe: {  	s12 =	smax.u32 s13, $0x1;
	s13 =	sshrl.u32 s14, $0x3;
	s14 =	simm.s32 $0x2  }
.LBB2_1:
0xf: {  	[spmem:s13], [sflag:s9] =	dma.local [hbm:s8], $0x800  }
0x10: {  	_ =	swait.ge [sflag:s14], $0x800  }
0x11: {  	[sflag:s14] =	ssyncset.done $0x0  }
0x12: {  	[sflag:s14] =	ssyncadd.s32 $0xFFFFF800  }
0x13: {  	s19 =	simm.s32 $0x0;
	[bflag:$0x0] =	sbarrier.arrive $0xFFFF  }
.LBB2_2:
0x14: {  	s20 =	sshll.u32 s19, $0x4  }
0x15: {  	s20 =	sadd.s32 s10, s20  }
0x16: {  	s22 =	simm.s32 $0x0;
	s21 =	sadd.s32 s5, s20  }
0x17: {  	[tilespmem:s22], [sflag:$0x2] =	stream.linear.gather [hbm4b:s21+s22], $0x80, $0x38;
	[tilespmem:$0x8180] =	vst v63  }
0x18: {  	_ =	swait.ge [sflag:s14], $0x80  }
0x19: {  	[sflag:s14] =	ssyncset.done $0x0  }
0x1a: {  	s29 =	sadd.s32 s6, s20;
	[sflag:s14] =	ssyncadd.s32 $0xFFFFFF80  }
0x1b: {  	[tilespmem:s15], [sflag:$0x2] =	stream.linear.gather [hbm4b:s29+s22], $0x80, $0x38;
	[tilespmem:$0x8180] =	vst v63  }
0x1c: {  	_ =	swait.ge [sflag:s14], $0x80  }
0x1d: {  	[sflag:s14] =	ssyncset.done $0x0  }
0x1e: {  	s20 =	sadd.s32 s7, s20;
	[sflag:s14] =	ssyncadd.s32 $0xFFFFFF80  }
0x1f: {  	[tilespmem:s16], [sflag:$0x2] =	stream.linear.gather [hbm4b:s20+s22], $0x80, $0x38;
	[tilespmem:$0x8180] =	vst v63  }
0x20: {  	_ =	swait.ge [sflag:s14], $0x80  }
0x21: {  	[sflag:s14] =	ssyncset.done $0x0  }
0x22: {  	[sflag:s14] =	ssyncadd.s32 $0xFFFFFF80  }
0x23: {  	[tilespmem:s17], [sflag:$0x1] =	stream.indirect.gather [hbm4b:s1+s15], $0x80, s22, s15, $0xb8;
	[tilespmem:$0x8180] =	vst v63  }
0x24: {  	_ =	swait.ge [sflag:s18], $0x4000  }
0x25: {  	s30 =	simm.s32 $0x0;
	[sflag:s18] =	ssyncset.done $0x0  }
0x26: {  	s31 =	simm.s32 $0x0;
	s20 =	sand.u32 $0x3FFFFFF0, s30;
	[sflag:s18] =	ssyncadd.s32 $0xFFFFC000  }
0x27: {  	v0 =	vld [tilespmem:s20+$0x100];
	s20 =	sand.u32 $0x3FFFF800, s31  }
0x28: {  	v6 =	vld [tilespmem:s20+$0x240]  }
0x29: {  	v2 =	vld [tilespmem:s20+$0x1A0]  }
0x2a: {  	v3 =	vld [tilespmem:s20+$0x1B0]  }
0x2b: {  	v9 =	vld [tilespmem:s20+$0x1E0]  }
0x2c: {  	v10 =	vld [tilespmem:s20+$0x1F0];
	v1 =	vbroadcast v0, $0x0  }
0x2d: {  	v11 =	vld [tilespmem:s20+$0x200]  }
0x2e: {  	v12 =	vld [tilespmem:s20+$0x210];
	v2 =	vmul.f32 v2, v1  }
0x2f: {  	v13 =	vld [tilespmem:s20+$0x220];
	v3 =	vmul.f32 v3, v1  }
0x30: {  	v8 =	vld [tilespmem:s20+$0x230];
	v28 =	vbroadcast v0, $0x1;
	v27 =	vmul.f32 v9, v1;
	[tilespmem:s20+$0x1A0] =	vst v2  }
0x31: {  	v7 =	vld [tilespmem:s20+$0x250];
	v10 =	vmul.f32 v10, v1;
	[tilespmem:s20+$0x1B0] =	vst v3  }
0x32: {  	v5 =	vld [tilespmem:s20+$0x6F0];
	v11 =	vmul.f32 v11, v28;
	[tilespmem:s20+$0x1E0] =	vst v27  }
0x33: {  	v30 =	vld [tilespmem:s20+$0x270];
	v12 =	vmul.f32 v12, v28;
	[tilespmem:s20+$0x1F0] =	vst v10  }
0x34: {  	v31 =	vld [tilespmem:s20+$0x280];
	v13 =	vmul.f32 v13, v28;
	[tilespmem:s20+$0x200] =	vst v11  }
0x35: {  	v32 =	vld [tilespmem:s20+$0x290];
	v8 =	vmul.f32 v8, v28;
	[tilespmem:s20+$0x210] =	vst v12  }
0x36: {  	v29 =	vld [tilespmem:s20+$0x260];
	v6 =	vmul.f32 v6, v28;
	[tilespmem:s20+$0x220] =	vst v13  }
0x37: {  	v33 =	vld [tilespmem:s20+$0x2A0];
	v14 =	vbroadcast v0, $0x2;
	v7 =	vmul.f32 v7, v28;
	[tilespmem:s20+$0x230] =	vst v8  }
0x38: {  	v34 =	vld [tilespmem:s20+$0x2B0];
	v9 =	vmul.f32 v30, v28;
	[tilespmem:s20+$0x240] =	vst v6  }
0x39: {  	v35 =	vld [tilespmem:s20+$0x2C0];
	v4 =	vbroadcast v0, $0xA;
	v37 =	vmul.f32 v31, v14;
	[tilespmem:s20+$0x250] =	vst v7  }
0x3a: {  	v36 =	vld [tilespmem:s20+$0x2D0];
	v39 =	vmul.f32 v32, v14;
	[tilespmem:s20+$0x270] =	vst v9  }
0x3b: {  	v38 =	vld [tilespmem:s20+$0x2E0];
	v2 =	vmul.f32 v5, v4;
	[tilespmem:s20+$0x280] =	vst v37  }
0x3c: {  	v40 =	vld [tilespmem:s20+$0x2F0];
	v10 =	vmul.f32 v29, v28;
	[tilespmem:s20+$0x290] =	vst v39  }
0x3d: {  	v41 =	vld [tilespmem:s20+$0x300];
	v8 =	vmul.f32 v33, v14;
	[tilespmem:s20+$0x6F0] =	vst v2  }
0x3e: {  	v42 =	vld [tilespmem:s20+$0x310];
	v6 =	vmul.f32 v34, v14;
	[tilespmem:s20+$0x260] =	vst v10  }
0x3f: {  	v43 =	vld [tilespmem:s20+$0x320];
	v7 =	vmul.f32 v35, v14;
	[tilespmem:s20+$0x2A0] =	vst v8  }
0x40: {  	v44 =	vld [tilespmem:s20+$0x330];
	v46 =	vbroadcast v0, $0x3;
	v9 =	vmul.f32 v38, v14;
	[tilespmem:s20+$0x2B0] =	vst v6  }
0x41: {  	v45 =	vld [tilespmem:s20+$0x340];
	v11 =	vmul.f32 v40, v14;
	[tilespmem:s20+$0x2C0] =	vst v7  }
0x42: {  	v47 =	vld [tilespmem:s20+$0x350];
	v12 =	vmul.f32 v41, v46;
	[tilespmem:s20+$0x2E0] =	vst v9  }
0x43: {  	v48 =	vld [tilespmem:s20+$0x360];
	v10 =	vmul.f32 v36, v14;
	[tilespmem:s20+$0x2F0] =	vst v11  }
0x44: {  	v49 =	vld [tilespmem:s20+$0x370];
	v8 =	vmul.f32 v42, v46;
	[tilespmem:s20+$0x300] =	vst v12  }
0x45: {  	v50 =	vld [tilespmem:s20+$0x380];
	v6 =	vmul.f32 v43, v46;
	[tilespmem:s20+$0x2D0] =	vst v10  }
0x46: {  	v51 =	vld [tilespmem:s20+$0x390];
	v7 =	vmul.f32 v44, v46;
	[tilespmem:s20+$0x310] =	vst v8  }
0x47: {  	v52 =	vld [tilespmem:s20+$0x3A0];
	v9 =	vmul.f32 v47, v46;
	[tilespmem:s20+$0x320] =	vst v6  }
0x48: {  	v53 =	vld [tilespmem:s20+$0x3B0];
	v11 =	vmul.f32 v48, v46;
	[tilespmem:s20+$0x330] =	vst v7  }
0x49: {  	v54 =	vld [tilespmem:s20+$0x3C0];
	v55 =	vbroadcast v0, $0x4;
	v12 =	vmul.f32 v49, v46;
	[tilespmem:s20+$0x350] =	vst v9  }
0x4a: {  	v56 =	vld [tilespmem:s20+$0x3D0];
	v10 =	vmul.f32 v45, v46;
	[tilespmem:s20+$0x360] =	vst v11  }
0x4b: {  	v57 =	vld [tilespmem:s20+$0x3E0];
	v8 =	vmul.f32 v50, v55;
	[tilespmem:s20+$0x370] =	vst v12  }
0x4c: {  	v58 =	vld [tilespmem:s20+$0x3F0];
	v6 =	vmul.f32 v51, v55;
	[tilespmem:s20+$0x340] =	vst v10  }
0x4d: {  	v59 =	vld [tilespmem:s20+$0x400];
	v7 =	vmul.f32 v52, v55;
	[tilespmem:s20+$0x380] =	vst v8  }
0x4e: {  	v60 =	vld [tilespmem:s20+$0x410];
	v9 =	vmul.f32 v54, v55;
	[tilespmem:s20+$0x390] =	vst v6  }
0x4f: {  	v61 =	vld [tilespmem:s20+$0x420];
	v11 =	vmul.f32 v56, v55;
	[tilespmem:s20+$0x3A0] =	vst v7  }
0x50: {  	v62 =	vld [tilespmem:s20+$0x430];
	v12 =	vmul.f32 v57, v55;
	[tilespmem:s20+$0x3C0] =	vst v9  }
0x51: {  	v63 =	vld [tilespmem:s20+$0x440];
	v16 =	vbroadcast v0, $0x5;
	v10 =	vmul.f32 v53, v55;
	[tilespmem:s20+$0x3D0] =	vst v11  }
0x52: {  	v17 =	vld [tilespmem:s20+$0x450];
	v8 =	vmul.f32 v58, v55;
	[tilespmem:s20+$0x3E0] =	vst v12  }
0x53: {  	v18 =	vld [tilespmem:s20+$0x460];
	v6 =	vmul.f32 v59, v16;
	[tilespmem:s20+$0x3B0] =	vst v10  }
0x54: {  	v19 =	vld [tilespmem:s20+$0x470];
	v7 =	vmul.f32 v60, v16;
	[tilespmem:s20+$0x3F0] =	vst v8  }
0x55: {  	v20 =	vld [tilespmem:s20+$0x480];
	v9 =	vmul.f32 v62, v16;
	[tilespmem:s20+$0x400] =	vst v6  }
0x56: {  	v21 =	vld [tilespmem:s20+$0x490];
	v11 =	vmul.f32 v63, v16;
	[tilespmem:s20+$0x410] =	vst v7  }
0x57: {  	v22 =	vld [tilespmem:s20+$0x4A0];
	v12 =	vmul.f32 v17, v16;
	[tilespmem:s20+$0x430] =	vst v9  }
0x58: {  	v23 =	vld [tilespmem:s20+$0x4B0];
	v10 =	vmul.f32 v61, v16;
	[tilespmem:s20+$0x440] =	vst v11  }
0x59: {  	v24 =	vld [tilespmem:s20+$0x4C0];
	v25 =	vbroadcast v0, $0x6;
	v8 =	vmul.f32 v18, v16;
	[tilespmem:s20+$0x450] =	vst v12  }
0x5a: {  	v56 =	vld [tilespmem:s20+$0x680];
	v6 =	vmul.f32 v19, v16;
	[tilespmem:s20+$0x420] =	vst v10  }
0x5b: {  	v26 =	vld [tilespmem:s20+$0x4D0];
	v7 =	vmul.f32 v20, v25;
	[tilespmem:s20+$0x460] =	vst v8  }
0x5c: {  	v30 =	vld [tilespmem:s20+$0x510];
	v9 =	vmul.f32 v22, v25;
	[tilespmem:s20+$0x470] =	vst v6  }
0x5d: {  	v27 =	vld [tilespmem:s20+$0x4E0];
	v11 =	vmul.f32 v23, v25;
	[tilespmem:s20+$0x480] =	vst v7  }
0x5e: {  	v28 =	vld [tilespmem:s20+$0x4F0];
	v12 =	vmul.f32 v24, v25;
	[tilespmem:s20+$0x4A0] =	vst v9  }
0x5f: {  	v31 =	vld [tilespmem:s20+$0x520];
	v62 =	vmul.f32 v56, v4;
	[tilespmem:s20+$0x4B0] =	vst v11  }
0x60: {  	v32 =	vld [tilespmem:s20+$0x530];
	v10 =	vmul.f32 v21, v25;
	[tilespmem:s20+$0x4C0] =	vst v12  }
0x61: {  	v3 =	vld [tilespmem:s20+$0x700];
	v8 =	vmul.f32 v26, v25;
	[tilespmem:s20+$0x680] =	vst v62  }
0x62: {  	v5 =	vld [tilespmem:s20+$0x710];
	v34 =	vbroadcast v0, $0x7;
	v6 =	vmul.f32 v27, v25;
	[tilespmem:s20+$0x490] =	vst v10  }
0x63: {  	v29 =	vld [tilespmem:s20+$0x500];
	v7 =	vmul.f32 v28, v25;
	[tilespmem:s20+$0x4D0] =	vst v8  }
0x64: {  	v60 =	vld [tilespmem:s20+$0x6C0];
	v9 =	vmul.f32 v30, v34;
	[tilespmem:s20+$0x4E0] =	vst v6  }
0x65: {  	v33 =	vld [tilespmem:s20+$0x540];
	v24 =	vbroadcast v0, $0xB;
	v11 =	vmul.f32 v31, v34;
	[tilespmem:s20+$0x4F0] =	vst v7  }
0x66: {  	v35 =	vld [tilespmem:s20+$0x550];
	v12 =	vmul.f32 v32, v34;
	[tilespmem:s20+$0x510] =	vst v9  }
0x67: {  	v38 =	vld [tilespmem:s20+$0x580];
	v3 =	vmul.f32 v3, v24;
	[tilespmem:s20+$0x520] =	vst v11  }
0x68: {  	v36 =	vld [tilespmem:s20+$0x560];
	v5 =	vmul.f32 v5, v24;
	[tilespmem:s20+$0x530] =	vst v12  }
0x69: {  	v2 =	vld [tilespmem:s20+$0x950];
	v19 =	vmul.f32 v60, v4;
	[tilespmem:s20+$0x700] =	vst v3  }
0x6a: {  	v39 =	vld [tilespmem:s20+$0x590];
	v10 =	vmul.f32 v29, v34;
	[tilespmem:s20+$0x710] =	vst v5  }
0x6b: {  	v40 =	vld [tilespmem:s20+$0x5A0];
	v8 =	vmul.f32 v33, v34;
	[tilespmem:s20+$0x6C0] =	vst v19  }
0x6c: {  	v43 =	vbroadcast v0, $0x8;
	v61 =	vld [tilespmem:s20+$0x6D0];
	v6 =	vmul.f32 v35, v34;
	[tilespmem:s20+$0x500] =	vst v10  }
0x6d: {  	v16 =	vld [tilespmem:s20+$0x180];
	v7 =	vmul.f32 v36, v34;
	[tilespmem:s20+$0x540] =	vst v8  }
0x6e: {  	v37 =	vld [tilespmem:s20+$0x570];
	v9 =	vmul.f32 v38, v43;
	[tilespmem:s20+$0x550] =	vst v6  }
0x6f: {  	v41 =	vld [tilespmem:s20+$0x5B0];
	v11 =	vmul.f32 v39, v43;
	[tilespmem:s20+$0x560] =	vst v7  }
0x70: {  	v42 =	vld [tilespmem:s20+$0x5C0];
	v12 =	vmul.f32 v40, v43;
	[tilespmem:s20+$0x580] =	vst v9  }
0x71: {  	v44 =	vld [tilespmem:s20+$0x5D0];
	v21 =	vmul.f32 v61, v4;
	[tilespmem:s20+$0x590] =	vst v11  }
0x72: {  	v46 =	vld [tilespmem:s20+$0x5F0];
	v25 =	vmul.f32 v1, v16;
	[tilespmem:s20+$0x5A0] =	vst v12  }
0x73: {  	v47 =	vld [tilespmem:s20+$0x600];
	v10 =	vmul.f32 v37, v34;
	[tilespmem:s20+$0x6D0] =	vst v21  }
0x74: {  	v48 =	vld [tilespmem:s20+$0x610];
	v8 =	vmul.f32 v41, v43;
	[tilespmem:s20+$0x180] =	vst v25  }
0x75: {  	v6 =	vmul.f32 v42, v43;
	[tilespmem:s20+$0x570] =	vst v10  }
0x76: {  	v52 =	vbroadcast v0, $0x9;
	v27 =	vld [tilespmem:s20+$0x750];
	v7 =	vmul.f32 v44, v43;
	[tilespmem:s20+$0x5B0] =	vst v8  }
0x77: {  	v30 =	vld [tilespmem:s20+$0x780];
	v9 =	vmul.f32 v46, v43;
	[tilespmem:s20+$0x5C0] =	vst v6  }
0x78: {  	v28 =	vld [tilespmem:s20+$0x760];
	v3 =	vbroadcast v0, $0xF;
	v11 =	vmul.f32 v47, v52;
	[tilespmem:s20+$0x5D0] =	vst v7  }
0x79: {  	v45 =	vld [tilespmem:s20+$0x5E0];
	v12 =	vmul.f32 v48, v52;
	[tilespmem:s20+$0x5F0] =	vst v9  }
0x7a: {  	v49 =	vld [tilespmem:s20+$0x620];
	v35 =	vbroadcast v0, $0xC;
	v2 =	vmul.f32 v2, v3;
	[tilespmem:s20+$0x600] =	vst v11  }
0x7b: {  	v50 =	vld [tilespmem:s20+$0x630];
	v32 =	vmul.f32 v27, v24;
	[tilespmem:s20+$0x610] =	vst v12  }
0x7c: {  	v51 =	vld [tilespmem:s20+$0x640];
	v14 =	vmul.f32 v30, v35;
	[tilespmem:s20+$0x950] =	vst v2  }
0x7d: {  	v54 =	vld [tilespmem:s20+$0x660];
	v40 =	vmul.f32 v28, v24;
	[tilespmem:s20+$0x750] =	vst v32  }
0x7e: {  	v55 =	vld [tilespmem:s20+$0x670];
	v10 =	vmul.f32 v45, v43;
	[tilespmem:s20+$0x780] =	vst v14  }
0x7f: {  	v18 =	vld [tilespmem:s20+$0x1C0];
	v8 =	vmul.f32 v49, v52;
	[tilespmem:s20+$0x760] =	vst v40  }
0x80: {  	v38 =	vld [tilespmem:s20+$0x7F0];
	v6 =	vmul.f32 v50, v52;
	[tilespmem:s20+$0x5E0] =	vst v10  }
0x81: {  	v29 =	vld [tilespmem:s20+$0x770];
	v7 =	vmul.f32 v51, v52;
	[tilespmem:s20+$0x620] =	vst v8  }
0x82: {  	v33 =	vld [tilespmem:s20+$0x7B0];
	v9 =	vmul.f32 v54, v52;
	[tilespmem:s20+$0x630] =	vst v6  }
0x83: {  	v53 =	vld [tilespmem:s20+$0x650];
	v11 =	vmul.f32 v55, v52;
	[tilespmem:s20+$0x640] =	vst v7  }
0x84: {  	v57 =	vld [tilespmem:s20+$0x690];
	v2 =	vmul.f32 v18, v1;
	[tilespmem:s20+$0x660] =	vst v9  }
0x85: {  	v58 =	vld [tilespmem:s20+$0x6A0];
	v14 =	vmul.f32 v38, v35;
	[tilespmem:s20+$0x670] =	vst v11  }
0x86: {  	v59 =	vld [tilespmem:s20+$0x6B0];
	v5 =	vmul.f32 v29, v24;
	[tilespmem:s20+$0x1C0] =	vst v2  }
0x87: {  	v63 =	vld [tilespmem:s20+$0x6E0];
	v62 =	vmul.f32 v33, v35;
	[tilespmem:s20+$0x7F0] =	vst v14  }
0x88: {  	v17 =	vld [tilespmem:s20+$0x190];
	v10 =	vmul.f32 v53, v52;
	[tilespmem:s20+$0x770] =	vst v5  }
0x89: {  	v20 =	vld [tilespmem:s20+$0x1D0];
	v8 =	vmul.f32 v57, v4;
	[tilespmem:s20+$0x7B0] =	vst v62  }
0x8a: {  	v61 =	vld [tilespmem:s20+$0x970];
	v6 =	vmul.f32 v58, v4;
	[tilespmem:s20+$0x650] =	vst v10  }
0x8b: {  	v46 =	vld [tilespmem:s20+$0x860];
	v7 =	vmul.f32 v59, v4;
	[tilespmem:s20+$0x690] =	vst v8  }
0x8c: {  	v22 =	vld [tilespmem:s20+$0x720];
	v4 =	vmul.f32 v63, v4;
	[tilespmem:s20+$0x6A0] =	vst v6  }
0x8d: {  	v23 =	vld [tilespmem:s20+$0x730];
	v11 =	vmul.f32 v17, v1;
	[tilespmem:s20+$0x6B0] =	vst v7  }
0x8e: {  	v26 =	vld [tilespmem:s20+$0x740];
	v44 =	vbroadcast v0, $0xD;
	v1 =	vmul.f32 v20, v1;
	[tilespmem:s20+$0x6E0] =	vst v4  }
0x8f: {  	v31 =	vld [tilespmem:s20+$0x790];
	v63 =	vmul.f32 v61, v3;
	[tilespmem:s20+$0x190] =	vst v11  }
0x90: {  	v34 =	vld [tilespmem:s20+$0x7C0];
	v51 =	vmul.f32 v46, v44;
	[tilespmem:s20+$0x1D0] =	vst v1  }
0x91: {  	v41 =	vld [tilespmem:s20+$0x820];
	v6 =	vmul.f32 v22, v24;
	[tilespmem:s20+$0x970] =	vst v63  }
0x92: {  	v7 =	vmul.f32 v23, v24;
	v1 =	vld [tilespmem:s20+$0x810];
	[tilespmem:s20+$0x860] =	vst v51  }
0x93: {  	v49 =	vld [tilespmem:s20+$0x8A0];
	v4 =	vmul.f32 v26, v24;
	[tilespmem:s20+$0x720] =	vst v6  }
0x94: {  	v50 =	vld [tilespmem:s20+$0x8B0];
	v8 =	vmul.f32 v31, v35;
	[tilespmem:s20+$0x730] =	vst v7  }
0x95: {  	v36 =	vld [tilespmem:s20+$0x7D0];
	v11 =	vmul.f32 v34, v35;
	[tilespmem:s20+$0x740] =	vst v4  }
0x96: {  	v37 =	vld [tilespmem:s20+$0x7E0];
	v0 =	vbroadcast v0, $0xE;
	v10 =	vmul.f32 v41, v44;
	[tilespmem:s20+$0x790] =	vst v8  }
0x97: {  	v39 =	vld [tilespmem:s20+$0x800];
	[tilespmem:s20+$0x7C0] =	vst v11;
	v1 =	vmul.f32 v1, v44  }
0x98: {  	v42 =	vld [tilespmem:s20+$0x830];
	v9 =	vmul.f32 v49, v0;
	[tilespmem:s20+$0x820] =	vst v10  }
0x99: {  	v5 =	vmul.f32 v50, v0;
	[tilespmem:s20+$0x810] =	vst v1;
	v1 =	vld [tilespmem:s20+$0x880]  }
0x9a: {  	v48 =	vld [tilespmem:s20+$0x890];
	v7 =	vmul.f32 v36, v35;
	[tilespmem:s20+$0x8A0] =	vst v9  }
0x9b: {  	v57 =	vld [tilespmem:s20+$0x920];
	v4 =	vmul.f32 v37, v35;
	[tilespmem:s20+$0x8B0] =	vst v5  }
0x9c: {  	v45 =	vld [tilespmem:s20+$0x850];
	v8 =	vmul.f32 v39, v44;
	[tilespmem:s20+$0x7D0] =	vst v7  }
0x9d: {  	v47 =	vld [tilespmem:s20+$0x870];
	v11 =	vmul.f32 v42, v44;
	[tilespmem:s20+$0x7E0] =	vst v4  }
0x9e: {  	v43 =	vld [tilespmem:s20+$0x840];
	[tilespmem:s20+$0x800] =	vst v8;
	v1 =	vmul.f32 v1, v0  }
0x9f: {  	v55 =	vld [tilespmem:s20+$0x900];
	v10 =	vmul.f32 v48, v0;
	[tilespmem:s20+$0x830] =	vst v11  }
0xa0: {  	v5 =	vmul.f32 v57, v3;
	[tilespmem:s20+$0x880] =	vst v1;
	v1 =	vld [tilespmem:s20+$0x8F0]  }
0xa1: {  	v52 =	vld [tilespmem:s20+$0x8C0];
	v4 =	vmul.f32 v45, v44;
	[tilespmem:s20+$0x890] =	vst v10  }
0xa2: {  	v56 =	vld [tilespmem:s20+$0x910];
	v8 =	vmul.f32 v47, v44;
	[tilespmem:s20+$0x920] =	vst v5  }
0xa3: {  	v54 =	vld [tilespmem:s20+$0x8E0];
	v7 =	vmul.f32 v43, v44;
	[tilespmem:s20+$0x850] =	vst v4  }
0xa4: {  	v58 =	vld [tilespmem:s20+$0x930];
	v10 =	vmul.f32 v55, v3;
	[tilespmem:s20+$0x870] =	vst v8  }
0xa5: {  	v53 =	vld [tilespmem:s20+$0x8D0];
	[tilespmem:s20+$0x840] =	vst v7;
	v1 =	vmul.f32 v1, v0  }
0xa6: {  	v59 =	vld [tilespmem:s20+$0x940];
	v4 =	vmul.f32 v52, v0;
	[tilespmem:s20+$0x900] =	vst v10  }
0xa7: {  	v60 =	vld [tilespmem:s20+$0x960];
	[tilespmem:s20+$0x8F0] =	vst v1;
	v1 =	vmul.f32 v56, v3  }
0xa8: {  	v8 =	vmul.f32 v54, v0;
	[tilespmem:s20+$0x8C0] =	vst v4  }
0xa9: {  	v2 =	vld [tilespmem:s20+$0x7A0];
	[tilespmem:s20+$0x910] =	vst v1;
	v1 =	vmul.f32 v58, v3  }
0xaa: {  	[tilespmem:s20+$0x8E0] =	vst v8;
	v0 =	vmul.f32 v53, v0  }
0xab: {  	[tilespmem:s20+$0x930] =	vst v1;
	v1 =	vmul.f32 v59, v3  }
0xac: {  	[tilespmem:s20+$0x8D0] =	vst v0;
	v3 =	vmul.f32 v60, v3  }
0xad: {  	[tilespmem:s20+$0x940] =	vst v1  }
0xae: {  	s21 =	simm.s32 $0x1;
	v1 =	vmul.f32 v2, v35;
	[tilespmem:s20+$0x960] =	vst v3  }
.LBB2_3:
0xaf: {  	s22 =	sshll.u32 s21, $0x4  }
0xb0: {  	p0 =	sne.s32 s21, $0x7;
	[tilespmem:s20+$0x7A0] =	vst v1;
	s20 =	smov.u32 s21;
	s21 =	sadd.s32 $0x1, s21  }
0xb1: {  	s22 =	sand.u32 $0x3FFFFFF0, s22  }
0xb2: {  	s20 =	sshll.u32 s20, $0xB;
	v0 =	vld [tilespmem:s22+$0x100]  }
0xb3: {  	s20 =	sand.u32 $0x3FFFF800, s20  }
0xb4: {  	v7 =	vld [tilespmem:s20+$0x240]  }
0xb5: {  	v8 =	vld [tilespmem:s20+$0x250]  }
0xb6: {  	v9 =	vld [tilespmem:s20+$0x230]  }
0xb7: {  	v1 =	vbroadcast v0, $0x0;
	v2 =	vld [tilespmem:s20+$0x1A0];
	v6 =	vbroadcast v0, $0x4  }
0xb8: {  	v4 =	vld [tilespmem:s20+$0x1B0]  }
0xb9: {  	v5 =	vld [tilespmem:s20+$0x6F0]  }
0xba: {  	v10 =	vld [tilespmem:s20+$0x1E0]  }
0xbb: {  	v11 =	vld [tilespmem:s20+$0x1F0]  }
0xbc: {  	v3 =	vbroadcast v0, $0xA;
	v2 =	vmul.f32 v2, v1;
	v12 =	vld [tilespmem:s20+$0x200]  }
0xbd: {  	v4 =	vmul.f32 v4, v1;
	v13 =	vld [tilespmem:s20+$0x210]  }
0xbe: {  	[tilespmem:s20+$0x1A0] =	vst v2;
	v14 =	vld [tilespmem:s20+$0x220];
	v2 =	vmul.f32 v5, v3  }
0xbf: {  	[tilespmem:s20+$0x1B0] =	vst v4;
	v5 =	vmul.f32 v10, v1;
	v10 =	vbroadcast v0, $0x1;
	v4 =	vld [tilespmem:s20+$0x700]  }
0xc0: {  	v11 =	vmul.f32 v11, v1;
	[tilespmem:s20+$0x6F0] =	vst v2;
	v2 =	vld [tilespmem:s20+$0x950]  }
0xc1: {  	[tilespmem:s20+$0x1E0] =	vst v5;
	v12 =	vmul.f32 v12, v10;
	v5 =	vld [tilespmem:s20+$0x710]  }
0xc2: {  	[tilespmem:s20+$0x1F0] =	vst v11;
	v11 =	vmul.f32 v13, v10;
	v13 =	vld [tilespmem:s20+$0x260]  }
0xc3: {  	[tilespmem:s20+$0x200] =	vst v12;
	v12 =	vmul.f32 v14, v10;
	v14 =	vld [tilespmem:s20+$0x270]  }
0xc4: {  	v9 =	vmul.f32 v9, v10;
	[tilespmem:s20+$0x210] =	vst v11;
	v11 =	vld [tilespmem:s20+$0x280]  }
0xc5: {  	v7 =	vmul.f32 v7, v10;
	[tilespmem:s20+$0x220] =	vst v12;
	v12 =	vld [tilespmem:s20+$0x290]  }
0xc6: {  	v8 =	vmul.f32 v8, v10;
	[tilespmem:s20+$0x230] =	vst v9;
	v9 =	vld [tilespmem:s20+$0x2A0]  }
0xc7: {  	[tilespmem:s20+$0x240] =	vst v7;
	v7 =	vmul.f32 v13, v10;
	v13 =	vbroadcast v0, $0x2;
	v15 =	vld [tilespmem:s20+$0x2B0]  }
0xc8: {  	[tilespmem:s20+$0x250] =	vst v8;
	v8 =	vmul.f32 v14, v10;
	v10 =	vld [tilespmem:s20+$0x2C0]  }
0xc9: {  	[tilespmem:s20+$0x260] =	vst v7;
	v7 =	vmul.f32 v11, v13;
	v11 =	vld [tilespmem:s20+$0x2D0]  }
0xca: {  	[tilespmem:s20+$0x270] =	vst v8;
	v8 =	vmul.f32 v12, v13;
	v12 =	vld [tilespmem:s20+$0x2E0]  }
0xcb: {  	[tilespmem:s20+$0x280] =	vst v7;
	v7 =	vmul.f32 v9, v13;
	v9 =	vld [tilespmem:s20+$0x2F0]  }
0xcc: {  	[tilespmem:s20+$0x290] =	vst v8;
	v8 =	vmul.f32 v15, v13;
	v14 =	vld [tilespmem:s20+$0x300]  }
0xcd: {  	[tilespmem:s20+$0x2A0] =	vst v7;
	v7 =	vmul.f32 v10, v13;
	v10 =	vld [tilespmem:s20+$0x310]  }
0xce: {  	[tilespmem:s20+$0x2B0] =	vst v8;
	v8 =	vmul.f32 v11, v13;
	v11 =	vld [tilespmem:s20+$0x320]  }
0xcf: {  	[tilespmem:s20+$0x2C0] =	vst v7;
	v7 =	vmul.f32 v12, v13;
	v12 =	vbroadcast v0, $0x3;
	v15 =	vld [tilespmem:s20+$0x330]  }
0xd0: {  	[tilespmem:s20+$0x2D0] =	vst v8;
	v8 =	vmul.f32 v9, v13;
	v9 =	vld [tilespmem:s20+$0x340]  }
0xd1: {  	[tilespmem:s20+$0x2E0] =	vst v7;
	v7 =	vmul.f32 v14, v12;
	v13 =	vld [tilespmem:s20+$0x350]  }
0xd2: {  	[tilespmem:s20+$0x2F0] =	vst v8;
	v8 =	vmul.f32 v10, v12;
	v10 =	vld [tilespmem:s20+$0x360]  }
0xd3: {  	[tilespmem:s20+$0x300] =	vst v7;
	v7 =	vmul.f32 v11, v12;
	v11 =	vld [tilespmem:s20+$0x370]  }
0xd4: {  	[tilespmem:s20+$0x310] =	vst v8;
	v8 =	vmul.f32 v15, v12;
	v14 =	vld [tilespmem:s20+$0x380]  }
0xd5: {  	[tilespmem:s20+$0x320] =	vst v7;
	v7 =	vmul.f32 v9, v12;
	v9 =	vld [tilespmem:s20+$0x390]  }
0xd6: {  	[tilespmem:s20+$0x330] =	vst v8;
	v8 =	vmul.f32 v13, v12;
	v13 =	vld [tilespmem:s20+$0x3A0]  }
0xd7: {  	[tilespmem:s20+$0x340] =	vst v7;
	v7 =	vmul.f32 v10, v12;
	v10 =	vld [tilespmem:s20+$0x3B0]  }
0xd8: {  	[tilespmem:s20+$0x350] =	vst v8;
	v8 =	vmul.f32 v11, v12;
	v11 =	vld [tilespmem:s20+$0x3C0]  }
0xd9: {  	[tilespmem:s20+$0x360] =	vst v7;
	v7 =	vmul.f32 v14, v6;
	v12 =	vld [tilespmem:s20+$0x3D0]  }
0xda: {  	[tilespmem:s20+$0x370] =	vst v8;
	v8 =	vmul.f32 v9, v6;
	v9 =	vld [tilespmem:s20+$0x3E0]  }
0xdb: {  	[tilespmem:s20+$0x380] =	vst v7;
	v7 =	vmul.f32 v13, v6;
	v13 =	vld [tilespmem:s20+$0x3F0]  }
0xdc: {  	[tilespmem:s20+$0x390] =	vst v8;
	v8 =	vmul.f32 v10, v6;
	v10 =	vld [tilespmem:s20+$0x400]  }
0xdd: {  	[tilespmem:s20+$0x3A0] =	vst v7;
	v7 =	vmul.f32 v11, v6;
	v11 =	vld [tilespmem:s20+$0x410]  }
0xde: {  	[tilespmem:s20+$0x3B0] =	vst v8;
	v8 =	vmul.f32 v12, v6;
	v12 =	vld [tilespmem:s20+$0x420]  }
0xdf: {  	[tilespmem:s20+$0x3C0] =	vst v7;
	v7 =	vmul.f32 v9, v6;
	v9 =	vbroadcast v0, $0x5;
	v14 =	vld [tilespmem:s20+$0x430]  }
0xe0: {  	[tilespmem:s20+$0x3D0] =	vst v8;
	v6 =	vmul.f32 v13, v6;
	v8 =	vld [tilespmem:s20+$0x440]  }
0xe1: {  	[tilespmem:s20+$0x3E0] =	vst v7;
	v7 =	vmul.f32 v10, v9;
	v10 =	vld [tilespmem:s20+$0x450]  }
0xe2: {  	[tilespmem:s20+$0x3F0] =	vst v6;
	v6 =	vmul.f32 v11, v9;
	v11 =	vld [tilespmem:s20+$0x460]  }
0xe3: {  	[tilespmem:s20+$0x400] =	vst v7;
	v7 =	vmul.f32 v12, v9;
	v12 =	vld [tilespmem:s20+$0x470]  }
0xe4: {  	[tilespmem:s20+$0x410] =	vst v6;
	v6 =	vmul.f32 v14, v9;
	v13 =	vld [tilespmem:s20+$0x480]  }
0xe5: {  	[tilespmem:s20+$0x420] =	vst v7;
	v7 =	vmul.f32 v8, v9;
	v8 =	vld [tilespmem:s20+$0x490]  }
0xe6: {  	[tilespmem:s20+$0x430] =	vst v6;
	v6 =	vmul.f32 v10, v9;
	v10 =	vld [tilespmem:s20+$0x4A0]  }
0xe7: {  	[tilespmem:s20+$0x440] =	vst v7;
	v7 =	vmul.f32 v11, v9;
	v11 =	vbroadcast v0, $0x6;
	v14 =	vld [tilespmem:s20+$0x4B0]  }
0xe8: {  	[tilespmem:s20+$0x450] =	vst v6;
	v6 =	vmul.f32 v12, v9;
	v9 =	vld [tilespmem:s20+$0x4C0]  }
0xe9: {  	[tilespmem:s20+$0x460] =	vst v7;
	v7 =	vmul.f32 v13, v11;
	v12 =	vld [tilespmem:s20+$0x4D0]  }
0xea: {  	[tilespmem:s20+$0x470] =	vst v6;
	v6 =	vmul.f32 v8, v11;
	v8 =	vld [tilespmem:s20+$0x4E0]  }
0xeb: {  	[tilespmem:s20+$0x480] =	vst v7;
	v7 =	vmul.f32 v10, v11;
	v10 =	vld [tilespmem:s20+$0x4F0]  }
0xec: {  	[tilespmem:s20+$0x490] =	vst v6;
	v6 =	vmul.f32 v14, v11;
	v13 =	vld [tilespmem:s20+$0x500]  }
0xed: {  	[tilespmem:s20+$0x4A0] =	vst v7;
	v7 =	vmul.f32 v9, v11;
	v9 =	vld [tilespmem:s20+$0x510]  }
0xee: {  	[tilespmem:s20+$0x4B0] =	vst v6;
	v6 =	vmul.f32 v12, v11;
	v12 =	vld [tilespmem:s20+$0x520]  }
0xef: {  	[tilespmem:s20+$0x4C0] =	vst v7;
	v7 =	vmul.f32 v8, v11;
	v8 =	vbroadcast v0, $0x7;
	v14 =	vld [tilespmem:s20+$0x530]  }
0xf0: {  	[tilespmem:s20+$0x4D0] =	vst v6;
	v6 =	vmul.f32 v10, v11;
	v10 =	vld [tilespmem:s20+$0x540]  }
0xf1: {  	[tilespmem:s20+$0x4E0] =	vst v7;
	v7 =	vmul.f32 v13, v8;
	v11 =	vld [tilespmem:s20+$0x550]  }
0xf2: {  	[tilespmem:s20+$0x4F0] =	vst v6;
	v6 =	vmul.f32 v9, v8;
	v9 =	vld [tilespmem:s20+$0x560]  }
0xf3: {  	[tilespmem:s20+$0x500] =	vst v7;
	v7 =	vmul.f32 v12, v8;
	v12 =	vld [tilespmem:s20+$0x570]  }
0xf4: {  	[tilespmem:s20+$0x510] =	vst v6;
	v6 =	vmul.f32 v14, v8;
	v13 =	vld [tilespmem:s20+$0x580]  }
0xf5: {  	[tilespmem:s20+$0x520] =	vst v7;
	v7 =	vmul.f32 v10, v8;
	v10 =	vld [tilespmem:s20+$0x590]  }
0xf6: {  	[tilespmem:s20+$0x530] =	vst v6;
	v6 =	vmul.f32 v11, v8;
	v11 =	vld [tilespmem:s20+$0x5A0]  }
0xf7: {  	[tilespmem:s20+$0x540] =	vst v7;
	v7 =	vmul.f32 v9, v8;
	v9 =	vbroadcast v0, $0x8;
	v14 =	vld [tilespmem:s20+$0x5B0]  }
0xf8: {  	[tilespmem:s20+$0x550] =	vst v6;
	v6 =	vmul.f32 v12, v8;
	v8 =	vld [tilespmem:s20+$0x5C0]  }
0xf9: {  	[tilespmem:s20+$0x560] =	vst v7;
	v7 =	vmul.f32 v13, v9;
	v12 =	vld [tilespmem:s20+$0x5D0]  }
0xfa: {  	[tilespmem:s20+$0x570] =	vst v6;
	v6 =	vmul.f32 v10, v9;
	v10 =	vld [tilespmem:s20+$0x5E0]  }
0xfb: {  	[tilespmem:s20+$0x580] =	vst v7;
	v7 =	vmul.f32 v11, v9;
	v11 =	vld [tilespmem:s20+$0x5F0]  }
0xfc: {  	[tilespmem:s20+$0x590] =	vst v6;
	v6 =	vmul.f32 v14, v9;
	v13 =	vld [tilespmem:s20+$0x600]  }
0xfd: {  	[tilespmem:s20+$0x5A0] =	vst v7;
	v7 =	vmul.f32 v8, v9;
	v8 =	vld [tilespmem:s20+$0x610]  }
0xfe: {  	[tilespmem:s20+$0x5B0] =	vst v6;
	v6 =	vmul.f32 v12, v9;
	v12 =	vld [tilespmem:s20+$0x620]  }
0xff: {  	[tilespmem:s20+$0x5C0] =	vst v7;
	v7 =	vmul.f32 v10, v9;
	v10 =	vbroadcast v0, $0x9;
	v14 =	vld [tilespmem:s20+$0x630]  }
0x100: {  	[tilespmem:s20+$0x5D0] =	vst v6;
	v6 =	vmul.f32 v11, v9;
	v9 =	vld [tilespmem:s20+$0x640]  }
0x101: {  	[tilespmem:s20+$0x5E0] =	vst v7;
	v7 =	vmul.f32 v13, v10;
	v11 =	vld [tilespmem:s20+$0x650]  }
0x102: {  	[tilespmem:s20+$0x5F0] =	vst v6;
	v6 =	vmul.f32 v8, v10;
	v8 =	vld [tilespmem:s20+$0x660]  }
0x103: {  	[tilespmem:s20+$0x600] =	vst v7;
	v7 =	vmul.f32 v12, v10;
	v12 =	vld [tilespmem:s20+$0x670]  }
0x104: {  	[tilespmem:s20+$0x610] =	vst v6;
	v6 =	vmul.f32 v14, v10;
	v13 =	vld [tilespmem:s20+$0x680]  }
0x105: {  	[tilespmem:s20+$0x620] =	vst v7;
	v7 =	vmul.f32 v9, v10;
	v9 =	vld [tilespmem:s20+$0x690]  }
0x106: {  	[tilespmem:s20+$0x630] =	vst v6;
	v6 =	vmul.f32 v11, v10;
	v11 =	vld [tilespmem:s20+$0x6A0]  }
0x107: {  	[tilespmem:s20+$0x640] =	vst v7;
	v7 =	vmul.f32 v8, v10;
	v8 =	vld [tilespmem:s20+$0x6B0]  }
0x108: {  	[tilespmem:s20+$0x650] =	vst v6;
	v6 =	vmul.f32 v12, v10;
	v10 =	vld [tilespmem:s20+$0x6C0]  }
0x109: {  	[tilespmem:s20+$0x660] =	vst v7;
	v7 =	vmul.f32 v13, v3;
	v12 =	vld [tilespmem:s20+$0x6D0]  }
0x10a: {  	[tilespmem:s20+$0x670] =	vst v6;
	v6 =	vmul.f32 v9, v3;
	v9 =	vld [tilespmem:s20+$0x6E0]  }
0x10b: {  	v13 =	vld [tilespmem:s20+$0x180];
	[tilespmem:s20+$0x680] =	vst v7;
	v7 =	vmul.f32 v11, v3  }
0x10c: {  	v11 =	vld [tilespmem:s20+$0x190];
	[tilespmem:s20+$0x690] =	vst v6;
	v6 =	vmul.f32 v8, v3  }
0x10d: {  	v8 =	vld [tilespmem:s20+$0x1C0];
	[tilespmem:s20+$0x6A0] =	vst v7;
	v7 =	vmul.f32 v10, v3  }
0x10e: {  	v10 =	vld [tilespmem:s20+$0x1D0];
	[tilespmem:s20+$0x6B0] =	vst v6;
	v6 =	vmul.f32 v12, v3  }
0x10f: {  	[tilespmem:s20+$0x6C0] =	vst v7;
	v7 =	vmul.f32 v9, v3;
	v9 =	vbroadcast v0, $0xB;
	v12 =	vld [tilespmem:s20+$0x720]  }
0x110: {  	v3 =	vbroadcast v0, $0xF;
	v13 =	vmul.f32 v1, v13;
	[tilespmem:s20+$0x6D0] =	vst v6;
	v6 =	vld [tilespmem:s20+$0x730]  }
0x111: {  	v11 =	vmul.f32 v11, v1;
	[tilespmem:s20+$0x6E0] =	vst v7;
	v4 =	vmul.f32 v4, v9;
	v7 =	vld [tilespmem:s20+$0x740]  }
0x112: {  	v5 =	vmul.f32 v5, v9;
	[tilespmem:s20+$0x180] =	vst v13;
	v8 =	vmul.f32 v8, v1;
	v13 =	vld [tilespmem:s20+$0x750]  }
0x113: {  	v2 =	vmul.f32 v2, v3;
	v10 =	vmul.f32 v10, v1;
	[tilespmem:s20+$0x700] =	vst v4;
	v1 =	vld [tilespmem:s20+$0x760]  }
0x114: {  	[tilespmem:s20+$0x710] =	vst v5;
	v4 =	vmul.f32 v12, v9;
	v5 =	vld [tilespmem:s20+$0x770]  }
0x115: {  	v6 =	vmul.f32 v6, v9;
	v12 =	vld [tilespmem:s20+$0x780];
	[tilespmem:s20+$0x950] =	vst v2  }
0x116: {  	[tilespmem:s20+$0x190] =	vst v11;
	v2 =	vmul.f32 v7, v9;
	v7 =	vld [tilespmem:s20+$0x790]  }
0x117: {  	[tilespmem:s20+$0x1C0] =	vst v8;
	v8 =	vmul.f32 v13, v9;
	v11 =	vld [tilespmem:s20+$0x7A0]  }
0x118: {  	v13 =	vbroadcast v0, $0xC;
	[tilespmem:s20+$0x720] =	vst v4;
	v4 =	vmul.f32 v1, v9;
	v14 =	vld [tilespmem:s20+$0x7B0]  }
0x119: {  	[tilespmem:s20+$0x750] =	vst v8;
	v5 =	vmul.f32 v5, v9;
	v8 =	vld [tilespmem:s20+$0x7C0]  }
0x11a: {  	[tilespmem:s20+$0x730] =	vst v6;
	v1 =	vmul.f32 v12, v13;
	v6 =	vld [tilespmem:s20+$0x7D0]  }
0x11b: {  	[tilespmem:s20+$0x740] =	vst v2;
	v2 =	vmul.f32 v7, v13;
	v7 =	vld [tilespmem:s20+$0x7E0]  }
0x11c: {  	[tilespmem:s20+$0x780] =	vst v1;
	v1 =	vmul.f32 v11, v13;
	v9 =	vld [tilespmem:s20+$0x7F0]  }
0x11d: {  	[tilespmem:s20+$0x790] =	vst v2;
	v2 =	vld [tilespmem:s20+$0x800]  }
0x11e: {  	[tilespmem:s20+$0x1D0] =	vst v10;
	v8 =	vmul.f32 v8, v13;
	v10 =	vld [tilespmem:s20+$0x810]  }
0x11f: {  	[tilespmem:s20+$0x760] =	vst v4;
	v4 =	vmul.f32 v6, v13;
	v6 =	vld [tilespmem:s20+$0x820]  }
0x120: {  	[tilespmem:s20+$0x7C0] =	vst v8;
	v7 =	vmul.f32 v7, v13;
	v8 =	vbroadcast v0, $0xD;
	v11 =	vld [tilespmem:s20+$0x830]  }
0x121: {  	[tilespmem:s20+$0x7D0] =	vst v4;
	v4 =	vmul.f32 v9, v13;
	v9 =	vld [tilespmem:s20+$0x840]  }
0x122: {  	[tilespmem:s20+$0x7E0] =	vst v7;
	v2 =	vmul.f32 v2, v8;
	v7 =	vld [tilespmem:s20+$0x850]  }
0x123: {  	[tilespmem:s20+$0x7F0] =	vst v4;
	v4 =	vmul.f32 v10, v8;
	v10 =	vld [tilespmem:s20+$0x860]  }
0x124: {  	[tilespmem:s20+$0x800] =	vst v2;
	v2 =	vmul.f32 v6, v8;
	v6 =	vld [tilespmem:s20+$0x870]  }
0x125: {  	[tilespmem:s20+$0x810] =	vst v4;
	v4 =	vmul.f32 v11, v8;
	v11 =	vld [tilespmem:s20+$0x880]  }
0x126: {  	[tilespmem:s20+$0x820] =	vst v2;
	v2 =	vmul.f32 v9, v8;
	v9 =	vld [tilespmem:s20+$0x890]  }
0x127: {  	[tilespmem:s20+$0x830] =	vst v4;
	v4 =	vmul.f32 v7, v8;
	v7 =	vld [tilespmem:s20+$0x8A0]  }
0x128: {  	v0 =	vbroadcast v0, $0xE;
	[tilespmem:s20+$0x770] =	vst v5;
	v5 =	vmul.f32 v10, v8;
	v10 =	vld [tilespmem:s20+$0x8B0]  }
0x129: {  	[tilespmem:s20+$0x850] =	vst v4;
	v4 =	vmul.f32 v6, v8;
	v6 =	vld [tilespmem:s20+$0x8C0]  }
0x12a: {  	[tilespmem:s20+$0x860] =	vst v5;
	v5 =	vmul.f32 v11, v0;
	v8 =	vld [tilespmem:s20+$0x8D0]  }
0x12b: {  	[tilespmem:s20+$0x870] =	vst v4;
	v4 =	vmul.f32 v9, v0;
	v9 =	vld [tilespmem:s20+$0x8E0]  }
0x12c: {  	[tilespmem:s20+$0x880] =	vst v5;
	v5 =	vmul.f32 v7, v0;
	v7 =	vld [tilespmem:s20+$0x8F0]  }
0x12d: {  	[tilespmem:s20+$0x890] =	vst v4;
	v4 =	vmul.f32 v10, v0;
	v10 =	vld [tilespmem:s20+$0x900]  }
0x12e: {  	[tilespmem:s20+$0x8A0] =	vst v5;
	v5 =	vmul.f32 v6, v0;
	v6 =	vld [tilespmem:s20+$0x910]  }
0x12f: {  	[tilespmem:s20+$0x8B0] =	vst v4;
	v4 =	vmul.f32 v8, v0;
	v8 =	vld [tilespmem:s20+$0x920]  }
0x130: {  	[tilespmem:s20+$0x8C0] =	vst v5;
	v5 =	vmul.f32 v9, v0;
	v9 =	vld [tilespmem:s20+$0x930]  }
0x131: {  	[tilespmem:s20+$0x840] =	vst v2;
	v0 =	vmul.f32 v7, v0;
	v2 =	vld [tilespmem:s20+$0x940]  }
0x132: {  	[tilespmem:s20+$0x8E0] =	vst v5;
	v5 =	vmul.f32 v10, v3;
	v7 =	vld [tilespmem:s20+$0x960]  }
0x133: {  	[tilespmem:s20+$0x8F0] =	vst v0;
	v0 =	vmul.f32 v6, v3;
	v6 =	vld [tilespmem:s20+$0x970]  }
0x134: {  	[tilespmem:s20+$0x900] =	vst v5;
	v5 =	vmul.f32 v8, v3  }
0x135: {  	[tilespmem:s20+$0x910] =	vst v0;
	v0 =	vmul.f32 v9, v3  }
0x136: {  	v8 =	vmul.f32 v14, v13;
	[tilespmem:s20+$0x920] =	vst v5  }
0x137: {  	[tilespmem:s20+$0x930] =	vst v0;
	v0 =	vmul.f32 v2, v3  }
.Ltmp0:
0x138: {  	[tilespmem:s20+$0x7B0] =	vst v8;
	v2 =	vmul.f32 v6, v3;
	(pc) =	sbr.rel @p0 .LBB2_3-.Ltmp0, $4  }
0x139: {  	[tilespmem:s20+$0x940] =	vst v0  }
0x13a: {  	v0 =	vmul.f32 v7, v3;
	[tilespmem:s20+$0x970] =	vst v2  }
0x13b: {  	[tilespmem:s20+$0x8D0] =	vst v4  }
0x13c: {  	[tilespmem:s20+$0x960] =	vst v0  }
0x13d: {  	s19 =	sadd.s32 $0x1, s19  }
0x13e: {  	p0 =	sne.s32 s19, $0x10  }
.Ltmp1:
0x13f: {  	[tilespmem:s20+$0x7A0] =	vst v1;
	(pc) =	sbr.rel @p0 .LBB2_2-.Ltmp1, $4  }
0x140: {  	[spmem:s2] =	stream.indirect.scatter.add.f32 [tilespmem:s17], [sflag:$0x2], $0x80, s15, s15, $0xb8;
	[tilespmem:$0x8180] =	vst v63  }
0x141: {  	_ =	swait.ge [sflag:s14], $0x4000  }
0x142: {  	[sflag:s14] =	ssyncset.done $0x0  }
0x143: {  	[sflag:s14] =	ssyncadd.s32 $0xFFFFC000  }
0x144: {  	s3 =	sadd.s32 $0x1, s3  }
0x145: {  	p0 =	sne.s32 s3, s12  }
.Ltmp2:
0x146: {  	[bflag:$0x0] =	sbarrier.arrive $0xFFFF;
	(pc) =	sbr.rel @p0 .LBB2_1-.Ltmp2, $4  }
0x147: {  	[hbm:s11], [sflag:s9] =	dma.local [spmem:s13], $0x800  }
0x148: {  	_ =	swait.ge [sflag:s14], $0x800  }
0x149: {  	[sflag:s14] =	ssyncset.done $0x0  }
0x14a: {  	[sflag:s14] =	ssyncadd.s32 $0xFFFFF800  }
0x14b: {  	_ =	sfence.sel $0x180000  }
0x14c: {  	[bflag:$0x0] =	sbarrier.arrive $0xFFFF  }
0x14d: {  	p0 =	sne.s32 s4, $0x0;
	_ =	strace $0x9000004D  }
0x14e: {  	s0 =	sadd.s32 @!p0 $0x100000, s0;
	[bflag:$0x2] =	sbarrier.arrive $0xFFFF  }
0x14f: {  	[sflag:s0] =	ssyncadd.tile.s32 @!p0 $0x1;
	_ =	shalt  }
.Lfunc_end2:
_tile_overlayer_lowered:
.L_overlay_start_2:
0x150: {  	(tag) =	ssettag $0x2  }
0x151: {  	s0 =	rddreg [dreg:$0x0];
	s2 =	stileid.u32  }
0x152: {  	s1 =	rddreg [dreg:$0x1];
	p0 =	sne.s32 s2, $0x0  }
0x153: {  	s3 =	rddreg [dreg:$0x2];
	[bflag:$0x3] =	sbarrier.arrive $0xFFFF;
	s2 =	simm.s32 @!p0 $0x1C02  }
0x154: {  	[timem:s3], [sflag:s2] =	dma.local @!p0 [hbm:s0], s1  }
0x155: {  	s0 =	simm.s32 @!p0 $0x2  }
0x156: {  	_ =	swait.ge @!p0 [sflag:s0], s1  }
0x157: {  	s1 =	ssub.s32 @!p0 $0x0, s1;
	[sflag:s0] =	ssyncset.done @!p0 $0x0  }
0x158: {  	[sflag:s0] =	ssyncadd.s32 @!p0 s1  }
0x159: {  	[bflag:$0x3] =	sbarrier.arrive $0xFFFF  }
0x15a: {  	_ =	shalt  }

// kernel: kernel.9.cloned.1.call-start
scs
__scs_entry_jumppad:
0x0: {  	(pc) =	sbr.rel $0x88, $3  }
0x1: {  	(tag) =	ssettag $0x0;
	lr =	simm.s32 $0x1  }
0x2: {  	[smem:$0x3F76] =	sst lr;
	_ =	strace $0xD0000000  }
0x3: {  	_ = 	snop  }
0x4: {  	_ = 	snop  }
0x5: {  	_ = 	snop  }
0x6: {  	_ = 	snop  }
0x7: {  	_ = 	snop  }
__scs_overlays_trampoline_lowered:
0x8: {  	[smem:$0x3F85] =	sst s0  }
0x9: {  	[smem:$0x3F86] =	sst s1  }
0xa: {  	[smem:$0x3F87] =	sst s2  }
0xb: {  	[smem:$0x3F88] =	sst s3  }
0xc: {  	[smem:$0x3F89] =	sst s4  }
0xd: {  	[smem:$0x3F8A] =	sst s5  }
0xe: {  	[smem:$0x3F8B] =	sst s6  }
0xf: {  	[smem:$0x3F8C] =	sst s7  }
0x10: {  	[smem:$0x3F8D] =	sst s8  }
0x11: {  	[smem:$0x3F8E] =	sst s9;
	s0 =	simm.s32 @!p0 $0x0  }
0x12: {  	s1 =	sld [smem:$0x3F74];
	s0 =	simm.s32 @p0 $0x1  }
0x13: {  	[smem:$0x3F8F] =	sst s0;
	s0 =	simm.s32 @!p1 $0x0  }
0x14: {  	s2 =	sld [smem:$0x3F73];
	s0 =	simm.s32 @p1 $0x1  }
0x15: {  	[smem:$0x3F90] =	sst s0;
	s0 =	simm.s32 @!p2 $0x0  }
0x16: {  	s3 =	sld [smem:$0x3FDB];
	s0 =	simm.s32 @p2 $0x1  }
0x17: {  	s4 =	simm.s32 $0x1BF5;
	[smem:$0x3F92] =	sst s0  }
0x18: {  	s0 =	sld [smem:$0x3F75];
	_ =	swait.ge [sflag:s4], $0x0  }
0x19: {  	s7 =	sld [smem:$0x3F76]  }
0x1a: {  	s8 =	sadd.s32 $0xFFFFE003, lr  }
0x1b: {  	s9 =	sadd.s32 $0xFFFFFEF7, lr;
	s5 =	simm.s32 $0xFFFFFFFF;
	p2 =	slt.u32 s8, $0xFFFFF086  }
0x1c: {  	p1 =	slt.u32 s9, $0xF7A;
	s5 =	simm.s32 @!p2 $0x0  }
0x1d: {  	s5 =	simm.s32 @p1 $0x1;
	p0 =	seq.s32 s7, s2  }
0x1e: {  	s7 =	smul.u32 @!p0 $0xF7A, s2;
	p2 =	seq.s32 @!p0 s5, $0x0  }
0x1f: {  	s9 =	smul.u32 $0xF7A, s1;
	s8 =	simm.s32 @!p0 $0x1BF5;
	p2 =	por !p2, p0  }
0x20: {  	[sflag:s8] =	ssyncset.s32 @!p0 $0xFFFFF086;
	s6 =	sadd.s32 @!p0 s3, s7;
	s7 =	simm.s32 @!p0 $0x108  }
0x21: {  	s3 =	sadd.s32 s3, s9;
	s6 =	sadd.s32 @!p0 $0x88, s6;
	s7 =	simm.s32 @p2 $0x1082  }
0x22: {  	[simem:s7], [sflag:s8] =	dma.local @!p0 [hbm:s6], $0xF7A  }
0x23: {  	s9 =	sor.u32 $0xD0000000, s2;
	s6 =	simm.s32 $0x108;
	_ =	swait.ge @!p0 [sflag:s8], $0x0  }
0x24: {  	s3 =	sadd.s32 $0x88, s3;
	s6 =	simm.s32 @!p1 $0x1082;
	[sflag:s4] =	ssyncset.s32 $0xFFFFF086  }
0x25: {  	[simem:s6], [sflag:s4] =	dma.local [hbm:s3], $0xF7A  }
0x26: {  	[smem:$0x3F76] =	sst s1;
	(tag) =	ssettag s2;
	_ =	strace s9  }
0x27: {  	s1 =	sld [smem:$0x3F86]  }
0x28: {  	s2 =	sld [smem:$0x3F87]  }
0x29: {  	s4 =	sld [smem:$0x3F89]  }
0x2a: {  	p0 =	seq.s32 s5, $0x0;
	s5 =	sld [smem:$0x3F8A]  }
0x2b: {  	s6 =	sld [smem:$0x3F8B]  }
0x2c: {  	s7 =	sld [smem:$0x3F8C]  }
0x2d: {  	s3 =	simm.s32 $0x108;
	s8 =	sld [smem:$0x3F8D]  }
0x2e: {  	s3 =	simm.s32 @!p0 $0x1082;
	s9 =	sld [smem:$0x3F8E]  }
0x2f: {  	lr =	sadd.s32 s0, s3;
	s0 =	sld [smem:$0x3F85]  }
0x30: {  	s3 =	sld [smem:$0x3F88]  }
0x31: {  	[smem:$0x3F91] =	sst s10  }
0x32: {  	s10 =	sld [smem:$0x3F8F];
	_ =	sdelay $0x3  }
0x33: {  	p0 =	seq.s32 s10, $0x1;
	s10 =	sld [smem:$0x3F91];
	_ =	sdelay $0x3  }
0x34: {  	[smem:$0x3F91] =	sst s10  }
0x35: {  	s10 =	sld [smem:$0x3F90];
	_ =	sdelay $0x3  }
0x36: {  	p1 =	seq.s32 s10, $0x1;
	s10 =	sld [smem:$0x3F91];
	_ =	sdelay $0x3  }
0x37: {  	[smem:$0x3F91] =	sst s10  }
0x38: {  	s10 =	sld [smem:$0x3F92]  }
0x39: {  	_ = 	snop;
	(pc) =	sbr.ind lr, $3  }
0x3a: {  	_ = 	snop  }
0x3b: {  	_ = 	snop  }
0x3c: {  	p2 =	seq.s32 s10, $0x1;
	s10 =	sld [smem:$0x3F91]  }
0x3d: {  	_ =	shalt  }
0x3e: {  	_ =	shalt  }
0x3f: {  	_ =	shalt  }
0x40: {  	_ =	shalt  }
0x41: {  	_ =	shalt  }
0x42: {  	_ =	shalt  }
0x43: {  	_ =	shalt  }
0x44: {  	_ =	shalt  }
0x45: {  	_ =	shalt  }
0x46: {  	_ =	shalt  }
0x47: {  	_ =	shalt  }
0x48: {  	_ =	shalt  }
0x49: {  	_ =	shalt  }
0x4a: {  	_ =	shalt  }
0x4b: {  	_ =	shalt  }
0x4c: {  	_ =	shalt  }
0x4d: {  	_ =	shalt  }
0x4e: {  	_ =	shalt  }
0x4f: {  	_ =	shalt  }
0x50: {  	_ =	shalt  }
0x51: {  	_ =	shalt  }
0x52: {  	_ =	shalt  }
0x53: {  	_ =	shalt  }
0x54: {  	_ =	shalt  }
0x55: {  	_ =	shalt  }
0x56: {  	_ =	shalt  }
0x57: {  	_ =	shalt  }
0x58: {  	_ =	shalt  }
0x59: {  	_ =	shalt  }
0x5a: {  	_ =	shalt  }
0x5b: {  	_ =	shalt  }
0x5c: {  	_ =	shalt  }
0x5d: {  	_ =	shalt  }
0x5e: {  	_ =	shalt  }
0x5f: {  	_ =	shalt  }
0x60: {  	_ =	shalt  }
0x61: {  	_ =	shalt  }
0x62: {  	_ =	shalt  }
0x63: {  	_ =	shalt  }
0x64: {  	_ =	shalt  }
0x65: {  	_ =	shalt  }
0x66: {  	_ =	shalt  }
0x67: {  	_ =	shalt  }
0x68: {  	_ =	shalt  }
0x69: {  	_ =	shalt  }
0x6a: {  	_ =	shalt  }
0x6b: {  	_ =	shalt  }
0x6c: {  	_ =	shalt  }
0x6d: {  	_ =	shalt  }
0x6e: {  	_ =	shalt  }
0x6f: {  	_ =	shalt  }
0x70: {  	_ =	shalt  }
0x71: {  	_ =	shalt  }
0x72: {  	_ =	shalt  }
0x73: {  	_ =	shalt  }
0x74: {  	_ =	shalt  }
0x75: {  	_ =	shalt  }
0x76: {  	_ =	shalt  }
0x77: {  	_ =	shalt  }
0x78: {  	_ =	shalt  }
0x79: {  	_ =	shalt  }
0x7a: {  	_ =	shalt  }
0x7b: {  	_ =	shalt  }
0x7c: {  	_ =	shalt  }
0x7d: {  	_ =	shalt  }
0x7e: {  	_ =	shalt  }
0x7f: {  	_ =	shalt  }
0x80: {  	_ =	shalt  }
0x81: {  	_ =	shalt  }
0x82: {  	_ =	shalt  }
0x83: {  	_ =	shalt  }
0x84: {  	_ =	shalt  }
0x85: {  	_ =	shalt  }
0x86: {  	_ =	shalt  }
0x87: {  	_ =	shalt  }
.Lfunc_end0:
.L_simem_size_0:
called_computation.1_lowered:
.L_overlay_start_0:
0x88: {  	s2 =	sld [smem:$0x3FD9]  }
0x89: {  	s3 =	sld [smem:$0x3FFE];
	_ =	sdelay $0x1  }
0x8a: {  	s1 =	srdreg.scid  }
0x8b: {  	s0 =	sand.u32 $0x1, s1  }
0x8c: {  	s14 =	sshll.u32 s0, $0xA;
	s2 =	sadd.s32 s3, s2  }
0x8d: {  	s2 =	sadd.s32 s2, s14  }
0x8e: {  	[smem:$0x3F9D] =	sst s2  }
0x8f: {  	_ = 	snop  }
0x90: {  	s2 =	sld [smem:$0x3FD0];
	_ =	sdelay $0x2  }
0x91: {  	s15 =	simm.s32 $0xB;
	s4 =	simm.s32 $0x10  }
0x92: {  	[smem:s4], [sflag:s15] =	dma.local [hbm:s2], $0x1  }
0x93: {  	_ =	swait.eq [sflag:s15], $0x1  }
0x94: {  	[sflag:s15] =	ssyncset.done $0x0  }
0x95: {  	[sflag:s15] =	ssyncadd.s32 $0xFFFFFFFF  }
0x96: {  	s16 =	sld [smem:$0x13];
	(tm) =	ssettm $0x1  }
0x97: {  	s17 =	sld [smem:$0x3FFB];
	_ =	sdelay $0x3  }
0x98: {  	_ =	strace s17  }
0x99: {  	s3 =	sld [smem:$0x3FFC];
	_ =	sdelay $0x3  }
0x9a: {  	_ =	strace s3  }
0x9b: {  	s3 =	sld [smem:$0x3FFD];
	_ =	sdelay $0x3  }
0x9c: {  	_ =	strace s3  }
0x9d: {  	_ =	strace $0x8FFFFFFF  }
0x9e: {  	s18 =	sld [smem:$0x3FDB];
	_ =	sdelay $0x1  }
0x9f: {  	s19 =	simm.s32 $_scs_section_size  }
0xa0: {  	s5 =	simm.s32 $_size__tile_overlayer_lowered;
	s6 =	simm.s32 $_tile_overlayer_lowered  }
0xa1: {  	s22 =	simm.s32 $0x1BFF;
	s21 =	sshll.u32 s6, $0x1;
	s3 =	sadd.s32 s19, s18  }
0xa2: {  	s7 =	simm.s32 $0x0;
	s20 =	sshll.u32 s5, $0x1;
	s5 =	sadd.s32 s21, s3  }
0xa3: {  	[timem:s7], [sflag:s22] =	dma.local [hbm:s5], s20  }
0xa4: {  	_ =	swait.ge [sflag:s22], s20  }
0xa5: {  	s4 =	ssub.s32 $0x0, s20;
	[sflag:s22] =	ssyncset.done $0x0  }
0xa6: {  	[sflag:s22] =	ssyncadd.s32 s4;
	_ =	sdelay $0x1  }
0xa7: {  	s23 =	simm.s32 $0x1B8B  }
0xa8: {  	_ =	swait.ge [sflag:s23], $0x1  }
0xa9: {  	[sflag:s23] =	ssyncset.done $0x0  }
0xaa: {  	s25 =	simm.s32 $0x1B8E;
	s24 =	sld [smem:$0x3FFE];
	[sflag:s23] =	ssyncadd.s32 $0xFFFFFFFF  }
0xab: {  	s26 =	simm.s32 $execute0_lowered;
	[smem:$0x3FD2] =	sst s25  }
0xac: {  	s5 =	sshll.u32 s26, $0x1;
	_ =	strace $0x80000046;
	[dreg:$0x1] =	wrdreg $0xFFFFFFFF  }
0xad: {  	s28 =	simm.s32 $_size_execute0_lowered;
	s3 =	sadd.s32 s3, s5;
	[dreg:$0x0] =	wrdreg $0x0  }
0xae: {  	s5 =	sshll.u32 s28, $0x1;
	[dreg:$0x2] =	wrdreg s3  }
0xaf: {  	[dreg:$0x3] =	wrdreg s5  }
0xb0: {  	[dreg:$0x4] =	wrdreg $0xC0  }
0xb1: {  	_ =	task [dreg:s7], $0x5FFFF  }
0xb2: {  	[dreg:$0x1] =	wrdreg $0xFFFFFFFF  }
0xb3: {  	[dreg:$0x0] =	wrdreg $0x60  }
0xb4: {  	[dreg:$0x2] =	wrdreg s16  }
0xb5: {  	[dreg:$0x3] =	wrdreg s24  }
0xb6: {  	[dreg:$0x4] =	wrdreg $0x82000  }
0xb7: {  	[dreg:$0x5] =	wrdreg $0x9  }
0xb8: {  	_ =	task.clear_ibuf [dreg:s7], $0x6FFFF;
	_ =	strace $0x90000046  }
0xb9: {  	s29 =	simm.s32 $0x9;
	_ =	strace $0x80000048  }
0xba: {  	_ =	swait.ge [sflag:s29], $0x1  }
0xbb: {  	[sflag:s29] =	ssyncadd.s32 $0xFFFFFFFF  }
0xbc: {  	_ =	strace $0x90000048  }
0xbd: {  	_ =	sfence  }
0xbe: {  	s30 =	sld [smem:$0x0];
	_ =	sdelay $0x2  }
0xbf: {  	s31 =	sshll.u32 s1, $0xD;
	s1 =	sshrl.u32 s1, $0x2  }
0xc0: {  	s3 =	sand.u32 $0x4000, s31;
	s1 =	sadd.s32 s1, s30  }
0xc1: {  	s0 =	sor.u32 s3, s0;
	s1 =	sshll.u32 s1, $0x11  }
0xc2: {  	s0 =	sor.u32 s1, s0  }
0xc3: {  	s0 =	sadd.s32 $0x8F2B, s0  }
0xc4: {  	[sflag:s0] =	ssyncadd.remote.s32 $0x1  }
0xc5: {  	_ =	sfence.sel $0xFFFF  }
0xc6: {  	[dreg:$0x0] =	wrdreg $0xFFFFFFFF;
	(pc) =	sbr.abs _section_cstart, $3  }
0xc7: {  	[dreg:$0x1] =	wrdreg $0xFFFFFFFF  }
0xc8: {  	_ =	task.clear_ibuf [dreg:s7], $0x2FFFF;
	_ =	strace $0x9FFFFFFF  }
0xc9: {  	(tm) =	ssettm $0x7FFFFFFF  }
tec
execute0_lowered:
.L_overlay_start_1:
0x0: {  	(tag) =	ssettag $0x1  }
0x1: {  	s1 =	rddreg [dreg:$0x0]  }
0x2: {  	s0 =	rddreg [dreg:$0x1]  }
0x3: {  	s2 =	rddreg [dreg:$0x2]  }
0x4: {  	s3 =	simm.s32 $0x0;
	s4 =	stileid.u32;
	s6 =	srdreg.scid  }
0x5: {  	s28 =	simm.s32 $0x4200;
	s29 =	simm.s32 $0x1;
	s30 =	simm.s32 $0x2  }
0x6: {  	s31 =	simm.s32 $0x0;
	[smem:$0x7FF] =	sst s3;
	s5 =	smul.u32 $0x13800, s4  }
0x7: {  	s18 =	sadd.s32 $0x6800, s0;
	s19 =	sadd.s32 $0x10800, s0;
	s11 =	sand.u32 $0x1, s6  }
0x8: {  	s16 =	smul.u32 $0x4E000, s4;
	s14 =	sadd.s32 $0x41A00, s0;
	s10 =	sshll.u32 s4, $0x1  }
0x9: {  	s21 =	sshll.u32 s4, $0x6;
	s22 =	sadd.s32 $0x138000, s2;
	s23 =	smul.u32 $0xA0, s4  }
0xa: {  	p0 =	sne.s32 s4, $0x0;
	_ =	strace $0x80000047;
	s8 =	ssub.s32 $0x2, s11  }
0xb: {  	s17 =	sor.u32 s11, s10;
	[dreg:$0x6] =	wrdreg s22;
	s13 =	smul.u32 $0x138800, s11  }
0xc: {  	s22 =	simm.s32 $0x80;
	s7 =	sshrl.u32 s5, $0x3;
	s12 =	smul.u32 $0x500, s17  }
0xd: {  	s9 =	sshrl.u32 s8, $0x1;
	s6 =	sshrl.u32 s16, $0x2;
	s16 =	smul.u32 $0x50, s11  }
0xe: {  	s7 =	sadd.s32 s7, s0;
	s15 =	ssub.s32 s8, s9;
	s6 =	sadd.s32 s6, s2  }
0xf: {  	s0 =	sadd.s32 $0x41800, s0;
	s5 =	sadd.s32 s5, s13;
	s17 =	sshrl.u32 s13, $0x3  }
0x10: {  	[dreg:$0x4] =	wrdreg s6;
	s20 =	sadd.s32 $0x1A800, s7;
	s6 =	sor.u32 $0x1C05, s21  }
0x11: {  	[dreg:$0x7] =	wrdreg s0;
	s9 =	sadd.s32 s18, s12;
	s10 =	sadd.s32 s19, s12  }
0x12: {  	s12 =	sor.u32 $0x10, s12;
	s5 =	sshrl.u32 s5, $0x3;
	s0 =	sadd.s32 s16, s23  }
0x13: {  	s24 =	sadd.s32 s14, s17;
	s15 =	smax.u32 s15, $0x1;
	s21 =	simm.s32 $0x100  }
0x14: {  	s23 =	simm.s32 $0x180;
	[dreg:$0x5] =	wrdreg s20;
	s11 =	sadd.s32 s18, s12  }
0x15: {  	s12 =	sadd.s32 s19, s12;
	s13 =	sadd.s32 s14, s5;
	s0 =	sshll.u32 s0, $0x4  }
0x16: {  	s14 =	sadd.s32 $0x27000, s24;
	s20 =	simm.s32 $0x5;
	s24 =	simm.s32 $0x3  }
0x17: {  	s25 =	sadd.s32 s0, s18;
	s26 =	sadd.s32 s0, s19;
	s0 =	sor.u32 $0x20, s0  }
0x18: {  	s16 =	sadd.s32 $0x30, s25;
	s17 =	sadd.s32 $0x30, s26;
	s18 =	sadd.s32 s0, s18  }
0x19: {  	s19 =	sadd.s32 s0, s19;
	s25 =	simm.s32 $0x200;
	s26 =	simm.s32 $0x4  }
.LBB2_1:
0x1a: {  	s0 =	rddreg [dreg:$0x4]  }
0x1b: {  	s4 =	rddreg [dreg:$0x5];
	s0 =	sshrl.u32 s0, $0x3  }
0x1c: {  	[spmem:s0], [sflag:s6] =	dma.local [hbm:s4], $0x2700  }
0x1d: {  	_ =	swait.ge [sflag:s20], $0x2700  }
0x1e: {  	[sflag:s20] =	ssyncset.done $0x0;
	s4 =	rddreg [dreg:$0x6]  }
0x1f: {  	s5 =	rddreg [dreg:$0x7];
	[sflag:s20] =	ssyncadd.s32 $0xFFFFD900;
	s4 =	sshrl.u32 @!p0 s4, $0x3  }
0x20: {  	[spmem:s4], [sflag:s6] =	dma.local @!p0 [hbm:s5], $0x100  }
0x21: {  	s5 =	simm.s32 @!p0 $0x5  }
0x22: {  	_ =	swait.ge @!p0 [sflag:s5], $0x100  }
0x23: {  	[sflag:s5] =	ssyncset.done @!p0 $0x0  }
0x24: {  	[sflag:s5] =	ssyncadd.s32 @!p0 $0xFFFFFF00  }
0x25: {  	[bflag:$0x0] =	sbarrier.arrive $0xFFFF  }
0x26: {  	[tilespmem:s3], [sflag:$0x3] =	stream.linear.gather [hbm4b:s9+s3], $0x80, $0x38;
	[tilespmem:$0x1BE80] =	vst v63  }
0x27: {  	_ = 	snop  }
0x28: {  	[tilespmem:s21], [sflag:$0x3] =	stream.linear.gather [hbm4b:s10+s3], $0x80, $0x38;
	[tilespmem:$0x1BE80] =	vst v63  }
0x29: {  	_ = 	snop  }
0x2a: {  	[tilespmem:s22], [sflag:$0x4] =	stream.linear.gather [hbm4b:s11+s3], $0x80, $0x38;
	[tilespmem:$0x1BE80] =	vst v63  }
0x2b: {  	_ = 	snop  }
0x2c: {  	[tilespmem:s23], [sflag:$0x4] =	stream.linear.gather [hbm4b:s12+s3], $0x80, $0x38;
	[tilespmem:$0x1BE80] =	vst v63  }
0x2d: {  	_ =	swait.ge [sflag:s24], $0x80  }
0x2e: {  	[sflag:s24] =	ssyncset.done $0x0  }
0x2f: {  	[sflag:s24] =	ssyncadd.s32 $0xFFFFFF80  }
0x30: {  	_ =	swait.ge [sflag:s24], $0x80  }
0x31: {  	[sflag:s24] =	ssyncset.done $0x0  }
0x32: {  	[sflag:s24] =	ssyncadd.s32 $0xFFFFFF80  }
0x33: {  	[tilespmem:s25], [sflag:$0x1] =	stream.indirect.gather [hbm4b:s1+s22], $0x80, s3, s22, $0xb8;
	[tilespmem:$0x1BE80] =	vst v63  }
0x34: {  	_ =	swait.ge [sflag:s26], $0x80  }
0x35: {  	[sflag:s26] =	ssyncset.done $0x0  }
0x36: {  	[sflag:s26] =	ssyncadd.s32 $0xFFFFFF80  }
0x37: {  	_ =	swait.ge [sflag:s26], $0x80  }
0x38: {  	[sflag:s26] =	ssyncset.done $0x0  }
0x39: {  	[sflag:s26] =	ssyncadd.s32 $0xFFFFFF80  }
0x3a: {  	[tilespmem:s28], [sflag:$0x2] =	stream.indirect.gather [hbm4b:s1+s22], $0x80, s22, s22, $0xb8;
	[tilespmem:$0x1BE80] =	vst v63  }
0x3b: {  	_ =	swait.ge [sflag:s29], $0x4000  }
0x3c: {  	[sflag:s29] =	ssyncset.done $0x0  }
0x3d: {  	[sflag:s29] =	ssyncadd.s32 $0xFFFFC000  }
0x3e: {  	[spmem:s2] =	stream.indirect.scatter.add.f32 [tilespmem:s25], [sflag:$0x5], $0x80, s21, s22, $0xb8;
	[tilespmem:$0x1BE80] =	vst v63  }
0x3f: {  	_ =	swait.ge [sflag:s20], $0x4000  }
0x40: {  	[sflag:s20] =	ssyncset.done $0x0  }
0x41: {  	s7 =	sadd.s32 $0x0, s18;
	[sflag:s20] =	ssyncadd.s32 $0xFFFFC000  }
0x42: {  	[tilespmem:s3], [sflag:$0x3] =	stream.linear.gather [hbm4b:s7+s3], $0x80, $0x38;
	[tilespmem:$0x1BE80] =	vst v63  }
0x43: {  	s8 =	sadd.s32 $0x0, s19  }
0x44: {  	[tilespmem:s21], [sflag:$0x3] =	stream.linear.gather [hbm4b:s8+s3], $0x80, $0x38;
	[tilespmem:$0x1BE80] =	vst v63  }
0x45: {  	_ =	swait.ge [sflag:s24], $0x80  }
0x46: {  	[sflag:s24] =	ssyncset.done $0x0  }
0x47: {  	[sflag:s24] =	ssyncadd.s32 $0xFFFFFF80  }
0x48: {  	_ =	swait.ge [sflag:s24], $0x80  }
0x49: {  	[sflag:s24] =	ssyncset.done $0x0  }
0x4a: {  	[sflag:s24] =	ssyncadd.s32 $0xFFFFFF80  }
0x4b: {  	[tilespmem:s25], [sflag:$0x1] =	stream.indirect.gather [hbm4b:s1+s22], $0x80, s3, s22, $0xb8;
	[tilespmem:$0x1BE80] =	vst v63  }
0x4c: {  	_ =	swait.ge [sflag:s30], $0x4000  }
0x4d: {  	[sflag:s30] =	ssyncset.done $0x0  }
0x4e: {  	[sflag:s30] =	ssyncadd.s32 $0xFFFFC000  }
0x4f: {  	[spmem:s2] =	stream.indirect.scatter.add.f32 [tilespmem:s28], [sflag:$0x5], $0x80, s23, s22, $0xb8;
	[tilespmem:$0x1BE80] =	vst v63  }
0x50: {  	_ =	swait.ge [sflag:s20], $0x4000  }
0x51: {  	[sflag:s20] =	ssyncset.done $0x0  }
0x52: {  	s7 =	sadd.s32 $0x0, s16;
	[sflag:s20] =	ssyncadd.s32 $0xFFFFC000  }
0x53: {  	[tilespmem:s22], [sflag:$0x4] =	stream.linear.gather [hbm4b:s7+s3], $0x80, $0x38;
	[tilespmem:$0x1BE80] =	vst v63  }
0x54: {  	s8 =	sadd.s32 $0x0, s17  }
0x55: {  	[tilespmem:s23], [sflag:$0x4] =	stream.linear.gather [hbm4b:s8+s3], $0x80, $0x38;
	[tilespmem:$0x1BE80] =	vst v63  }
0x56: {  	_ =	swait.ge [sflag:s26], $0x80  }
0x57: {  	[sflag:s26] =	ssyncset.done $0x0  }
0x58: {  	[sflag:s26] =	ssyncadd.s32 $0xFFFFFF80  }
0x59: {  	_ =	swait.ge [sflag:s26], $0x80  }
0x5a: {  	[sflag:s26] =	ssyncset.done $0x0  }
0x5b: {  	s5 =	simm.s32 $0x20;
	[sflag:s26] =	ssyncadd.s32 $0xFFFFFF80  }
.LBB2_2:
0x5c: {  	[tilespmem:s28], [sflag:$0x2] =	stream.indirect.gather [hbm4b:s1+s22], $0x80, s22, s22, $0xb8;
	[tilespmem:$0x1BE80] =	vst v63  }
0x5d: {  	s7 =	smov.u32 s5  }
0x5e: {  	p1 =	sne.s32 s5, $0x4C0;
	s5 =	sadd.s32 $0x20, s5;
	_ =	swait.ge [sflag:s29], $0x4000  }
0x5f: {  	[sflag:s29] =	ssyncset.done $0x0  }
0x60: {  	[sflag:s29] =	ssyncadd.s32 $0xFFFFC000  }
0x61: {  	[spmem:s2] =	stream.indirect.scatter.add.f32 [tilespmem:s25], [sflag:$0x5], $0x80, s21, s22, $0xb8;
	[tilespmem:$0x1BE80] =	vst v63  }
0x62: {  	_ =	swait.ge [sflag:s20], $0x4000  }
0x63: {  	[sflag:s20] =	ssyncset.done $0x0  }
0x64: {  	s8 =	sadd.s32 s7, s18;
	[sflag:s20] =	ssyncadd.s32 $0xFFFFC000  }
0x65: {  	[tilespmem:s3], [sflag:$0x3] =	stream.linear.gather [hbm4b:s8+s3], $0x80, $0x38;
	[tilespmem:$0x1BE80] =	vst v63  }
0x66: {  	s8 =	sadd.s32 s7, s19  }
0x67: {  	[tilespmem:s21], [sflag:$0x3] =	stream.linear.gather [hbm4b:s8+s3], $0x80, $0x38;
	[tilespmem:$0x1BE80] =	vst v63  }
0x68: {  	_ =	swait.ge [sflag:s24], $0x80  }
0x69: {  	[sflag:s24] =	ssyncset.done $0x0  }
0x6a: {  	[sflag:s24] =	ssyncadd.s32 $0xFFFFFF80  }
0x6b: {  	_ =	swait.ge [sflag:s24], $0x80  }
0x6c: {  	[sflag:s24] =	ssyncset.done $0x0  }
0x6d: {  	[sflag:s24] =	ssyncadd.s32 $0xFFFFFF80  }
0x6e: {  	[tilespmem:s25], [sflag:$0x1] =	stream.indirect.gather [hbm4b:s1+s22], $0x80, s3, s22, $0xb8;
	[tilespmem:$0x1BE80] =	vst v63  }
0x6f: {  	_ =	swait.ge [sflag:s30], $0x4000  }
0x70: {  	[sflag:s30] =	ssyncset.done $0x0  }
0x71: {  	[sflag:s30] =	ssyncadd.s32 $0xFFFFC000  }
0x72: {  	[spmem:s2] =	stream.indirect.scatter.add.f32 [tilespmem:s28], [sflag:$0x5], $0x80, s23, s22, $0xb8;
	[tilespmem:$0x1BE80] =	vst v63  }
0x73: {  	_ =	swait.ge [sflag:s20], $0x4000  }
0x74: {  	[sflag:s20] =	ssyncset.done $0x0  }
0x75: {  	s8 =	sadd.s32 s7, s16;
	[sflag:s20] =	ssyncadd.s32 $0xFFFFC000  }
0x76: {  	[tilespmem:s22], [sflag:$0x4] =	stream.linear.gather [hbm4b:s8+s3], $0x80, $0x38;
	[tilespmem:$0x1BE80] =	vst v63  }
0x77: {  	s7 =	sadd.s32 s7, s17  }
0x78: {  	[tilespmem:s23], [sflag:$0x4] =	stream.linear.gather [hbm4b:s7+s3], $0x80, $0x38;
	[tilespmem:$0x1BE80] =	vst v63  }
0x79: {  	_ =	swait.ge [sflag:s26], $0x80  }
.Ltmp0:
0x7a: {  	[sflag:s26] =	ssyncset.done $0x0;
	(pc) =	sbr.rel @p1 .LBB2_2-.Ltmp0, $4  }
0x7b: {  	[sflag:s26] =	ssyncadd.s32 $0xFFFFFF80  }
0x7c: {  	_ =	swait.ge [sflag:s26], $0x80  }
0x7d: {  	[sflag:s26] =	ssyncset.done $0x0  }
0x7e: {  	[sflag:s26] =	ssyncadd.s32 $0xFFFFFF80  }
0x7f: {  	[tilespmem:s28], [sflag:$0x2] =	stream.indirect.gather [hbm4b:s1+s22], $0x80, s22, s22, $0xb8;
	[tilespmem:$0x1BE80] =	vst v63  }
0x80: {  	_ =	swait.ge [sflag:s29], $0x4000  }
0x81: {  	[sflag:s29] =	ssyncset.done $0x0  }
0x82: {  	[sflag:s29] =	ssyncadd.s32 $0xFFFFC000  }
0x83: {  	[spmem:s2] =	stream.indirect.scatter.add.f32 [tilespmem:s25], [sflag:$0x5], $0x80, s21, s22, $0xb8;
	[tilespmem:$0x1BE80] =	vst v63  }
0x84: {  	_ =	swait.ge [sflag:s20], $0x4000  }
0x85: {  	[sflag:s20] =	ssyncset.done $0x0  }
0x86: {  	[sflag:s20] =	ssyncadd.s32 $0xFFFFC000  }
0x87: {  	_ =	swait.ge [sflag:s30], $0x4000  }
0x88: {  	[sflag:s30] =	ssyncset.done $0x0  }
0x89: {  	[sflag:s30] =	ssyncadd.s32 $0xFFFFC000  }
0x8a: {  	[spmem:s2] =	stream.indirect.scatter.add.f32 [tilespmem:s28], [sflag:$0x5], $0x80, s23, s22, $0xb8;
	[tilespmem:$0x1BE80] =	vst v63  }
0x8b: {  	_ =	swait.ge [sflag:s20], $0x4000  }
0x8c: {  	[sflag:s20] =	ssyncset.done $0x0  }
0x8d: {  	[sflag:s20] =	ssyncadd.s32 $0xFFFFC000  }
0x8e: {  	[bflag:$0x0] =	sbarrier.arrive $0xFFFF  }
0x8f: {  	[hbm:s13], [sflag:s6] =	dma.local [spmem:s0], $0x2700  }
0x90: {  	s31 =	sadd.s32 $0x1, s31;
	_ =	swait.ge [sflag:s20], $0x2700  }
0x91: {  	p1 =	sne.s32 s31, s15;
	[sflag:s20] =	ssyncset.done $0x0  }
.Ltmp1:
0x92: {  	s0 =	simm.s32 @!p0 $0x5;
	[sflag:s20] =	ssyncadd.s32 $0xFFFFD900;
	(pc) =	sbr.rel @p1 .LBB2_1-.Ltmp1, $4  }
0x93: {  	[hbm:s14], [sflag:s6] =	dma.local @!p0 [spmem:s4], $0x100  }
0x94: {  	_ =	swait.ge @!p0 [sflag:s0], $0x100  }
0x95: {  	[sflag:s0] =	ssyncset.done @!p0 $0x0  }
0x96: {  	[sflag:s0] =	ssyncadd.s32 @!p0 $0xFFFFFF00  }
0x97: {  	_ =	sfence.sel $0x180000  }
0x98: {  	[bflag:$0x0] =	sbarrier.arrive $0xFFFF  }
0x99: {  	_ =	strace $0x90000047  }
0x9a: {  	[bflag:$0x2] =	sbarrier.arrive $0xFFFF  }
0x9b: {  	s0 =	rddreg [dreg:$0x3]  }
0x9c: {  	s0 =	sadd.s32 @!p0 $0x100000, s0  }
0x9d: {  	[sflag:s0] =	ssyncadd.tile.s32 @!p0 $0x1;
	_ =	shalt  }
.Lfunc_end2:
_tile_overlayer_lowered:
.L_overlay_start_2:
0x9e: {  	(tag) =	ssettag $0x2  }
0x9f: {  	s0 =	rddreg [dreg:$0x0];
	s2 =	stileid.u32  }
0xa0: {  	s1 =	rddreg [dreg:$0x1];
	p0 =	sne.s32 s2, $0x0  }
0xa1: {  	s3 =	rddreg [dreg:$0x2];
	[bflag:$0x3] =	sbarrier.arrive $0xFFFF;
	s2 =	simm.s32 @!p0 $0x1C05  }
0xa2: {  	[timem:s3], [sflag:s2] =	dma.local @!p0 [hbm:s0], s1  }
0xa3: {  	s0 =	simm.s32 @!p0 $0x5  }
0xa4: {  	_ =	swait.ge @!p0 [sflag:s0], s1  }
0xa5: {  	s1 =	ssub.s32 @!p0 $0x0, s1;
	[sflag:s0] =	ssyncset.done @!p0 $0x0  }
0xa6: {  	[sflag:s0] =	ssyncadd.s32 @!p0 s1  }
0xa7: {  	[bflag:$0x3] =	sbarrier.arrive $0xFFFF  }
0xa8: {  	_ =	shalt  }

</sc_bundles>
